<compile_context>
chip_gen: v7x
topology: tpu7x:2x2x1
jax: 0.10.2.dev20260603
libtpu: 0.0.44.dev20260713+nightly
codegen_flags: <defaults>
</compile_context>

<pallas_src>
import functools
import jax
import jax.numpy as jnp
from jax import lax
from jax.experimental import pallas as pl
from jax.experimental.pallas import tpu as pltpu
from jax.experimental.pallas import tpu_sc as plsc

X_ID = 343
NBUF = 16
LANES = 16


def _lane_extract(vec, lane):
    lanes = lax.iota(jnp.int32, LANES)
    return jnp.max(jnp.where(lanes == lane, vec, -1))


def _make_sc_kernel(b, t, d, n_ctx, dtype):
    info = plsc.get_sparse_core_info()
    nc, ns = info.num_cores, info.num_subcores
    nw = nc * ns
    s_per_w = b // nw
    n_chunks = s_per_w // LANES
    mesh = plsc.VectorSubcoreMesh(core_axis_name="c", subcore_axis_name="s")

    @functools.partial(
        pl.kernel,
        out_type=jax.ShapeDtypeStruct((b, t, d), dtype),
        scratch_types=[
            pltpu.VMEM((2, t, d), dtype),
            pltpu.VMEM((s_per_w,), jnp.int32),
            pltpu.VMEM((LANES,), jnp.int32),
            pltpu.SemaphoreType.DMA((NBUF,)),
        ],
        mesh=mesh,
        compiler_params=pltpu.CompilerParams(needs_layout_passes=False),
    )
    def sc_kernel(vl_hbm, pr_hbm, tps_hbm, tv_hbm, xpos_hbm, out_hbm,
                  t_v, lbl_v, xpos_v, sems):
        wid = lax.axis_index("s") * nc + lax.axis_index("c")
        base = wid * s_per_w
        pltpu.sync_copy(tps_hbm, t_v.at[0])
        pltpu.sync_copy(tps_hbm, t_v.at[1])
        pltpu.sync_copy(xpos_hbm, xpos_v)
        pltpu.sync_copy(vl_hbm.at[pl.ds(base, s_per_w)], lbl_v)
        xpos_vec = xpos_v[...]
        for j in range(n_ctx):
            p = _lane_extract(xpos_vec, j)
            pltpu.sync_copy(pr_hbm.at[j], t_v.at[0, p])
            pltpu.sync_copy(pr_hbm.at[j], t_v.at[1, p])
        pv = _lane_extract(xpos_vec, n_ctx)
        pltpu.sync_copy(tv_hbm.at[0], t_v.at[0, pv])
        pltpu.sync_copy(tv_hbm.at[1], t_v.at[1, pv])

        hd = d // 2

        def _dma_h(i, lbl, h):
            return pltpu.make_async_copy(
                t_v.at[lbl, :, pl.ds(h * hd, hd)],
                out_hbm.at[base + i, :, pl.ds(h * hd, hd)],
                sems.at[lax.rem(2 * i + h, NBUF)],
            )

        def chunk_body(c, carry):
            vec = lbl_v[pl.ds(pl.multiple_of(c * LANES, LANES), LANES)]
            for l in range(LANES):
                i = c * LANES + l
                @pl.when(i >= NBUF // 2)
                def _():
                    _dma_h(i - NBUF // 2, 0, 0).wait()
                    _dma_h(i - NBUF // 2, 0, 1).wait()
                lbl = _lane_extract(vec, l)
                _dma_h(i, lbl, 0).start()
                _dma_h(i, lbl, 1).start()
            return carry

        lax.fori_loop(0, n_chunks, chunk_body, 0)
        for k in range(NBUF // 2):
            _dma_h(s_per_w - NBUF // 2 + k, 0, 0).wait()
            _dma_h(s_per_w - NBUF // 2 + k, 0, 1).wait()

    return sc_kernel


def kernel(view_label, prompts, token_prefix_suffix, token_view, tokenized_prompts):
    b = view_label.shape[0]
    t, d = token_prefix_suffix.shape[1], token_prefix_suffix.shape[2]
    n_ctx = prompts.shape[1]
    vl = view_label.astype(jnp.int32)
    pr = prompts.reshape(n_ctx, d)
    tps = token_prefix_suffix.reshape(t, d)
    tv = token_view[0, 1:3, :]
    x_pos = jnp.nonzero(tokenized_prompts == X_ID, size=n_ctx + 1)[1]
    xpos = jnp.zeros((LANES,), jnp.int32).at[: n_ctx + 1].set(x_pos.astype(jnp.int32))
    sc = _make_sc_kernel(b, t, d, n_ctx, token_prefix_suffix.dtype)
    return sc(vl, pr, tps, tv, xpos)

# --- scband reference (transcript-rebuilt; emitter-appended) ---
"""Pipeline reference for scband-view-prompt-builder-14525579395176 (READ-ONLY COPY).

The authoritative reference and input builder live on the scoring server;
editing this copy changes nothing except your own understanding.
"""

import jax, jax.numpy as jnp
import numpy as np

TEXT_LEN = 77
D_MODEL = 512
N_PROMPT_VIEW = 4
X_TOKEN_ID = 343
BATCH = 4096
SOT = 49406
EOT = 49407


def _make_tokenized_prompts():
    # "A photo of a X X X X person from X view." -> CLIP-like token layout.
    # X tokens (id 343) at positions 5,6,7,8 (ctx slots) and 11 (view slot).
    tok = np.zeros((1, TEXT_LEN), dtype=np.int64)
    ids = [SOT, 320, 1125, 539, 320,
           X_TOKEN_ID, X_TOKEN_ID, X_TOKEN_ID, X_TOKEN_ID,
           2533, 633, X_TOKEN_ID, 1093, 269, EOT]
    tok[0, :len(ids)] = ids
    return jnp.asarray(tok)


def setup_inputs(seed: int = 0) -> dict:
    key = jax.random.key(seed)
    k1, k2, k3, k4 = jax.random.split(key, 4)
    tokenized_prompts = _make_tokenized_prompts()
    # frozen token_embedding(tokenized_prompts) buffers (registered buffers in torch)
    token_prefix_suffix = jax.random.normal(k1, (1, TEXT_LEN, D_MODEL), dtype=jnp.float32) * 0.02
    # token_embedding(tokenize('ground aerial')): index 1 -> 'ground', index 2 -> 'aerial'
    token_view = jax.random.normal(k2, (1, TEXT_LEN, D_MODEL), dtype=jnp.float32) * 0.02
    view_label = jax.random.randint(k3, (BATCH,), 0, 2).astype(jnp.int64)
    prompts = jax.random.normal(k4, (1, N_PROMPT_VIEW, D_MODEL), dtype=jnp.float32) * 0.02
    return {
        "view_label": view_label,
        "prompts": prompts,
        "token_prefix_suffix": token_prefix_suffix,
        "token_view": token_view,
        "tokenized_prompts": tokenized_prompts,
    }


def reference(view_label, prompts, token_prefix_suffix, token_view, tokenized_prompts):
    b = view_label.shape[0]
    # prompts.expand(b, -1, -1)
    prompts_b = jnp.broadcast_to(prompts, (b, prompts.shape[1], prompts.shape[2]))
    # token_prefix_suffix.expand(b, -1, -1).clone()
    tps = jnp.broadcast_to(
        token_prefix_suffix,
        (b, token_prefix_suffix.shape[1], token_prefix_suffix.shape[2]),
    )
    # token_view.expand(b, -1, -1).clone()[:, 1:, :]
    tv = jnp.broadcast_to(token_view, (b, token_view.shape[1], token_view.shape[2]))
    tv = tv[:, 1:, :]
    # gather per-sample view embedding
    view_label_token = tv[jnp.arange(b), view_label]
    # positions of X token in tokenized prompt
    x_pos = jnp.nonzero(tokenized_prompts == X_TOKEN_ID, size=N_PROMPT_VIEW + 1)[1]
    # scatter-overwrite learnable prompt vectors into the X slots
    for j in range(N_PROMPT_VIEW):
        tps = tps.at[:, x_pos[j], :].set(prompts_b[:, j, :])
    # scatter-overwrite the view embedding into the last X slot
    tps = tps.at[:, x_pos[-1]].set(view_label_token)
    return tps

if __name__ == "__main__":
    import jax
    _d = setup_inputs()
    print(jax.jit(kernel)(*tuple(_d.values())))

</pallas_src>

<mosaic_0001>
#map = affine_map<(d0, d1) -> (0)>
#map1 = affine_map<(d0, d1) -> (0, 0)>
#map2 = affine_map<(d0, d1) -> (0, 0, 0)>
module attributes {stable_mosaic.version = 14 : i64} {
  func.func @sc_kernel(%arg0: i32, %arg1: i32, %arg2: memref<4096xi32, #tpu.memory_space<hbm>>, %arg3: memref<4x512xf32, #tpu.memory_space<hbm>>, %arg4: memref<77x512xf32, #tpu.memory_space<hbm>>, %arg5: memref<2x512xf32, #tpu.memory_space<hbm>>, %arg6: memref<16xi32, #tpu.memory_space<hbm>>, %arg7: memref<4096x77x512xf32, #tpu.memory_space<hbm>>, %arg8: memref<2x77x512xf32, #tpu.memory_space<vmem>>, %arg9: memref<128xi32, #tpu.memory_space<vmem>>, %arg10: memref<16xi32, #tpu.memory_space<vmem>>, %arg11: memref<16x!tpu.dma_semaphore, #tpu.memory_space<semaphore_mem>>) attributes {dimension_semantics = [#tpu.dimension_semantics<core_parallel>, #tpu.dimension_semantics<subcore_parallel>], iteration_bounds = array<i64: 2, 16>, scalar_prefetch = 0 : i64, scratch_operands = 4 : i64, tpu.core_type = #tpu.core_type<sc_vector_subcore>, window_params = [{transform_indices = #map}, {transform_indices = #map1}, {transform_indices = #map1}, {transform_indices = #map1}, {transform_indices = #map}, {transform_indices = #map2}]} {
    %mul3A = arith.constant 2 : i32
    %mul3A_0 = arith.muli %arg1, %mul3A : i32
    %add3A = arith.addi %mul3A_0, %arg0 : i32
    %mul3A_1 = arith.constant 128 : i32
    %mul3A_2 = arith.muli %add3A, %mul3A_1 : i32
    %run_scoped3A = arith.constant 0 : i32
    "tpu.region"() ({
      %run_scoped3A_481 = tpu.sem_alloc : memref<!tpu.dma_semaphore, #tpu.memory_space<semaphore_mem>>
      %dma_start3A = arith.constant 0 : i32
      %dma_start3A_482 = arith.constant 0 : i32
      %dma_start3A_483 = tpu.memref_slice %arg8[%run_scoped3A, %dma_start3A, %dma_start3A_482] : memref<2x77x512xf32, #tpu.memory_space<vmem>> -> memref<1x77x512xf32, #tpu.memory_space<vmem>>
      %dma_start3A_484 = tpu.memref_squeeze %dma_start3A_483 : memref<1x77x512xf32, #tpu.memory_space<vmem>> -> memref<77x512xf32, #tpu.memory_space<vmem>>
      %dma_start3A_485 = arith.constant 0 : i32
      %dma_start3A_486 = arith.constant 0 : i32
      %dma_start3A_487 = tpu.memref_slice %arg8[%run_scoped3A, %dma_start3A_485, %dma_start3A_486] : memref<2x77x512xf32, #tpu.memory_space<vmem>> -> memref<1x77x512xf32, #tpu.memory_space<vmem>>
      %dma_start3A_488 = tpu.memref_squeeze %dma_start3A_487 : memref<1x77x512xf32, #tpu.memory_space<vmem>> -> memref<77x512xf32, #tpu.memory_space<vmem>>
      tpu.enqueue_dma source(%arg4 : memref<77x512xf32, #tpu.memory_space<hbm>>) target(%dma_start3A_488 : memref<77x512xf32, #tpu.memory_space<vmem>>) target_semaphore(%run_scoped3A_481 : memref<!tpu.dma_semaphore, #tpu.memory_space<semaphore_mem>>)
      %dma_wait3A_489 = arith.constant 0 : i32
      %dma_wait3A_490 = arith.constant 0 : i32
      %dma_wait3A_491 = tpu.memref_slice %arg8[%run_scoped3A, %dma_wait3A_489, %dma_wait3A_490] : memref<2x77x512xf32, #tpu.memory_space<vmem>> -> memref<1x77x512xf32, #tpu.memory_space<vmem>>
      %dma_wait3A_492 = tpu.memref_squeeze %dma_wait3A_491 : memref<1x77x512xf32, #tpu.memory_space<vmem>> -> memref<77x512xf32, #tpu.memory_space<vmem>>
      %dma_wait3A_493 = arith.constant 0 : i32
      %dma_wait3A_494 = arith.constant 0 : i32
      %dma_wait3A_495 = tpu.memref_slice %arg8[%run_scoped3A, %dma_wait3A_493, %dma_wait3A_494] : memref<2x77x512xf32, #tpu.memory_space<vmem>> -> memref<1x77x512xf32, #tpu.memory_space<vmem>>
      %dma_wait3A_496 = tpu.memref_squeeze %dma_wait3A_495 : memref<1x77x512xf32, #tpu.memory_space<vmem>> -> memref<77x512xf32, #tpu.memory_space<vmem>>
      tpu.wait_dma2 semaphore(%run_scoped3A_481 : memref<!tpu.dma_semaphore, #tpu.memory_space<semaphore_mem>>) src(%arg4 : memref<77x512xf32, #tpu.memory_space<hbm>>) dst(%dma_wait3A_496 : memref<77x512xf32, #tpu.memory_space<vmem>>)
      tpu.yield
    }) : () -> ()
    %run_scoped3A_3 = arith.constant 1 : i32
    "tpu.region"() ({
      %run_scoped3A_481 = tpu.sem_alloc : memref<!tpu.dma_semaphore, #tpu.memory_space<semaphore_mem>>
      %dma_start3A = arith.constant 0 : i32
      %dma_start3A_482 = arith.constant 0 : i32
      %dma_start3A_483 = tpu.memref_slice %arg8[%run_scoped3A_3, %dma_start3A, %dma_start3A_482] : memref<2x77x512xf32, #tpu.memory_space<vmem>> -> memref<1x77x512xf32, #tpu.memory_space<vmem>>
      %dma_start3A_484 = tpu.memref_squeeze %dma_start3A_483 : memref<1x77x512xf32, #tpu.memory_space<vmem>> -> memref<77x512xf32, #tpu.memory_space<vmem>>
      %dma_start3A_485 = arith.constant 0 : i32
      %dma_start3A_486 = arith.constant 0 : i32
      %dma_start3A_487 = tpu.memref_slice %arg8[%run_scoped3A_3, %dma_start3A_485, %dma_start3A_486] : memref<2x77x512xf32, #tpu.memory_space<vmem>> -> memref<1x77x512xf32, #tpu.memory_space<vmem>>
      %dma_start3A_488 = tpu.memref_squeeze %dma_start3A_487 : memref<1x77x512xf32, #tpu.memory_space<vmem>> -> memref<77x512xf32, #tpu.memory_space<vmem>>
      tpu.enqueue_dma source(%arg4 : memref<77x512xf32, #tpu.memory_space<hbm>>) target(%dma_start3A_488 : memref<77x512xf32, #tpu.memory_space<vmem>>) target_semaphore(%run_scoped3A_481 : memref<!tpu.dma_semaphore, #tpu.memory_space<semaphore_mem>>)
      %dma_wait3A_489 = arith.constant 0 : i32
      %dma_wait3A_490 = arith.constant 0 : i32
      %dma_wait3A_491 = tpu.memref_slice %arg8[%run_scoped3A_3, %dma_wait3A_489, %dma_wait3A_490] : memref<2x77x512xf32, #tpu.memory_space<vmem>> -> memref<1x77x512xf32, #tpu.memory_space<vmem>>
      %dma_wait3A_492 = tpu.memref_squeeze %dma_wait3A_491 : memref<1x77x512xf32, #tpu.memory_space<vmem>> -> memref<77x512xf32, #tpu.memory_space<vmem>>
      %dma_wait3A_493 = arith.constant 0 : i32
      %dma_wait3A_494 = arith.constant 0 : i32
      %dma_wait3A_495 = tpu.memref_slice %arg8[%run_scoped3A_3, %dma_wait3A_493, %dma_wait3A_494] : memref<2x77x512xf32, #tpu.memory_space<vmem>> -> memref<1x77x512xf32, #tpu.memory_space<vmem>>
      %dma_wait3A_496 = tpu.memref_squeeze %dma_wait3A_495 : memref<1x77x512xf32, #tpu.memory_space<vmem>> -> memref<77x512xf32, #tpu.memory_space<vmem>>
      tpu.wait_dma2 semaphore(%run_scoped3A_481 : memref<!tpu.dma_semaphore, #tpu.memory_space<semaphore_mem>>) src(%arg4 : memref<77x512xf32, #tpu.memory_space<hbm>>) dst(%dma_wait3A_496 : memref<77x512xf32, #tpu.memory_space<vmem>>)
      tpu.yield
    }) : () -> ()
    "tpu.region"() ({
      %run_scoped3A_481 = tpu.sem_alloc : memref<!tpu.dma_semaphore, #tpu.memory_space<semaphore_mem>>
      tpu.enqueue_dma source(%arg6 : memref<16xi32, #tpu.memory_space<hbm>>) target(%arg10 : memref<16xi32, #tpu.memory_space<vmem>>) target_semaphore(%run_scoped3A_481 : memref<!tpu.dma_semaphore, #tpu.memory_space<semaphore_mem>>)
      tpu.wait_dma2 semaphore(%run_scoped3A_481 : memref<!tpu.dma_semaphore, #tpu.memory_space<semaphore_mem>>) src(%arg6 : memref<16xi32, #tpu.memory_space<hbm>>) dst(%arg10 : memref<16xi32, #tpu.memory_space<vmem>>)
      tpu.yield
    }) : () -> ()
    "tpu.region"() ({
      %run_scoped3A_481 = tpu.sem_alloc : memref<!tpu.dma_semaphore, #tpu.memory_space<semaphore_mem>>
      %dma_start3A = tpu.memref_slice %arg2[%mul3A_2] : memref<4096xi32, #tpu.memory_space<hbm>> -> memref<128xi32, #tpu.memory_space<hbm>>
      %dma_start3A_482 = tpu.memref_slice %arg2[%mul3A_2] : memref<4096xi32, #tpu.memory_space<hbm>> -> memref<128xi32, #tpu.memory_space<hbm>>
      tpu.enqueue_dma source(%dma_start3A_482 : memref<128xi32, #tpu.memory_space<hbm>>) target(%arg9 : memref<128xi32, #tpu.memory_space<vmem>>) target_semaphore(%run_scoped3A_481 : memref<!tpu.dma_semaphore, #tpu.memory_space<semaphore_mem>>)
      %dma_wait3A_483 = tpu.memref_slice %arg2[%mul3A_2] : memref<4096xi32, #tpu.memory_space<hbm>> -> memref<128xi32, #tpu.memory_space<hbm>>
      %dma_wait3A_484 = tpu.memref_slice %arg2[%mul3A_2] : memref<4096xi32, #tpu.memory_space<hbm>> -> memref<128xi32, #tpu.memory_space<hbm>>
      tpu.wait_dma2 semaphore(%run_scoped3A_481 : memref<!tpu.dma_semaphore, #tpu.memory_space<semaphore_mem>>) src(%dma_wait3A_484 : memref<128xi32, #tpu.memory_space<hbm>>) dst(%arg9 : memref<128xi32, #tpu.memory_space<vmem>>)
      tpu.yield
    }) : () -> ()
    %get3A = arith.constant 0 : index
    %get3A_4 = tpu.vector_load %arg10[%get3A] {strides = array<i32>} : memref<16xi32, #tpu.memory_space<vmem>>, vector<16xi32>,
    %iota3A = tpu.iota {dimensions = array<i32: 0>} : vector<16xi32>
    %eq3A = arith.constant 0 : i32
    %eq3A_5 = vector.broadcast %eq3A : i32 to vector<16xi32>
    %eq3A_6 = arith.cmpi eq, %iota3A, %eq3A_5 : vector<16xi32>
    %jit3A = arith.constant -1 : i32
    %broadcast_in_dim3A = vector.broadcast %jit3A : i32 to vector<16xi32>
    %select_n3A = arith.select %eq3A_6, %get3A_4, %broadcast_in_dim3A : vector<16xi1>, vector<16xi32>
    %reduce_max3A = arith.constant true
    %reduce_max3A_7 = vector.broadcast %reduce_max3A : i1 to vector<16xi1>
    %reduce_max3A_8 = arith.constant -2147483648 : i32
    %reduce_max3A_9 = vector.broadcast %reduce_max3A_8 : i32 to vector<16xi32>
    %reduce_max3A_10 = arith.xori %select_n3A, %reduce_max3A_9 : vector<16xi32>
    %reduce_max3A_11 = tpu.scan <max>, %reduce_max3A_10 masked %reduce_max3A_7 : vector<16xi32>, vector<16xi1> -> vector<16xi32>
    %reduce_max3A_12 = arith.xori %reduce_max3A_11, %reduce_max3A_9 : vector<16xi32>
    %reduce_max3A_13 = vector.extract %reduce_max3A_12[15] : i32 from vector<16xi32>
    %run_scoped3A_14 = arith.constant 0 : i32
    %run_scoped3A_15 = arith.constant 0 : i32
    "tpu.region"() ({
      %run_scoped3A_481 = tpu.sem_alloc : memref<!tpu.dma_semaphore, #tpu.memory_space<semaphore_mem>>
      %dma_start3A = arith.constant 0 : i32
      %dma_start3A_482 = tpu.memref_slice %arg8[%run_scoped3A_15, %reduce_max3A_13, %dma_start3A] : memref<2x77x512xf32, #tpu.memory_space<vmem>> -> memref<1x1x512xf32, #tpu.memory_space<vmem>>
      %dma_start3A_483 = tpu.memref_squeeze %dma_start3A_482 : memref<1x1x512xf32, #tpu.memory_space<vmem>> -> memref<512xf32, #tpu.memory_space<vmem>>
      %dma_start3A_484 = arith.constant 0 : i32
      %dma_start3A_485 = tpu.memref_slice %arg3[%run_scoped3A_14, %dma_start3A_484] : memref<4x512xf32, #tpu.memory_space<hbm>> -> memref<1x512xf32, #tpu.memory_space<hbm>>
      %dma_start3A_486 = tpu.memref_squeeze %dma_start3A_485 : memref<1x512xf32, #tpu.memory_space<hbm>> -> memref<512xf32, #tpu.memory_space<hbm>>
      %dma_start3A_487 = arith.constant 0 : i32
      %dma_start3A_488 = tpu.memref_slice %arg8[%run_scoped3A_15, %reduce_max3A_13, %dma_start3A_487] : memref<2x77x512xf32, #tpu.memory_space<vmem>> -> memref<1x1x512xf32, #tpu.memory_space<vmem>>
      %dma_start3A_489 = tpu.memref_squeeze %dma_start3A_488 : memref<1x1x512xf32, #tpu.memory_space<vmem>> -> memref<512xf32, #tpu.memory_space<vmem>>
      %dma_start3A_490 = arith.constant 0 : i32
      %dma_start3A_491 = tpu.memref_slice %arg3[%run_scoped3A_14, %dma_start3A_490] : memref<4x512xf32, #tpu.memory_space<hbm>> -> memref<1x512xf32, #tpu.memory_space<hbm>>
      %dma_start3A_492 = tpu.memref_squeeze %dma_start3A_491 : memref<1x512xf32, #tpu.memory_space<hbm>> -> memref<512xf32, #tpu.memory_space<hbm>>
      tpu.enqueue_dma source(%dma_start3A_492 : memref<512xf32, #tpu.memory_space<hbm>>) target(%dma_start3A_489 : memref<512xf32, #tpu.memory_space<vmem>>) target_semaphore(%run_scoped3A_481 : memref<!tpu.dma_semaphore, #tpu.memory_space<semaphore_mem>>)
      %dma_wait3A_493 = arith.constant 0 : i32
      %dma_wait3A_494 = tpu.memref_slice %arg8[%run_scoped3A_15, %reduce_max3A_13, %dma_wait3A_493] : memref<2x77x512xf32, #tpu.memory_space<vmem>> -> memref<1x1x512xf32, #tpu.memory_space<vmem>>
      %dma_wait3A_495 = tpu.memref_squeeze %dma_wait3A_494 : memref<1x1x512xf32, #tpu.memory_space<vmem>> -> memref<512xf32, #tpu.memory_space<vmem>>
      %dma_wait3A_496 = arith.constant 0 : i32
      %dma_wait3A_497 = tpu.memref_slice %arg3[%run_scoped3A_14, %dma_wait3A_496] : memref<4x512xf32, #tpu.memory_space<hbm>> -> memref<1x512xf32, #tpu.memory_space<hbm>>
      %dma_wait3A_498 = tpu.memref_squeeze %dma_wait3A_497 : memref<1x512xf32, #tpu.memory_space<hbm>> -> memref<512xf32, #tpu.memory_space<hbm>>
      %dma_wait3A_499 = arith.constant 0 : i32
      %dma_wait3A_500 = tpu.memref_slice %arg8[%run_scoped3A_15, %reduce_max3A_13, %dma_wait3A_499] : memref<2x77x512xf32, #tpu.memory_space<vmem>> -> memref<1x1x512xf32, #tpu.memory_space<vmem>>
      %dma_wait3A_501 = tpu.memref_squeeze %dma_wait3A_500 : memref<1x1x512xf32, #tpu.memory_space<vmem>> -> memref<512xf32, #tpu.memory_space<vmem>>
      %dma_wait3A_502 = arith.constant 0 : i32
      %dma_wait3A_503 = tpu.memref_slice %arg3[%run_scoped3A_14, %dma_wait3A_502] : memref<4x512xf32, #tpu.memory_space<hbm>> -> memref<1x512xf32, #tpu.memory_space<hbm>>
      %dma_wait3A_504 = tpu.memref_squeeze %dma_wait3A_503 : memref<1x512xf32, #tpu.memory_space<hbm>> -> memref<512xf32, #tpu.memory_space<hbm>>
      tpu.wait_dma2 semaphore(%run_scoped3A_481 : memref<!tpu.dma_semaphore, #tpu.memory_space<semaphore_mem>>) src(%dma_wait3A_504 : memref<512xf32, #tpu.memory_space<hbm>>) dst(%dma_wait3A_501 : memref<512xf32, #tpu.memory_space<vmem>>)
      tpu.yield
    }) : () -> ()
    %run_scoped3A_16 = arith.constant 0 : i32
    %run_scoped3A_17 = arith.constant 1 : i32
    "tpu.region"() ({
      %run_scoped3A_481 = tpu.sem_alloc : memref<!tpu.dma_semaphore, #tpu.memory_space<semaphore_mem>>
      %dma_start3A = arith.constant 0 : i32
      %dma_start3A_482 = tpu.memref_slice %arg8[%run_scoped3A_17, %reduce_max3A_13, %dma_start3A] : memref<2x77x512xf32, #tpu.memory_space<vmem>> -> memref<1x1x512xf32, #tpu.memory_space<vmem>>
      %dma_start3A_483 = tpu.memref_squeeze %dma_start3A_482 : memref<1x1x512xf32, #tpu.memory_space<vmem>> -> memref<512xf32, #tpu.memory_space<vmem>>
      %dma_start3A_484 = arith.constant 0 : i32
      %dma_start3A_485 = tpu.memref_slice %arg3[%run_scoped3A_16, %dma_start3A_484] : memref<4x512xf32, #tpu.memory_space<hbm>> -> memref<1x512xf32, #tpu.memory_space<hbm>>
      %dma_start3A_486 = tpu.memref_squeeze %dma_start3A_485 : memref<1x512xf32, #tpu.memory_space<hbm>> -> memref<512xf32, #tpu.memory_space<hbm>>
      %dma_start3A_487 = arith.constant 0 : i32
      %dma_start3A_488 = tpu.memref_slice %arg8[%run_scoped3A_17, %reduce_max3A_13, %dma_start3A_487] : memref<2x77x512xf32, #tpu.memory_space<vmem>> -> memref<1x1x512xf32, #tpu.memory_space<vmem>>
      %dma_start3A_489 = tpu.memref_squeeze %dma_start3A_488 : memref<1x1x512xf32, #tpu.memory_space<vmem>> -> memref<512xf32, #tpu.memory_space<vmem>>
      %dma_start3A_490 = arith.constant 0 : i32
      %dma_start3A_491 = tpu.memref_slice %arg3[%run_scoped3A_16, %dma_start3A_490] : memref<4x512xf32, #tpu.memory_space<hbm>> -> memref<1x512xf32, #tpu.memory_space<hbm>>
      %dma_start3A_492 = tpu.memref_squeeze %dma_start3A_491 : memref<1x512xf32, #tpu.memory_space<hbm>> -> memref<512xf32, #tpu.memory_space<hbm>>
      tpu.enqueue_dma source(%dma_start3A_492 : memref<512xf32, #tpu.memory_space<hbm>>) target(%dma_start3A_489 : memref<512xf32, #tpu.memory_space<vmem>>) target_semaphore(%run_scoped3A_481 : memref<!tpu.dma_semaphore, #tpu.memory_space<semaphore_mem>>)
      %dma_wait3A_493 = arith.constant 0 : i32
      %dma_wait3A_494 = tpu.memref_slice %arg8[%run_scoped3A_17, %reduce_max3A_13, %dma_wait3A_493] : memref<2x77x512xf32, #tpu.memory_space<vmem>> -> memref<1x1x512xf32, #tpu.memory_space<vmem>>
      %dma_wait3A_495 = tpu.memref_squeeze %dma_wait3A_494 : memref<1x1x512xf32, #tpu.memory_space<vmem>> -> memref<512xf32, #tpu.memory_space<vmem>>
      %dma_wait3A_496 = arith.constant 0 : i32
      %dma_wait3A_497 = tpu.memref_slice %arg3[%run_scoped3A_16, %dma_wait3A_496] : memref<4x512xf32, #tpu.memory_space<hbm>> -> memref<1x512xf32, #tpu.memory_space<hbm>>
      %dma_wait3A_498 = tpu.memref_squeeze %dma_wait3A_497 : memref<1x512xf32, #tpu.memory_space<hbm>> -> memref<512xf32, #tpu.memory_space<hbm>>
      %dma_wait3A_499 = arith.constant 0 : i32
      %dma_wait3A_500 = tpu.memref_slice %arg8[%run_scoped3A_17, %reduce_max3A_13, %dma_wait3A_499] : memref<2x77x512xf32, #tpu.memory_space<vmem>> -> memref<1x1x512xf32, #tpu.memory_space<vmem>>
      %dma_wait3A_501 = tpu.memref_squeeze %dma_wait3A_500 : memref<1x1x512xf32, #tpu.memory_space<vmem>> -> memref<512xf32, #tpu.memory_space<vmem>>
      %dma_wait3A_502 = arith.constant 0 : i32
      %dma_wait3A_503 = tpu.memref_slice %arg3[%run_scoped3A_16, %dma_wait3A_502] : memref<4x512xf32, #tpu.memory_space<hbm>> -> memref<1x512xf32, #tpu.memory_space<hbm>>
      %dma_wait3A_504 = tpu.memref_squeeze %dma_wait3A_503 : memref<1x512xf32, #tpu.memory_space<hbm>> -> memref<512xf32, #tpu.memory_space<hbm>>
      tpu.wait_dma2 semaphore(%run_scoped3A_481 : memref<!tpu.dma_semaphore, #tpu.memory_space<semaphore_mem>>) src(%dma_wait3A_504 : memref<512xf32, #tpu.memory_space<hbm>>) dst(%dma_wait3A_501 : memref<512xf32, #tpu.memory_space<vmem>>)
      tpu.yield
    }) : () -> ()
    %iota3A_18 = tpu.iota {dimensions = array<i32: 0>} : vector<16xi32>
    %eq3A_19 = arith.constant 1 : i32
    %eq3A_20 = vector.broadcast %eq3A_19 : i32 to vector<16xi32>
    %eq3A_21 = arith.cmpi eq, %iota3A_18, %eq3A_20 : vector<16xi32>
    %jit3A_22 = arith.constant -1 : i32
    %broadcast_in_dim3A_23 = vector.broadcast %jit3A_22 : i32 to vector<16xi32>
    %select_n3A_24 = arith.select %eq3A_21, %get3A_4, %broadcast_in_dim3A_23 : vector<16xi1>, vector<16xi32>
    %reduce_max3A_25 = arith.constant true
    %reduce_max3A_26 = vector.broadcast %reduce_max3A_25 : i1 to vector<16xi1>
    %reduce_max3A_27 = arith.constant -2147483648 : i32
    %reduce_max3A_28 = vector.broadcast %reduce_max3A_27 : i32 to vector<16xi32>
    %reduce_max3A_29 = arith.xori %select_n3A_24, %reduce_max3A_28 : vector<16xi32>
    %reduce_max3A_30 = tpu.scan <max>, %reduce_max3A_29 masked %reduce_max3A_26 : vector<16xi32>, vector<16xi1> -> vector<16xi32>
    %reduce_max3A_31 = arith.xori %reduce_max3A_30, %reduce_max3A_28 : vector<16xi32>
    %reduce_max3A_32 = vector.extract %reduce_max3A_31[15] : i32 from vector<16xi32>
    %run_scoped3A_33 = arith.constant 1 : i32
    %run_scoped3A_34 = arith.constant 0 : i32
    "tpu.region"() ({
      %run_scoped3A_481 = tpu.sem_alloc : memref<!tpu.dma_semaphore, #tpu.memory_space<semaphore_mem>>
      %dma_start3A = arith.constant 0 : i32
      %dma_start3A_482 = tpu.memref_slice %arg8[%run_scoped3A_34, %reduce_max3A_32, %dma_start3A] : memref<2x77x512xf32, #tpu.memory_space<vmem>> -> memref<1x1x512xf32, #tpu.memory_space<vmem>>
      %dma_start3A_483 = tpu.memref_squeeze %dma_start3A_482 : memref<1x1x512xf32, #tpu.memory_space<vmem>> -> memref<512xf32, #tpu.memory_space<vmem>>
      %dma_start3A_484 = arith.constant 0 : i32
      %dma_start3A_485 = tpu.memref_slice %arg3[%run_scoped3A_33, %dma_start3A_484] : memref<4x512xf32, #tpu.memory_space<hbm>> -> memref<1x512xf32, #tpu.memory_space<hbm>>
      %dma_start3A_486 = tpu.memref_squeeze %dma_start3A_485 : memref<1x512xf32, #tpu.memory_space<hbm>> -> memref<512xf32, #tpu.memory_space<hbm>>
      %dma_start3A_487 = arith.constant 0 : i32
      %dma_start3A_488 = tpu.memref_slice %arg8[%run_scoped3A_34, %reduce_max3A_32, %dma_start3A_487] : memref<2x77x512xf32, #tpu.memory_space<vmem>> -> memref<1x1x512xf32, #tpu.memory_space<vmem>>
      %dma_start3A_489 = tpu.memref_squeeze %dma_start3A_488 : memref<1x1x512xf32, #tpu.memory_space<vmem>> -> memref<512xf32, #tpu.memory_space<vmem>>
      %dma_start3A_490 = arith.constant 0 : i32
      %dma_start3A_491 = tpu.memref_slice %arg3[%run_scoped3A_33, %dma_start3A_490] : memref<4x512xf32, #tpu.memory_space<hbm>> -> memref<1x512xf32, #tpu.memory_space<hbm>>
      %dma_start3A_492 = tpu.memref_squeeze %dma_start3A_491 : memref<1x512xf32, #tpu.memory_space<hbm>> -> memref<512xf32, #tpu.memory_space<hbm>>
      tpu.enqueue_dma source(%dma_start3A_492 : memref<512xf32, #tpu.memory_space<hbm>>) target(%dma_start3A_489 : memref<512xf32, #tpu.memory_space<vmem>>) target_semaphore(%run_scoped3A_481 : memref<!tpu.dma_semaphore, #tpu.memory_space<semaphore_mem>>)
      %dma_wait3A_493 = arith.constant 0 : i32
      %dma_wait3A_494 = tpu.memref_slice %arg8[%run_scoped3A_34, %reduce_max3A_32, %dma_wait3A_493] : memref<2x77x512xf32, #tpu.memory_space<vmem>> -> memref<1x1x512xf32, #tpu.memory_space<vmem>>
      %dma_wait3A_495 = tpu.memref_squeeze %dma_wait3A_494 : memref<1x1x512xf32, #tpu.memory_space<vmem>> -> memref<512xf32, #tpu.memory_space<vmem>>
      %dma_wait3A_496 = arith.constant 0 : i32
      %dma_wait3A_497 = tpu.memref_slice %arg3[%run_scoped3A_33, %dma_wait3A_496] : memref<4x512xf32, #tpu.memory_space<hbm>> -> memref<1x512xf32, #tpu.memory_space<hbm>>
      %dma_wait3A_498 = tpu.memref_squeeze %dma_wait3A_497 : memref<1x512xf32, #tpu.memory_space<hbm>> -> memref<512xf32, #tpu.memory_space<hbm>>
      %dma_wait3A_499 = arith.constant 0 : i32
      %dma_wait3A_500 = tpu.memref_slice %arg8[%run_scoped3A_34, %reduce_max3A_32, %dma_wait3A_499] : memref<2x77x512xf32, #tpu.memory_space<vmem>> -> memref<1x1x512xf32, #tpu.memory_space<vmem>>
      %dma_wait3A_501 = tpu.memref_squeeze %dma_wait3A_500 : memref<1x1x512xf32, #tpu.memory_space<vmem>> -> memref<512xf32, #tpu.memory_space<vmem>>
      %dma_wait3A_502 = arith.constant 0 : i32
      %dma_wait3A_503 = tpu.memref_slice %arg3[%run_scoped3A_33, %dma_wait3A_502] : memref<4x512xf32, #tpu.memory_space<hbm>> -> memref<1x512xf32, #tpu.memory_space<hbm>>
      %dma_wait3A_504 = tpu.memref_squeeze %dma_wait3A_503 : memref<1x512xf32, #tpu.memory_space<hbm>> -> memref<512xf32, #tpu.memory_space<hbm>>
      tpu.wait_dma2 semaphore(%run_scoped3A_481 : memref<!tpu.dma_semaphore, #tpu.memory_space<semaphore_mem>>) src(%dma_wait3A_504 : memref<512xf32, #tpu.memory_space<hbm>>) dst(%dma_wait3A_501 : memref<512xf32, #tpu.memory_space<vmem>>)
      tpu.yield
    }) : () -> ()
    %run_scoped3A_35 = arith.constant 1 : i32
    %run_scoped3A_36 = arith.constant 1 : i32
    "tpu.region"() ({
      %run_scoped3A_481 = tpu.sem_alloc : memref<!tpu.dma_semaphore, #tpu.memory_space<semaphore_mem>>
      %dma_start3A = arith.constant 0 : i32
      %dma_start3A_482 = tpu.memref_slice %arg8[%run_scoped3A_36, %reduce_max3A_32, %dma_start3A] : memref<2x77x512xf32, #tpu.memory_space<vmem>> -> memref<1x1x512xf32, #tpu.memory_space<vmem>>
      %dma_start3A_483 = tpu.memref_squeeze %dma_start3A_482 : memref<1x1x512xf32, #tpu.memory_space<vmem>> -> memref<512xf32, #tpu.memory_space<vmem>>
      %dma_start3A_484 = arith.constant 0 : i32
      %dma_start3A_485 = tpu.memref_slice %arg3[%run_scoped3A_35, %dma_start3A_484] : memref<4x512xf32, #tpu.memory_space<hbm>> -> memref<1x512xf32, #tpu.memory_space<hbm>>
      %dma_start3A_486 = tpu.memref_squeeze %dma_start3A_485 : memref<1x512xf32, #tpu.memory_space<hbm>> -> memref<512xf32, #tpu.memory_space<hbm>>
      %dma_start3A_487 = arith.constant 0 : i32
      %dma_start3A_488 = tpu.memref_slice %arg8[%run_scoped3A_36, %reduce_max3A_32, %dma_start3A_487] : memref<2x77x512xf32, #tpu.memory_space<vmem>> -> memref<1x1x512xf32, #tpu.memory_space<vmem>>
      %dma_start3A_489 = tpu.memref_squeeze %dma_start3A_488 : memref<1x1x512xf32, #tpu.memory_space<vmem>> -> memref<512xf32, #tpu.memory_space<vmem>>
      %dma_start3A_490 = arith.constant 0 : i32
      %dma_start3A_491 = tpu.memref_slice %arg3[%run_scoped3A_35, %dma_start3A_490] : memref<4x512xf32, #tpu.memory_space<hbm>> -> memref<1x512xf32, #tpu.memory_space<hbm>>
      %dma_start3A_492 = tpu.memref_squeeze %dma_start3A_491 : memref<1x512xf32, #tpu.memory_space<hbm>> -> memref<512xf32, #tpu.memory_space<hbm>>
      tpu.enqueue_dma source(%dma_start3A_492 : memref<512xf32, #tpu.memory_space<hbm>>) target(%dma_start3A_489 : memref<512xf32, #tpu.memory_space<vmem>>) target_semaphore(%run_scoped3A_481 : memref<!tpu.dma_semaphore, #tpu.memory_space<semaphore_mem>>)
      %dma_wait3A_493 = arith.constant 0 : i32
      %dma_wait3A_494 = tpu.memref_slice %arg8[%run_scoped3A_36, %reduce_max3A_32, %dma_wait3A_493] : memref<2x77x512xf32, #tpu.memory_space<vmem>> -> memref<1x1x512xf32, #tpu.memory_space<vmem>>
      %dma_wait3A_495 = tpu.memref_squeeze %dma_wait3A_494 : memref<1x1x512xf32, #tpu.memory_space<vmem>> -> memref<512xf32, #tpu.memory_space<vmem>>
      %dma_wait3A_496 = arith.constant 0 : i32
      %dma_wait3A_497 = tpu.memref_slice %arg3[%run_scoped3A_35, %dma_wait3A_496] : memref<4x512xf32, #tpu.memory_space<hbm>> -> memref<1x512xf32, #tpu.memory_space<hbm>>
      %dma_wait3A_498 = tpu.memref_squeeze %dma_wait3A_497 : memref<1x512xf32, #tpu.memory_space<hbm>> -> memref<512xf32, #tpu.memory_space<hbm>>
      %dma_wait3A_499 = arith.constant 0 : i32
      %dma_wait3A_500 = tpu.memref_slice %arg8[%run_scoped3A_36, %reduce_max3A_32, %dma_wait3A_499] : memref<2x77x512xf32, #tpu.memory_space<vmem>> -> memref<1x1x512xf32, #tpu.memory_space<vmem>>
      %dma_wait3A_501 = tpu.memref_squeeze %dma_wait3A_500 : memref<1x1x512xf32, #tpu.memory_space<vmem>> -> memref<512xf32, #tpu.memory_space<vmem>>
      %dma_wait3A_502 = arith.constant 0 : i32
      %dma_wait3A_503 = tpu.memref_slice %arg3[%run_scoped3A_35, %dma_wait3A_502] : memref<4x512xf32, #tpu.memory_space<hbm>> -> memref<1x512xf32, #tpu.memory_space<hbm>>
      %dma_wait3A_504 = tpu.memref_squeeze %dma_wait3A_503 : memref<1x512xf32, #tpu.memory_space<hbm>> -> memref<512xf32, #tpu.memory_space<hbm>>
      tpu.wait_dma2 semaphore(%run_scoped3A_481 : memref<!tpu.dma_semaphore, #tpu.memory_space<semaphore_mem>>) src(%dma_wait3A_504 : memref<512xf32, #tpu.memory_space<hbm>>) dst(%dma_wait3A_501 : memref<512xf32, #tpu.memory_space<vmem>>)
      tpu.yield
    }) : () -> ()
    %iota3A_37 = tpu.iota {dimensions = array<i32: 0>} : vector<16xi32>
    %eq3A_38 = arith.constant 2 : i32
    %eq3A_39 = vector.broadcast %eq3A_38 : i32 to vector<16xi32>
    %eq3A_40 = arith.cmpi eq, %iota3A_37, %eq3A_39 : vector<16xi32>
    %jit3A_41 = arith.constant -1 : i32
    %broadcast_in_dim3A_42 = vector.broadcast %jit3A_41 : i32 to vector<16xi32>
    %select_n3A_43 = arith.select %eq3A_40, %get3A_4, %broadcast_in_dim3A_42 : vector<16xi1>, vector<16xi32>
    %reduce_max3A_44 = arith.constant true
    %reduce_max3A_45 = vector.broadcast %reduce_max3A_44 : i1 to vector<16xi1>
    %reduce_max3A_46 = arith.constant -2147483648 : i32
    %reduce_max3A_47 = vector.broadcast %reduce_max3A_46 : i32 to vector<16xi32>
    %reduce_max3A_48 = arith.xori %select_n3A_43, %reduce_max3A_47 : vector<16xi32>
    %reduce_max3A_49 = tpu.scan <max>, %reduce_max3A_48 masked %reduce_max3A_45 : vector<16xi32>, vector<16xi1> -> vector<16xi32>
    %reduce_max3A_50 = arith.xori %reduce_max3A_49, %reduce_max3A_47 : vector<16xi32>
    %reduce_max3A_51 = vector.extract %reduce_max3A_50[15] : i32 from vector<16xi32>
    %run_scoped3A_52 = arith.constant 2 : i32
    %run_scoped3A_53 = arith.constant 0 : i32
    "tpu.region"() ({
      %run_scoped3A_481 = tpu.sem_alloc : memref<!tpu.dma_semaphore, #tpu.memory_space<semaphore_mem>>
      %dma_start3A = arith.constant 0 : i32
      %dma_start3A_482 = tpu.memref_slice %arg8[%run_scoped3A_53, %reduce_max3A_51, %dma_start3A] : memref<2x77x512xf32, #tpu.memory_space<vmem>> -> memref<1x1x512xf32, #tpu.memory_space<vmem>>
      %dma_start3A_483 = tpu.memref_squeeze %dma_start3A_482 : memref<1x1x512xf32, #tpu.memory_space<vmem>> -> memref<512xf32, #tpu.memory_space<vmem>>
      %dma_start3A_484 = arith.constant 0 : i32
      %dma_start3A_485 = tpu.memref_slice %arg3[%run_scoped3A_52, %dma_start3A_484] : memref<4x512xf32, #tpu.memory_space<hbm>> -> memref<1x512xf32, #tpu.memory_space<hbm>>
      %dma_start3A_486 = tpu.memref_squeeze %dma_start3A_485 : memref<1x512xf32, #tpu.memory_space<hbm>> -> memref<512xf32, #tpu.memory_space<hbm>>
      %dma_start3A_487 = arith.constant 0 : i32
      %dma_start3A_488 = tpu.memref_slice %arg8[%run_scoped3A_53, %reduce_max3A_51, %dma_start3A_487] : memref<2x77x512xf32, #tpu.memory_space<vmem>> -> memref<1x1x512xf32, #tpu.memory_space<vmem>>
      %dma_start3A_489 = tpu.memref_squeeze %dma_start3A_488 : memref<1x1x512xf32, #tpu.memory_space<vmem>> -> memref<512xf32, #tpu.memory_space<vmem>>
      %dma_start3A_490 = arith.constant 0 : i32
      %dma_start3A_491 = tpu.memref_slice %arg3[%run_scoped3A_52, %dma_start3A_490] : memref<4x512xf32, #tpu.memory_space<hbm>> -> memref<1x512xf32, #tpu.memory_space<hbm>>
      %dma_start3A_492 = tpu.memref_squeeze %dma_start3A_491 : memref<1x512xf32, #tpu.memory_space<hbm>> -> memref<512xf32, #tpu.memory_space<hbm>>
      tpu.enqueue_dma source(%dma_start3A_492 : memref<512xf32, #tpu.memory_space<hbm>>) target(%dma_start3A_489 : memref<512xf32, #tpu.memory_space<vmem>>) target_semaphore(%run_scoped3A_481 : memref<!tpu.dma_semaphore, #tpu.memory_space<semaphore_mem>>)
      %dma_wait3A_493 = arith.constant 0 : i32
      %dma_wait3A_494 = tpu.memref_slice %arg8[%run_scoped3A_53, %reduce_max3A_51, %dma_wait3A_493] : memref<2x77x512xf32, #tpu.memory_space<vmem>> -> memref<1x1x512xf32, #tpu.memory_space<vmem>>
      %dma_wait3A_495 = tpu.memref_squeeze %dma_wait3A_494 : memref<1x1x512xf32, #tpu.memory_space<vmem>> -> memref<512xf32, #tpu.memory_space<vmem>>
      %dma_wait3A_496 = arith.constant 0 : i32
      %dma_wait3A_497 = tpu.memref_slice %arg3[%run_scoped3A_52, %dma_wait3A_496] : memref<4x512xf32, #tpu.memory_space<hbm>> -> memref<1x512xf32, #tpu.memory_space<hbm>>
      %dma_wait3A_498 = tpu.memref_squeeze %dma_wait3A_497 : memref<1x512xf32, #tpu.memory_space<hbm>> -> memref<512xf32, #tpu.memory_space<hbm>>
      %dma_wait3A_499 = arith.constant 0 : i32
      %dma_wait3A_500 = tpu.memref_slice %arg8[%run_scoped3A_53, %reduce_max3A_51, %dma_wait3A_499] : memref<2x77x512xf32, #tpu.memory_space<vmem>> -> memref<1x1x512xf32, #tpu.memory_space<vmem>>
      %dma_wait3A_501 = tpu.memref_squeeze %dma_wait3A_500 : memref<1x1x512xf32, #tpu.memory_space<vmem>> -> memref<512xf32, #tpu.memory_space<vmem>>
      %dma_wait3A_502 = arith.constant 0 : i32
      %dma_wait3A_503 = tpu.memref_slice %arg3[%run_scoped3A_52, %dma_wait3A_502] : memref<4x512xf32, #tpu.memory_space<hbm>> -> memref<1x512xf32, #tpu.memory_space<hbm>>
      %dma_wait3A_504 = tpu.memref_squeeze %dma_wait3A_503 : memref<1x512xf32, #tpu.memory_space<hbm>> -> memref<512xf32, #tpu.memory_space<hbm>>
      tpu.wait_dma2 semaphore(%run_scoped3A_481 : memref<!tpu.dma_semaphore, #tpu.memory_space<semaphore_mem>>) src(%dma_wait3A_504 : memref<512xf32, #tpu.memory_space<hbm>>) dst(%dma_wait3A_501 : memref<512xf32, #tpu.memory_space<vmem>>)
      tpu.yield
    }) : () -> ()
    %run_scoped3A_54 = arith.constant 2 : i32
    %run_scoped3A_55 = arith.constant 1 : i32
    "tpu.region"() ({
      %run_scoped3A_481 = tpu.sem_alloc : memref<!tpu.dma_semaphore, #tpu.memory_space<semaphore_mem>>
      %dma_start3A = arith.constant 0 : i32
      %dma_start3A_482 = tpu.memref_slice %arg8[%run_scoped3A_55, %reduce_max3A_51, %dma_start3A] : memref<2x77x512xf32, #tpu.memory_space<vmem>> -> memref<1x1x512xf32, #tpu.memory_space<vmem>>
      %dma_start3A_483 = tpu.memref_squeeze %dma_start3A_482 : memref<1x1x512xf32, #tpu.memory_space<vmem>> -> memref<512xf32, #tpu.memory_space<vmem>>
      %dma_start3A_484 = arith.constant 0 : i32
      %dma_start3A_485 = tpu.memref_slice %arg3[%run_scoped3A_54, %dma_start3A_484] : memref<4x512xf32, #tpu.memory_space<hbm>> -> memref<1x512xf32, #tpu.memory_space<hbm>>
      %dma_start3A_486 = tpu.memref_squeeze %dma_start3A_485 : memref<1x512xf32, #tpu.memory_space<hbm>> -> memref<512xf32, #tpu.memory_space<hbm>>
      %dma_start3A_487 = arith.constant 0 : i32
      %dma_start3A_488 = tpu.memref_slice %arg8[%run_scoped3A_55, %reduce_max3A_51, %dma_start3A_487] : memref<2x77x512xf32, #tpu.memory_space<vmem>> -> memref<1x1x512xf32, #tpu.memory_space<vmem>>
      %dma_start3A_489 = tpu.memref_squeeze %dma_start3A_488 : memref<1x1x512xf32, #tpu.memory_space<vmem>> -> memref<512xf32, #tpu.memory_space<vmem>>
      %dma_start3A_490 = arith.constant 0 : i32
      %dma_start3A_491 = tpu.memref_slice %arg3[%run_scoped3A_54, %dma_start3A_490] : memref<4x512xf32, #tpu.memory_space<hbm>> -> memref<1x512xf32, #tpu.memory_space<hbm>>
      %dma_start3A_492 = tpu.memref_squeeze %dma_start3A_491 : memref<1x512xf32, #tpu.memory_space<hbm>> -> memref<512xf32, #tpu.memory_space<hbm>>
      tpu.enqueue_dma source(%dma_start3A_492 : memref<512xf32, #tpu.memory_space<hbm>>) target(%dma_start3A_489 : memref<512xf32, #tpu.memory_space<vmem>>) target_semaphore(%run_scoped3A_481 : memref<!tpu.dma_semaphore, #tpu.memory_space<semaphore_mem>>)
      %dma_wait3A_493 = arith.constant 0 : i32
      %dma_wait3A_494 = tpu.memref_slice %arg8[%run_scoped3A_55, %reduce_max3A_51, %dma_wait3A_493] : memref<2x77x512xf32, #tpu.memory_space<vmem>> -> memref<1x1x512xf32, #tpu.memory_space<vmem>>
      %dma_wait3A_495 = tpu.memref_squeeze %dma_wait3A_494 : memref<1x1x512xf32, #tpu.memory_space<vmem>> -> memref<512xf32, #tpu.memory_space<vmem>>
      %dma_wait3A_496 = arith.constant 0 : i32
      %dma_wait3A_497 = tpu.memref_slice %arg3[%run_scoped3A_54, %dma_wait3A_496] : memref<4x512xf32, #tpu.memory_space<hbm>> -> memref<1x512xf32, #tpu.memory_space<hbm>>
      %dma_wait3A_498 = tpu.memref_squeeze %dma_wait3A_497 : memref<1x512xf32, #tpu.memory_space<hbm>> -> memref<512xf32, #tpu.memory_space<hbm>>
      %dma_wait3A_499 = arith.constant 0 : i32
      %dma_wait3A_500 = tpu.memref_slice %arg8[%run_scoped3A_55, %reduce_max3A_51, %dma_wait3A_499] : memref<2x77x512xf32, #tpu.memory_space<vmem>> -> memref<1x1x512xf32, #tpu.memory_space<vmem>>
      %dma_wait3A_501 = tpu.memref_squeeze %dma_wait3A_500 : memref<1x1x512xf32, #tpu.memory_space<vmem>> -> memref<512xf32, #tpu.memory_space<vmem>>
      %dma_wait3A_502 = arith.constant 0 : i32
      %dma_wait3A_503 = tpu.memref_slice %arg3[%run_scoped3A_54, %dma_wait3A_502] : memref<4x512xf32, #tpu.memory_space<hbm>> -> memref<1x512xf32, #tpu.memory_space<hbm>>
      %dma_wait3A_504 = tpu.memref_squeeze %dma_wait3A_503 : memref<1x512xf32, #tpu.memory_space<hbm>> -> memref<512xf32, #tpu.memory_space<hbm>>
      tpu.wait_dma2 semaphore(%run_scoped3A_481 : memref<!tpu.dma_semaphore, #tpu.memory_space<semaphore_mem>>) src(%dma_wait3A_504 : memref<512xf32, #tpu.memory_space<hbm>>) dst(%dma_wait3A_501 : memref<512xf32, #tpu.memory_space<vmem>>)
      tpu.yield
    }) : () -> ()
    %iota3A_56 = tpu.iota {dimensions = array<i32: 0>} : vector<16xi32>
    %eq3A_57 = arith.constant 3 : i32
    %eq3A_58 = vector.broadcast %eq3A_57 : i32 to vector<16xi32>
    %eq3A_59 = arith.cmpi eq, %iota3A_56, %eq3A_58 : vector<16xi32>
    %jit3A_60 = arith.constant -1 : i32
    %broadcast_in_dim3A_61 = vector.broadcast %jit3A_60 : i32 to vector<16xi32>
    %select_n3A_62 = arith.select %eq3A_59, %get3A_4, %broadcast_in_dim3A_61 : vector<16xi1>, vector<16xi32>
    %reduce_max3A_63 = arith.constant true
    %reduce_max3A_64 = vector.broadcast %reduce_max3A_63 : i1 to vector<16xi1>
    %reduce_max3A_65 = arith.constant -2147483648 : i32
    %reduce_max3A_66 = vector.broadcast %reduce_max3A_65 : i32 to vector<16xi32>
    %reduce_max3A_67 = arith.xori %select_n3A_62, %reduce_max3A_66 : vector<16xi32>
    %reduce_max3A_68 = tpu.scan <max>, %reduce_max3A_67 masked %reduce_max3A_64 : vector<16xi32>, vector<16xi1> -> vector<16xi32>
    %reduce_max3A_69 = arith.xori %reduce_max3A_68, %reduce_max3A_66 : vector<16xi32>
    %reduce_max3A_70 = vector.extract %reduce_max3A_69[15] : i32 from vector<16xi32>
    %run_scoped3A_71 = arith.constant 3 : i32
    %run_scoped3A_72 = arith.constant 0 : i32
    "tpu.region"() ({
      %run_scoped3A_481 = tpu.sem_alloc : memref<!tpu.dma_semaphore, #tpu.memory_space<semaphore_mem>>
      %dma_start3A = arith.constant 0 : i32
      %dma_start3A_482 = tpu.memref_slice %arg8[%run_scoped3A_72, %reduce_max3A_70, %dma_start3A] : memref<2x77x512xf32, #tpu.memory_space<vmem>> -> memref<1x1x512xf32, #tpu.memory_space<vmem>>
      %dma_start3A_483 = tpu.memref_squeeze %dma_start3A_482 : memref<1x1x512xf32, #tpu.memory_space<vmem>> -> memref<512xf32, #tpu.memory_space<vmem>>
      %dma_start3A_484 = arith.constant 0 : i32
      %dma_start3A_485 = tpu.memref_slice %arg3[%run_scoped3A_71, %dma_start3A_484] : memref<4x512xf32, #tpu.memory_space<hbm>> -> memref<1x512xf32, #tpu.memory_space<hbm>>
      %dma_start3A_486 = tpu.memref_squeeze %dma_start3A_485 : memref<1x512xf32, #tpu.memory_space<hbm>> -> memref<512xf32, #tpu.memory_space<hbm>>
      %dma_start3A_487 = arith.constant 0 : i32
      %dma_start3A_488 = tpu.memref_slice %arg8[%run_scoped3A_72, %reduce_max3A_70, %dma_start3A_487] : memref<2x77x512xf32, #tpu.memory_space<vmem>> -> memref<1x1x512xf32, #tpu.memory_space<vmem>>
      %dma_start3A_489 = tpu.memref_squeeze %dma_start3A_488 : memref<1x1x512xf32, #tpu.memory_space<vmem>> -> memref<512xf32, #tpu.memory_space<vmem>>
      %dma_start3A_490 = arith.constant 0 : i32
      %dma_start3A_491 = tpu.memref_slice %arg3[%run_scoped3A_71, %dma_start3A_490] : memref<4x512xf32, #tpu.memory_space<hbm>> -> memref<1x512xf32, #tpu.memory_space<hbm>>
      %dma_start3A_492 = tpu.memref_squeeze %dma_start3A_491 : memref<1x512xf32, #tpu.memory_space<hbm>> -> memref<512xf32, #tpu.memory_space<hbm>>
      tpu.enqueue_dma source(%dma_start3A_492 : memref<512xf32, #tpu.memory_space<hbm>>) target(%dma_start3A_489 : memref<512xf32, #tpu.memory_space<vmem>>) target_semaphore(%run_scoped3A_481 : memref<!tpu.dma_semaphore, #tpu.memory_space<semaphore_mem>>)
      %dma_wait3A_493 = arith.constant 0 : i32
      %dma_wait3A_494 = tpu.memref_slice %arg8[%run_scoped3A_72, %reduce_max3A_70, %dma_wait3A_493] : memref<2x77x512xf32, #tpu.memory_space<vmem>> -> memref<1x1x512xf32, #tpu.memory_space<vmem>>
      %dma_wait3A_495 = tpu.memref_squeeze %dma_wait3A_494 : memref<1x1x512xf32, #tpu.memory_space<vmem>> -> memref<512xf32, #tpu.memory_space<vmem>>
      %dma_wait3A_496 = arith.constant 0 : i32
      %dma_wait3A_497 = tpu.memref_slice %arg3[%run_scoped3A_71, %dma_wait3A_496] : memref<4x512xf32, #tpu.memory_space<hbm>> -> memref<1x512xf32, #tpu.memory_space<hbm>>
      %dma_wait3A_498 = tpu.memref_squeeze %dma_wait3A_497 : memref<1x512xf32, #tpu.memory_space<hbm>> -> memref<512xf32, #tpu.memory_space<hbm>>
      %dma_wait3A_499 = arith.constant 0 : i32
      %dma_wait3A_500 = tpu.memref_slice %arg8[%run_scoped3A_72, %reduce_max3A_70, %dma_wait3A_499] : memref<2x77x512xf32, #tpu.memory_space<vmem>> -> memref<1x1x512xf32, #tpu.memory_space<vmem>>
      %dma_wait3A_501 = tpu.memref_squeeze %dma_wait3A_500 : memref<1x1x512xf32, #tpu.memory_space<vmem>> -> memref<512xf32, #tpu.memory_space<vmem>>
      %dma_wait3A_502 = arith.constant 0 : i32
      %dma_wait3A_503 = tpu.memref_slice %arg3[%run_scoped3A_71, %dma_wait3A_502] : memref<4x512xf32, #tpu.memory_space<hbm>> -> memref<1x512xf32, #tpu.memory_space<hbm>>
      %dma_wait3A_504 = tpu.memref_squeeze %dma_wait3A_503 : memref<1x512xf32, #tpu.memory_space<hbm>> -> memref<512xf32, #tpu.memory_space<hbm>>
      tpu.wait_dma2 semaphore(%run_scoped3A_481 : memref<!tpu.dma_semaphore, #tpu.memory_space<semaphore_mem>>) src(%dma_wait3A_504 : memref<512xf32, #tpu.memory_space<hbm>>) dst(%dma_wait3A_501 : memref<512xf32, #tpu.memory_space<vmem>>)
      tpu.yield
    }) : () -> ()
    %run_scoped3A_73 = arith.constant 3 : i32
    %run_scoped3A_74 = arith.constant 1 : i32
    "tpu.region"() ({
      %run_scoped3A_481 = tpu.sem_alloc : memref<!tpu.dma_semaphore, #tpu.memory_space<semaphore_mem>>
      %dma_start3A = arith.constant 0 : i32
      %dma_start3A_482 = tpu.memref_slice %arg8[%run_scoped3A_74, %reduce_max3A_70, %dma_start3A] : memref<2x77x512xf32, #tpu.memory_space<vmem>> -> memref<1x1x512xf32, #tpu.memory_space<vmem>>
      %dma_start3A_483 = tpu.memref_squeeze %dma_start3A_482 : memref<1x1x512xf32, #tpu.memory_space<vmem>> -> memref<512xf32, #tpu.memory_space<vmem>>
      %dma_start3A_484 = arith.constant 0 : i32
      %dma_start3A_485 = tpu.memref_slice %arg3[%run_scoped3A_73, %dma_start3A_484] : memref<4x512xf32, #tpu.memory_space<hbm>> -> memref<1x512xf32, #tpu.memory_space<hbm>>
      %dma_start3A_486 = tpu.memref_squeeze %dma_start3A_485 : memref<1x512xf32, #tpu.memory_space<hbm>> -> memref<512xf32, #tpu.memory_space<hbm>>
      %dma_start3A_487 = arith.constant 0 : i32
      %dma_start3A_488 = tpu.memref_slice %arg8[%run_scoped3A_74, %reduce_max3A_70, %dma_start3A_487] : memref<2x77x512xf32, #tpu.memory_space<vmem>> -> memref<1x1x512xf32, #tpu.memory_space<vmem>>
      %dma_start3A_489 = tpu.memref_squeeze %dma_start3A_488 : memref<1x1x512xf32, #tpu.memory_space<vmem>> -> memref<512xf32, #tpu.memory_space<vmem>>
      %dma_start3A_490 = arith.constant 0 : i32
      %dma_start3A_491 = tpu.memref_slice %arg3[%run_scoped3A_73, %dma_start3A_490] : memref<4x512xf32, #tpu.memory_space<hbm>> -> memref<1x512xf32, #tpu.memory_space<hbm>>
      %dma_start3A_492 = tpu.memref_squeeze %dma_start3A_491 : memref<1x512xf32, #tpu.memory_space<hbm>> -> memref<512xf32, #tpu.memory_space<hbm>>
      tpu.enqueue_dma source(%dma_start3A_492 : memref<512xf32, #tpu.memory_space<hbm>>) target(%dma_start3A_489 : memref<512xf32, #tpu.memory_space<vmem>>) target_semaphore(%run_scoped3A_481 : memref<!tpu.dma_semaphore, #tpu.memory_space<semaphore_mem>>)
      %dma_wait3A_493 = arith.constant 0 : i32
      %dma_wait3A_494 = tpu.memref_slice %arg8[%run_scoped3A_74, %reduce_max3A_70, %dma_wait3A_493] : memref<2x77x512xf32, #tpu.memory_space<vmem>> -> memref<1x1x512xf32, #tpu.memory_space<vmem>>
      %dma_wait3A_495 = tpu.memref_squeeze %dma_wait3A_494 : memref<1x1x512xf32, #tpu.memory_space<vmem>> -> memref<512xf32, #tpu.memory_space<vmem>>
      %dma_wait3A_496 = arith.constant 0 : i32
      %dma_wait3A_497 = tpu.memref_slice %arg3[%run_scoped3A_73, %dma_wait3A_496] : memref<4x512xf32, #tpu.memory_space<hbm>> -> memref<1x512xf32, #tpu.memory_space<hbm>>
      %dma_wait3A_498 = tpu.memref_squeeze %dma_wait3A_497 : memref<1x512xf32, #tpu.memory_space<hbm>> -> memref<512xf32, #tpu.memory_space<hbm>>
      %dma_wait3A_499 = arith.constant 0 : i32
      %dma_wait3A_500 = tpu.memref_slice %arg8[%run_scoped3A_74, %reduce_max3A_70, %dma_wait3A_499] : memref<2x77x512xf32, #tpu.memory_space<vmem>> -> memref<1x1x512xf32, #tpu.memory_space<vmem>>
      %dma_wait3A_501 = tpu.memref_squeeze %dma_wait3A_500 : memref<1x1x512xf32, #tpu.memory_space<vmem>> -> memref<512xf32, #tpu.memory_space<vmem>>
      %dma_wait3A_502 = arith.constant 0 : i32
      %dma_wait3A_503 = tpu.memref_slice %arg3[%run_scoped3A_73, %dma_wait3A_502] : memref<4x512xf32, #tpu.memory_space<hbm>> -> memref<1x512xf32, #tpu.memory_space<hbm>>
      %dma_wait3A_504 = tpu.memref_squeeze %dma_wait3A_503 : memref<1x512xf32, #tpu.memory_space<hbm>> -> memref<512xf32, #tpu.memory_space<hbm>>
      tpu.wait_dma2 semaphore(%run_scoped3A_481 : memref<!tpu.dma_semaphore, #tpu.memory_space<semaphore_mem>>) src(%dma_wait3A_504 : memref<512xf32, #tpu.memory_space<hbm>>) dst(%dma_wait3A_501 : memref<512xf32, #tpu.memory_space<vmem>>)
      tpu.yield
    }) : () -> ()
    %iota3A_75 = tpu.iota {dimensions = array<i32: 0>} : vector<16xi32>
    %eq3A_76 = arith.constant 4 : i32
    %eq3A_77 = vector.broadcast %eq3A_76 : i32 to vector<16xi32>
    %eq3A_78 = arith.cmpi eq, %iota3A_75, %eq3A_77 : vector<16xi32>
    %jit3A_79 = arith.constant -1 : i32
    %broadcast_in_dim3A_80 = vector.broadcast %jit3A_79 : i32 to vector<16xi32>
    %select_n3A_81 = arith.select %eq3A_78, %get3A_4, %broadcast_in_dim3A_80 : vector<16xi1>, vector<16xi32>
    %reduce_max3A_82 = arith.constant true
    %reduce_max3A_83 = vector.broadcast %reduce_max3A_82 : i1 to vector<16xi1>
    %reduce_max3A_84 = arith.constant -2147483648 : i32
    %reduce_max3A_85 = vector.broadcast %reduce_max3A_84 : i32 to vector<16xi32>
    %reduce_max3A_86 = arith.xori %select_n3A_81, %reduce_max3A_85 : vector<16xi32>
    %reduce_max3A_87 = tpu.scan <max>, %reduce_max3A_86 masked %reduce_max3A_83 : vector<16xi32>, vector<16xi1> -> vector<16xi32>
    %reduce_max3A_88 = arith.xori %reduce_max3A_87, %reduce_max3A_85 : vector<16xi32>
    %reduce_max3A_89 = vector.extract %reduce_max3A_88[15] : i32 from vector<16xi32>
    %run_scoped3A_90 = arith.constant 0 : i32
    %run_scoped3A_91 = arith.constant 0 : i32
    "tpu.region"() ({
      %run_scoped3A_481 = tpu.sem_alloc : memref<!tpu.dma_semaphore, #tpu.memory_space<semaphore_mem>>
      %dma_start3A = arith.constant 0 : i32
      %dma_start3A_482 = tpu.memref_slice %arg8[%run_scoped3A_91, %reduce_max3A_89, %dma_start3A] : memref<2x77x512xf32, #tpu.memory_space<vmem>> -> memref<1x1x512xf32, #tpu.memory_space<vmem>>
      %dma_start3A_483 = tpu.memref_squeeze %dma_start3A_482 : memref<1x1x512xf32, #tpu.memory_space<vmem>> -> memref<512xf32, #tpu.memory_space<vmem>>
      %dma_start3A_484 = arith.constant 0 : i32
      %dma_start3A_485 = tpu.memref_slice %arg5[%run_scoped3A_90, %dma_start3A_484] : memref<2x512xf32, #tpu.memory_space<hbm>> -> memref<1x512xf32, #tpu.memory_space<hbm>>
      %dma_start3A_486 = tpu.memref_squeeze %dma_start3A_485 : memref<1x512xf32, #tpu.memory_space<hbm>> -> memref<512xf32, #tpu.memory_space<hbm>>
      %dma_start3A_487 = arith.constant 0 : i32
      %dma_start3A_488 = tpu.memref_slice %arg8[%run_scoped3A_91, %reduce_max3A_89, %dma_start3A_487] : memref<2x77x512xf32, #tpu.memory_space<vmem>> -> memref<1x1x512xf32, #tpu.memory_space<vmem>>
      %dma_start3A_489 = tpu.memref_squeeze %dma_start3A_488 : memref<1x1x512xf32, #tpu.memory_space<vmem>> -> memref<512xf32, #tpu.memory_space<vmem>>
      %dma_start3A_490 = arith.constant 0 : i32
      %dma_start3A_491 = tpu.memref_slice %arg5[%run_scoped3A_90, %dma_start3A_490] : memref<2x512xf32, #tpu.memory_space<hbm>> -> memref<1x512xf32, #tpu.memory_space<hbm>>
      %dma_start3A_492 = tpu.memref_squeeze %dma_start3A_491 : memref<1x512xf32, #tpu.memory_space<hbm>> -> memref<512xf32, #tpu.memory_space<hbm>>
      tpu.enqueue_dma source(%dma_start3A_492 : memref<512xf32, #tpu.memory_space<hbm>>) target(%dma_start3A_489 : memref<512xf32, #tpu.memory_space<vmem>>) target_semaphore(%run_scoped3A_481 : memref<!tpu.dma_semaphore, #tpu.memory_space<semaphore_mem>>)
      %dma_wait3A_493 = arith.constant 0 : i32
      %dma_wait3A_494 = tpu.memref_slice %arg8[%run_scoped3A_91, %reduce_max3A_89, %dma_wait3A_493] : memref<2x77x512xf32, #tpu.memory_space<vmem>> -> memref<1x1x512xf32, #tpu.memory_space<vmem>>
      %dma_wait3A_495 = tpu.memref_squeeze %dma_wait3A_494 : memref<1x1x512xf32, #tpu.memory_space<vmem>> -> memref<512xf32, #tpu.memory_space<vmem>>
      %dma_wait3A_496 = arith.constant 0 : i32
      %dma_wait3A_497 = tpu.memref_slice %arg5[%run_scoped3A_90, %dma_wait3A_496] : memref<2x512xf32, #tpu.memory_space<hbm>> -> memref<1x512xf32, #tpu.memory_space<hbm>>
      %dma_wait3A_498 = tpu.memref_squeeze %dma_wait3A_497 : memref<1x512xf32, #tpu.memory_space<hbm>> -> memref<512xf32, #tpu.memory_space<hbm>>
      %dma_wait3A_499 = arith.constant 0 : i32
      %dma_wait3A_500 = tpu.memref_slice %arg8[%run_scoped3A_91, %reduce_max3A_89, %dma_wait3A_499] : memref<2x77x512xf32, #tpu.memory_space<vmem>> -> memref<1x1x512xf32, #tpu.memory_space<vmem>>
      %dma_wait3A_501 = tpu.memref_squeeze %dma_wait3A_500 : memref<1x1x512xf32, #tpu.memory_space<vmem>> -> memref<512xf32, #tpu.memory_space<vmem>>
      %dma_wait3A_502 = arith.constant 0 : i32
      %dma_wait3A_503 = tpu.memref_slice %arg5[%run_scoped3A_90, %dma_wait3A_502] : memref<2x512xf32, #tpu.memory_space<hbm>> -> memref<1x512xf32, #tpu.memory_space<hbm>>
      %dma_wait3A_504 = tpu.memref_squeeze %dma_wait3A_503 : memref<1x512xf32, #tpu.memory_space<hbm>> -> memref<512xf32, #tpu.memory_space<hbm>>
      tpu.wait_dma2 semaphore(%run_scoped3A_481 : memref<!tpu.dma_semaphore, #tpu.memory_space<semaphore_mem>>) src(%dma_wait3A_504 : memref<512xf32, #tpu.memory_space<hbm>>) dst(%dma_wait3A_501 : memref<512xf32, #tpu.memory_space<vmem>>)
      tpu.yield
    }) : () -> ()
    %run_scoped3A_92 = arith.constant 1 : i32
    %run_scoped3A_93 = arith.constant 1 : i32
    "tpu.region"() ({
      %run_scoped3A_481 = tpu.sem_alloc : memref<!tpu.dma_semaphore, #tpu.memory_space<semaphore_mem>>
      %dma_start3A = arith.constant 0 : i32
      %dma_start3A_482 = tpu.memref_slice %arg8[%run_scoped3A_93, %reduce_max3A_89, %dma_start3A] : memref<2x77x512xf32, #tpu.memory_space<vmem>> -> memref<1x1x512xf32, #tpu.memory_space<vmem>>
      %dma_start3A_483 = tpu.memref_squeeze %dma_start3A_482 : memref<1x1x512xf32, #tpu.memory_space<vmem>> -> memref<512xf32, #tpu.memory_space<vmem>>
      %dma_start3A_484 = arith.constant 0 : i32
      %dma_start3A_485 = tpu.memref_slice %arg5[%run_scoped3A_92, %dma_start3A_484] : memref<2x512xf32, #tpu.memory_space<hbm>> -> memref<1x512xf32, #tpu.memory_space<hbm>>
      %dma_start3A_486 = tpu.memref_squeeze %dma_start3A_485 : memref<1x512xf32, #tpu.memory_space<hbm>> -> memref<512xf32, #tpu.memory_space<hbm>>
      %dma_start3A_487 = arith.constant 0 : i32
      %dma_start3A_488 = tpu.memref_slice %arg8[%run_scoped3A_93, %reduce_max3A_89, %dma_start3A_487] : memref<2x77x512xf32, #tpu.memory_space<vmem>> -> memref<1x1x512xf32, #tpu.memory_space<vmem>>
      %dma_start3A_489 = tpu.memref_squeeze %dma_start3A_488 : memref<1x1x512xf32, #tpu.memory_space<vmem>> -> memref<512xf32, #tpu.memory_space<vmem>>
      %dma_start3A_490 = arith.constant 0 : i32
      %dma_start3A_491 = tpu.memref_slice %arg5[%run_scoped3A_92, %dma_start3A_490] : memref<2x512xf32, #tpu.memory_space<hbm>> -> memref<1x512xf32, #tpu.memory_space<hbm>>
      %dma_start3A_492 = tpu.memref_squeeze %dma_start3A_491 : memref<1x512xf32, #tpu.memory_space<hbm>> -> memref<512xf32, #tpu.memory_space<hbm>>
      tpu.enqueue_dma source(%dma_start3A_492 : memref<512xf32, #tpu.memory_space<hbm>>) target(%dma_start3A_489 : memref<512xf32, #tpu.memory_space<vmem>>) target_semaphore(%run_scoped3A_481 : memref<!tpu.dma_semaphore, #tpu.memory_space<semaphore_mem>>)
      %dma_wait3A_493 = arith.constant 0 : i32
      %dma_wait3A_494 = tpu.memref_slice %arg8[%run_scoped3A_93, %reduce_max3A_89, %dma_wait3A_493] : memref<2x77x512xf32, #tpu.memory_space<vmem>> -> memref<1x1x512xf32, #tpu.memory_space<vmem>>
      %dma_wait3A_495 = tpu.memref_squeeze %dma_wait3A_494 : memref<1x1x512xf32, #tpu.memory_space<vmem>> -> memref<512xf32, #tpu.memory_space<vmem>>
      %dma_wait3A_496 = arith.constant 0 : i32
      %dma_wait3A_497 = tpu.memref_slice %arg5[%run_scoped3A_92, %dma_wait3A_496] : memref<2x512xf32, #tpu.memory_space<hbm>> -> memref<1x512xf32, #tpu.memory_space<hbm>>
      %dma_wait3A_498 = tpu.memref_squeeze %dma_wait3A_497 : memref<1x512xf32, #tpu.memory_space<hbm>> -> memref<512xf32, #tpu.memory_space<hbm>>
      %dma_wait3A_499 = arith.constant 0 : i32
      %dma_wait3A_500 = tpu.memref_slice %arg8[%run_scoped3A_93, %reduce_max3A_89, %dma_wait3A_499] : memref<2x77x512xf32, #tpu.memory_space<vmem>> -> memref<1x1x512xf32, #tpu.memory_space<vmem>>
      %dma_wait3A_501 = tpu.memref_squeeze %dma_wait3A_500 : memref<1x1x512xf32, #tpu.memory_space<vmem>> -> memref<512xf32, #tpu.memory_space<vmem>>
      %dma_wait3A_502 = arith.constant 0 : i32
      %dma_wait3A_503 = tpu.memref_slice %arg5[%run_scoped3A_92, %dma_wait3A_502] : memref<2x512xf32, #tpu.memory_space<hbm>> -> memref<1x512xf32, #tpu.memory_space<hbm>>
      %dma_wait3A_504 = tpu.memref_squeeze %dma_wait3A_503 : memref<1x512xf32, #tpu.memory_space<hbm>> -> memref<512xf32, #tpu.memory_space<hbm>>
      tpu.wait_dma2 semaphore(%run_scoped3A_481 : memref<!tpu.dma_semaphore, #tpu.memory_space<semaphore_mem>>) src(%dma_wait3A_504 : memref<512xf32, #tpu.memory_space<hbm>>) dst(%dma_wait3A_501 : memref<512xf32, #tpu.memory_space<vmem>>)
      tpu.yield
    }) : () -> ()
    %scan3A = arith.constant 0 : i32
    %scan3A_94 = arith.constant 0 : i32
    %scan3A_95 = arith.constant 8 : i32
    %scan3A_96 = arith.addi %scan3A_94, %scan3A_95 : i32
    %scan3A_97 = arith.constant 1 : i32
    scf.for %scan3A_481 = %scan3A_94 to %scan3A_96 step %scan3A_97  : i32 {
      %mul3A_482 = arith.constant 16 : i32
      %mul3A_483 = arith.muli %scan3A_481, %mul3A_482 : i32
      %multiple_of3A = tpu.assume_multiple %mul3A_483, 16 : i32
      %get3A_484 = arith.index_cast %multiple_of3A : i32 to index
      %get3A_485 = tpu.vector_load %arg9[%get3A_484] {strides = array<i32>} : memref<128xi32, #tpu.memory_space<vmem>>, vector<16xi32>,
      %mul3A_486 = arith.constant 16 : i32
      %mul3A_487 = arith.muli %scan3A_481, %mul3A_486 : i32
      %add3A_488 = arith.constant 0 : i32
      %add3A_489 = arith.addi %mul3A_487, %add3A_488 : i32
      %ge3A = arith.constant 8 : i32
      %ge3A_490 = arith.cmpi sge, %add3A_489, %ge3A : i32
      %convert_element_type3A = arith.extui %ge3A_490 : i1 to i32
      %cond3A = arith.constant 0 : i32
      %cond3A_491 = arith.cmpi ne, %convert_element_type3A, %cond3A : i32
      scf.if %cond3A_491 {
        %sub3A = arith.constant 8 : i32
        %sub3A_1666 = arith.subi %add3A_489, %sub3A : i32
        %add3A_1667 = arith.addi %mul3A_2, %sub3A_1666 : i32
        %mul3A_1668 = arith.constant 2 : i32
        %mul3A_1669 = arith.muli %mul3A_1668, %sub3A_1666 : i32
        %add3A_1670 = arith.constant 0 : i32
        %add3A_1671 = arith.addi %mul3A_1669, %add3A_1670 : i32
        %rem3A_1672 = arith.constant 16 : i32
        %rem3A_1673 = arith.remsi %add3A_1671, %rem3A_1672 : i32
        %dma_wait3A_1674 = arith.constant 0 : i32
        %dma_wait3A_1675 = arith.constant 0 : i32
        %dma_wait3A_1676 = arith.constant 0 : i32
        %dma_wait3A_1677 = tpu.memref_slice %arg8[%dma_wait3A_1674, %dma_wait3A_1675, %dma_wait3A_1676] : memref<2x77x512xf32, #tpu.memory_space<vmem>> -> memref<1x77x256xf32, #tpu.memory_space<vmem>>
        %dma_wait3A_1678 = tpu.memref_squeeze %dma_wait3A_1677 : memref<1x77x256xf32, #tpu.memory_space<vmem>> -> memref<77x256xf32, #tpu.memory_space<vmem>>
        %dma_wait3A_1679 = arith.constant 0 : i32
        %dma_wait3A_1680 = arith.constant 0 : i32
        %dma_wait3A_1681 = tpu.memref_slice %arg7[%add3A_1667, %dma_wait3A_1679, %dma_wait3A_1680] : memref<4096x77x512xf32, #tpu.memory_space<hbm>> -> memref<1x77x256xf32, #tpu.memory_space<hbm>>
        %dma_wait3A_1682 = tpu.memref_squeeze %dma_wait3A_1681 : memref<1x77x256xf32, #tpu.memory_space<hbm>> -> memref<77x256xf32, #tpu.memory_space<hbm>>
        %dma_wait3A_1683 = tpu.memref_slice %arg11[%rem3A_1673] : memref<16x!tpu.dma_semaphore, #tpu.memory_space<semaphore_mem>> -> memref<1x!tpu.dma_semaphore, #tpu.memory_space<semaphore_mem>>
        %dma_wait3A_1684 = tpu.memref_squeeze %dma_wait3A_1683 : memref<1x!tpu.dma_semaphore, #tpu.memory_space<semaphore_mem>> -> memref<!tpu.dma_semaphore, #tpu.memory_space<semaphore_mem>>
        %dma_wait3A_1685 = arith.constant 0 : i32
        %dma_wait3A_1686 = arith.constant 0 : i32
        %dma_wait3A_1687 = tpu.memref_slice %arg7[%add3A_1667, %dma_wait3A_1685, %dma_wait3A_1686] : memref<4096x77x512xf32, #tpu.memory_space<hbm>> -> memref<1x77x256xf32, #tpu.memory_space<hbm>>
        %dma_wait3A_1688 = tpu.memref_squeeze %dma_wait3A_1687 : memref<1x77x256xf32, #tpu.memory_space<hbm>> -> memref<77x256xf32, #tpu.memory_space<hbm>>
        %dma_wait3A_1689 = arith.constant 0 : i32
        %dma_wait3A_1690 = arith.constant 0 : i32
        %dma_wait3A_1691 = tpu.memref_slice %arg8[%dma_wait3A_1674, %dma_wait3A_1689, %dma_wait3A_1690] : memref<2x77x512xf32, #tpu.memory_space<vmem>> -> memref<1x77x256xf32, #tpu.memory_space<vmem>>
        %dma_wait3A_1692 = tpu.memref_squeeze %dma_wait3A_1691 : memref<1x77x256xf32, #tpu.memory_space<vmem>> -> memref<77x256xf32, #tpu.memory_space<vmem>>
        tpu.wait_dma2 semaphore(%dma_wait3A_1684 : memref<!tpu.dma_semaphore, #tpu.memory_space<semaphore_mem>>) src(%dma_wait3A_1692 : memref<77x256xf32, #tpu.memory_space<vmem>>) dst(%dma_wait3A_1688 : memref<77x256xf32, #tpu.memory_space<hbm>>)
        %sub3A_1693 = arith.constant 8 : i32
        %sub3A_1694 = arith.subi %add3A_489, %sub3A_1693 : i32
        %add3A_1695 = arith.addi %mul3A_2, %sub3A_1694 : i32
        %mul3A_1696 = arith.constant 2 : i32
        %mul3A_1697 = arith.muli %mul3A_1696, %sub3A_1694 : i32
        %add3A_1698 = arith.constant 1 : i32
        %add3A_1699 = arith.addi %mul3A_1697, %add3A_1698 : i32
        %rem3A_1700 = arith.constant 16 : i32
        %rem3A_1701 = arith.remsi %add3A_1699, %rem3A_1700 : i32
        %dma_wait3A_1702 = arith.constant 0 : i32
        %dma_wait3A_1703 = arith.constant 0 : i32
        %dma_wait3A_1704 = arith.constant 256 : i32
        %dma_wait3A_1705 = tpu.memref_slice %arg8[%dma_wait3A_1702, %dma_wait3A_1703, %dma_wait3A_1704] : memref<2x77x512xf32, #tpu.memory_space<vmem>> -> memref<1x77x256xf32, #tpu.memory_space<vmem>>
        %dma_wait3A_1706 = tpu.memref_squeeze %dma_wait3A_1705 : memref<1x77x256xf32, #tpu.memory_space<vmem>> -> memref<77x256xf32, #tpu.memory_space<vmem>>
        %dma_wait3A_1707 = arith.constant 0 : i32
        %dma_wait3A_1708 = arith.constant 256 : i32
        %dma_wait3A_1709 = tpu.memref_slice %arg7[%add3A_1695, %dma_wait3A_1707, %dma_wait3A_1708] : memref<4096x77x512xf32, #tpu.memory_space<hbm>> -> memref<1x77x256xf32, #tpu.memory_space<hbm>>
        %dma_wait3A_1710 = tpu.memref_squeeze %dma_wait3A_1709 : memref<1x77x256xf32, #tpu.memory_space<hbm>> -> memref<77x256xf32, #tpu.memory_space<hbm>>
        %dma_wait3A_1711 = tpu.memref_slice %arg11[%rem3A_1701] : memref<16x!tpu.dma_semaphore, #tpu.memory_space<semaphore_mem>> -> memref<1x!tpu.dma_semaphore, #tpu.memory_space<semaphore_mem>>
        %dma_wait3A_1712 = tpu.memref_squeeze %dma_wait3A_1711 : memref<1x!tpu.dma_semaphore, #tpu.memory_space<semaphore_mem>> -> memref<!tpu.dma_semaphore, #tpu.memory_space<semaphore_mem>>
        %dma_wait3A_1713 = arith.constant 0 : i32
        %dma_wait3A_1714 = arith.constant 256 : i32
        %dma_wait3A_1715 = tpu.memref_slice %arg7[%add3A_1695, %dma_wait3A_1713, %dma_wait3A_1714] : memref<4096x77x512xf32, #tpu.memory_space<hbm>> -> memref<1x77x256xf32, #tpu.memory_space<hbm>>
        %dma_wait3A_1716 = tpu.memref_squeeze %dma_wait3A_1715 : memref<1x77x256xf32, #tpu.memory_space<hbm>> -> memref<77x256xf32, #tpu.memory_space<hbm>>
        %dma_wait3A_1717 = arith.constant 0 : i32
        %dma_wait3A_1718 = arith.constant 256 : i32
        %dma_wait3A_1719 = tpu.memref_slice %arg8[%dma_wait3A_1702, %dma_wait3A_1717, %dma_wait3A_1718] : memref<2x77x512xf32, #tpu.memory_space<vmem>> -> memref<1x77x256xf32, #tpu.memory_space<vmem>>
        %dma_wait3A_1720 = tpu.memref_squeeze %dma_wait3A_1719 : memref<1x77x256xf32, #tpu.memory_space<vmem>> -> memref<77x256xf32, #tpu.memory_space<vmem>>
        tpu.wait_dma2 semaphore(%dma_wait3A_1712 : memref<!tpu.dma_semaphore, #tpu.memory_space<semaphore_mem>>) src(%dma_wait3A_1720 : memref<77x256xf32, #tpu.memory_space<vmem>>) dst(%dma_wait3A_1716 : memref<77x256xf32, #tpu.memory_space<hbm>>)
      } else {
      }
      %iota3A_492 = tpu.iota {dimensions = array<i32: 0>} : vector<16xi32>
      %eq3A_493 = arith.constant 0 : i32
      %eq3A_494 = vector.broadcast %eq3A_493 : i32 to vector<16xi32>
      %eq3A_495 = arith.cmpi eq, %iota3A_492, %eq3A_494 : vector<16xi32>
      %jit3A_496 = arith.constant -1 : i32
      %broadcast_in_dim3A_497 = vector.broadcast %jit3A_496 : i32 to vector<16xi32>
      %select_n3A_498 = arith.select %eq3A_495, %get3A_485, %broadcast_in_dim3A_497 : vector<16xi1>, vector<16xi32>
      %reduce_max3A_499 = arith.constant true
      %reduce_max3A_500 = vector.broadcast %reduce_max3A_499 : i1 to vector<16xi1>
      %reduce_max3A_501 = arith.constant -2147483648 : i32
      %reduce_max3A_502 = vector.broadcast %reduce_max3A_501 : i32 to vector<16xi32>
      %reduce_max3A_503 = arith.xori %select_n3A_498, %reduce_max3A_502 : vector<16xi32>
      %reduce_max3A_504 = tpu.scan <max>, %reduce_max3A_503 masked %reduce_max3A_500 : vector<16xi32>, vector<16xi1> -> vector<16xi32>
      %reduce_max3A_505 = arith.xori %reduce_max3A_504, %reduce_max3A_502 : vector<16xi32>
      %reduce_max3A_506 = vector.extract %reduce_max3A_505[15] : i32 from vector<16xi32>
      %add3A_507 = arith.addi %mul3A_2, %add3A_489 : i32
      %mul3A_508 = arith.constant 2 : i32
      %mul3A_509 = arith.muli %mul3A_508, %add3A_489 : i32
      %add3A_510 = arith.constant 0 : i32
      %add3A_511 = arith.addi %mul3A_509, %add3A_510 : i32
      %rem3A_512 = arith.constant 16 : i32
      %rem3A_513 = arith.remsi %add3A_511, %rem3A_512 : i32
      %dma_start3A = arith.constant 0 : i32
      %dma_start3A_514 = arith.constant 0 : i32
      %dma_start3A_515 = tpu.memref_slice %arg8[%reduce_max3A_506, %dma_start3A, %dma_start3A_514] : memref<2x77x512xf32, #tpu.memory_space<vmem>> -> memref<1x77x256xf32, #tpu.memory_space<vmem>>
      %dma_start3A_516 = tpu.memref_squeeze %dma_start3A_515 : memref<1x77x256xf32, #tpu.memory_space<vmem>> -> memref<77x256xf32, #tpu.memory_space<vmem>>
      %dma_start3A_517 = arith.constant 0 : i32
      %dma_start3A_518 = arith.constant 0 : i32
      %dma_start3A_519 = tpu.memref_slice %arg7[%add3A_507, %dma_start3A_517, %dma_start3A_518] : memref<4096x77x512xf32, #tpu.memory_space<hbm>> -> memref<1x77x256xf32, #tpu.memory_space<hbm>>
      %dma_start3A_520 = tpu.memref_squeeze %dma_start3A_519 : memref<1x77x256xf32, #tpu.memory_space<hbm>> -> memref<77x256xf32, #tpu.memory_space<hbm>>
      %dma_start3A_521 = tpu.memref_slice %arg11[%rem3A_513] : memref<16x!tpu.dma_semaphore, #tpu.memory_space<semaphore_mem>> -> memref<1x!tpu.dma_semaphore, #tpu.memory_space<semaphore_mem>>
      %dma_start3A_522 = tpu.memref_squeeze %dma_start3A_521 : memref<1x!tpu.dma_semaphore, #tpu.memory_space<semaphore_mem>> -> memref<!tpu.dma_semaphore, #tpu.memory_space<semaphore_mem>>
      %dma_start3A_523 = arith.constant 0 : i32
      %dma_start3A_524 = arith.constant 0 : i32
      %dma_start3A_525 = tpu.memref_slice %arg7[%add3A_507, %dma_start3A_523, %dma_start3A_524] : memref<4096x77x512xf32, #tpu.memory_space<hbm>> -> memref<1x77x256xf32, #tpu.memory_space<hbm>>
      %dma_start3A_526 = tpu.memref_squeeze %dma_start3A_525 : memref<1x77x256xf32, #tpu.memory_space<hbm>> -> memref<77x256xf32, #tpu.memory_space<hbm>>
      %dma_start3A_527 = arith.constant 0 : i32
      %dma_start3A_528 = arith.constant 0 : i32
      %dma_start3A_529 = tpu.memref_slice %arg8[%reduce_max3A_506, %dma_start3A_527, %dma_start3A_528] : memref<2x77x512xf32, #tpu.memory_space<vmem>> -> memref<1x77x256xf32, #tpu.memory_space<vmem>>
      %dma_start3A_530 = tpu.memref_squeeze %dma_start3A_529 : memref<1x77x256xf32, #tpu.memory_space<vmem>> -> memref<77x256xf32, #tpu.memory_space<vmem>>
      tpu.enqueue_dma source(%dma_start3A_530 : memref<77x256xf32, #tpu.memory_space<vmem>>) target(%dma_start3A_526 : memref<77x256xf32, #tpu.memory_space<hbm>>) target_semaphore(%dma_start3A_522 : memref<!tpu.dma_semaphore, #tpu.memory_space<semaphore_mem>>)
      %add3A_531 = arith.addi %mul3A_2, %add3A_489 : i32
      %mul3A_532 = arith.constant 2 : i32
      %mul3A_533 = arith.muli %mul3A_532, %add3A_489 : i32
      %add3A_534 = arith.constant 1 : i32
      %add3A_535 = arith.addi %mul3A_533, %add3A_534 : i32
      %rem3A_536 = arith.constant 16 : i32
      %rem3A_537 = arith.remsi %add3A_535, %rem3A_536 : i32
      %dma_start3A_538 = arith.constant 0 : i32
      %dma_start3A_539 = arith.constant 256 : i32
      %dma_start3A_540 = tpu.memref_slice %arg8[%reduce_max3A_506, %dma_start3A_538, %dma_start3A_539] : memref<2x77x512xf32, #tpu.memory_space<vmem>> -> memref<1x77x256xf32, #tpu.memory_space<vmem>>
      %dma_start3A_541 = tpu.memref_squeeze %dma_start3A_540 : memref<1x77x256xf32, #tpu.memory_space<vmem>> -> memref<77x256xf32, #tpu.memory_space<vmem>>
      %dma_start3A_542 = arith.constant 0 : i32
      %dma_start3A_543 = arith.constant 256 : i32
      %dma_start3A_544 = tpu.memref_slice %arg7[%add3A_531, %dma_start3A_542, %dma_start3A_543] : memref<4096x77x512xf32, #tpu.memory_space<hbm>> -> memref<1x77x256xf32, #tpu.memory_space<hbm>>
      %dma_start3A_545 = tpu.memref_squeeze %dma_start3A_544 : memref<1x77x256xf32, #tpu.memory_space<hbm>> -> memref<77x256xf32, #tpu.memory_space<hbm>>
      %dma_start3A_546 = tpu.memref_slice %arg11[%rem3A_537] : memref<16x!tpu.dma_semaphore, #tpu.memory_space<semaphore_mem>> -> memref<1x!tpu.dma_semaphore, #tpu.memory_space<semaphore_mem>>
      %dma_start3A_547 = tpu.memref_squeeze %dma_start3A_546 : memref<1x!tpu.dma_semaphore, #tpu.memory_space<semaphore_mem>> -> memref<!tpu.dma_semaphore, #tpu.memory_space<semaphore_mem>>
      %dma_start3A_548 = arith.constant 0 : i32
      %dma_start3A_549 = arith.constant 256 : i32
      %dma_start3A_550 = tpu.memref_slice %arg7[%add3A_531, %dma_start3A_548, %dma_start3A_549] : memref<4096x77x512xf32, #tpu.memory_space<hbm>> -> memref<1x77x256xf32, #tpu.memory_space<hbm>>
      %dma_start3A_551 = tpu.memref_squeeze %dma_start3A_550 : memref<1x77x256xf32, #tpu.memory_space<hbm>> -> memref<77x256xf32, #tpu.memory_space<hbm>>
      %dma_start3A_552 = arith.constant 0 : i32
      %dma_start3A_553 = arith.constant 256 : i32
      %dma_start3A_554 = tpu.memref_slice %arg8[%reduce_max3A_506, %dma_start3A_552, %dma_start3A_553] : memref<2x77x512xf32, #tpu.memory_space<vmem>> -> memref<1x77x256xf32, #tpu.memory_space<vmem>>
      %dma_start3A_555 = tpu.memref_squeeze %dma_start3A_554 : memref<1x77x256xf32, #tpu.memory_space<vmem>> -> memref<77x256xf32, #tpu.memory_space<vmem>>
      tpu.enqueue_dma source(%dma_start3A_555 : memref<77x256xf32, #tpu.memory_space<vmem>>) target(%dma_start3A_551 : memref<77x256xf32, #tpu.memory_space<hbm>>) target_semaphore(%dma_start3A_547 : memref<!tpu.dma_semaphore, #tpu.memory_space<semaphore_mem>>)
      %mul3A_556 = arith.constant 16 : i32
      %mul3A_557 = arith.muli %scan3A_481, %mul3A_556 : i32
      %add3A_558 = arith.constant 1 : i32
      %add3A_559 = arith.addi %mul3A_557, %add3A_558 : i32
      %ge3A_560 = arith.constant 8 : i32
      %ge3A_561 = arith.cmpi sge, %add3A_559, %ge3A_560 : i32
      %convert_element_type3A_562 = arith.extui %ge3A_561 : i1 to i32
      %cond3A_563 = arith.constant 0 : i32
      %cond3A_564 = arith.cmpi ne, %convert_element_type3A_562, %cond3A_563 : i32
      scf.if %cond3A_564 {
        %sub3A = arith.constant 8 : i32
        %sub3A_1666 = arith.subi %add3A_559, %sub3A : i32
        %add3A_1667 = arith.addi %mul3A_2, %sub3A_1666 : i32
        %mul3A_1668 = arith.constant 2 : i32
        %mul3A_1669 = arith.muli %mul3A_1668, %sub3A_1666 : i32
        %add3A_1670 = arith.constant 0 : i32
        %add3A_1671 = arith.addi %mul3A_1669, %add3A_1670 : i32
        %rem3A_1672 = arith.constant 16 : i32
        %rem3A_1673 = arith.remsi %add3A_1671, %rem3A_1672 : i32
        %dma_wait3A_1674 = arith.constant 0 : i32
        %dma_wait3A_1675 = arith.constant 0 : i32
        %dma_wait3A_1676 = arith.constant 0 : i32
        %dma_wait3A_1677 = tpu.memref_slice %arg8[%dma_wait3A_1674, %dma_wait3A_1675, %dma_wait3A_1676] : memref<2x77x512xf32, #tpu.memory_space<vmem>> -> memref<1x77x256xf32, #tpu.memory_space<vmem>>
        %dma_wait3A_1678 = tpu.memref_squeeze %dma_wait3A_1677 : memref<1x77x256xf32, #tpu.memory_space<vmem>> -> memref<77x256xf32, #tpu.memory_space<vmem>>
        %dma_wait3A_1679 = arith.constant 0 : i32
        %dma_wait3A_1680 = arith.constant 0 : i32
        %dma_wait3A_1681 = tpu.memref_slice %arg7[%add3A_1667, %dma_wait3A_1679, %dma_wait3A_1680] : memref<4096x77x512xf32, #tpu.memory_space<hbm>> -> memref<1x77x256xf32, #tpu.memory_space<hbm>>
        %dma_wait3A_1682 = tpu.memref_squeeze %dma_wait3A_1681 : memref<1x77x256xf32, #tpu.memory_space<hbm>> -> memref<77x256xf32, #tpu.memory_space<hbm>>
        %dma_wait3A_1683 = tpu.memref_slice %arg11[%rem3A_1673] : memref<16x!tpu.dma_semaphore, #tpu.memory_space<semaphore_mem>> -> memref<1x!tpu.dma_semaphore, #tpu.memory_space<semaphore_mem>>
        %dma_wait3A_1684 = tpu.memref_squeeze %dma_wait3A_1683 : memref<1x!tpu.dma_semaphore, #tpu.memory_space<semaphore_mem>> -> memref<!tpu.dma_semaphore, #tpu.memory_space<semaphore_mem>>
        %dma_wait3A_1685 = arith.constant 0 : i32
        %dma_wait3A_1686 = arith.constant 0 : i32
        %dma_wait3A_1687 = tpu.memref_slice %arg7[%add3A_1667, %dma_wait3A_1685, %dma_wait3A_1686] : memref<4096x77x512xf32, #tpu.memory_space<hbm>> -> memref<1x77x256xf32, #tpu.memory_space<hbm>>
        %dma_wait3A_1688 = tpu.memref_squeeze %dma_wait3A_1687 : memref<1x77x256xf32, #tpu.memory_space<hbm>> -> memref<77x256xf32, #tpu.memory_space<hbm>>
        %dma_wait3A_1689 = arith.constant 0 : i32
        %dma_wait3A_1690 = arith.constant 0 : i32
        %dma_wait3A_1691 = tpu.memref_slice %arg8[%dma_wait3A_1674, %dma_wait3A_1689, %dma_wait3A_1690] : memref<2x77x512xf32, #tpu.memory_space<vmem>> -> memref<1x77x256xf32, #tpu.memory_space<vmem>>
        %dma_wait3A_1692 = tpu.memref_squeeze %dma_wait3A_1691 : memref<1x77x256xf32, #tpu.memory_space<vmem>> -> memref<77x256xf32, #tpu.memory_space<vmem>>
        tpu.wait_dma2 semaphore(%dma_wait3A_1684 : memref<!tpu.dma_semaphore, #tpu.memory_space<semaphore_mem>>) src(%dma_wait3A_1692 : memref<77x256xf32, #tpu.memory_space<vmem>>) dst(%dma_wait3A_1688 : memref<77x256xf32, #tpu.memory_space<hbm>>)
        %sub3A_1693 = arith.constant 8 : i32
        %sub3A_1694 = arith.subi %add3A_559, %sub3A_1693 : i32
        %add3A_1695 = arith.addi %mul3A_2, %sub3A_1694 : i32
        %mul3A_1696 = arith.constant 2 : i32
        %mul3A_1697 = arith.muli %mul3A_1696, %sub3A_1694 : i32
        %add3A_1698 = arith.constant 1 : i32
        %add3A_1699 = arith.addi %mul3A_1697, %add3A_1698 : i32
        %rem3A_1700 = arith.constant 16 : i32
        %rem3A_1701 = arith.remsi %add3A_1699, %rem3A_1700 : i32
        %dma_wait3A_1702 = arith.constant 0 : i32
        %dma_wait3A_1703 = arith.constant 0 : i32
        %dma_wait3A_1704 = arith.constant 256 : i32
        %dma_wait3A_1705 = tpu.memref_slice %arg8[%dma_wait3A_1702, %dma_wait3A_1703, %dma_wait3A_1704] : memref<2x77x512xf32, #tpu.memory_space<vmem>> -> memref<1x77x256xf32, #tpu.memory_space<vmem>>
        %dma_wait3A_1706 = tpu.memref_squeeze %dma_wait3A_1705 : memref<1x77x256xf32, #tpu.memory_space<vmem>> -> memref<77x256xf32, #tpu.memory_space<vmem>>
        %dma_wait3A_1707 = arith.constant 0 : i32
        %dma_wait3A_1708 = arith.constant 256 : i32
        %dma_wait3A_1709 = tpu.memref_slice %arg7[%add3A_1695, %dma_wait3A_1707, %dma_wait3A_1708] : memref<4096x77x512xf32, #tpu.memory_space<hbm>> -> memref<1x77x256xf32, #tpu.memory_space<hbm>>
        %dma_wait3A_1710 = tpu.memref_squeeze %dma_wait3A_1709 : memref<1x77x256xf32, #tpu.memory_space<hbm>> -> memref<77x256xf32, #tpu.memory_space<hbm>>
        %dma_wait3A_1711 = tpu.memref_slice %arg11[%rem3A_1701] : memref<16x!tpu.dma_semaphore, #tpu.memory_space<semaphore_mem>> -> memref<1x!tpu.dma_semaphore, #tpu.memory_space<semaphore_mem>>
        %dma_wait3A_1712 = tpu.memref_squeeze %dma_wait3A_1711 : memref<1x!tpu.dma_semaphore, #tpu.memory_space<semaphore_mem>> -> memref<!tpu.dma_semaphore, #tpu.memory_space<semaphore_mem>>
        %dma_wait3A_1713 = arith.constant 0 : i32
        %dma_wait3A_1714 = arith.constant 256 : i32
        %dma_wait3A_1715 = tpu.memref_slice %arg7[%add3A_1695, %dma_wait3A_1713, %dma_wait3A_1714] : memref<4096x77x512xf32, #tpu.memory_space<hbm>> -> memref<1x77x256xf32, #tpu.memory_space<hbm>>
        %dma_wait3A_1716 = tpu.memref_squeeze %dma_wait3A_1715 : memref<1x77x256xf32, #tpu.memory_space<hbm>> -> memref<77x256xf32, #tpu.memory_space<hbm>>
        %dma_wait3A_1717 = arith.constant 0 : i32
        %dma_wait3A_1718 = arith.constant 256 : i32
        %dma_wait3A_1719 = tpu.memref_slice %arg8[%dma_wait3A_1702, %dma_wait3A_1717, %dma_wait3A_1718] : memref<2x77x512xf32, #tpu.memory_space<vmem>> -> memref<1x77x256xf32, #tpu.memory_space<vmem>>
        %dma_wait3A_1720 = tpu.memref_squeeze %dma_wait3A_1719 : memref<1x77x256xf32, #tpu.memory_space<vmem>> -> memref<77x256xf32, #tpu.memory_space<vmem>>
        tpu.wait_dma2 semaphore(%dma_wait3A_1712 : memref<!tpu.dma_semaphore, #tpu.memory_space<semaphore_mem>>) src(%dma_wait3A_1720 : memref<77x256xf32, #tpu.memory_space<vmem>>) dst(%dma_wait3A_1716 : memref<77x256xf32, #tpu.memory_space<hbm>>)
      } else {
      }
      %iota3A_565 = tpu.iota {dimensions = array<i32: 0>} : vector<16xi32>
      %eq3A_566 = arith.constant 1 : i32
      %eq3A_567 = vector.broadcast %eq3A_566 : i32 to vector<16xi32>
      %eq3A_568 = arith.cmpi eq, %iota3A_565, %eq3A_567 : vector<16xi32>
      %jit3A_569 = arith.constant -1 : i32
      %broadcast_in_dim3A_570 = vector.broadcast %jit3A_569 : i32 to vector<16xi32>
      %select_n3A_571 = arith.select %eq3A_568, %get3A_485, %broadcast_in_dim3A_570 : vector<16xi1>, vector<16xi32>
      %reduce_max3A_572 = arith.constant true
      %reduce_max3A_573 = vector.broadcast %reduce_max3A_572 : i1 to vector<16xi1>
      %reduce_max3A_574 = arith.constant -2147483648 : i32
      %reduce_max3A_575 = vector.broadcast %reduce_max3A_574 : i32 to vector<16xi32>
      %reduce_max3A_576 = arith.xori %select_n3A_571, %reduce_max3A_575 : vector<16xi32>
      %reduce_max3A_577 = tpu.scan <max>, %reduce_max3A_576 masked %reduce_max3A_573 : vector<16xi32>, vector<16xi1> -> vector<16xi32>
      %reduce_max3A_578 = arith.xori %reduce_max3A_577, %reduce_max3A_575 : vector<16xi32>
      %reduce_max3A_579 = vector.extract %reduce_max3A_578[15] : i32 from vector<16xi32>
      %add3A_580 = arith.addi %mul3A_2, %add3A_559 : i32
      %mul3A_581 = arith.constant 2 : i32
      %mul3A_582 = arith.muli %mul3A_581, %add3A_559 : i32
      %add3A_583 = arith.constant 0 : i32
      %add3A_584 = arith.addi %mul3A_582, %add3A_583 : i32
      %rem3A_585 = arith.constant 16 : i32
      %rem3A_586 = arith.remsi %add3A_584, %rem3A_585 : i32
      %dma_start3A_587 = arith.constant 0 : i32
      %dma_start3A_588 = arith.constant 0 : i32
      %dma_start3A_589 = tpu.memref_slice %arg8[%reduce_max3A_579, %dma_start3A_587, %dma_start3A_588] : memref<2x77x512xf32, #tpu.memory_space<vmem>> -> memref<1x77x256xf32, #tpu.memory_space<vmem>>
      %dma_start3A_590 = tpu.memref_squeeze %dma_start3A_589 : memref<1x77x256xf32, #tpu.memory_space<vmem>> -> memref<77x256xf32, #tpu.memory_space<vmem>>
      %dma_start3A_591 = arith.constant 0 : i32
      %dma_start3A_592 = arith.constant 0 : i32
      %dma_start3A_593 = tpu.memref_slice %arg7[%add3A_580, %dma_start3A_591, %dma_start3A_592] : memref<4096x77x512xf32, #tpu.memory_space<hbm>> -> memref<1x77x256xf32, #tpu.memory_space<hbm>>
      %dma_start3A_594 = tpu.memref_squeeze %dma_start3A_593 : memref<1x77x256xf32, #tpu.memory_space<hbm>> -> memref<77x256xf32, #tpu.memory_space<hbm>>
      %dma_start3A_595 = tpu.memref_slice %arg11[%rem3A_586] : memref<16x!tpu.dma_semaphore, #tpu.memory_space<semaphore_mem>> -> memref<1x!tpu.dma_semaphore, #tpu.memory_space<semaphore_mem>>
      %dma_start3A_596 = tpu.memref_squeeze %dma_start3A_595 : memref<1x!tpu.dma_semaphore, #tpu.memory_space<semaphore_mem>> -> memref<!tpu.dma_semaphore, #tpu.memory_space<semaphore_mem>>
      %dma_start3A_597 = arith.constant 0 : i32
      %dma_start3A_598 = arith.constant 0 : i32
      %dma_start3A_599 = tpu.memref_slice %arg7[%add3A_580, %dma_start3A_597, %dma_start3A_598] : memref<4096x77x512xf32, #tpu.memory_space<hbm>> -> memref<1x77x256xf32, #tpu.memory_space<hbm>>
      %dma_start3A_600 = tpu.memref_squeeze %dma_start3A_599 : memref<1x77x256xf32, #tpu.memory_space<hbm>> -> memref<77x256xf32, #tpu.memory_space<hbm>>
      %dma_start3A_601 = arith.constant 0 : i32
      %dma_start3A_602 = arith.constant 0 : i32
      %dma_start3A_603 = tpu.memref_slice %arg8[%reduce_max3A_579, %dma_start3A_601, %dma_start3A_602] : memref<2x77x512xf32, #tpu.memory_space<vmem>> -> memref<1x77x256xf32, #tpu.memory_space<vmem>>
      %dma_start3A_604 = tpu.memref_squeeze %dma_start3A_603 : memref<1x77x256xf32, #tpu.memory_space<vmem>> -> memref<77x256xf32, #tpu.memory_space<vmem>>
      tpu.enqueue_dma source(%dma_start3A_604 : memref<77x256xf32, #tpu.memory_space<vmem>>) target(%dma_start3A_600 : memref<77x256xf32, #tpu.memory_space<hbm>>) target_semaphore(%dma_start3A_596 : memref<!tpu.dma_semaphore, #tpu.memory_space<semaphore_mem>>)
      %add3A_605 = arith.addi %mul3A_2, %add3A_559 : i32
      %mul3A_606 = arith.constant 2 : i32
      %mul3A_607 = arith.muli %mul3A_606, %add3A_559 : i32
      %add3A_608 = arith.constant 1 : i32
      %add3A_609 = arith.addi %mul3A_607, %add3A_608 : i32
      %rem3A_610 = arith.constant 16 : i32
      %rem3A_611 = arith.remsi %add3A_609, %rem3A_610 : i32
      %dma_start3A_612 = arith.constant 0 : i32
      %dma_start3A_613 = arith.constant 256 : i32
      %dma_start3A_614 = tpu.memref_slice %arg8[%reduce_max3A_579, %dma_start3A_612, %dma_start3A_613] : memref<2x77x512xf32, #tpu.memory_space<vmem>> -> memref<1x77x256xf32, #tpu.memory_space<vmem>>
      %dma_start3A_615 = tpu.memref_squeeze %dma_start3A_614 : memref<1x77x256xf32, #tpu.memory_space<vmem>> -> memref<77x256xf32, #tpu.memory_space<vmem>>
      %dma_start3A_616 = arith.constant 0 : i32
      %dma_start3A_617 = arith.constant 256 : i32
      %dma_start3A_618 = tpu.memref_slice %arg7[%add3A_605, %dma_start3A_616, %dma_start3A_617] : memref<4096x77x512xf32, #tpu.memory_space<hbm>> -> memref<1x77x256xf32, #tpu.memory_space<hbm>>
      %dma_start3A_619 = tpu.memref_squeeze %dma_start3A_618 : memref<1x77x256xf32, #tpu.memory_space<hbm>> -> memref<77x256xf32, #tpu.memory_space<hbm>>
      %dma_start3A_620 = tpu.memref_slice %arg11[%rem3A_611] : memref<16x!tpu.dma_semaphore, #tpu.memory_space<semaphore_mem>> -> memref<1x!tpu.dma_semaphore, #tpu.memory_space<semaphore_mem>>
      %dma_start3A_621 = tpu.memref_squeeze %dma_start3A_620 : memref<1x!tpu.dma_semaphore, #tpu.memory_space<semaphore_mem>> -> memref<!tpu.dma_semaphore, #tpu.memory_space<semaphore_mem>>
      %dma_start3A_622 = arith.constant 0 : i32
      %dma_start3A_623 = arith.constant 256 : i32
      %dma_start3A_624 = tpu.memref_slice %arg7[%add3A_605, %dma_start3A_622, %dma_start3A_623] : memref<4096x77x512xf32, #tpu.memory_space<hbm>> -> memref<1x77x256xf32, #tpu.memory_space<hbm>>
      %dma_start3A_625 = tpu.memref_squeeze %dma_start3A_624 : memref<1x77x256xf32, #tpu.memory_space<hbm>> -> memref<77x256xf32, #tpu.memory_space<hbm>>
      %dma_start3A_626 = arith.constant 0 : i32
      %dma_start3A_627 = arith.constant 256 : i32
      %dma_start3A_628 = tpu.memref_slice %arg8[%reduce_max3A_579, %dma_start3A_626, %dma_start3A_627] : memref<2x77x512xf32, #tpu.memory_space<vmem>> -> memref<1x77x256xf32, #tpu.memory_space<vmem>>
      %dma_start3A_629 = tpu.memref_squeeze %dma_start3A_628 : memref<1x77x256xf32, #tpu.memory_space<vmem>> -> memref<77x256xf32, #tpu.memory_space<vmem>>
      tpu.enqueue_dma source(%dma_start3A_629 : memref<77x256xf32, #tpu.memory_space<vmem>>) target(%dma_start3A_625 : memref<77x256xf32, #tpu.memory_space<hbm>>) target_semaphore(%dma_start3A_621 : memref<!tpu.dma_semaphore, #tpu.memory_space<semaphore_mem>>)
      %mul3A_630 = arith.constant 16 : i32
      %mul3A_631 = arith.muli %scan3A_481, %mul3A_630 : i32
      %add3A_632 = arith.constant 2 : i32
      %add3A_633 = arith.addi %mul3A_631, %add3A_632 : i32
      %ge3A_634 = arith.constant 8 : i32
      %ge3A_635 = arith.cmpi sge, %add3A_633, %ge3A_634 : i32
      %convert_element_type3A_636 = arith.extui %ge3A_635 : i1 to i32
      %cond3A_637 = arith.constant 0 : i32
      %cond3A_638 = arith.cmpi ne, %convert_element_type3A_636, %cond3A_637 : i32
      scf.if %cond3A_638 {
        %sub3A = arith.constant 8 : i32
        %sub3A_1666 = arith.subi %add3A_633, %sub3A : i32
        %add3A_1667 = arith.addi %mul3A_2, %sub3A_1666 : i32
        %mul3A_1668 = arith.constant 2 : i32
        %mul3A_1669 = arith.muli %mul3A_1668, %sub3A_1666 : i32
        %add3A_1670 = arith.constant 0 : i32
        %add3A_1671 = arith.addi %mul3A_1669, %add3A_1670 : i32
        %rem3A_1672 = arith.constant 16 : i32
        %rem3A_1673 = arith.remsi %add3A_1671, %rem3A_1672 : i32
        %dma_wait3A_1674 = arith.constant 0 : i32
        %dma_wait3A_1675 = arith.constant 0 : i32
        %dma_wait3A_1676 = arith.constant 0 : i32
        %dma_wait3A_1677 = tpu.memref_slice %arg8[%dma_wait3A_1674, %dma_wait3A_1675, %dma_wait3A_1676] : memref<2x77x512xf32, #tpu.memory_space<vmem>> -> memref<1x77x256xf32, #tpu.memory_space<vmem>>
        %dma_wait3A_1678 = tpu.memref_squeeze %dma_wait3A_1677 : memref<1x77x256xf32, #tpu.memory_space<vmem>> -> memref<77x256xf32, #tpu.memory_space<vmem>>
        %dma_wait3A_1679 = arith.constant 0 : i32
        %dma_wait3A_1680 = arith.constant 0 : i32
        %dma_wait3A_1681 = tpu.memref_slice %arg7[%add3A_1667, %dma_wait3A_1679, %dma_wait3A_1680] : memref<4096x77x512xf32, #tpu.memory_space<hbm>> -> memref<1x77x256xf32, #tpu.memory_space<hbm>>
        %dma_wait3A_1682 = tpu.memref_squeeze %dma_wait3A_1681 : memref<1x77x256xf32, #tpu.memory_space<hbm>> -> memref<77x256xf32, #tpu.memory_space<hbm>>
        %dma_wait3A_1683 = tpu.memref_slice %arg11[%rem3A_1673] : memref<16x!tpu.dma_semaphore, #tpu.memory_space<semaphore_mem>> -> memref<1x!tpu.dma_semaphore, #tpu.memory_space<semaphore_mem>>
        %dma_wait3A_1684 = tpu.memref_squeeze %dma_wait3A_1683 : memref<1x!tpu.dma_semaphore, #tpu.memory_space<semaphore_mem>> -> memref<!tpu.dma_semaphore, #tpu.memory_space<semaphore_mem>>
        %dma_wait3A_1685 = arith.constant 0 : i32
        %dma_wait3A_1686 = arith.constant 0 : i32
        %dma_wait3A_1687 = tpu.memref_slice %arg7[%add3A_1667, %dma_wait3A_1685, %dma_wait3A_1686] : memref<4096x77x512xf32, #tpu.memory_space<hbm>> -> memref<1x77x256xf32, #tpu.memory_space<hbm>>
        %dma_wait3A_1688 = tpu.memref_squeeze %dma_wait3A_1687 : memref<1x77x256xf32, #tpu.memory_space<hbm>> -> memref<77x256xf32, #tpu.memory_space<hbm>>
        %dma_wait3A_1689 = arith.constant 0 : i32
        %dma_wait3A_1690 = arith.constant 0 : i32
        %dma_wait3A_1691 = tpu.memref_slice %arg8[%dma_wait3A_1674, %dma_wait3A_1689, %dma_wait3A_1690] : memref<2x77x512xf32, #tpu.memory_space<vmem>> -> memref<1x77x256xf32, #tpu.memory_space<vmem>>
        %dma_wait3A_1692 = tpu.memref_squeeze %dma_wait3A_1691 : memref<1x77x256xf32, #tpu.memory_space<vmem>> -> memref<77x256xf32, #tpu.memory_space<vmem>>
        tpu.wait_dma2 semaphore(%dma_wait3A_1684 : memref<!tpu.dma_semaphore, #tpu.memory_space<semaphore_mem>>) src(%dma_wait3A_1692 : memref<77x256xf32, #tpu.memory_space<vmem>>) dst(%dma_wait3A_1688 : memref<77x256xf32, #tpu.memory_space<hbm>>)
        %sub3A_1693 = arith.constant 8 : i32
        %sub3A_1694 = arith.subi %add3A_633, %sub3A_1693 : i32
        %add3A_1695 = arith.addi %mul3A_2, %sub3A_1694 : i32
        %mul3A_1696 = arith.constant 2 : i32
        %mul3A_1697 = arith.muli %mul3A_1696, %sub3A_1694 : i32
        %add3A_1698 = arith.constant 1 : i32
        %add3A_1699 = arith.addi %mul3A_1697, %add3A_1698 : i32
        %rem3A_1700 = arith.constant 16 : i32
        %rem3A_1701 = arith.remsi %add3A_1699, %rem3A_1700 : i32
        %dma_wait3A_1702 = arith.constant 0 : i32
        %dma_wait3A_1703 = arith.constant 0 : i32
        %dma_wait3A_1704 = arith.constant 256 : i32
        %dma_wait3A_1705 = tpu.memref_slice %arg8[%dma_wait3A_1702, %dma_wait3A_1703, %dma_wait3A_1704] : memref<2x77x512xf32, #tpu.memory_space<vmem>> -> memref<1x77x256xf32, #tpu.memory_space<vmem>>
        %dma_wait3A_1706 = tpu.memref_squeeze %dma_wait3A_1705 : memref<1x77x256xf32, #tpu.memory_space<vmem>> -> memref<77x256xf32, #tpu.memory_space<vmem>>
        %dma_wait3A_1707 = arith.constant 0 : i32
        %dma_wait3A_1708 = arith.constant 256 : i32
        %dma_wait3A_1709 = tpu.memref_slice %arg7[%add3A_1695, %dma_wait3A_1707, %dma_wait3A_1708] : memref<4096x77x512xf32, #tpu.memory_space<hbm>> -> memref<1x77x256xf32, #tpu.memory_space<hbm>>
        %dma_wait3A_1710 = tpu.memref_squeeze %dma_wait3A_1709 : memref<1x77x256xf32, #tpu.memory_space<hbm>> -> memref<77x256xf32, #tpu.memory_space<hbm>>
        %dma_wait3A_1711 = tpu.memref_slice %arg11[%rem3A_1701] : memref<16x!tpu.dma_semaphore, #tpu.memory_space<semaphore_mem>> -> memref<1x!tpu.dma_semaphore, #tpu.memory_space<semaphore_mem>>
        %dma_wait3A_1712 = tpu.memref_squeeze %dma_wait3A_1711 : memref<1x!tpu.dma_semaphore, #tpu.memory_space<semaphore_mem>> -> memref<!tpu.dma_semaphore, #tpu.memory_space<semaphore_mem>>
        %dma_wait3A_1713 = arith.constant 0 : i32
        %dma_wait3A_1714 = arith.constant 256 : i32
        %dma_wait3A_1715 = tpu.memref_slice %arg7[%add3A_1695, %dma_wait3A_1713, %dma_wait3A_1714] : memref<4096x77x512xf32, #tpu.memory_space<hbm>> -> memref<1x77x256xf32, #tpu.memory_space<hbm>>
        %dma_wait3A_1716 = tpu.memref_squeeze %dma_wait3A_1715 : memref<1x77x256xf32, #tpu.memory_space<hbm>> -> memref<77x256xf32, #tpu.memory_space<hbm>>
        %dma_wait3A_1717 = arith.constant 0 : i32
        %dma_wait3A_1718 = arith.constant 256 : i32
        %dma_wait3A_1719 = tpu.memref_slice %arg8[%dma_wait3A_1702, %dma_wait3A_1717, %dma_wait3A_1718] : memref<2x77x512xf32, #tpu.memory_space<vmem>> -> memref<1x77x256xf32, #tpu.memory_space<vmem>>
        %dma_wait3A_1720 = tpu.memref_squeeze %dma_wait3A_1719 : memref<1x77x256xf32, #tpu.memory_space<vmem>> -> memref<77x256xf32, #tpu.memory_space<vmem>>
        tpu.wait_dma2 semaphore(%dma_wait3A_1712 : memref<!tpu.dma_semaphore, #tpu.memory_space<semaphore_mem>>) src(%dma_wait3A_1720 : memref<77x256xf32, #tpu.memory_space<vmem>>) dst(%dma_wait3A_1716 : memref<77x256xf32, #tpu.memory_space<hbm>>)
      } else {
      }
      %iota3A_639 = tpu.iota {dimensions = array<i32: 0>} : vector<16xi32>
      %eq3A_640 = arith.constant 2 : i32
      %eq3A_641 = vector.broadcast %eq3A_640 : i32 to vector<16xi32>
      %eq3A_642 = arith.cmpi eq, %iota3A_639, %eq3A_641 : vector<16xi32>
      %jit3A_643 = arith.constant -1 : i32
      %broadcast_in_dim3A_644 = vector.broadcast %jit3A_643 : i32 to vector<16xi32>
      %select_n3A_645 = arith.select %eq3A_642, %get3A_485, %broadcast_in_dim3A_644 : vector<16xi1>, vector<16xi32>
      %reduce_max3A_646 = arith.constant true
      %reduce_max3A_647 = vector.broadcast %reduce_max3A_646 : i1 to vector<16xi1>
      %reduce_max3A_648 = arith.constant -2147483648 : i32
      %reduce_max3A_649 = vector.broadcast %reduce_max3A_648 : i32 to vector<16xi32>
      %reduce_max3A_650 = arith.xori %select_n3A_645, %reduce_max3A_649 : vector<16xi32>
      %reduce_max3A_651 = tpu.scan <max>, %reduce_max3A_650 masked %reduce_max3A_647 : vector<16xi32>, vector<16xi1> -> vector<16xi32>
      %reduce_max3A_652 = arith.xori %reduce_max3A_651, %reduce_max3A_649 : vector<16xi32>
      %reduce_max3A_653 = vector.extract %reduce_max3A_652[15] : i32 from vector<16xi32>
      %add3A_654 = arith.addi %mul3A_2, %add3A_633 : i32
      %mul3A_655 = arith.constant 2 : i32
      %mul3A_656 = arith.muli %mul3A_655, %add3A_633 : i32
      %add3A_657 = arith.constant 0 : i32
      %add3A_658 = arith.addi %mul3A_656, %add3A_657 : i32
      %rem3A_659 = arith.constant 16 : i32
      %rem3A_660 = arith.remsi %add3A_658, %rem3A_659 : i32
      %dma_start3A_661 = arith.constant 0 : i32
      %dma_start3A_662 = arith.constant 0 : i32
      %dma_start3A_663 = tpu.memref_slice %arg8[%reduce_max3A_653, %dma_start3A_661, %dma_start3A_662] : memref<2x77x512xf32, #tpu.memory_space<vmem>> -> memref<1x77x256xf32, #tpu.memory_space<vmem>>
      %dma_start3A_664 = tpu.memref_squeeze %dma_start3A_663 : memref<1x77x256xf32, #tpu.memory_space<vmem>> -> memref<77x256xf32, #tpu.memory_space<vmem>>
      %dma_start3A_665 = arith.constant 0 : i32
      %dma_start3A_666 = arith.constant 0 : i32
      %dma_start3A_667 = tpu.memref_slice %arg7[%add3A_654, %dma_start3A_665, %dma_start3A_666] : memref<4096x77x512xf32, #tpu.memory_space<hbm>> -> memref<1x77x256xf32, #tpu.memory_space<hbm>>
      %dma_start3A_668 = tpu.memref_squeeze %dma_start3A_667 : memref<1x77x256xf32, #tpu.memory_space<hbm>> -> memref<77x256xf32, #tpu.memory_space<hbm>>
      %dma_start3A_669 = tpu.memref_slice %arg11[%rem3A_660] : memref<16x!tpu.dma_semaphore, #tpu.memory_space<semaphore_mem>> -> memref<1x!tpu.dma_semaphore, #tpu.memory_space<semaphore_mem>>
      %dma_start3A_670 = tpu.memref_squeeze %dma_start3A_669 : memref<1x!tpu.dma_semaphore, #tpu.memory_space<semaphore_mem>> -> memref<!tpu.dma_semaphore, #tpu.memory_space<semaphore_mem>>
      %dma_start3A_671 = arith.constant 0 : i32
      %dma_start3A_672 = arith.constant 0 : i32
      %dma_start3A_673 = tpu.memref_slice %arg7[%add3A_654, %dma_start3A_671, %dma_start3A_672] : memref<4096x77x512xf32, #tpu.memory_space<hbm>> -> memref<1x77x256xf32, #tpu.memory_space<hbm>>
      %dma_start3A_674 = tpu.memref_squeeze %dma_start3A_673 : memref<1x77x256xf32, #tpu.memory_space<hbm>> -> memref<77x256xf32, #tpu.memory_space<hbm>>
      %dma_start3A_675 = arith.constant 0 : i32
      %dma_start3A_676 = arith.constant 0 : i32
      %dma_start3A_677 = tpu.memref_slice %arg8[%reduce_max3A_653, %dma_start3A_675, %dma_start3A_676] : memref<2x77x512xf32, #tpu.memory_space<vmem>> -> memref<1x77x256xf32, #tpu.memory_space<vmem>>
      %dma_start3A_678 = tpu.memref_squeeze %dma_start3A_677 : memref<1x77x256xf32, #tpu.memory_space<vmem>> -> memref<77x256xf32, #tpu.memory_space<vmem>>
      tpu.enqueue_dma source(%dma_start3A_678 : memref<77x256xf32, #tpu.memory_space<vmem>>) target(%dma_start3A_674 : memref<77x256xf32, #tpu.memory_space<hbm>>) target_semaphore(%dma_start3A_670 : memref<!tpu.dma_semaphore, #tpu.memory_space<semaphore_mem>>)
      %add3A_679 = arith.addi %mul3A_2, %add3A_633 : i32
      %mul3A_680 = arith.constant 2 : i32
      %mul3A_681 = arith.muli %mul3A_680, %add3A_633 : i32
      %add3A_682 = arith.constant 1 : i32
      %add3A_683 = arith.addi %mul3A_681, %add3A_682 : i32
      %rem3A_684 = arith.constant 16 : i32
      %rem3A_685 = arith.remsi %add3A_683, %rem3A_684 : i32
      %dma_start3A_686 = arith.constant 0 : i32
      %dma_start3A_687 = arith.constant 256 : i32
      %dma_start3A_688 = tpu.memref_slice %arg8[%reduce_max3A_653, %dma_start3A_686, %dma_start3A_687] : memref<2x77x512xf32, #tpu.memory_space<vmem>> -> memref<1x77x256xf32, #tpu.memory_space<vmem>>
      %dma_start3A_689 = tpu.memref_squeeze %dma_start3A_688 : memref<1x77x256xf32, #tpu.memory_space<vmem>> -> memref<77x256xf32, #tpu.memory_space<vmem>>
      %dma_start3A_690 = arith.constant 0 : i32
      %dma_start3A_691 = arith.constant 256 : i32
      %dma_start3A_692 = tpu.memref_slice %arg7[%add3A_679, %dma_start3A_690, %dma_start3A_691] : memref<4096x77x512xf32, #tpu.memory_space<hbm>> -> memref<1x77x256xf32, #tpu.memory_space<hbm>>
      %dma_start3A_693 = tpu.memref_squeeze %dma_start3A_692 : memref<1x77x256xf32, #tpu.memory_space<hbm>> -> memref<77x256xf32, #tpu.memory_space<hbm>>
      %dma_start3A_694 = tpu.memref_slice %arg11[%rem3A_685] : memref<16x!tpu.dma_semaphore, #tpu.memory_space<semaphore_mem>> -> memref<1x!tpu.dma_semaphore, #tpu.memory_space<semaphore_mem>>
      %dma_start3A_695 = tpu.memref_squeeze %dma_start3A_694 : memref<1x!tpu.dma_semaphore, #tpu.memory_space<semaphore_mem>> -> memref<!tpu.dma_semaphore, #tpu.memory_space<semaphore_mem>>
      %dma_start3A_696 = arith.constant 0 : i32
      %dma_start3A_697 = arith.constant 256 : i32
      %dma_start3A_698 = tpu.memref_slice %arg7[%add3A_679, %dma_start3A_696, %dma_start3A_697] : memref<4096x77x512xf32, #tpu.memory_space<hbm>> -> memref<1x77x256xf32, #tpu.memory_space<hbm>>
      %dma_start3A_699 = tpu.memref_squeeze %dma_start3A_698 : memref<1x77x256xf32, #tpu.memory_space<hbm>> -> memref<77x256xf32, #tpu.memory_space<hbm>>
      %dma_start3A_700 = arith.constant 0 : i32
      %dma_start3A_701 = arith.constant 256 : i32
      %dma_start3A_702 = tpu.memref_slice %arg8[%reduce_max3A_653, %dma_start3A_700, %dma_start3A_701] : memref<2x77x512xf32, #tpu.memory_space<vmem>> -> memref<1x77x256xf32, #tpu.memory_space<vmem>>
      %dma_start3A_703 = tpu.memref_squeeze %dma_start3A_702 : memref<1x77x256xf32, #tpu.memory_space<vmem>> -> memref<77x256xf32, #tpu.memory_space<vmem>>
      tpu.enqueue_dma source(%dma_start3A_703 : memref<77x256xf32, #tpu.memory_space<vmem>>) target(%dma_start3A_699 : memref<77x256xf32, #tpu.memory_space<hbm>>) target_semaphore(%dma_start3A_695 : memref<!tpu.dma_semaphore, #tpu.memory_space<semaphore_mem>>)
      %mul3A_704 = arith.constant 16 : i32
      %mul3A_705 = arith.muli %scan3A_481, %mul3A_704 : i32
      %add3A_706 = arith.constant 3 : i32
      %add3A_707 = arith.addi %mul3A_705, %add3A_706 : i32
      %ge3A_708 = arith.constant 8 : i32
      %ge3A_709 = arith.cmpi sge, %add3A_707, %ge3A_708 : i32
      %convert_element_type3A_710 = arith.extui %ge3A_709 : i1 to i32
      %cond3A_711 = arith.constant 0 : i32
      %cond3A_712 = arith.cmpi ne, %convert_element_type3A_710, %cond3A_711 : i32
      scf.if %cond3A_712 {
        %sub3A = arith.constant 8 : i32
        %sub3A_1666 = arith.subi %add3A_707, %sub3A : i32
        %add3A_1667 = arith.addi %mul3A_2, %sub3A_1666 : i32
        %mul3A_1668 = arith.constant 2 : i32
        %mul3A_1669 = arith.muli %mul3A_1668, %sub3A_1666 : i32
        %add3A_1670 = arith.constant 0 : i32
        %add3A_1671 = arith.addi %mul3A_1669, %add3A_1670 : i32
        %rem3A_1672 = arith.constant 16 : i32
        %rem3A_1673 = arith.remsi %add3A_1671, %rem3A_1672 : i32
        %dma_wait3A_1674 = arith.constant 0 : i32
        %dma_wait3A_1675 = arith.constant 0 : i32
        %dma_wait3A_1676 = arith.constant 0 : i32
        %dma_wait3A_1677 = tpu.memref_slice %arg8[%dma_wait3A_1674, %dma_wait3A_1675, %dma_wait3A_1676] : memref<2x77x512xf32, #tpu.memory_space<vmem>> -> memref<1x77x256xf32, #tpu.memory_space<vmem>>
        %dma_wait3A_1678 = tpu.memref_squeeze %dma_wait3A_1677 : memref<1x77x256xf32, #tpu.memory_space<vmem>> -> memref<77x256xf32, #tpu.memory_space<vmem>>
        %dma_wait3A_1679 = arith.constant 0 : i32
        %dma_wait3A_1680 = arith.constant 0 : i32
        %dma_wait3A_1681 = tpu.memref_slice %arg7[%add3A_1667, %dma_wait3A_1679, %dma_wait3A_1680] : memref<4096x77x512xf32, #tpu.memory_space<hbm>> -> memref<1x77x256xf32, #tpu.memory_space<hbm>>
        %dma_wait3A_1682 = tpu.memref_squeeze %dma_wait3A_1681 : memref<1x77x256xf32, #tpu.memory_space<hbm>> -> memref<77x256xf32, #tpu.memory_space<hbm>>
        %dma_wait3A_1683 = tpu.memref_slice %arg11[%rem3A_1673] : memref<16x!tpu.dma_semaphore, #tpu.memory_space<semaphore_mem>> -> memref<1x!tpu.dma_semaphore, #tpu.memory_space<semaphore_mem>>
        %dma_wait3A_1684 = tpu.memref_squeeze %dma_wait3A_1683 : memref<1x!tpu.dma_semaphore, #tpu.memory_space<semaphore_mem>> -> memref<!tpu.dma_semaphore, #tpu.memory_space<semaphore_mem>>
        %dma_wait3A_1685 = arith.constant 0 : i32
        %dma_wait3A_1686 = arith.constant 0 : i32
        %dma_wait3A_1687 = tpu.memref_slice %arg7[%add3A_1667, %dma_wait3A_1685, %dma_wait3A_1686] : memref<4096x77x512xf32, #tpu.memory_space<hbm>> -> memref<1x77x256xf32, #tpu.memory_space<hbm>>
        %dma_wait3A_1688 = tpu.memref_squeeze %dma_wait3A_1687 : memref<1x77x256xf32, #tpu.memory_space<hbm>> -> memref<77x256xf32, #tpu.memory_space<hbm>>
        %dma_wait3A_1689 = arith.constant 0 : i32
        %dma_wait3A_1690 = arith.constant 0 : i32
        %dma_wait3A_1691 = tpu.memref_slice %arg8[%dma_wait3A_1674, %dma_wait3A_1689, %dma_wait3A_1690] : memref<2x77x512xf32, #tpu.memory_space<vmem>> -> memref<1x77x256xf32, #tpu.memory_space<vmem>>
        %dma_wait3A_1692 = tpu.memref_squeeze %dma_wait3A_1691 : memref<1x77x256xf32, #tpu.memory_space<vmem>> -> memref<77x256xf32, #tpu.memory_space<vmem>>
        tpu.wait_dma2 semaphore(%dma_wait3A_1684 : memref<!tpu.dma_semaphore, #tpu.memory_space<semaphore_mem>>) src(%dma_wait3A_1692 : memref<77x256xf32, #tpu.memory_space<vmem>>) dst(%dma_wait3A_1688 : memref<77x256xf32, #tpu.memory_space<hbm>>)
        %sub3A_1693 = arith.constant 8 : i32
        %sub3A_1694 = arith.subi %add3A_707, %sub3A_1693 : i32
        %add3A_1695 = arith.addi %mul3A_2, %sub3A_1694 : i32
        %mul3A_1696 = arith.constant 2 : i32
        %mul3A_1697 = arith.muli %mul3A_1696, %sub3A_1694 : i32
        %add3A_1698 = arith.constant 1 : i32
        %add3A_1699 = arith.addi %mul3A_1697, %add3A_1698 : i32
        %rem3A_1700 = arith.constant 16 : i32
        %rem3A_1701 = arith.remsi %add3A_1699, %rem3A_1700 : i32
        %dma_wait3A_1702 = arith.constant 0 : i32
        %dma_wait3A_1703 = arith.constant 0 : i32
        %dma_wait3A_1704 = arith.constant 256 : i32
        %dma_wait3A_1705 = tpu.memref_slice %arg8[%dma_wait3A_1702, %dma_wait3A_1703, %dma_wait3A_1704] : memref<2x77x512xf32, #tpu.memory_space<vmem>> -> memref<1x77x256xf32, #tpu.memory_space<vmem>>
        %dma_wait3A_1706 = tpu.memref_squeeze %dma_wait3A_1705 : memref<1x77x256xf32, #tpu.memory_space<vmem>> -> memref<77x256xf32, #tpu.memory_space<vmem>>
        %dma_wait3A_1707 = arith.constant 0 : i32
        %dma_wait3A_1708 = arith.constant 256 : i32
        %dma_wait3A_1709 = tpu.memref_slice %arg7[%add3A_1695, %dma_wait3A_1707, %dma_wait3A_1708] : memref<4096x77x512xf32, #tpu.memory_space<hbm>> -> memref<1x77x256xf32, #tpu.memory_space<hbm>>
        %dma_wait3A_1710 = tpu.memref_squeeze %dma_wait3A_1709 : memref<1x77x256xf32, #tpu.memory_space<hbm>> -> memref<77x256xf32, #tpu.memory_space<hbm>>
        %dma_wait3A_1711 = tpu.memref_slice %arg11[%rem3A_1701] : memref<16x!tpu.dma_semaphore, #tpu.memory_space<semaphore_mem>> -> memref<1x!tpu.dma_semaphore, #tpu.memory_space<semaphore_mem>>
        %dma_wait3A_1712 = tpu.memref_squeeze %dma_wait3A_1711 : memref<1x!tpu.dma_semaphore, #tpu.memory_space<semaphore_mem>> -> memref<!tpu.dma_semaphore, #tpu.memory_space<semaphore_mem>>
        %dma_wait3A_1713 = arith.constant 0 : i32
        %dma_wait3A_1714 = arith.constant 256 : i32
        %dma_wait3A_1715 = tpu.memref_slice %arg7[%add3A_1695, %dma_wait3A_1713, %dma_wait3A_1714] : memref<4096x77x512xf32, #tpu.memory_space<hbm>> -> memref<1x77x256xf32, #tpu.memory_space<hbm>>
        %dma_wait3A_1716 = tpu.memref_squeeze %dma_wait3A_1715 : memref<1x77x256xf32, #tpu.memory_space<hbm>> -> memref<77x256xf32, #tpu.memory_space<hbm>>
        %dma_wait3A_1717 = arith.constant 0 : i32
        %dma_wait3A_1718 = arith.constant 256 : i32
        %dma_wait3A_1719 = tpu.memref_slice %arg8[%dma_wait3A_1702, %dma_wait3A_1717, %dma_wait3A_1718] : memref<2x77x512xf32, #tpu.memory_space<vmem>> -> memref<1x77x256xf32, #tpu.memory_space<vmem>>
        %dma_wait3A_1720 = tpu.memref_squeeze %dma_wait3A_1719 : memref<1x77x256xf32, #tpu.memory_space<vmem>> -> memref<77x256xf32, #tpu.memory_space<vmem>>
        tpu.wait_dma2 semaphore(%dma_wait3A_1712 : memref<!tpu.dma_semaphore, #tpu.memory_space<semaphore_mem>>) src(%dma_wait3A_1720 : memref<77x256xf32, #tpu.memory_space<vmem>>) dst(%dma_wait3A_1716 : memref<77x256xf32, #tpu.memory_space<hbm>>)
      } else {
      }
      %iota3A_713 = tpu.iota {dimensions = array<i32: 0>} : vector<16xi32>
      %eq3A_714 = arith.constant 3 : i32
      %eq3A_715 = vector.broadcast %eq3A_714 : i32 to vector<16xi32>
      %eq3A_716 = arith.cmpi eq, %iota3A_713, %eq3A_715 : vector<16xi32>
      %jit3A_717 = arith.constant -1 : i32
      %broadcast_in_dim3A_718 = vector.broadcast %jit3A_717 : i32 to vector<16xi32>
      %select_n3A_719 = arith.select %eq3A_716, %get3A_485, %broadcast_in_dim3A_718 : vector<16xi1>, vector<16xi32>
      %reduce_max3A_720 = arith.constant true
      %reduce_max3A_721 = vector.broadcast %reduce_max3A_720 : i1 to vector<16xi1>
      %reduce_max3A_722 = arith.constant -2147483648 : i32
      %reduce_max3A_723 = vector.broadcast %reduce_max3A_722 : i32 to vector<16xi32>
      %reduce_max3A_724 = arith.xori %select_n3A_719, %reduce_max3A_723 : vector<16xi32>
      %reduce_max3A_725 = tpu.scan <max>, %reduce_max3A_724 masked %reduce_max3A_721 : vector<16xi32>, vector<16xi1> -> vector<16xi32>
      %reduce_max3A_726 = arith.xori %reduce_max3A_725, %reduce_max3A_723 : vector<16xi32>
      %reduce_max3A_727 = vector.extract %reduce_max3A_726[15] : i32 from vector<16xi32>
      %add3A_728 = arith.addi %mul3A_2, %add3A_707 : i32
      %mul3A_729 = arith.constant 2 : i32
      %mul3A_730 = arith.muli %mul3A_729, %add3A_707 : i32
      %add3A_731 = arith.constant 0 : i32
      %add3A_732 = arith.addi %mul3A_730, %add3A_731 : i32
      %rem3A_733 = arith.constant 16 : i32
      %rem3A_734 = arith.remsi %add3A_732, %rem3A_733 : i32
      %dma_start3A_735 = arith.constant 0 : i32
      %dma_start3A_736 = arith.constant 0 : i32
      %dma_start3A_737 = tpu.memref_slice %arg8[%reduce_max3A_727, %dma_start3A_735, %dma_start3A_736] : memref<2x77x512xf32, #tpu.memory_space<vmem>> -> memref<1x77x256xf32, #tpu.memory_space<vmem>>
      %dma_start3A_738 = tpu.memref_squeeze %dma_start3A_737 : memref<1x77x256xf32, #tpu.memory_space<vmem>> -> memref<77x256xf32, #tpu.memory_space<vmem>>
      %dma_start3A_739 = arith.constant 0 : i32
      %dma_start3A_740 = arith.constant 0 : i32
      %dma_start3A_741 = tpu.memref_slice %arg7[%add3A_728, %dma_start3A_739, %dma_start3A_740] : memref<4096x77x512xf32, #tpu.memory_space<hbm>> -> memref<1x77x256xf32, #tpu.memory_space<hbm>>
      %dma_start3A_742 = tpu.memref_squeeze %dma_start3A_741 : memref<1x77x256xf32, #tpu.memory_space<hbm>> -> memref<77x256xf32, #tpu.memory_space<hbm>>
      %dma_start3A_743 = tpu.memref_slice %arg11[%rem3A_734] : memref<16x!tpu.dma_semaphore, #tpu.memory_space<semaphore_mem>> -> memref<1x!tpu.dma_semaphore, #tpu.memory_space<semaphore_mem>>
      %dma_start3A_744 = tpu.memref_squeeze %dma_start3A_743 : memref<1x!tpu.dma_semaphore, #tpu.memory_space<semaphore_mem>> -> memref<!tpu.dma_semaphore, #tpu.memory_space<semaphore_mem>>
      %dma_start3A_745 = arith.constant 0 : i32
      %dma_start3A_746 = arith.constant 0 : i32
      %dma_start3A_747 = tpu.memref_slice %arg7[%add3A_728, %dma_start3A_745, %dma_start3A_746] : memref<4096x77x512xf32, #tpu.memory_space<hbm>> -> memref<1x77x256xf32, #tpu.memory_space<hbm>>
      %dma_start3A_748 = tpu.memref_squeeze %dma_start3A_747 : memref<1x77x256xf32, #tpu.memory_space<hbm>> -> memref<77x256xf32, #tpu.memory_space<hbm>>
      %dma_start3A_749 = arith.constant 0 : i32
      %dma_start3A_750 = arith.constant 0 : i32
      %dma_start3A_751 = tpu.memref_slice %arg8[%reduce_max3A_727, %dma_start3A_749, %dma_start3A_750] : memref<2x77x512xf32, #tpu.memory_space<vmem>> -> memref<1x77x256xf32, #tpu.memory_space<vmem>>
      %dma_start3A_752 = tpu.memref_squeeze %dma_start3A_751 : memref<1x77x256xf32, #tpu.memory_space<vmem>> -> memref<77x256xf32, #tpu.memory_space<vmem>>
      tpu.enqueue_dma source(%dma_start3A_752 : memref<77x256xf32, #tpu.memory_space<vmem>>) target(%dma_start3A_748 : memref<77x256xf32, #tpu.memory_space<hbm>>) target_semaphore(%dma_start3A_744 : memref<!tpu.dma_semaphore, #tpu.memory_space<semaphore_mem>>)
      %add3A_753 = arith.addi %mul3A_2, %add3A_707 : i32
      %mul3A_754 = arith.constant 2 : i32
      %mul3A_755 = arith.muli %mul3A_754, %add3A_707 : i32
      %add3A_756 = arith.constant 1 : i32
      %add3A_757 = arith.addi %mul3A_755, %add3A_756 : i32
      %rem3A_758 = arith.constant 16 : i32
      %rem3A_759 = arith.remsi %add3A_757, %rem3A_758 : i32
      %dma_start3A_760 = arith.constant 0 : i32
      %dma_start3A_761 = arith.constant 256 : i32
      %dma_start3A_762 = tpu.memref_slice %arg8[%reduce_max3A_727, %dma_start3A_760, %dma_start3A_761] : memref<2x77x512xf32, #tpu.memory_space<vmem>> -> memref<1x77x256xf32, #tpu.memory_space<vmem>>
      %dma_start3A_763 = tpu.memref_squeeze %dma_start3A_762 : memref<1x77x256xf32, #tpu.memory_space<vmem>> -> memref<77x256xf32, #tpu.memory_space<vmem>>
      %dma_start3A_764 = arith.constant 0 : i32
      %dma_start3A_765 = arith.constant 256 : i32
      %dma_start3A_766 = tpu.memref_slice %arg7[%add3A_753, %dma_start3A_764, %dma_start3A_765] : memref<4096x77x512xf32, #tpu.memory_space<hbm>> -> memref<1x77x256xf32, #tpu.memory_space<hbm>>
      %dma_start3A_767 = tpu.memref_squeeze %dma_start3A_766 : memref<1x77x256xf32, #tpu.memory_space<hbm>> -> memref<77x256xf32, #tpu.memory_space<hbm>>
      %dma_start3A_768 = tpu.memref_slice %arg11[%rem3A_759] : memref<16x!tpu.dma_semaphore, #tpu.memory_space<semaphore_mem>> -> memref<1x!tpu.dma_semaphore, #tpu.memory_space<semaphore_mem>>
      %dma_start3A_769 = tpu.memref_squeeze %dma_start3A_768 : memref<1x!tpu.dma_semaphore, #tpu.memory_space<semaphore_mem>> -> memref<!tpu.dma_semaphore, #tpu.memory_space<semaphore_mem>>
      %dma_start3A_770 = arith.constant 0 : i32
      %dma_start3A_771 = arith.constant 256 : i32
      %dma_start3A_772 = tpu.memref_slice %arg7[%add3A_753, %dma_start3A_770, %dma_start3A_771] : memref<4096x77x512xf32, #tpu.memory_space<hbm>> -> memref<1x77x256xf32, #tpu.memory_space<hbm>>
      %dma_start3A_773 = tpu.memref_squeeze %dma_start3A_772 : memref<1x77x256xf32, #tpu.memory_space<hbm>> -> memref<77x256xf32, #tpu.memory_space<hbm>>
      %dma_start3A_774 = arith.constant 0 : i32
      %dma_start3A_775 = arith.constant 256 : i32
      %dma_start3A_776 = tpu.memref_slice %arg8[%reduce_max3A_727, %dma_start3A_774, %dma_start3A_775] : memref<2x77x512xf32, #tpu.memory_space<vmem>> -> memref<1x77x256xf32, #tpu.memory_space<vmem>>
      %dma_start3A_777 = tpu.memref_squeeze %dma_start3A_776 : memref<1x77x256xf32, #tpu.memory_space<vmem>> -> memref<77x256xf32, #tpu.memory_space<vmem>>
      tpu.enqueue_dma source(%dma_start3A_777 : memref<77x256xf32, #tpu.memory_space<vmem>>) target(%dma_start3A_773 : memref<77x256xf32, #tpu.memory_space<hbm>>) target_semaphore(%dma_start3A_769 : memref<!tpu.dma_semaphore, #tpu.memory_space<semaphore_mem>>)
      %mul3A_778 = arith.constant 16 : i32
      %mul3A_779 = arith.muli %scan3A_481, %mul3A_778 : i32
      %add3A_780 = arith.constant 4 : i32
      %add3A_781 = arith.addi %mul3A_779, %add3A_780 : i32
      %ge3A_782 = arith.constant 8 : i32
      %ge3A_783 = arith.cmpi sge, %add3A_781, %ge3A_782 : i32
      %convert_element_type3A_784 = arith.extui %ge3A_783 : i1 to i32
      %cond3A_785 = arith.constant 0 : i32
      %cond3A_786 = arith.cmpi ne, %convert_element_type3A_784, %cond3A_785 : i32
      scf.if %cond3A_786 {
        %sub3A = arith.constant 8 : i32
        %sub3A_1666 = arith.subi %add3A_781, %sub3A : i32
        %add3A_1667 = arith.addi %mul3A_2, %sub3A_1666 : i32
        %mul3A_1668 = arith.constant 2 : i32
        %mul3A_1669 = arith.muli %mul3A_1668, %sub3A_1666 : i32
        %add3A_1670 = arith.constant 0 : i32
        %add3A_1671 = arith.addi %mul3A_1669, %add3A_1670 : i32
        %rem3A_1672 = arith.constant 16 : i32
        %rem3A_1673 = arith.remsi %add3A_1671, %rem3A_1672 : i32
        %dma_wait3A_1674 = arith.constant 0 : i32
        %dma_wait3A_1675 = arith.constant 0 : i32
        %dma_wait3A_1676 = arith.constant 0 : i32
        %dma_wait3A_1677 = tpu.memref_slice %arg8[%dma_wait3A_1674, %dma_wait3A_1675, %dma_wait3A_1676] : memref<2x77x512xf32, #tpu.memory_space<vmem>> -> memref<1x77x256xf32, #tpu.memory_space<vmem>>
        %dma_wait3A_1678 = tpu.memref_squeeze %dma_wait3A_1677 : memref<1x77x256xf32, #tpu.memory_space<vmem>> -> memref<77x256xf32, #tpu.memory_space<vmem>>
        %dma_wait3A_1679 = arith.constant 0 : i32
        %dma_wait3A_1680 = arith.constant 0 : i32
        %dma_wait3A_1681 = tpu.memref_slice %arg7[%add3A_1667, %dma_wait3A_1679, %dma_wait3A_1680] : memref<4096x77x512xf32, #tpu.memory_space<hbm>> -> memref<1x77x256xf32, #tpu.memory_space<hbm>>
        %dma_wait3A_1682 = tpu.memref_squeeze %dma_wait3A_1681 : memref<1x77x256xf32, #tpu.memory_space<hbm>> -> memref<77x256xf32, #tpu.memory_space<hbm>>
        %dma_wait3A_1683 = tpu.memref_slice %arg11[%rem3A_1673] : memref<16x!tpu.dma_semaphore, #tpu.memory_space<semaphore_mem>> -> memref<1x!tpu.dma_semaphore, #tpu.memory_space<semaphore_mem>>
        %dma_wait3A_1684 = tpu.memref_squeeze %dma_wait3A_1683 : memref<1x!tpu.dma_semaphore, #tpu.memory_space<semaphore_mem>> -> memref<!tpu.dma_semaphore, #tpu.memory_space<semaphore_mem>>
        %dma_wait3A_1685 = arith.constant 0 : i32
        %dma_wait3A_1686 = arith.constant 0 : i32
        %dma_wait3A_1687 = tpu.memref_slice %arg7[%add3A_1667, %dma_wait3A_1685, %dma_wait3A_1686] : memref<4096x77x512xf32, #tpu.memory_space<hbm>> -> memref<1x77x256xf32, #tpu.memory_space<hbm>>
        %dma_wait3A_1688 = tpu.memref_squeeze %dma_wait3A_1687 : memref<1x77x256xf32, #tpu.memory_space<hbm>> -> memref<77x256xf32, #tpu.memory_space<hbm>>
        %dma_wait3A_1689 = arith.constant 0 : i32
        %dma_wait3A_1690 = arith.constant 0 : i32
        %dma_wait3A_1691 = tpu.memref_slice %arg8[%dma_wait3A_1674, %dma_wait3A_1689, %dma_wait3A_1690] : memref<2x77x512xf32, #tpu.memory_space<vmem>> -> memref<1x77x256xf32, #tpu.memory_space<vmem>>
        %dma_wait3A_1692 = tpu.memref_squeeze %dma_wait3A_1691 : memref<1x77x256xf32, #tpu.memory_space<vmem>> -> memref<77x256xf32, #tpu.memory_space<vmem>>
        tpu.wait_dma2 semaphore(%dma_wait3A_1684 : memref<!tpu.dma_semaphore, #tpu.memory_space<semaphore_mem>>) src(%dma_wait3A_1692 : memref<77x256xf32, #tpu.memory_space<vmem>>) dst(%dma_wait3A_1688 : memref<77x256xf32, #tpu.memory_space<hbm>>)
        %sub3A_1693 = arith.constant 8 : i32
        %sub3A_1694 = arith.subi %add3A_781, %sub3A_1693 : i32
        %add3A_1695 = arith.addi %mul3A_2, %sub3A_1694 : i32
        %mul3A_1696 = arith.constant 2 : i32
        %mul3A_1697 = arith.muli %mul3A_1696, %sub3A_1694 : i32
        %add3A_1698 = arith.constant 1 : i32
        %add3A_1699 = arith.addi %mul3A_1697, %add3A_1698 : i32
        %rem3A_1700 = arith.constant 16 : i32
        %rem3A_1701 = arith.remsi %add3A_1699, %rem3A_1700 : i32
        %dma_wait3A_1702 = arith.constant 0 : i32
        %dma_wait3A_1703 = arith.constant 0 : i32
        %dma_wait3A_1704 = arith.constant 256 : i32
        %dma_wait3A_1705 = tpu.memref_slice %arg8[%dma_wait3A_1702, %dma_wait3A_1703, %dma_wait3A_1704] : memref<2x77x512xf32, #tpu.memory_space<vmem>> -> memref<1x77x256xf32, #tpu.memory_space<vmem>>
        %dma_wait3A_1706 = tpu.memref_squeeze %dma_wait3A_1705 : memref<1x77x256xf32, #tpu.memory_space<vmem>> -> memref<77x256xf32, #tpu.memory_space<vmem>>
        %dma_wait3A_1707 = arith.constant 0 : i32
        %dma_wait3A_1708 = arith.constant 256 : i32
        %dma_wait3A_1709 = tpu.memref_slice %arg7[%add3A_1695, %dma_wait3A_1707, %dma_wait3A_1708] : memref<4096x77x512xf32, #tpu.memory_space<hbm>> -> memref<1x77x256xf32, #tpu.memory_space<hbm>>
        %dma_wait3A_1710 = tpu.memref_squeeze %dma_wait3A_1709 : memref<1x77x256xf32, #tpu.memory_space<hbm>> -> memref<77x256xf32, #tpu.memory_space<hbm>>
        %dma_wait3A_1711 = tpu.memref_slice %arg11[%rem3A_1701] : memref<16x!tpu.dma_semaphore, #tpu.memory_space<semaphore_mem>> -> memref<1x!tpu.dma_semaphore, #tpu.memory_space<semaphore_mem>>
        %dma_wait3A_1712 = tpu.memref_squeeze %dma_wait3A_1711 : memref<1x!tpu.dma_semaphore, #tpu.memory_space<semaphore_mem>> -> memref<!tpu.dma_semaphore, #tpu.memory_space<semaphore_mem>>
        %dma_wait3A_1713 = arith.constant 0 : i32
        %dma_wait3A_1714 = arith.constant 256 : i32
        %dma_wait3A_1715 = tpu.memref_slice %arg7[%add3A_1695, %dma_wait3A_1713, %dma_wait3A_1714] : memref<4096x77x512xf32, #tpu.memory_space<hbm>> -> memref<1x77x256xf32, #tpu.memory_space<hbm>>
        %dma_wait3A_1716 = tpu.memref_squeeze %dma_wait3A_1715 : memref<1x77x256xf32, #tpu.memory_space<hbm>> -> memref<77x256xf32, #tpu.memory_space<hbm>>
        %dma_wait3A_1717 = arith.constant 0 : i32
        %dma_wait3A_1718 = arith.constant 256 : i32
        %dma_wait3A_1719 = tpu.memref_slice %arg8[%dma_wait3A_1702, %dma_wait3A_1717, %dma_wait3A_1718] : memref<2x77x512xf32, #tpu.memory_space<vmem>> -> memref<1x77x256xf32, #tpu.memory_space<vmem>>
        %dma_wait3A_1720 = tpu.memref_squeeze %dma_wait3A_1719 : memref<1x77x256xf32, #tpu.memory_space<vmem>> -> memref<77x256xf32, #tpu.memory_space<vmem>>
        tpu.wait_dma2 semaphore(%dma_wait3A_1712 : memref<!tpu.dma_semaphore, #tpu.memory_space<semaphore_mem>>) src(%dma_wait3A_1720 : memref<77x256xf32, #tpu.memory_space<vmem>>) dst(%dma_wait3A_1716 : memref<77x256xf32, #tpu.memory_space<hbm>>)
      } else {
      }
      %iota3A_787 = tpu.iota {dimensions = array<i32: 0>} : vector<16xi32>
      %eq3A_788 = arith.constant 4 : i32
      %eq3A_789 = vector.broadcast %eq3A_788 : i32 to vector<16xi32>
      %eq3A_790 = arith.cmpi eq, %iota3A_787, %eq3A_789 : vector<16xi32>
      %jit3A_791 = arith.constant -1 : i32
      %broadcast_in_dim3A_792 = vector.broadcast %jit3A_791 : i32 to vector<16xi32>
      %select_n3A_793 = arith.select %eq3A_790, %get3A_485, %broadcast_in_dim3A_792 : vector<16xi1>, vector<16xi32>
      %reduce_max3A_794 = arith.constant true
      %reduce_max3A_795 = vector.broadcast %reduce_max3A_794 : i1 to vector<16xi1>
      %reduce_max3A_796 = arith.constant -2147483648 : i32
      %reduce_max3A_797 = vector.broadcast %reduce_max3A_796 : i32 to vector<16xi32>
      %reduce_max3A_798 = arith.xori %select_n3A_793, %reduce_max3A_797 : vector<16xi32>
      %reduce_max3A_799 = tpu.scan <max>, %reduce_max3A_798 masked %reduce_max3A_795 : vector<16xi32>, vector<16xi1> -> vector<16xi32>
      %reduce_max3A_800 = arith.xori %reduce_max3A_799, %reduce_max3A_797 : vector<16xi32>
      %reduce_max3A_801 = vector.extract %reduce_max3A_800[15] : i32 from vector<16xi32>
      %add3A_802 = arith.addi %mul3A_2, %add3A_781 : i32
      %mul3A_803 = arith.constant 2 : i32
      %mul3A_804 = arith.muli %mul3A_803, %add3A_781 : i32
      %add3A_805 = arith.constant 0 : i32
      %add3A_806 = arith.addi %mul3A_804, %add3A_805 : i32
      %rem3A_807 = arith.constant 16 : i32
      %rem3A_808 = arith.remsi %add3A_806, %rem3A_807 : i32
      %dma_start3A_809 = arith.constant 0 : i32
      %dma_start3A_810 = arith.constant 0 : i32
      %dma_start3A_811 = tpu.memref_slice %arg8[%reduce_max3A_801, %dma_start3A_809, %dma_start3A_810] : memref<2x77x512xf32, #tpu.memory_space<vmem>> -> memref<1x77x256xf32, #tpu.memory_space<vmem>>
      %dma_start3A_812 = tpu.memref_squeeze %dma_start3A_811 : memref<1x77x256xf32, #tpu.memory_space<vmem>> -> memref<77x256xf32, #tpu.memory_space<vmem>>
      %dma_start3A_813 = arith.constant 0 : i32
      %dma_start3A_814 = arith.constant 0 : i32
      %dma_start3A_815 = tpu.memref_slice %arg7[%add3A_802, %dma_start3A_813, %dma_start3A_814] : memref<4096x77x512xf32, #tpu.memory_space<hbm>> -> memref<1x77x256xf32, #tpu.memory_space<hbm>>
      %dma_start3A_816 = tpu.memref_squeeze %dma_start3A_815 : memref<1x77x256xf32, #tpu.memory_space<hbm>> -> memref<77x256xf32, #tpu.memory_space<hbm>>
      %dma_start3A_817 = tpu.memref_slice %arg11[%rem3A_808] : memref<16x!tpu.dma_semaphore, #tpu.memory_space<semaphore_mem>> -> memref<1x!tpu.dma_semaphore, #tpu.memory_space<semaphore_mem>>
      %dma_start3A_818 = tpu.memref_squeeze %dma_start3A_817 : memref<1x!tpu.dma_semaphore, #tpu.memory_space<semaphore_mem>> -> memref<!tpu.dma_semaphore, #tpu.memory_space<semaphore_mem>>
      %dma_start3A_819 = arith.constant 0 : i32
      %dma_start3A_820 = arith.constant 0 : i32
      %dma_start3A_821 = tpu.memref_slice %arg7[%add3A_802, %dma_start3A_819, %dma_start3A_820] : memref<4096x77x512xf32, #tpu.memory_space<hbm>> -> memref<1x77x256xf32, #tpu.memory_space<hbm>>
      %dma_start3A_822 = tpu.memref_squeeze %dma_start3A_821 : memref<1x77x256xf32, #tpu.memory_space<hbm>> -> memref<77x256xf32, #tpu.memory_space<hbm>>
      %dma_start3A_823 = arith.constant 0 : i32
      %dma_start3A_824 = arith.constant 0 : i32
      %dma_start3A_825 = tpu.memref_slice %arg8[%reduce_max3A_801, %dma_start3A_823, %dma_start3A_824] : memref<2x77x512xf32, #tpu.memory_space<vmem>> -> memref<1x77x256xf32, #tpu.memory_space<vmem>>
      %dma_start3A_826 = tpu.memref_squeeze %dma_start3A_825 : memref<1x77x256xf32, #tpu.memory_space<vmem>> -> memref<77x256xf32, #tpu.memory_space<vmem>>
      tpu.enqueue_dma source(%dma_start3A_826 : memref<77x256xf32, #tpu.memory_space<vmem>>) target(%dma_start3A_822 : memref<77x256xf32, #tpu.memory_space<hbm>>) target_semaphore(%dma_start3A_818 : memref<!tpu.dma_semaphore, #tpu.memory_space<semaphore_mem>>)
      %add3A_827 = arith.addi %mul3A_2, %add3A_781 : i32
      %mul3A_828 = arith.constant 2 : i32
      %mul3A_829 = arith.muli %mul3A_828, %add3A_781 : i32
      %add3A_830 = arith.constant 1 : i32
      %add3A_831 = arith.addi %mul3A_829, %add3A_830 : i32
      %rem3A_832 = arith.constant 16 : i32
      %rem3A_833 = arith.remsi %add3A_831, %rem3A_832 : i32
      %dma_start3A_834 = arith.constant 0 : i32
      %dma_start3A_835 = arith.constant 256 : i32
      %dma_start3A_836 = tpu.memref_slice %arg8[%reduce_max3A_801, %dma_start3A_834, %dma_start3A_835] : memref<2x77x512xf32, #tpu.memory_space<vmem>> -> memref<1x77x256xf32, #tpu.memory_space<vmem>>
      %dma_start3A_837 = tpu.memref_squeeze %dma_start3A_836 : memref<1x77x256xf32, #tpu.memory_space<vmem>> -> memref<77x256xf32, #tpu.memory_space<vmem>>
      %dma_start3A_838 = arith.constant 0 : i32
      %dma_start3A_839 = arith.constant 256 : i32
      %dma_start3A_840 = tpu.memref_slice %arg7[%add3A_827, %dma_start3A_838, %dma_start3A_839] : memref<4096x77x512xf32, #tpu.memory_space<hbm>> -> memref<1x77x256xf32, #tpu.memory_space<hbm>>
      %dma_start3A_841 = tpu.memref_squeeze %dma_start3A_840 : memref<1x77x256xf32, #tpu.memory_space<hbm>> -> memref<77x256xf32, #tpu.memory_space<hbm>>
      %dma_start3A_842 = tpu.memref_slice %arg11[%rem3A_833] : memref<16x!tpu.dma_semaphore, #tpu.memory_space<semaphore_mem>> -> memref<1x!tpu.dma_semaphore, #tpu.memory_space<semaphore_mem>>
      %dma_start3A_843 = tpu.memref_squeeze %dma_start3A_842 : memref<1x!tpu.dma_semaphore, #tpu.memory_space<semaphore_mem>> -> memref<!tpu.dma_semaphore, #tpu.memory_space<semaphore_mem>>
      %dma_start3A_844 = arith.constant 0 : i32
      %dma_start3A_845 = arith.constant 256 : i32
      %dma_start3A_846 = tpu.memref_slice %arg7[%add3A_827, %dma_start3A_844, %dma_start3A_845] : memref<4096x77x512xf32, #tpu.memory_space<hbm>> -> memref<1x77x256xf32, #tpu.memory_space<hbm>>
      %dma_start3A_847 = tpu.memref_squeeze %dma_start3A_846 : memref<1x77x256xf32, #tpu.memory_space<hbm>> -> memref<77x256xf32, #tpu.memory_space<hbm>>
      %dma_start3A_848 = arith.constant 0 : i32
      %dma_start3A_849 = arith.constant 256 : i32
      %dma_start3A_850 = tpu.memref_slice %arg8[%reduce_max3A_801, %dma_start3A_848, %dma_start3A_849] : memref<2x77x512xf32, #tpu.memory_space<vmem>> -> memref<1x77x256xf32, #tpu.memory_space<vmem>>
      %dma_start3A_851 = tpu.memref_squeeze %dma_start3A_850 : memref<1x77x256xf32, #tpu.memory_space<vmem>> -> memref<77x256xf32, #tpu.memory_space<vmem>>
      tpu.enqueue_dma source(%dma_start3A_851 : memref<77x256xf32, #tpu.memory_space<vmem>>) target(%dma_start3A_847 : memref<77x256xf32, #tpu.memory_space<hbm>>) target_semaphore(%dma_start3A_843 : memref<!tpu.dma_semaphore, #tpu.memory_space<semaphore_mem>>)
      %mul3A_852 = arith.constant 16 : i32
      %mul3A_853 = arith.muli %scan3A_481, %mul3A_852 : i32
      %add3A_854 = arith.constant 5 : i32
      %add3A_855 = arith.addi %mul3A_853, %add3A_854 : i32
      %ge3A_856 = arith.constant 8 : i32
      %ge3A_857 = arith.cmpi sge, %add3A_855, %ge3A_856 : i32
      %convert_element_type3A_858 = arith.extui %ge3A_857 : i1 to i32
      %cond3A_859 = arith.constant 0 : i32
      %cond3A_860 = arith.cmpi ne, %convert_element_type3A_858, %cond3A_859 : i32
      scf.if %cond3A_860 {
        %sub3A = arith.constant 8 : i32
        %sub3A_1666 = arith.subi %add3A_855, %sub3A : i32
        %add3A_1667 = arith.addi %mul3A_2, %sub3A_1666 : i32
        %mul3A_1668 = arith.constant 2 : i32
        %mul3A_1669 = arith.muli %mul3A_1668, %sub3A_1666 : i32
        %add3A_1670 = arith.constant 0 : i32
        %add3A_1671 = arith.addi %mul3A_1669, %add3A_1670 : i32
        %rem3A_1672 = arith.constant 16 : i32
        %rem3A_1673 = arith.remsi %add3A_1671, %rem3A_1672 : i32
        %dma_wait3A_1674 = arith.constant 0 : i32
        %dma_wait3A_1675 = arith.constant 0 : i32
        %dma_wait3A_1676 = arith.constant 0 : i32
        %dma_wait3A_1677 = tpu.memref_slice %arg8[%dma_wait3A_1674, %dma_wait3A_1675, %dma_wait3A_1676] : memref<2x77x512xf32, #tpu.memory_space<vmem>> -> memref<1x77x256xf32, #tpu.memory_space<vmem>>
        %dma_wait3A_1678 = tpu.memref_squeeze %dma_wait3A_1677 : memref<1x77x256xf32, #tpu.memory_space<vmem>> -> memref<77x256xf32, #tpu.memory_space<vmem>>
        %dma_wait3A_1679 = arith.constant 0 : i32
        %dma_wait3A_1680 = arith.constant 0 : i32
        %dma_wait3A_1681 = tpu.memref_slice %arg7[%add3A_1667, %dma_wait3A_1679, %dma_wait3A_1680] : memref<4096x77x512xf32, #tpu.memory_space<hbm>> -> memref<1x77x256xf32, #tpu.memory_space<hbm>>
        %dma_wait3A_1682 = tpu.memref_squeeze %dma_wait3A_1681 : memref<1x77x256xf32, #tpu.memory_space<hbm>> -> memref<77x256xf32, #tpu.memory_space<hbm>>
        %dma_wait3A_1683 = tpu.memref_slice %arg11[%rem3A_1673] : memref<16x!tpu.dma_semaphore, #tpu.memory_space<semaphore_mem>> -> memref<1x!tpu.dma_semaphore, #tpu.memory_space<semaphore_mem>>
        %dma_wait3A_1684 = tpu.memref_squeeze %dma_wait3A_1683 : memref<1x!tpu.dma_semaphore, #tpu.memory_space<semaphore_mem>> -> memref<!tpu.dma_semaphore, #tpu.memory_space<semaphore_mem>>
        %dma_wait3A_1685 = arith.constant 0 : i32
        %dma_wait3A_1686 = arith.constant 0 : i32
        %dma_wait3A_1687 = tpu.memref_slice %arg7[%add3A_1667, %dma_wait3A_1685, %dma_wait3A_1686] : memref<4096x77x512xf32, #tpu.memory_space<hbm>> -> memref<1x77x256xf32, #tpu.memory_space<hbm>>
        %dma_wait3A_1688 = tpu.memref_squeeze %dma_wait3A_1687 : memref<1x77x256xf32, #tpu.memory_space<hbm>> -> memref<77x256xf32, #tpu.memory_space<hbm>>
        %dma_wait3A_1689 = arith.constant 0 : i32
        %dma_wait3A_1690 = arith.constant 0 : i32
        %dma_wait3A_1691 = tpu.memref_slice %arg8[%dma_wait3A_1674, %dma_wait3A_1689, %dma_wait3A_1690] : memref<2x77x512xf32, #tpu.memory_space<vmem>> -> memref<1x77x256xf32, #tpu.memory_space<vmem>>
        %dma_wait3A_1692 = tpu.memref_squeeze %dma_wait3A_1691 : memref<1x77x256xf32, #tpu.memory_space<vmem>> -> memref<77x256xf32, #tpu.memory_space<vmem>>
        tpu.wait_dma2 semaphore(%dma_wait3A_1684 : memref<!tpu.dma_semaphore, #tpu.memory_space<semaphore_mem>>) src(%dma_wait3A_1692 : memref<77x256xf32, #tpu.memory_space<vmem>>) dst(%dma_wait3A_1688 : memref<77x256xf32, #tpu.memory_space<hbm>>)
        %sub3A_1693 = arith.constant 8 : i32
        %sub3A_1694 = arith.subi %add3A_855, %sub3A_1693 : i32
        %add3A_1695 = arith.addi %mul3A_2, %sub3A_1694 : i32
        %mul3A_1696 = arith.constant 2 : i32
        %mul3A_1697 = arith.muli %mul3A_1696, %sub3A_1694 : i32
        %add3A_1698 = arith.constant 1 : i32
        %add3A_1699 = arith.addi %mul3A_1697, %add3A_1698 : i32
        %rem3A_1700 = arith.constant 16 : i32
        %rem3A_1701 = arith.remsi %add3A_1699, %rem3A_1700 : i32
        %dma_wait3A_1702 = arith.constant 0 : i32
        %dma_wait3A_1703 = arith.constant 0 : i32
        %dma_wait3A_1704 = arith.constant 256 : i32
        %dma_wait3A_1705 = tpu.memref_slice %arg8[%dma_wait3A_1702, %dma_wait3A_1703, %dma_wait3A_1704] : memref<2x77x512xf32, #tpu.memory_space<vmem>> -> memref<1x77x256xf32, #tpu.memory_space<vmem>>
        %dma_wait3A_1706 = tpu.memref_squeeze %dma_wait3A_1705 : memref<1x77x256xf32, #tpu.memory_space<vmem>> -> memref<77x256xf32, #tpu.memory_space<vmem>>
        %dma_wait3A_1707 = arith.constant 0 : i32
        %dma_wait3A_1708 = arith.constant 256 : i32
        %dma_wait3A_1709 = tpu.memref_slice %arg7[%add3A_1695, %dma_wait3A_1707, %dma_wait3A_1708] : memref<4096x77x512xf32, #tpu.memory_space<hbm>> -> memref<1x77x256xf32, #tpu.memory_space<hbm>>
        %dma_wait3A_1710 = tpu.memref_squeeze %dma_wait3A_1709 : memref<1x77x256xf32, #tpu.memory_space<hbm>> -> memref<77x256xf32, #tpu.memory_space<hbm>>
        %dma_wait3A_1711 = tpu.memref_slice %arg11[%rem3A_1701] : memref<16x!tpu.dma_semaphore, #tpu.memory_space<semaphore_mem>> -> memref<1x!tpu.dma_semaphore, #tpu.memory_space<semaphore_mem>>
        %dma_wait3A_1712 = tpu.memref_squeeze %dma_wait3A_1711 : memref<1x!tpu.dma_semaphore, #tpu.memory_space<semaphore_mem>> -> memref<!tpu.dma_semaphore, #tpu.memory_space<semaphore_mem>>
        %dma_wait3A_1713 = arith.constant 0 : i32
        %dma_wait3A_1714 = arith.constant 256 : i32
        %dma_wait3A_1715 = tpu.memref_slice %arg7[%add3A_1695, %dma_wait3A_1713, %dma_wait3A_1714] : memref<4096x77x512xf32, #tpu.memory_space<hbm>> -> memref<1x77x256xf32, #tpu.memory_space<hbm>>
        %dma_wait3A_1716 = tpu.memref_squeeze %dma_wait3A_1715 : memref<1x77x256xf32, #tpu.memory_space<hbm>> -> memref<77x256xf32, #tpu.memory_space<hbm>>
        %dma_wait3A_1717 = arith.constant 0 : i32
        %dma_wait3A_1718 = arith.constant 256 : i32
        %dma_wait3A_1719 = tpu.memref_slice %arg8[%dma_wait3A_1702, %dma_wait3A_1717, %dma_wait3A_1718] : memref<2x77x512xf32, #tpu.memory_space<vmem>> -> memref<1x77x256xf32, #tpu.memory_space<vmem>>
        %dma_wait3A_1720 = tpu.memref_squeeze %dma_wait3A_1719 : memref<1x77x256xf32, #tpu.memory_space<vmem>> -> memref<77x256xf32, #tpu.memory_space<vmem>>
        tpu.wait_dma2 semaphore(%dma_wait3A_1712 : memref<!tpu.dma_semaphore, #tpu.memory_space<semaphore_mem>>) src(%dma_wait3A_1720 : memref<77x256xf32, #tpu.memory_space<vmem>>) dst(%dma_wait3A_1716 : memref<77x256xf32, #tpu.memory_space<hbm>>)
      } else {
      }
      %iota3A_861 = tpu.iota {dimensions = array<i32: 0>} : vector<16xi32>
      %eq3A_862 = arith.constant 5 : i32
      %eq3A_863 = vector.broadcast %eq3A_862 : i32 to vector<16xi32>
      %eq3A_864 = arith.cmpi eq, %iota3A_861, %eq3A_863 : vector<16xi32>
      %jit3A_865 = arith.constant -1 : i32
      %broadcast_in_dim3A_866 = vector.broadcast %jit3A_865 : i32 to vector<16xi32>
      %select_n3A_867 = arith.select %eq3A_864, %get3A_485, %broadcast_in_dim3A_866 : vector<16xi1>, vector<16xi32>
      %reduce_max3A_868 = arith.constant true
      %reduce_max3A_869 = vector.broadcast %reduce_max3A_868 : i1 to vector<16xi1>
      %reduce_max3A_870 = arith.constant -2147483648 : i32
      %reduce_max3A_871 = vector.broadcast %reduce_max3A_870 : i32 to vector<16xi32>
      %reduce_max3A_872 = arith.xori %select_n3A_867, %reduce_max3A_871 : vector<16xi32>
      %reduce_max3A_873 = tpu.scan <max>, %reduce_max3A_872 masked %reduce_max3A_869 : vector<16xi32>, vector<16xi1> -> vector<16xi32>
      %reduce_max3A_874 = arith.xori %reduce_max3A_873, %reduce_max3A_871 : vector<16xi32>
      %reduce_max3A_875 = vector.extract %reduce_max3A_874[15] : i32 from vector<16xi32>
      %add3A_876 = arith.addi %mul3A_2, %add3A_855 : i32
      %mul3A_877 = arith.constant 2 : i32
      %mul3A_878 = arith.muli %mul3A_877, %add3A_855 : i32
      %add3A_879 = arith.constant 0 : i32
      %add3A_880 = arith.addi %mul3A_878, %add3A_879 : i32
      %rem3A_881 = arith.constant 16 : i32
      %rem3A_882 = arith.remsi %add3A_880, %rem3A_881 : i32
      %dma_start3A_883 = arith.constant 0 : i32
      %dma_start3A_884 = arith.constant 0 : i32
      %dma_start3A_885 = tpu.memref_slice %arg8[%reduce_max3A_875, %dma_start3A_883, %dma_start3A_884] : memref<2x77x512xf32, #tpu.memory_space<vmem>> -> memref<1x77x256xf32, #tpu.memory_space<vmem>>
      %dma_start3A_886 = tpu.memref_squeeze %dma_start3A_885 : memref<1x77x256xf32, #tpu.memory_space<vmem>> -> memref<77x256xf32, #tpu.memory_space<vmem>>
      %dma_start3A_887 = arith.constant 0 : i32
      %dma_start3A_888 = arith.constant 0 : i32
      %dma_start3A_889 = tpu.memref_slice %arg7[%add3A_876, %dma_start3A_887, %dma_start3A_888] : memref<4096x77x512xf32, #tpu.memory_space<hbm>> -> memref<1x77x256xf32, #tpu.memory_space<hbm>>
      %dma_start3A_890 = tpu.memref_squeeze %dma_start3A_889 : memref<1x77x256xf32, #tpu.memory_space<hbm>> -> memref<77x256xf32, #tpu.memory_space<hbm>>
      %dma_start3A_891 = tpu.memref_slice %arg11[%rem3A_882] : memref<16x!tpu.dma_semaphore, #tpu.memory_space<semaphore_mem>> -> memref<1x!tpu.dma_semaphore, #tpu.memory_space<semaphore_mem>>
      %dma_start3A_892 = tpu.memref_squeeze %dma_start3A_891 : memref<1x!tpu.dma_semaphore, #tpu.memory_space<semaphore_mem>> -> memref<!tpu.dma_semaphore, #tpu.memory_space<semaphore_mem>>
      %dma_start3A_893 = arith.constant 0 : i32
      %dma_start3A_894 = arith.constant 0 : i32
      %dma_start3A_895 = tpu.memref_slice %arg7[%add3A_876, %dma_start3A_893, %dma_start3A_894] : memref<4096x77x512xf32, #tpu.memory_space<hbm>> -> memref<1x77x256xf32, #tpu.memory_space<hbm>>
      %dma_start3A_896 = tpu.memref_squeeze %dma_start3A_895 : memref<1x77x256xf32, #tpu.memory_space<hbm>> -> memref<77x256xf32, #tpu.memory_space<hbm>>
      %dma_start3A_897 = arith.constant 0 : i32
      %dma_start3A_898 = arith.constant 0 : i32
      %dma_start3A_899 = tpu.memref_slice %arg8[%reduce_max3A_875, %dma_start3A_897, %dma_start3A_898] : memref<2x77x512xf32, #tpu.memory_space<vmem>> -> memref<1x77x256xf32, #tpu.memory_space<vmem>>
      %dma_start3A_900 = tpu.memref_squeeze %dma_start3A_899 : memref<1x77x256xf32, #tpu.memory_space<vmem>> -> memref<77x256xf32, #tpu.memory_space<vmem>>
      tpu.enqueue_dma source(%dma_start3A_900 : memref<77x256xf32, #tpu.memory_space<vmem>>) target(%dma_start3A_896 : memref<77x256xf32, #tpu.memory_space<hbm>>) target_semaphore(%dma_start3A_892 : memref<!tpu.dma_semaphore, #tpu.memory_space<semaphore_mem>>)
      %add3A_901 = arith.addi %mul3A_2, %add3A_855 : i32
      %mul3A_902 = arith.constant 2 : i32
      %mul3A_903 = arith.muli %mul3A_902, %add3A_855 : i32
      %add3A_904 = arith.constant 1 : i32
      %add3A_905 = arith.addi %mul3A_903, %add3A_904 : i32
      %rem3A_906 = arith.constant 16 : i32
      %rem3A_907 = arith.remsi %add3A_905, %rem3A_906 : i32
      %dma_start3A_908 = arith.constant 0 : i32
      %dma_start3A_909 = arith.constant 256 : i32
      %dma_start3A_910 = tpu.memref_slice %arg8[%reduce_max3A_875, %dma_start3A_908, %dma_start3A_909] : memref<2x77x512xf32, #tpu.memory_space<vmem>> -> memref<1x77x256xf32, #tpu.memory_space<vmem>>
      %dma_start3A_911 = tpu.memref_squeeze %dma_start3A_910 : memref<1x77x256xf32, #tpu.memory_space<vmem>> -> memref<77x256xf32, #tpu.memory_space<vmem>>
      %dma_start3A_912 = arith.constant 0 : i32
      %dma_start3A_913 = arith.constant 256 : i32
      %dma_start3A_914 = tpu.memref_slice %arg7[%add3A_901, %dma_start3A_912, %dma_start3A_913] : memref<4096x77x512xf32, #tpu.memory_space<hbm>> -> memref<1x77x256xf32, #tpu.memory_space<hbm>>
      %dma_start3A_915 = tpu.memref_squeeze %dma_start3A_914 : memref<1x77x256xf32, #tpu.memory_space<hbm>> -> memref<77x256xf32, #tpu.memory_space<hbm>>
      %dma_start3A_916 = tpu.memref_slice %arg11[%rem3A_907] : memref<16x!tpu.dma_semaphore, #tpu.memory_space<semaphore_mem>> -> memref<1x!tpu.dma_semaphore, #tpu.memory_space<semaphore_mem>>
      %dma_start3A_917 = tpu.memref_squeeze %dma_start3A_916 : memref<1x!tpu.dma_semaphore, #tpu.memory_space<semaphore_mem>> -> memref<!tpu.dma_semaphore, #tpu.memory_space<semaphore_mem>>
      %dma_start3A_918 = arith.constant 0 : i32
      %dma_start3A_919 = arith.constant 256 : i32
      %dma_start3A_920 = tpu.memref_slice %arg7[%add3A_901, %dma_start3A_918, %dma_start3A_919] : memref<4096x77x512xf32, #tpu.memory_space<hbm>> -> memref<1x77x256xf32, #tpu.memory_space<hbm>>
      %dma_start3A_921 = tpu.memref_squeeze %dma_start3A_920 : memref<1x77x256xf32, #tpu.memory_space<hbm>> -> memref<77x256xf32, #tpu.memory_space<hbm>>
      %dma_start3A_922 = arith.constant 0 : i32
      %dma_start3A_923 = arith.constant 256 : i32
      %dma_start3A_924 = tpu.memref_slice %arg8[%reduce_max3A_875, %dma_start3A_922, %dma_start3A_923] : memref<2x77x512xf32, #tpu.memory_space<vmem>> -> memref<1x77x256xf32, #tpu.memory_space<vmem>>
      %dma_start3A_925 = tpu.memref_squeeze %dma_start3A_924 : memref<1x77x256xf32, #tpu.memory_space<vmem>> -> memref<77x256xf32, #tpu.memory_space<vmem>>
      tpu.enqueue_dma source(%dma_start3A_925 : memref<77x256xf32, #tpu.memory_space<vmem>>) target(%dma_start3A_921 : memref<77x256xf32, #tpu.memory_space<hbm>>) target_semaphore(%dma_start3A_917 : memref<!tpu.dma_semaphore, #tpu.memory_space<semaphore_mem>>)
      %mul3A_926 = arith.constant 16 : i32
      %mul3A_927 = arith.muli %scan3A_481, %mul3A_926 : i32
      %add3A_928 = arith.constant 6 : i32
      %add3A_929 = arith.addi %mul3A_927, %add3A_928 : i32
      %ge3A_930 = arith.constant 8 : i32
      %ge3A_931 = arith.cmpi sge, %add3A_929, %ge3A_930 : i32
      %convert_element_type3A_932 = arith.extui %ge3A_931 : i1 to i32
      %cond3A_933 = arith.constant 0 : i32
      %cond3A_934 = arith.cmpi ne, %convert_element_type3A_932, %cond3A_933 : i32
      scf.if %cond3A_934 {
        %sub3A = arith.constant 8 : i32
        %sub3A_1666 = arith.subi %add3A_929, %sub3A : i32
        %add3A_1667 = arith.addi %mul3A_2, %sub3A_1666 : i32
        %mul3A_1668 = arith.constant 2 : i32
        %mul3A_1669 = arith.muli %mul3A_1668, %sub3A_1666 : i32
        %add3A_1670 = arith.constant 0 : i32
        %add3A_1671 = arith.addi %mul3A_1669, %add3A_1670 : i32
        %rem3A_1672 = arith.constant 16 : i32
        %rem3A_1673 = arith.remsi %add3A_1671, %rem3A_1672 : i32
        %dma_wait3A_1674 = arith.constant 0 : i32
        %dma_wait3A_1675 = arith.constant 0 : i32
        %dma_wait3A_1676 = arith.constant 0 : i32
        %dma_wait3A_1677 = tpu.memref_slice %arg8[%dma_wait3A_1674, %dma_wait3A_1675, %dma_wait3A_1676] : memref<2x77x512xf32, #tpu.memory_space<vmem>> -> memref<1x77x256xf32, #tpu.memory_space<vmem>>
        %dma_wait3A_1678 = tpu.memref_squeeze %dma_wait3A_1677 : memref<1x77x256xf32, #tpu.memory_space<vmem>> -> memref<77x256xf32, #tpu.memory_space<vmem>>
        %dma_wait3A_1679 = arith.constant 0 : i32
        %dma_wait3A_1680 = arith.constant 0 : i32
        %dma_wait3A_1681 = tpu.memref_slice %arg7[%add3A_1667, %dma_wait3A_1679, %dma_wait3A_1680] : memref<4096x77x512xf32, #tpu.memory_space<hbm>> -> memref<1x77x256xf32, #tpu.memory_space<hbm>>
        %dma_wait3A_1682 = tpu.memref_squeeze %dma_wait3A_1681 : memref<1x77x256xf32, #tpu.memory_space<hbm>> -> memref<77x256xf32, #tpu.memory_space<hbm>>
        %dma_wait3A_1683 = tpu.memref_slice %arg11[%rem3A_1673] : memref<16x!tpu.dma_semaphore, #tpu.memory_space<semaphore_mem>> -> memref<1x!tpu.dma_semaphore, #tpu.memory_space<semaphore_mem>>
        %dma_wait3A_1684 = tpu.memref_squeeze %dma_wait3A_1683 : memref<1x!tpu.dma_semaphore, #tpu.memory_space<semaphore_mem>> -> memref<!tpu.dma_semaphore, #tpu.memory_space<semaphore_mem>>
        %dma_wait3A_1685 = arith.constant 0 : i32
        %dma_wait3A_1686 = arith.constant 0 : i32
        %dma_wait3A_1687 = tpu.memref_slice %arg7[%add3A_1667, %dma_wait3A_1685, %dma_wait3A_1686] : memref<4096x77x512xf32, #tpu.memory_space<hbm>> -> memref<1x77x256xf32, #tpu.memory_space<hbm>>
        %dma_wait3A_1688 = tpu.memref_squeeze %dma_wait3A_1687 : memref<1x77x256xf32, #tpu.memory_space<hbm>> -> memref<77x256xf32, #tpu.memory_space<hbm>>
        %dma_wait3A_1689 = arith.constant 0 : i32
        %dma_wait3A_1690 = arith.constant 0 : i32
        %dma_wait3A_1691 = tpu.memref_slice %arg8[%dma_wait3A_1674, %dma_wait3A_1689, %dma_wait3A_1690] : memref<2x77x512xf32, #tpu.memory_space<vmem>> -> memref<1x77x256xf32, #tpu.memory_space<vmem>>
        %dma_wait3A_1692 = tpu.memref_squeeze %dma_wait3A_1691 : memref<1x77x256xf32, #tpu.memory_space<vmem>> -> memref<77x256xf32, #tpu.memory_space<vmem>>
        tpu.wait_dma2 semaphore(%dma_wait3A_1684 : memref<!tpu.dma_semaphore, #tpu.memory_space<semaphore_mem>>) src(%dma_wait3A_1692 : memref<77x256xf32, #tpu.memory_space<vmem>>) dst(%dma_wait3A_1688 : memref<77x256xf32, #tpu.memory_space<hbm>>)
        %sub3A_1693 = arith.constant 8 : i32
        %sub3A_1694 = arith.subi %add3A_929, %sub3A_1693 : i32
        %add3A_1695 = arith.addi %mul3A_2, %sub3A_1694 : i32
        %mul3A_1696 = arith.constant 2 : i32
        %mul3A_1697 = arith.muli %mul3A_1696, %sub3A_1694 : i32
        %add3A_1698 = arith.constant 1 : i32
        %add3A_1699 = arith.addi %mul3A_1697, %add3A_1698 : i32
        %rem3A_1700 = arith.constant 16 : i32
        %rem3A_1701 = arith.remsi %add3A_1699, %rem3A_1700 : i32
        %dma_wait3A_1702 = arith.constant 0 : i32
        %dma_wait3A_1703 = arith.constant 0 : i32
        %dma_wait3A_1704 = arith.constant 256 : i32
        %dma_wait3A_1705 = tpu.memref_slice %arg8[%dma_wait3A_1702, %dma_wait3A_1703, %dma_wait3A_1704] : memref<2x77x512xf32, #tpu.memory_space<vmem>> -> memref<1x77x256xf32, #tpu.memory_space<vmem>>
        %dma_wait3A_1706 = tpu.memref_squeeze %dma_wait3A_1705 : memref<1x77x256xf32, #tpu.memory_space<vmem>> -> memref<77x256xf32, #tpu.memory_space<vmem>>
        %dma_wait3A_1707 = arith.constant 0 : i32
        %dma_wait3A_1708 = arith.constant 256 : i32
        %dma_wait3A_1709 = tpu.memref_slice %arg7[%add3A_1695, %dma_wait3A_1707, %dma_wait3A_1708] : memref<4096x77x512xf32, #tpu.memory_space<hbm>> -> memref<1x77x256xf32, #tpu.memory_space<hbm>>
        %dma_wait3A_1710 = tpu.memref_squeeze %dma_wait3A_1709 : memref<1x77x256xf32, #tpu.memory_space<hbm>> -> memref<77x256xf32, #tpu.memory_space<hbm>>
        %dma_wait3A_1711 = tpu.memref_slice %arg11[%rem3A_1701] : memref<16x!tpu.dma_semaphore, #tpu.memory_space<semaphore_mem>> -> memref<1x!tpu.dma_semaphore, #tpu.memory_space<semaphore_mem>>
        %dma_wait3A_1712 = tpu.memref_squeeze %dma_wait3A_1711 : memref<1x!tpu.dma_semaphore, #tpu.memory_space<semaphore_mem>> -> memref<!tpu.dma_semaphore, #tpu.memory_space<semaphore_mem>>
        %dma_wait3A_1713 = arith.constant 0 : i32
        %dma_wait3A_1714 = arith.constant 256 : i32
        %dma_wait3A_1715 = tpu.memref_slice %arg7[%add3A_1695, %dma_wait3A_1713, %dma_wait3A_1714] : memref<4096x77x512xf32, #tpu.memory_space<hbm>> -> memref<1x77x256xf32, #tpu.memory_space<hbm>>
        %dma_wait3A_1716 = tpu.memref_squeeze %dma_wait3A_1715 : memref<1x77x256xf32, #tpu.memory_space<hbm>> -> memref<77x256xf32, #tpu.memory_space<hbm>>
        %dma_wait3A_1717 = arith.constant 0 : i32
        %dma_wait3A_1718 = arith.constant 256 : i32
        %dma_wait3A_1719 = tpu.memref_slice %arg8[%dma_wait3A_1702, %dma_wait3A_1717, %dma_wait3A_1718] : memref<2x77x512xf32, #tpu.memory_space<vmem>> -> memref<1x77x256xf32, #tpu.memory_space<vmem>>
        %dma_wait3A_1720 = tpu.memref_squeeze %dma_wait3A_1719 : memref<1x77x256xf32, #tpu.memory_space<vmem>> -> memref<77x256xf32, #tpu.memory_space<vmem>>
        tpu.wait_dma2 semaphore(%dma_wait3A_1712 : memref<!tpu.dma_semaphore, #tpu.memory_space<semaphore_mem>>) src(%dma_wait3A_1720 : memref<77x256xf32, #tpu.memory_space<vmem>>) dst(%dma_wait3A_1716 : memref<77x256xf32, #tpu.memory_space<hbm>>)
      } else {
      }
      %iota3A_935 = tpu.iota {dimensions = array<i32: 0>} : vector<16xi32>
      %eq3A_936 = arith.constant 6 : i32
      %eq3A_937 = vector.broadcast %eq3A_936 : i32 to vector<16xi32>
      %eq3A_938 = arith.cmpi eq, %iota3A_935, %eq3A_937 : vector<16xi32>
      %jit3A_939 = arith.constant -1 : i32
      %broadcast_in_dim3A_940 = vector.broadcast %jit3A_939 : i32 to vector<16xi32>
      %select_n3A_941 = arith.select %eq3A_938, %get3A_485, %broadcast_in_dim3A_940 : vector<16xi1>, vector<16xi32>
      %reduce_max3A_942 = arith.constant true
      %reduce_max3A_943 = vector.broadcast %reduce_max3A_942 : i1 to vector<16xi1>
      %reduce_max3A_944 = arith.constant -2147483648 : i32
      %reduce_max3A_945 = vector.broadcast %reduce_max3A_944 : i32 to vector<16xi32>
      %reduce_max3A_946 = arith.xori %select_n3A_941, %reduce_max3A_945 : vector<16xi32>
      %reduce_max3A_947 = tpu.scan <max>, %reduce_max3A_946 masked %reduce_max3A_943 : vector<16xi32>, vector<16xi1> -> vector<16xi32>
      %reduce_max3A_948 = arith.xori %reduce_max3A_947, %reduce_max3A_945 : vector<16xi32>
      %reduce_max3A_949 = vector.extract %reduce_max3A_948[15] : i32 from vector<16xi32>
      %add3A_950 = arith.addi %mul3A_2, %add3A_929 : i32
      %mul3A_951 = arith.constant 2 : i32
      %mul3A_952 = arith.muli %mul3A_951, %add3A_929 : i32
      %add3A_953 = arith.constant 0 : i32
      %add3A_954 = arith.addi %mul3A_952, %add3A_953 : i32
      %rem3A_955 = arith.constant 16 : i32
      %rem3A_956 = arith.remsi %add3A_954, %rem3A_955 : i32
      %dma_start3A_957 = arith.constant 0 : i32
      %dma_start3A_958 = arith.constant 0 : i32
      %dma_start3A_959 = tpu.memref_slice %arg8[%reduce_max3A_949, %dma_start3A_957, %dma_start3A_958] : memref<2x77x512xf32, #tpu.memory_space<vmem>> -> memref<1x77x256xf32, #tpu.memory_space<vmem>>
      %dma_start3A_960 = tpu.memref_squeeze %dma_start3A_959 : memref<1x77x256xf32, #tpu.memory_space<vmem>> -> memref<77x256xf32, #tpu.memory_space<vmem>>
      %dma_start3A_961 = arith.constant 0 : i32
      %dma_start3A_962 = arith.constant 0 : i32
      %dma_start3A_963 = tpu.memref_slice %arg7[%add3A_950, %dma_start3A_961, %dma_start3A_962] : memref<4096x77x512xf32, #tpu.memory_space<hbm>> -> memref<1x77x256xf32, #tpu.memory_space<hbm>>
      %dma_start3A_964 = tpu.memref_squeeze %dma_start3A_963 : memref<1x77x256xf32, #tpu.memory_space<hbm>> -> memref<77x256xf32, #tpu.memory_space<hbm>>
      %dma_start3A_965 = tpu.memref_slice %arg11[%rem3A_956] : memref<16x!tpu.dma_semaphore, #tpu.memory_space<semaphore_mem>> -> memref<1x!tpu.dma_semaphore, #tpu.memory_space<semaphore_mem>>
      %dma_start3A_966 = tpu.memref_squeeze %dma_start3A_965 : memref<1x!tpu.dma_semaphore, #tpu.memory_space<semaphore_mem>> -> memref<!tpu.dma_semaphore, #tpu.memory_space<semaphore_mem>>
      %dma_start3A_967 = arith.constant 0 : i32
      %dma_start3A_968 = arith.constant 0 : i32
      %dma_start3A_969 = tpu.memref_slice %arg7[%add3A_950, %dma_start3A_967, %dma_start3A_968] : memref<4096x77x512xf32, #tpu.memory_space<hbm>> -> memref<1x77x256xf32, #tpu.memory_space<hbm>>
      %dma_start3A_970 = tpu.memref_squeeze %dma_start3A_969 : memref<1x77x256xf32, #tpu.memory_space<hbm>> -> memref<77x256xf32, #tpu.memory_space<hbm>>
      %dma_start3A_971 = arith.constant 0 : i32
      %dma_start3A_972 = arith.constant 0 : i32
      %dma_start3A_973 = tpu.memref_slice %arg8[%reduce_max3A_949, %dma_start3A_971, %dma_start3A_972] : memref<2x77x512xf32, #tpu.memory_space<vmem>> -> memref<1x77x256xf32, #tpu.memory_space<vmem>>
      %dma_start3A_974 = tpu.memref_squeeze %dma_start3A_973 : memref<1x77x256xf32, #tpu.memory_space<vmem>> -> memref<77x256xf32, #tpu.memory_space<vmem>>
      tpu.enqueue_dma source(%dma_start3A_974 : memref<77x256xf32, #tpu.memory_space<vmem>>) target(%dma_start3A_970 : memref<77x256xf32, #tpu.memory_space<hbm>>) target_semaphore(%dma_start3A_966 : memref<!tpu.dma_semaphore, #tpu.memory_space<semaphore_mem>>)
      %add3A_975 = arith.addi %mul3A_2, %add3A_929 : i32
      %mul3A_976 = arith.constant 2 : i32
      %mul3A_977 = arith.muli %mul3A_976, %add3A_929 : i32
      %add3A_978 = arith.constant 1 : i32
      %add3A_979 = arith.addi %mul3A_977, %add3A_978 : i32
      %rem3A_980 = arith.constant 16 : i32
      %rem3A_981 = arith.remsi %add3A_979, %rem3A_980 : i32
      %dma_start3A_982 = arith.constant 0 : i32
      %dma_start3A_983 = arith.constant 256 : i32
      %dma_start3A_984 = tpu.memref_slice %arg8[%reduce_max3A_949, %dma_start3A_982, %dma_start3A_983] : memref<2x77x512xf32, #tpu.memory_space<vmem>> -> memref<1x77x256xf32, #tpu.memory_space<vmem>>
      %dma_start3A_985 = tpu.memref_squeeze %dma_start3A_984 : memref<1x77x256xf32, #tpu.memory_space<vmem>> -> memref<77x256xf32, #tpu.memory_space<vmem>>
      %dma_start3A_986 = arith.constant 0 : i32
      %dma_start3A_987 = arith.constant 256 : i32
      %dma_start3A_988 = tpu.memref_slice %arg7[%add3A_975, %dma_start3A_986, %dma_start3A_987] : memref<4096x77x512xf32, #tpu.memory_space<hbm>> -> memref<1x77x256xf32, #tpu.memory_space<hbm>>
      %dma_start3A_989 = tpu.memref_squeeze %dma_start3A_988 : memref<1x77x256xf32, #tpu.memory_space<hbm>> -> memref<77x256xf32, #tpu.memory_space<hbm>>
      %dma_start3A_990 = tpu.memref_slice %arg11[%rem3A_981] : memref<16x!tpu.dma_semaphore, #tpu.memory_space<semaphore_mem>> -> memref<1x!tpu.dma_semaphore, #tpu.memory_space<semaphore_mem>>
      %dma_start3A_991 = tpu.memref_squeeze %dma_start3A_990 : memref<1x!tpu.dma_semaphore, #tpu.memory_space<semaphore_mem>> -> memref<!tpu.dma_semaphore, #tpu.memory_space<semaphore_mem>>
      %dma_start3A_992 = arith.constant 0 : i32
      %dma_start3A_993 = arith.constant 256 : i32
      %dma_start3A_994 = tpu.memref_slice %arg7[%add3A_975, %dma_start3A_992, %dma_start3A_993] : memref<4096x77x512xf32, #tpu.memory_space<hbm>> -> memref<1x77x256xf32, #tpu.memory_space<hbm>>
      %dma_start3A_995 = tpu.memref_squeeze %dma_start3A_994 : memref<1x77x256xf32, #tpu.memory_space<hbm>> -> memref<77x256xf32, #tpu.memory_space<hbm>>
      %dma_start3A_996 = arith.constant 0 : i32
      %dma_start3A_997 = arith.constant 256 : i32
      %dma_start3A_998 = tpu.memref_slice %arg8[%reduce_max3A_949, %dma_start3A_996, %dma_start3A_997] : memref<2x77x512xf32, #tpu.memory_space<vmem>> -> memref<1x77x256xf32, #tpu.memory_space<vmem>>
      %dma_start3A_999 = tpu.memref_squeeze %dma_start3A_998 : memref<1x77x256xf32, #tpu.memory_space<vmem>> -> memref<77x256xf32, #tpu.memory_space<vmem>>
      tpu.enqueue_dma source(%dma_start3A_999 : memref<77x256xf32, #tpu.memory_space<vmem>>) target(%dma_start3A_995 : memref<77x256xf32, #tpu.memory_space<hbm>>) target_semaphore(%dma_start3A_991 : memref<!tpu.dma_semaphore, #tpu.memory_space<semaphore_mem>>)
      %mul3A_1000 = arith.constant 16 : i32
      %mul3A_1001 = arith.muli %scan3A_481, %mul3A_1000 : i32
      %add3A_1002 = arith.constant 7 : i32
      %add3A_1003 = arith.addi %mul3A_1001, %add3A_1002 : i32
      %ge3A_1004 = arith.constant 8 : i32
      %ge3A_1005 = arith.cmpi sge, %add3A_1003, %ge3A_1004 : i32
      %convert_element_type3A_1006 = arith.extui %ge3A_1005 : i1 to i32
      %cond3A_1007 = arith.constant 0 : i32
      %cond3A_1008 = arith.cmpi ne, %convert_element_type3A_1006, %cond3A_1007 : i32
      scf.if %cond3A_1008 {
        %sub3A = arith.constant 8 : i32
        %sub3A_1666 = arith.subi %add3A_1003, %sub3A : i32
        %add3A_1667 = arith.addi %mul3A_2, %sub3A_1666 : i32
        %mul3A_1668 = arith.constant 2 : i32
        %mul3A_1669 = arith.muli %mul3A_1668, %sub3A_1666 : i32
        %add3A_1670 = arith.constant 0 : i32
        %add3A_1671 = arith.addi %mul3A_1669, %add3A_1670 : i32
        %rem3A_1672 = arith.constant 16 : i32
        %rem3A_1673 = arith.remsi %add3A_1671, %rem3A_1672 : i32
        %dma_wait3A_1674 = arith.constant 0 : i32
        %dma_wait3A_1675 = arith.constant 0 : i32
        %dma_wait3A_1676 = arith.constant 0 : i32
        %dma_wait3A_1677 = tpu.memref_slice %arg8[%dma_wait3A_1674, %dma_wait3A_1675, %dma_wait3A_1676] : memref<2x77x512xf32, #tpu.memory_space<vmem>> -> memref<1x77x256xf32, #tpu.memory_space<vmem>>
        %dma_wait3A_1678 = tpu.memref_squeeze %dma_wait3A_1677 : memref<1x77x256xf32, #tpu.memory_space<vmem>> -> memref<77x256xf32, #tpu.memory_space<vmem>>
        %dma_wait3A_1679 = arith.constant 0 : i32
        %dma_wait3A_1680 = arith.constant 0 : i32
        %dma_wait3A_1681 = tpu.memref_slice %arg7[%add3A_1667, %dma_wait3A_1679, %dma_wait3A_1680] : memref<4096x77x512xf32, #tpu.memory_space<hbm>> -> memref<1x77x256xf32, #tpu.memory_space<hbm>>
        %dma_wait3A_1682 = tpu.memref_squeeze %dma_wait3A_1681 : memref<1x77x256xf32, #tpu.memory_space<hbm>> -> memref<77x256xf32, #tpu.memory_space<hbm>>
        %dma_wait3A_1683 = tpu.memref_slice %arg11[%rem3A_1673] : memref<16x!tpu.dma_semaphore, #tpu.memory_space<semaphore_mem>> -> memref<1x!tpu.dma_semaphore, #tpu.memory_space<semaphore_mem>>
        %dma_wait3A_1684 = tpu.memref_squeeze %dma_wait3A_1683 : memref<1x!tpu.dma_semaphore, #tpu.memory_space<semaphore_mem>> -> memref<!tpu.dma_semaphore, #tpu.memory_space<semaphore_mem>>
        %dma_wait3A_1685 = arith.constant 0 : i32
        %dma_wait3A_1686 = arith.constant 0 : i32
        %dma_wait3A_1687 = tpu.memref_slice %arg7[%add3A_1667, %dma_wait3A_1685, %dma_wait3A_1686] : memref<4096x77x512xf32, #tpu.memory_space<hbm>> -> memref<1x77x256xf32, #tpu.memory_space<hbm>>
        %dma_wait3A_1688 = tpu.memref_squeeze %dma_wait3A_1687 : memref<1x77x256xf32, #tpu.memory_space<hbm>> -> memref<77x256xf32, #tpu.memory_space<hbm>>
        %dma_wait3A_1689 = arith.constant 0 : i32
        %dma_wait3A_1690 = arith.constant 0 : i32
        %dma_wait3A_1691 = tpu.memref_slice %arg8[%dma_wait3A_1674, %dma_wait3A_1689, %dma_wait3A_1690] : memref<2x77x512xf32, #tpu.memory_space<vmem>> -> memref<1x77x256xf32, #tpu.memory_space<vmem>>
        %dma_wait3A_1692 = tpu.memref_squeeze %dma_wait3A_1691 : memref<1x77x256xf32, #tpu.memory_space<vmem>> -> memref<77x256xf32, #tpu.memory_space<vmem>>
        tpu.wait_dma2 semaphore(%dma_wait3A_1684 : memref<!tpu.dma_semaphore, #tpu.memory_space<semaphore_mem>>) src(%dma_wait3A_1692 : memref<77x256xf32, #tpu.memory_space<vmem>>) dst(%dma_wait3A_1688 : memref<77x256xf32, #tpu.memory_space<hbm>>)
        %sub3A_1693 = arith.constant 8 : i32
        %sub3A_1694 = arith.subi %add3A_1003, %sub3A_1693 : i32
        %add3A_1695 = arith.addi %mul3A_2, %sub3A_1694 : i32
        %mul3A_1696 = arith.constant 2 : i32
        %mul3A_1697 = arith.muli %mul3A_1696, %sub3A_1694 : i32
        %add3A_1698 = arith.constant 1 : i32
        %add3A_1699 = arith.addi %mul3A_1697, %add3A_1698 : i32
        %rem3A_1700 = arith.constant 16 : i32
        %rem3A_1701 = arith.remsi %add3A_1699, %rem3A_1700 : i32
        %dma_wait3A_1702 = arith.constant 0 : i32
        %dma_wait3A_1703 = arith.constant 0 : i32
        %dma_wait3A_1704 = arith.constant 256 : i32
        %dma_wait3A_1705 = tpu.memref_slice %arg8[%dma_wait3A_1702, %dma_wait3A_1703, %dma_wait3A_1704] : memref<2x77x512xf32, #tpu.memory_space<vmem>> -> memref<1x77x256xf32, #tpu.memory_space<vmem>>
        %dma_wait3A_1706 = tpu.memref_squeeze %dma_wait3A_1705 : memref<1x77x256xf32, #tpu.memory_space<vmem>> -> memref<77x256xf32, #tpu.memory_space<vmem>>
        %dma_wait3A_1707 = arith.constant 0 : i32
        %dma_wait3A_1708 = arith.constant 256 : i32
        %dma_wait3A_1709 = tpu.memref_slice %arg7[%add3A_1695, %dma_wait3A_1707, %dma_wait3A_1708] : memref<4096x77x512xf32, #tpu.memory_space<hbm>> -> memref<1x77x256xf32, #tpu.memory_space<hbm>>
        %dma_wait3A_1710 = tpu.memref_squeeze %dma_wait3A_1709 : memref<1x77x256xf32, #tpu.memory_space<hbm>> -> memref<77x256xf32, #tpu.memory_space<hbm>>
        %dma_wait3A_1711 = tpu.memref_slice %arg11[%rem3A_1701] : memref<16x!tpu.dma_semaphore, #tpu.memory_space<semaphore_mem>> -> memref<1x!tpu.dma_semaphore, #tpu.memory_space<semaphore_mem>>
        %dma_wait3A_1712 = tpu.memref_squeeze %dma_wait3A_1711 : memref<1x!tpu.dma_semaphore, #tpu.memory_space<semaphore_mem>> -> memref<!tpu.dma_semaphore, #tpu.memory_space<semaphore_mem>>
        %dma_wait3A_1713 = arith.constant 0 : i32
        %dma_wait3A_1714 = arith.constant 256 : i32
        %dma_wait3A_1715 = tpu.memref_slice %arg7[%add3A_1695, %dma_wait3A_1713, %dma_wait3A_1714] : memref<4096x77x512xf32, #tpu.memory_space<hbm>> -> memref<1x77x256xf32, #tpu.memory_space<hbm>>
        %dma_wait3A_1716 = tpu.memref_squeeze %dma_wait3A_1715 : memref<1x77x256xf32, #tpu.memory_space<hbm>> -> memref<77x256xf32, #tpu.memory_space<hbm>>
        %dma_wait3A_1717 = arith.constant 0 : i32
        %dma_wait3A_1718 = arith.constant 256 : i32
        %dma_wait3A_1719 = tpu.memref_slice %arg8[%dma_wait3A_1702, %dma_wait3A_1717, %dma_wait3A_1718] : memref<2x77x512xf32, #tpu.memory_space<vmem>> -> memref<1x77x256xf32, #tpu.memory_space<vmem>>
        %dma_wait3A_1720 = tpu.memref_squeeze %dma_wait3A_1719 : memref<1x77x256xf32, #tpu.memory_space<vmem>> -> memref<77x256xf32, #tpu.memory_space<vmem>>
        tpu.wait_dma2 semaphore(%dma_wait3A_1712 : memref<!tpu.dma_semaphore, #tpu.memory_space<semaphore_mem>>) src(%dma_wait3A_1720 : memref<77x256xf32, #tpu.memory_space<vmem>>) dst(%dma_wait3A_1716 : memref<77x256xf32, #tpu.memory_space<hbm>>)
      } else {
      }
      %iota3A_1009 = tpu.iota {dimensions = array<i32: 0>} : vector<16xi32>
      %eq3A_1010 = arith.constant 7 : i32
      %eq3A_1011 = vector.broadcast %eq3A_1010 : i32 to vector<16xi32>
      %eq3A_1012 = arith.cmpi eq, %iota3A_1009, %eq3A_1011 : vector<16xi32>
      %jit3A_1013 = arith.constant -1 : i32
      %broadcast_in_dim3A_1014 = vector.broadcast %jit3A_1013 : i32 to vector<16xi32>
      %select_n3A_1015 = arith.select %eq3A_1012, %get3A_485, %broadcast_in_dim3A_1014 : vector<16xi1>, vector<16xi32>
      %reduce_max3A_1016 = arith.constant true
      %reduce_max3A_1017 = vector.broadcast %reduce_max3A_1016 : i1 to vector<16xi1>
      %reduce_max3A_1018 = arith.constant -2147483648 : i32
      %reduce_max3A_1019 = vector.broadcast %reduce_max3A_1018 : i32 to vector<16xi32>
      %reduce_max3A_1020 = arith.xori %select_n3A_1015, %reduce_max3A_1019 : vector<16xi32>
      %reduce_max3A_1021 = tpu.scan <max>, %reduce_max3A_1020 masked %reduce_max3A_1017 : vector<16xi32>, vector<16xi1> -> vector<16xi32>
      %reduce_max3A_1022 = arith.xori %reduce_max3A_1021, %reduce_max3A_1019 : vector<16xi32>
      %reduce_max3A_1023 = vector.extract %reduce_max3A_1022[15] : i32 from vector<16xi32>
      %add3A_1024 = arith.addi %mul3A_2, %add3A_1003 : i32
      %mul3A_1025 = arith.constant 2 : i32
      %mul3A_1026 = arith.muli %mul3A_1025, %add3A_1003 : i32
      %add3A_1027 = arith.constant 0 : i32
      %add3A_1028 = arith.addi %mul3A_1026, %add3A_1027 : i32
      %rem3A_1029 = arith.constant 16 : i32
      %rem3A_1030 = arith.remsi %add3A_1028, %rem3A_1029 : i32
      %dma_start3A_1031 = arith.constant 0 : i32
      %dma_start3A_1032 = arith.constant 0 : i32
      %dma_start3A_1033 = tpu.memref_slice %arg8[%reduce_max3A_1023, %dma_start3A_1031, %dma_start3A_1032] : memref<2x77x512xf32, #tpu.memory_space<vmem>> -> memref<1x77x256xf32, #tpu.memory_space<vmem>>
      %dma_start3A_1034 = tpu.memref_squeeze %dma_start3A_1033 : memref<1x77x256xf32, #tpu.memory_space<vmem>> -> memref<77x256xf32, #tpu.memory_space<vmem>>
      %dma_start3A_1035 = arith.constant 0 : i32
      %dma_start3A_1036 = arith.constant 0 : i32
      %dma_start3A_1037 = tpu.memref_slice %arg7[%add3A_1024, %dma_start3A_1035, %dma_start3A_1036] : memref<4096x77x512xf32, #tpu.memory_space<hbm>> -> memref<1x77x256xf32, #tpu.memory_space<hbm>>
      %dma_start3A_1038 = tpu.memref_squeeze %dma_start3A_1037 : memref<1x77x256xf32, #tpu.memory_space<hbm>> -> memref<77x256xf32, #tpu.memory_space<hbm>>
      %dma_start3A_1039 = tpu.memref_slice %arg11[%rem3A_1030] : memref<16x!tpu.dma_semaphore, #tpu.memory_space<semaphore_mem>> -> memref<1x!tpu.dma_semaphore, #tpu.memory_space<semaphore_mem>>
      %dma_start3A_1040 = tpu.memref_squeeze %dma_start3A_1039 : memref<1x!tpu.dma_semaphore, #tpu.memory_space<semaphore_mem>> -> memref<!tpu.dma_semaphore, #tpu.memory_space<semaphore_mem>>
      %dma_start3A_1041 = arith.constant 0 : i32
      %dma_start3A_1042 = arith.constant 0 : i32
      %dma_start3A_1043 = tpu.memref_slice %arg7[%add3A_1024, %dma_start3A_1041, %dma_start3A_1042] : memref<4096x77x512xf32, #tpu.memory_space<hbm>> -> memref<1x77x256xf32, #tpu.memory_space<hbm>>
      %dma_start3A_1044 = tpu.memref_squeeze %dma_start3A_1043 : memref<1x77x256xf32, #tpu.memory_space<hbm>> -> memref<77x256xf32, #tpu.memory_space<hbm>>
      %dma_start3A_1045 = arith.constant 0 : i32
      %dma_start3A_1046 = arith.constant 0 : i32
      %dma_start3A_1047 = tpu.memref_slice %arg8[%reduce_max3A_1023, %dma_start3A_1045, %dma_start3A_1046] : memref<2x77x512xf32, #tpu.memory_space<vmem>> -> memref<1x77x256xf32, #tpu.memory_space<vmem>>
      %dma_start3A_1048 = tpu.memref_squeeze %dma_start3A_1047 : memref<1x77x256xf32, #tpu.memory_space<vmem>> -> memref<77x256xf32, #tpu.memory_space<vmem>>
      tpu.enqueue_dma source(%dma_start3A_1048 : memref<77x256xf32, #tpu.memory_space<vmem>>) target(%dma_start3A_1044 : memref<77x256xf32, #tpu.memory_space<hbm>>) target_semaphore(%dma_start3A_1040 : memref<!tpu.dma_semaphore, #tpu.memory_space<semaphore_mem>>)
      %add3A_1049 = arith.addi %mul3A_2, %add3A_1003 : i32
      %mul3A_1050 = arith.constant 2 : i32
      %mul3A_1051 = arith.muli %mul3A_1050, %add3A_1003 : i32
      %add3A_1052 = arith.constant 1 : i32
      %add3A_1053 = arith.addi %mul3A_1051, %add3A_1052 : i32
      %rem3A_1054 = arith.constant 16 : i32
      %rem3A_1055 = arith.remsi %add3A_1053, %rem3A_1054 : i32
      %dma_start3A_1056 = arith.constant 0 : i32
      %dma_start3A_1057 = arith.constant 256 : i32
      %dma_start3A_1058 = tpu.memref_slice %arg8[%reduce_max3A_1023, %dma_start3A_1056, %dma_start3A_1057] : memref<2x77x512xf32, #tpu.memory_space<vmem>> -> memref<1x77x256xf32, #tpu.memory_space<vmem>>
      %dma_start3A_1059 = tpu.memref_squeeze %dma_start3A_1058 : memref<1x77x256xf32, #tpu.memory_space<vmem>> -> memref<77x256xf32, #tpu.memory_space<vmem>>
      %dma_start3A_1060 = arith.constant 0 : i32
      %dma_start3A_1061 = arith.constant 256 : i32
      %dma_start3A_1062 = tpu.memref_slice %arg7[%add3A_1049, %dma_start3A_1060, %dma_start3A_1061] : memref<4096x77x512xf32, #tpu.memory_space<hbm>> -> memref<1x77x256xf32, #tpu.memory_space<hbm>>
      %dma_start3A_1063 = tpu.memref_squeeze %dma_start3A_1062 : memref<1x77x256xf32, #tpu.memory_space<hbm>> -> memref<77x256xf32, #tpu.memory_space<hbm>>
      %dma_start3A_1064 = tpu.memref_slice %arg11[%rem3A_1055] : memref<16x!tpu.dma_semaphore, #tpu.memory_space<semaphore_mem>> -> memref<1x!tpu.dma_semaphore, #tpu.memory_space<semaphore_mem>>
      %dma_start3A_1065 = tpu.memref_squeeze %dma_start3A_1064 : memref<1x!tpu.dma_semaphore, #tpu.memory_space<semaphore_mem>> -> memref<!tpu.dma_semaphore, #tpu.memory_space<semaphore_mem>>
      %dma_start3A_1066 = arith.constant 0 : i32
      %dma_start3A_1067 = arith.constant 256 : i32
      %dma_start3A_1068 = tpu.memref_slice %arg7[%add3A_1049, %dma_start3A_1066, %dma_start3A_1067] : memref<4096x77x512xf32, #tpu.memory_space<hbm>> -> memref<1x77x256xf32, #tpu.memory_space<hbm>>
      %dma_start3A_1069 = tpu.memref_squeeze %dma_start3A_1068 : memref<1x77x256xf32, #tpu.memory_space<hbm>> -> memref<77x256xf32, #tpu.memory_space<hbm>>
      %dma_start3A_1070 = arith.constant 0 : i32
      %dma_start3A_1071 = arith.constant 256 : i32
      %dma_start3A_1072 = tpu.memref_slice %arg8[%reduce_max3A_1023, %dma_start3A_1070, %dma_start3A_1071] : memref<2x77x512xf32, #tpu.memory_space<vmem>> -> memref<1x77x256xf32, #tpu.memory_space<vmem>>
      %dma_start3A_1073 = tpu.memref_squeeze %dma_start3A_1072 : memref<1x77x256xf32, #tpu.memory_space<vmem>> -> memref<77x256xf32, #tpu.memory_space<vmem>>
      tpu.enqueue_dma source(%dma_start3A_1073 : memref<77x256xf32, #tpu.memory_space<vmem>>) target(%dma_start3A_1069 : memref<77x256xf32, #tpu.memory_space<hbm>>) target_semaphore(%dma_start3A_1065 : memref<!tpu.dma_semaphore, #tpu.memory_space<semaphore_mem>>)
      %mul3A_1074 = arith.constant 16 : i32
      %mul3A_1075 = arith.muli %scan3A_481, %mul3A_1074 : i32
      %add3A_1076 = arith.constant 8 : i32
      %add3A_1077 = arith.addi %mul3A_1075, %add3A_1076 : i32
      %ge3A_1078 = arith.constant 8 : i32
      %ge3A_1079 = arith.cmpi sge, %add3A_1077, %ge3A_1078 : i32
      %convert_element_type3A_1080 = arith.extui %ge3A_1079 : i1 to i32
      %cond3A_1081 = arith.constant 0 : i32
      %cond3A_1082 = arith.cmpi ne, %convert_element_type3A_1080, %cond3A_1081 : i32
      scf.if %cond3A_1082 {
        %sub3A = arith.constant 8 : i32
        %sub3A_1666 = arith.subi %add3A_1077, %sub3A : i32
        %add3A_1667 = arith.addi %mul3A_2, %sub3A_1666 : i32
        %mul3A_1668 = arith.constant 2 : i32
        %mul3A_1669 = arith.muli %mul3A_1668, %sub3A_1666 : i32
        %add3A_1670 = arith.constant 0 : i32
        %add3A_1671 = arith.addi %mul3A_1669, %add3A_1670 : i32
        %rem3A_1672 = arith.constant 16 : i32
        %rem3A_1673 = arith.remsi %add3A_1671, %rem3A_1672 : i32
        %dma_wait3A_1674 = arith.constant 0 : i32
        %dma_wait3A_1675 = arith.constant 0 : i32
        %dma_wait3A_1676 = arith.constant 0 : i32
        %dma_wait3A_1677 = tpu.memref_slice %arg8[%dma_wait3A_1674, %dma_wait3A_1675, %dma_wait3A_1676] : memref<2x77x512xf32, #tpu.memory_space<vmem>> -> memref<1x77x256xf32, #tpu.memory_space<vmem>>
        %dma_wait3A_1678 = tpu.memref_squeeze %dma_wait3A_1677 : memref<1x77x256xf32, #tpu.memory_space<vmem>> -> memref<77x256xf32, #tpu.memory_space<vmem>>
        %dma_wait3A_1679 = arith.constant 0 : i32
        %dma_wait3A_1680 = arith.constant 0 : i32
        %dma_wait3A_1681 = tpu.memref_slice %arg7[%add3A_1667, %dma_wait3A_1679, %dma_wait3A_1680] : memref<4096x77x512xf32, #tpu.memory_space<hbm>> -> memref<1x77x256xf32, #tpu.memory_space<hbm>>
        %dma_wait3A_1682 = tpu.memref_squeeze %dma_wait3A_1681 : memref<1x77x256xf32, #tpu.memory_space<hbm>> -> memref<77x256xf32, #tpu.memory_space<hbm>>
        %dma_wait3A_1683 = tpu.memref_slice %arg11[%rem3A_1673] : memref<16x!tpu.dma_semaphore, #tpu.memory_space<semaphore_mem>> -> memref<1x!tpu.dma_semaphore, #tpu.memory_space<semaphore_mem>>
        %dma_wait3A_1684 = tpu.memref_squeeze %dma_wait3A_1683 : memref<1x!tpu.dma_semaphore, #tpu.memory_space<semaphore_mem>> -> memref<!tpu.dma_semaphore, #tpu.memory_space<semaphore_mem>>
        %dma_wait3A_1685 = arith.constant 0 : i32
        %dma_wait3A_1686 = arith.constant 0 : i32
        %dma_wait3A_1687 = tpu.memref_slice %arg7[%add3A_1667, %dma_wait3A_1685, %dma_wait3A_1686] : memref<4096x77x512xf32, #tpu.memory_space<hbm>> -> memref<1x77x256xf32, #tpu.memory_space<hbm>>
        %dma_wait3A_1688 = tpu.memref_squeeze %dma_wait3A_1687 : memref<1x77x256xf32, #tpu.memory_space<hbm>> -> memref<77x256xf32, #tpu.memory_space<hbm>>
        %dma_wait3A_1689 = arith.constant 0 : i32
        %dma_wait3A_1690 = arith.constant 0 : i32
        %dma_wait3A_1691 = tpu.memref_slice %arg8[%dma_wait3A_1674, %dma_wait3A_1689, %dma_wait3A_1690] : memref<2x77x512xf32, #tpu.memory_space<vmem>> -> memref<1x77x256xf32, #tpu.memory_space<vmem>>
        %dma_wait3A_1692 = tpu.memref_squeeze %dma_wait3A_1691 : memref<1x77x256xf32, #tpu.memory_space<vmem>> -> memref<77x256xf32, #tpu.memory_space<vmem>>
        tpu.wait_dma2 semaphore(%dma_wait3A_1684 : memref<!tpu.dma_semaphore, #tpu.memory_space<semaphore_mem>>) src(%dma_wait3A_1692 : memref<77x256xf32, #tpu.memory_space<vmem>>) dst(%dma_wait3A_1688 : memref<77x256xf32, #tpu.memory_space<hbm>>)
        %sub3A_1693 = arith.constant 8 : i32
        %sub3A_1694 = arith.subi %add3A_1077, %sub3A_1693 : i32
        %add3A_1695 = arith.addi %mul3A_2, %sub3A_1694 : i32
        %mul3A_1696 = arith.constant 2 : i32
        %mul3A_1697 = arith.muli %mul3A_1696, %sub3A_1694 : i32
        %add3A_1698 = arith.constant 1 : i32
        %add3A_1699 = arith.addi %mul3A_1697, %add3A_1698 : i32
        %rem3A_1700 = arith.constant 16 : i32
        %rem3A_1701 = arith.remsi %add3A_1699, %rem3A_1700 : i32
        %dma_wait3A_1702 = arith.constant 0 : i32
        %dma_wait3A_1703 = arith.constant 0 : i32
        %dma_wait3A_1704 = arith.constant 256 : i32
        %dma_wait3A_1705 = tpu.memref_slice %arg8[%dma_wait3A_1702, %dma_wait3A_1703, %dma_wait3A_1704] : memref<2x77x512xf32, #tpu.memory_space<vmem>> -> memref<1x77x256xf32, #tpu.memory_space<vmem>>
        %dma_wait3A_1706 = tpu.memref_squeeze %dma_wait3A_1705 : memref<1x77x256xf32, #tpu.memory_space<vmem>> -> memref<77x256xf32, #tpu.memory_space<vmem>>
        %dma_wait3A_1707 = arith.constant 0 : i32
        %dma_wait3A_1708 = arith.constant 256 : i32
        %dma_wait3A_1709 = tpu.memref_slice %arg7[%add3A_1695, %dma_wait3A_1707, %dma_wait3A_1708] : memref<4096x77x512xf32, #tpu.memory_space<hbm>> -> memref<1x77x256xf32, #tpu.memory_space<hbm>>
        %dma_wait3A_1710 = tpu.memref_squeeze %dma_wait3A_1709 : memref<1x77x256xf32, #tpu.memory_space<hbm>> -> memref<77x256xf32, #tpu.memory_space<hbm>>
        %dma_wait3A_1711 = tpu.memref_slice %arg11[%rem3A_1701] : memref<16x!tpu.dma_semaphore, #tpu.memory_space<semaphore_mem>> -> memref<1x!tpu.dma_semaphore, #tpu.memory_space<semaphore_mem>>
        %dma_wait3A_1712 = tpu.memref_squeeze %dma_wait3A_1711 : memref<1x!tpu.dma_semaphore, #tpu.memory_space<semaphore_mem>> -> memref<!tpu.dma_semaphore, #tpu.memory_space<semaphore_mem>>
        %dma_wait3A_1713 = arith.constant 0 : i32
        %dma_wait3A_1714 = arith.constant 256 : i32
        %dma_wait3A_1715 = tpu.memref_slice %arg7[%add3A_1695, %dma_wait3A_1713, %dma_wait3A_1714] : memref<4096x77x512xf32, #tpu.memory_space<hbm>> -> memref<1x77x256xf32, #tpu.memory_space<hbm>>
        %dma_wait3A_1716 = tpu.memref_squeeze %dma_wait3A_1715 : memref<1x77x256xf32, #tpu.memory_space<hbm>> -> memref<77x256xf32, #tpu.memory_space<hbm>>
        %dma_wait3A_1717 = arith.constant 0 : i32
        %dma_wait3A_1718 = arith.constant 256 : i32
        %dma_wait3A_1719 = tpu.memref_slice %arg8[%dma_wait3A_1702, %dma_wait3A_1717, %dma_wait3A_1718] : memref<2x77x512xf32, #tpu.memory_space<vmem>> -> memref<1x77x256xf32, #tpu.memory_space<vmem>>
        %dma_wait3A_1720 = tpu.memref_squeeze %dma_wait3A_1719 : memref<1x77x256xf32, #tpu.memory_space<vmem>> -> memref<77x256xf32, #tpu.memory_space<vmem>>
        tpu.wait_dma2 semaphore(%dma_wait3A_1712 : memref<!tpu.dma_semaphore, #tpu.memory_space<semaphore_mem>>) src(%dma_wait3A_1720 : memref<77x256xf32, #tpu.memory_space<vmem>>) dst(%dma_wait3A_1716 : memref<77x256xf32, #tpu.memory_space<hbm>>)
      } else {
      }
      %iota3A_1083 = tpu.iota {dimensions = array<i32: 0>} : vector<16xi32>
      %eq3A_1084 = arith.constant 8 : i32
      %eq3A_1085 = vector.broadcast %eq3A_1084 : i32 to vector<16xi32>
      %eq3A_1086 = arith.cmpi eq, %iota3A_1083, %eq3A_1085 : vector<16xi32>
      %jit3A_1087 = arith.constant -1 : i32
      %broadcast_in_dim3A_1088 = vector.broadcast %jit3A_1087 : i32 to vector<16xi32>
      %select_n3A_1089 = arith.select %eq3A_1086, %get3A_485, %broadcast_in_dim3A_1088 : vector<16xi1>, vector<16xi32>
      %reduce_max3A_1090 = arith.constant true
      %reduce_max3A_1091 = vector.broadcast %reduce_max3A_1090 : i1 to vector<16xi1>
      %reduce_max3A_1092 = arith.constant -2147483648 : i32
      %reduce_max3A_1093 = vector.broadcast %reduce_max3A_1092 : i32 to vector<16xi32>
      %reduce_max3A_1094 = arith.xori %select_n3A_1089, %reduce_max3A_1093 : vector<16xi32>
      %reduce_max3A_1095 = tpu.scan <max>, %reduce_max3A_1094 masked %reduce_max3A_1091 : vector<16xi32>, vector<16xi1> -> vector<16xi32>
      %reduce_max3A_1096 = arith.xori %reduce_max3A_1095, %reduce_max3A_1093 : vector<16xi32>
      %reduce_max3A_1097 = vector.extract %reduce_max3A_1096[15] : i32 from vector<16xi32>
      %add3A_1098 = arith.addi %mul3A_2, %add3A_1077 : i32
      %mul3A_1099 = arith.constant 2 : i32
      %mul3A_1100 = arith.muli %mul3A_1099, %add3A_1077 : i32
      %add3A_1101 = arith.constant 0 : i32
      %add3A_1102 = arith.addi %mul3A_1100, %add3A_1101 : i32
      %rem3A_1103 = arith.constant 16 : i32
      %rem3A_1104 = arith.remsi %add3A_1102, %rem3A_1103 : i32
      %dma_start3A_1105 = arith.constant 0 : i32
      %dma_start3A_1106 = arith.constant 0 : i32
      %dma_start3A_1107 = tpu.memref_slice %arg8[%reduce_max3A_1097, %dma_start3A_1105, %dma_start3A_1106] : memref<2x77x512xf32, #tpu.memory_space<vmem>> -> memref<1x77x256xf32, #tpu.memory_space<vmem>>
      %dma_start3A_1108 = tpu.memref_squeeze %dma_start3A_1107 : memref<1x77x256xf32, #tpu.memory_space<vmem>> -> memref<77x256xf32, #tpu.memory_space<vmem>>
      %dma_start3A_1109 = arith.constant 0 : i32
      %dma_start3A_1110 = arith.constant 0 : i32
      %dma_start3A_1111 = tpu.memref_slice %arg7[%add3A_1098, %dma_start3A_1109, %dma_start3A_1110] : memref<4096x77x512xf32, #tpu.memory_space<hbm>> -> memref<1x77x256xf32, #tpu.memory_space<hbm>>
      %dma_start3A_1112 = tpu.memref_squeeze %dma_start3A_1111 : memref<1x77x256xf32, #tpu.memory_space<hbm>> -> memref<77x256xf32, #tpu.memory_space<hbm>>
      %dma_start3A_1113 = tpu.memref_slice %arg11[%rem3A_1104] : memref<16x!tpu.dma_semaphore, #tpu.memory_space<semaphore_mem>> -> memref<1x!tpu.dma_semaphore, #tpu.memory_space<semaphore_mem>>
      %dma_start3A_1114 = tpu.memref_squeeze %dma_start3A_1113 : memref<1x!tpu.dma_semaphore, #tpu.memory_space<semaphore_mem>> -> memref<!tpu.dma_semaphore, #tpu.memory_space<semaphore_mem>>
      %dma_start3A_1115 = arith.constant 0 : i32
      %dma_start3A_1116 = arith.constant 0 : i32
      %dma_start3A_1117 = tpu.memref_slice %arg7[%add3A_1098, %dma_start3A_1115, %dma_start3A_1116] : memref<4096x77x512xf32, #tpu.memory_space<hbm>> -> memref<1x77x256xf32, #tpu.memory_space<hbm>>
      %dma_start3A_1118 = tpu.memref_squeeze %dma_start3A_1117 : memref<1x77x256xf32, #tpu.memory_space<hbm>> -> memref<77x256xf32, #tpu.memory_space<hbm>>
      %dma_start3A_1119 = arith.constant 0 : i32
      %dma_start3A_1120 = arith.constant 0 : i32
      %dma_start3A_1121 = tpu.memref_slice %arg8[%reduce_max3A_1097, %dma_start3A_1119, %dma_start3A_1120] : memref<2x77x512xf32, #tpu.memory_space<vmem>> -> memref<1x77x256xf32, #tpu.memory_space<vmem>>
      %dma_start3A_1122 = tpu.memref_squeeze %dma_start3A_1121 : memref<1x77x256xf32, #tpu.memory_space<vmem>> -> memref<77x256xf32, #tpu.memory_space<vmem>>
      tpu.enqueue_dma source(%dma_start3A_1122 : memref<77x256xf32, #tpu.memory_space<vmem>>) target(%dma_start3A_1118 : memref<77x256xf32, #tpu.memory_space<hbm>>) target_semaphore(%dma_start3A_1114 : memref<!tpu.dma_semaphore, #tpu.memory_space<semaphore_mem>>)
      %add3A_1123 = arith.addi %mul3A_2, %add3A_1077 : i32
      %mul3A_1124 = arith.constant 2 : i32
      %mul3A_1125 = arith.muli %mul3A_1124, %add3A_1077 : i32
      %add3A_1126 = arith.constant 1 : i32
      %add3A_1127 = arith.addi %mul3A_1125, %add3A_1126 : i32
      %rem3A_1128 = arith.constant 16 : i32
      %rem3A_1129 = arith.remsi %add3A_1127, %rem3A_1128 : i32
      %dma_start3A_1130 = arith.constant 0 : i32
      %dma_start3A_1131 = arith.constant 256 : i32
      %dma_start3A_1132 = tpu.memref_slice %arg8[%reduce_max3A_1097, %dma_start3A_1130, %dma_start3A_1131] : memref<2x77x512xf32, #tpu.memory_space<vmem>> -> memref<1x77x256xf32, #tpu.memory_space<vmem>>
      %dma_start3A_1133 = tpu.memref_squeeze %dma_start3A_1132 : memref<1x77x256xf32, #tpu.memory_space<vmem>> -> memref<77x256xf32, #tpu.memory_space<vmem>>
      %dma_start3A_1134 = arith.constant 0 : i32
      %dma_start3A_1135 = arith.constant 256 : i32
      %dma_start3A_1136 = tpu.memref_slice %arg7[%add3A_1123, %dma_start3A_1134, %dma_start3A_1135] : memref<4096x77x512xf32, #tpu.memory_space<hbm>> -> memref<1x77x256xf32, #tpu.memory_space<hbm>>
      %dma_start3A_1137 = tpu.memref_squeeze %dma_start3A_1136 : memref<1x77x256xf32, #tpu.memory_space<hbm>> -> memref<77x256xf32, #tpu.memory_space<hbm>>
      %dma_start3A_1138 = tpu.memref_slice %arg11[%rem3A_1129] : memref<16x!tpu.dma_semaphore, #tpu.memory_space<semaphore_mem>> -> memref<1x!tpu.dma_semaphore, #tpu.memory_space<semaphore_mem>>
      %dma_start3A_1139 = tpu.memref_squeeze %dma_start3A_1138 : memref<1x!tpu.dma_semaphore, #tpu.memory_space<semaphore_mem>> -> memref<!tpu.dma_semaphore, #tpu.memory_space<semaphore_mem>>
      %dma_start3A_1140 = arith.constant 0 : i32
      %dma_start3A_1141 = arith.constant 256 : i32
      %dma_start3A_1142 = tpu.memref_slice %arg7[%add3A_1123, %dma_start3A_1140, %dma_start3A_1141] : memref<4096x77x512xf32, #tpu.memory_space<hbm>> -> memref<1x77x256xf32, #tpu.memory_space<hbm>>
      %dma_start3A_1143 = tpu.memref_squeeze %dma_start3A_1142 : memref<1x77x256xf32, #tpu.memory_space<hbm>> -> memref<77x256xf32, #tpu.memory_space<hbm>>
      %dma_start3A_1144 = arith.constant 0 : i32
      %dma_start3A_1145 = arith.constant 256 : i32
      %dma_start3A_1146 = tpu.memref_slice %arg8[%reduce_max3A_1097, %dma_start3A_1144, %dma_start3A_1145] : memref<2x77x512xf32, #tpu.memory_space<vmem>> -> memref<1x77x256xf32, #tpu.memory_space<vmem>>
      %dma_start3A_1147 = tpu.memref_squeeze %dma_start3A_1146 : memref<1x77x256xf32, #tpu.memory_space<vmem>> -> memref<77x256xf32, #tpu.memory_space<vmem>>
      tpu.enqueue_dma source(%dma_start3A_1147 : memref<77x256xf32, #tpu.memory_space<vmem>>) target(%dma_start3A_1143 : memref<77x256xf32, #tpu.memory_space<hbm>>) target_semaphore(%dma_start3A_1139 : memref<!tpu.dma_semaphore, #tpu.memory_space<semaphore_mem>>)
      %mul3A_1148 = arith.constant 16 : i32
      %mul3A_1149 = arith.muli %scan3A_481, %mul3A_1148 : i32
      %add3A_1150 = arith.constant 9 : i32
      %add3A_1151 = arith.addi %mul3A_1149, %add3A_1150 : i32
      %ge3A_1152 = arith.constant 8 : i32
      %ge3A_1153 = arith.cmpi sge, %add3A_1151, %ge3A_1152 : i32
      %convert_element_type3A_1154 = arith.extui %ge3A_1153 : i1 to i32
      %cond3A_1155 = arith.constant 0 : i32
      %cond3A_1156 = arith.cmpi ne, %convert_element_type3A_1154, %cond3A_1155 : i32
      scf.if %cond3A_1156 {
        %sub3A = arith.constant 8 : i32
        %sub3A_1666 = arith.subi %add3A_1151, %sub3A : i32
        %add3A_1667 = arith.addi %mul3A_2, %sub3A_1666 : i32
        %mul3A_1668 = arith.constant 2 : i32
        %mul3A_1669 = arith.muli %mul3A_1668, %sub3A_1666 : i32
        %add3A_1670 = arith.constant 0 : i32
        %add3A_1671 = arith.addi %mul3A_1669, %add3A_1670 : i32
        %rem3A_1672 = arith.constant 16 : i32
        %rem3A_1673 = arith.remsi %add3A_1671, %rem3A_1672 : i32
        %dma_wait3A_1674 = arith.constant 0 : i32
        %dma_wait3A_1675 = arith.constant 0 : i32
        %dma_wait3A_1676 = arith.constant 0 : i32
        %dma_wait3A_1677 = tpu.memref_slice %arg8[%dma_wait3A_1674, %dma_wait3A_1675, %dma_wait3A_1676] : memref<2x77x512xf32, #tpu.memory_space<vmem>> -> memref<1x77x256xf32, #tpu.memory_space<vmem>>
        %dma_wait3A_1678 = tpu.memref_squeeze %dma_wait3A_1677 : memref<1x77x256xf32, #tpu.memory_space<vmem>> -> memref<77x256xf32, #tpu.memory_space<vmem>>
        %dma_wait3A_1679 = arith.constant 0 : i32
        %dma_wait3A_1680 = arith.constant 0 : i32
        %dma_wait3A_1681 = tpu.memref_slice %arg7[%add3A_1667, %dma_wait3A_1679, %dma_wait3A_1680] : memref<4096x77x512xf32, #tpu.memory_space<hbm>> -> memref<1x77x256xf32, #tpu.memory_space<hbm>>
        %dma_wait3A_1682 = tpu.memref_squeeze %dma_wait3A_1681 : memref<1x77x256xf32, #tpu.memory_space<hbm>> -> memref<77x256xf32, #tpu.memory_space<hbm>>
        %dma_wait3A_1683 = tpu.memref_slice %arg11[%rem3A_1673] : memref<16x!tpu.dma_semaphore, #tpu.memory_space<semaphore_mem>> -> memref<1x!tpu.dma_semaphore, #tpu.memory_space<semaphore_mem>>
        %dma_wait3A_1684 = tpu.memref_squeeze %dma_wait3A_1683 : memref<1x!tpu.dma_semaphore, #tpu.memory_space<semaphore_mem>> -> memref<!tpu.dma_semaphore, #tpu.memory_space<semaphore_mem>>
        %dma_wait3A_1685 = arith.constant 0 : i32
        %dma_wait3A_1686 = arith.constant 0 : i32
        %dma_wait3A_1687 = tpu.memref_slice %arg7[%add3A_1667, %dma_wait3A_1685, %dma_wait3A_1686] : memref<4096x77x512xf32, #tpu.memory_space<hbm>> -> memref<1x77x256xf32, #tpu.memory_space<hbm>>
        %dma_wait3A_1688 = tpu.memref_squeeze %dma_wait3A_1687 : memref<1x77x256xf32, #tpu.memory_space<hbm>> -> memref<77x256xf32, #tpu.memory_space<hbm>>
        %dma_wait3A_1689 = arith.constant 0 : i32
        %dma_wait3A_1690 = arith.constant 0 : i32
        %dma_wait3A_1691 = tpu.memref_slice %arg8[%dma_wait3A_1674, %dma_wait3A_1689, %dma_wait3A_1690] : memref<2x77x512xf32, #tpu.memory_space<vmem>> -> memref<1x77x256xf32, #tpu.memory_space<vmem>>
        %dma_wait3A_1692 = tpu.memref_squeeze %dma_wait3A_1691 : memref<1x77x256xf32, #tpu.memory_space<vmem>> -> memref<77x256xf32, #tpu.memory_space<vmem>>
        tpu.wait_dma2 semaphore(%dma_wait3A_1684 : memref<!tpu.dma_semaphore, #tpu.memory_space<semaphore_mem>>) src(%dma_wait3A_1692 : memref<77x256xf32, #tpu.memory_space<vmem>>) dst(%dma_wait3A_1688 : memref<77x256xf32, #tpu.memory_space<hbm>>)
        %sub3A_1693 = arith.constant 8 : i32
        %sub3A_1694 = arith.subi %add3A_1151, %sub3A_1693 : i32
        %add3A_1695 = arith.addi %mul3A_2, %sub3A_1694 : i32
        %mul3A_1696 = arith.constant 2 : i32
        %mul3A_1697 = arith.muli %mul3A_1696, %sub3A_1694 : i32
        %add3A_1698 = arith.constant 1 : i32
        %add3A_1699 = arith.addi %mul3A_1697, %add3A_1698 : i32
        %rem3A_1700 = arith.constant 16 : i32
        %rem3A_1701 = arith.remsi %add3A_1699, %rem3A_1700 : i32
        %dma_wait3A_1702 = arith.constant 0 : i32
        %dma_wait3A_1703 = arith.constant 0 : i32
        %dma_wait3A_1704 = arith.constant 256 : i32
        %dma_wait3A_1705 = tpu.memref_slice %arg8[%dma_wait3A_1702, %dma_wait3A_1703, %dma_wait3A_1704] : memref<2x77x512xf32, #tpu.memory_space<vmem>> -> memref<1x77x256xf32, #tpu.memory_space<vmem>>
        %dma_wait3A_1706 = tpu.memref_squeeze %dma_wait3A_1705 : memref<1x77x256xf32, #tpu.memory_space<vmem>> -> memref<77x256xf32, #tpu.memory_space<vmem>>
        %dma_wait3A_1707 = arith.constant 0 : i32
        %dma_wait3A_1708 = arith.constant 256 : i32
        %dma_wait3A_1709 = tpu.memref_slice %arg7[%add3A_1695, %dma_wait3A_1707, %dma_wait3A_1708] : memref<4096x77x512xf32, #tpu.memory_space<hbm>> -> memref<1x77x256xf32, #tpu.memory_space<hbm>>
        %dma_wait3A_1710 = tpu.memref_squeeze %dma_wait3A_1709 : memref<1x77x256xf32, #tpu.memory_space<hbm>> -> memref<77x256xf32, #tpu.memory_space<hbm>>
        %dma_wait3A_1711 = tpu.memref_slice %arg11[%rem3A_1701] : memref<16x!tpu.dma_semaphore, #tpu.memory_space<semaphore_mem>> -> memref<1x!tpu.dma_semaphore, #tpu.memory_space<semaphore_mem>>
        %dma_wait3A_1712 = tpu.memref_squeeze %dma_wait3A_1711 : memref<1x!tpu.dma_semaphore, #tpu.memory_space<semaphore_mem>> -> memref<!tpu.dma_semaphore, #tpu.memory_space<semaphore_mem>>
        %dma_wait3A_1713 = arith.constant 0 : i32
        %dma_wait3A_1714 = arith.constant 256 : i32
        %dma_wait3A_1715 = tpu.memref_slice %arg7[%add3A_1695, %dma_wait3A_1713, %dma_wait3A_1714] : memref<4096x77x512xf32, #tpu.memory_space<hbm>> -> memref<1x77x256xf32, #tpu.memory_space<hbm>>
        %dma_wait3A_1716 = tpu.memref_squeeze %dma_wait3A_1715 : memref<1x77x256xf32, #tpu.memory_space<hbm>> -> memref<77x256xf32, #tpu.memory_space<hbm>>
        %dma_wait3A_1717 = arith.constant 0 : i32
        %dma_wait3A_1718 = arith.constant 256 : i32
        %dma_wait3A_1719 = tpu.memref_slice %arg8[%dma_wait3A_1702, %dma_wait3A_1717, %dma_wait3A_1718] : memref<2x77x512xf32, #tpu.memory_space<vmem>> -> memref<1x77x256xf32, #tpu.memory_space<vmem>>
        %dma_wait3A_1720 = tpu.memref_squeeze %dma_wait3A_1719 : memref<1x77x256xf32, #tpu.memory_space<vmem>> -> memref<77x256xf32, #tpu.memory_space<vmem>>
        tpu.wait_dma2 semaphore(%dma_wait3A_1712 : memref<!tpu.dma_semaphore, #tpu.memory_space<semaphore_mem>>) src(%dma_wait3A_1720 : memref<77x256xf32, #tpu.memory_space<vmem>>) dst(%dma_wait3A_1716 : memref<77x256xf32, #tpu.memory_space<hbm>>)
      } else {
      }
      %iota3A_1157 = tpu.iota {dimensions = array<i32: 0>} : vector<16xi32>
      %eq3A_1158 = arith.constant 9 : i32
      %eq3A_1159 = vector.broadcast %eq3A_1158 : i32 to vector<16xi32>
      %eq3A_1160 = arith.cmpi eq, %iota3A_1157, %eq3A_1159 : vector<16xi32>
      %jit3A_1161 = arith.constant -1 : i32
      %broadcast_in_dim3A_1162 = vector.broadcast %jit3A_1161 : i32 to vector<16xi32>
      %select_n3A_1163 = arith.select %eq3A_1160, %get3A_485, %broadcast_in_dim3A_1162 : vector<16xi1>, vector<16xi32>
      %reduce_max3A_1164 = arith.constant true
      %reduce_max3A_1165 = vector.broadcast %reduce_max3A_1164 : i1 to vector<16xi1>
      %reduce_max3A_1166 = arith.constant -2147483648 : i32
      %reduce_max3A_1167 = vector.broadcast %reduce_max3A_1166 : i32 to vector<16xi32>
      %reduce_max3A_1168 = arith.xori %select_n3A_1163, %reduce_max3A_1167 : vector<16xi32>
      %reduce_max3A_1169 = tpu.scan <max>, %reduce_max3A_1168 masked %reduce_max3A_1165 : vector<16xi32>, vector<16xi1> -> vector<16xi32>
      %reduce_max3A_1170 = arith.xori %reduce_max3A_1169, %reduce_max3A_1167 : vector<16xi32>
      %reduce_max3A_1171 = vector.extract %reduce_max3A_1170[15] : i32 from vector<16xi32>
      %add3A_1172 = arith.addi %mul3A_2, %add3A_1151 : i32
      %mul3A_1173 = arith.constant 2 : i32
      %mul3A_1174 = arith.muli %mul3A_1173, %add3A_1151 : i32
      %add3A_1175 = arith.constant 0 : i32
      %add3A_1176 = arith.addi %mul3A_1174, %add3A_1175 : i32
      %rem3A_1177 = arith.constant 16 : i32
      %rem3A_1178 = arith.remsi %add3A_1176, %rem3A_1177 : i32
      %dma_start3A_1179 = arith.constant 0 : i32
      %dma_start3A_1180 = arith.constant 0 : i32
      %dma_start3A_1181 = tpu.memref_slice %arg8[%reduce_max3A_1171, %dma_start3A_1179, %dma_start3A_1180] : memref<2x77x512xf32, #tpu.memory_space<vmem>> -> memref<1x77x256xf32, #tpu.memory_space<vmem>>
      %dma_start3A_1182 = tpu.memref_squeeze %dma_start3A_1181 : memref<1x77x256xf32, #tpu.memory_space<vmem>> -> memref<77x256xf32, #tpu.memory_space<vmem>>
      %dma_start3A_1183 = arith.constant 0 : i32
      %dma_start3A_1184 = arith.constant 0 : i32
      %dma_start3A_1185 = tpu.memref_slice %arg7[%add3A_1172, %dma_start3A_1183, %dma_start3A_1184] : memref<4096x77x512xf32, #tpu.memory_space<hbm>> -> memref<1x77x256xf32, #tpu.memory_space<hbm>>
      %dma_start3A_1186 = tpu.memref_squeeze %dma_start3A_1185 : memref<1x77x256xf32, #tpu.memory_space<hbm>> -> memref<77x256xf32, #tpu.memory_space<hbm>>
      %dma_start3A_1187 = tpu.memref_slice %arg11[%rem3A_1178] : memref<16x!tpu.dma_semaphore, #tpu.memory_space<semaphore_mem>> -> memref<1x!tpu.dma_semaphore, #tpu.memory_space<semaphore_mem>>
      %dma_start3A_1188 = tpu.memref_squeeze %dma_start3A_1187 : memref<1x!tpu.dma_semaphore, #tpu.memory_space<semaphore_mem>> -> memref<!tpu.dma_semaphore, #tpu.memory_space<semaphore_mem>>
      %dma_start3A_1189 = arith.constant 0 : i32
      %dma_start3A_1190 = arith.constant 0 : i32
      %dma_start3A_1191 = tpu.memref_slice %arg7[%add3A_1172, %dma_start3A_1189, %dma_start3A_1190] : memref<4096x77x512xf32, #tpu.memory_space<hbm>> -> memref<1x77x256xf32, #tpu.memory_space<hbm>>
      %dma_start3A_1192 = tpu.memref_squeeze %dma_start3A_1191 : memref<1x77x256xf32, #tpu.memory_space<hbm>> -> memref<77x256xf32, #tpu.memory_space<hbm>>
      %dma_start3A_1193 = arith.constant 0 : i32
      %dma_start3A_1194 = arith.constant 0 : i32
      %dma_start3A_1195 = tpu.memref_slice %arg8[%reduce_max3A_1171, %dma_start3A_1193, %dma_start3A_1194] : memref<2x77x512xf32, #tpu.memory_space<vmem>> -> memref<1x77x256xf32, #tpu.memory_space<vmem>>
      %dma_start3A_1196 = tpu.memref_squeeze %dma_start3A_1195 : memref<1x77x256xf32, #tpu.memory_space<vmem>> -> memref<77x256xf32, #tpu.memory_space<vmem>>
      tpu.enqueue_dma source(%dma_start3A_1196 : memref<77x256xf32, #tpu.memory_space<vmem>>) target(%dma_start3A_1192 : memref<77x256xf32, #tpu.memory_space<hbm>>) target_semaphore(%dma_start3A_1188 : memref<!tpu.dma_semaphore, #tpu.memory_space<semaphore_mem>>)
      %add3A_1197 = arith.addi %mul3A_2, %add3A_1151 : i32
      %mul3A_1198 = arith.constant 2 : i32
      %mul3A_1199 = arith.muli %mul3A_1198, %add3A_1151 : i32
      %add3A_1200 = arith.constant 1 : i32
      %add3A_1201 = arith.addi %mul3A_1199, %add3A_1200 : i32
      %rem3A_1202 = arith.constant 16 : i32
      %rem3A_1203 = arith.remsi %add3A_1201, %rem3A_1202 : i32
      %dma_start3A_1204 = arith.constant 0 : i32
      %dma_start3A_1205 = arith.constant 256 : i32
      %dma_start3A_1206 = tpu.memref_slice %arg8[%reduce_max3A_1171, %dma_start3A_1204, %dma_start3A_1205] : memref<2x77x512xf32, #tpu.memory_space<vmem>> -> memref<1x77x256xf32, #tpu.memory_space<vmem>>
      %dma_start3A_1207 = tpu.memref_squeeze %dma_start3A_1206 : memref<1x77x256xf32, #tpu.memory_space<vmem>> -> memref<77x256xf32, #tpu.memory_space<vmem>>
      %dma_start3A_1208 = arith.constant 0 : i32
      %dma_start3A_1209 = arith.constant 256 : i32
      %dma_start3A_1210 = tpu.memref_slice %arg7[%add3A_1197, %dma_start3A_1208, %dma_start3A_1209] : memref<4096x77x512xf32, #tpu.memory_space<hbm>> -> memref<1x77x256xf32, #tpu.memory_space<hbm>>
      %dma_start3A_1211 = tpu.memref_squeeze %dma_start3A_1210 : memref<1x77x256xf32, #tpu.memory_space<hbm>> -> memref<77x256xf32, #tpu.memory_space<hbm>>
      %dma_start3A_1212 = tpu.memref_slice %arg11[%rem3A_1203] : memref<16x!tpu.dma_semaphore, #tpu.memory_space<semaphore_mem>> -> memref<1x!tpu.dma_semaphore, #tpu.memory_space<semaphore_mem>>
      %dma_start3A_1213 = tpu.memref_squeeze %dma_start3A_1212 : memref<1x!tpu.dma_semaphore, #tpu.memory_space<semaphore_mem>> -> memref<!tpu.dma_semaphore, #tpu.memory_space<semaphore_mem>>
      %dma_start3A_1214 = arith.constant 0 : i32
      %dma_start3A_1215 = arith.constant 256 : i32
      %dma_start3A_1216 = tpu.memref_slice %arg7[%add3A_1197, %dma_start3A_1214, %dma_start3A_1215] : memref<4096x77x512xf32, #tpu.memory_space<hbm>> -> memref<1x77x256xf32, #tpu.memory_space<hbm>>
      %dma_start3A_1217 = tpu.memref_squeeze %dma_start3A_1216 : memref<1x77x256xf32, #tpu.memory_space<hbm>> -> memref<77x256xf32, #tpu.memory_space<hbm>>
      %dma_start3A_1218 = arith.constant 0 : i32
      %dma_start3A_1219 = arith.constant 256 : i32
      %dma_start3A_1220 = tpu.memref_slice %arg8[%reduce_max3A_1171, %dma_start3A_1218, %dma_start3A_1219] : memref<2x77x512xf32, #tpu.memory_space<vmem>> -> memref<1x77x256xf32, #tpu.memory_space<vmem>>
      %dma_start3A_1221 = tpu.memref_squeeze %dma_start3A_1220 : memref<1x77x256xf32, #tpu.memory_space<vmem>> -> memref<77x256xf32, #tpu.memory_space<vmem>>
      tpu.enqueue_dma source(%dma_start3A_1221 : memref<77x256xf32, #tpu.memory_space<vmem>>) target(%dma_start3A_1217 : memref<77x256xf32, #tpu.memory_space<hbm>>) target_semaphore(%dma_start3A_1213 : memref<!tpu.dma_semaphore, #tpu.memory_space<semaphore_mem>>)
      %mul3A_1222 = arith.constant 16 : i32
      %mul3A_1223 = arith.muli %scan3A_481, %mul3A_1222 : i32
      %add3A_1224 = arith.constant 10 : i32
      %add3A_1225 = arith.addi %mul3A_1223, %add3A_1224 : i32
      %ge3A_1226 = arith.constant 8 : i32
      %ge3A_1227 = arith.cmpi sge, %add3A_1225, %ge3A_1226 : i32
      %convert_element_type3A_1228 = arith.extui %ge3A_1227 : i1 to i32
      %cond3A_1229 = arith.constant 0 : i32
      %cond3A_1230 = arith.cmpi ne, %convert_element_type3A_1228, %cond3A_1229 : i32
      scf.if %cond3A_1230 {
        %sub3A = arith.constant 8 : i32
        %sub3A_1666 = arith.subi %add3A_1225, %sub3A : i32
        %add3A_1667 = arith.addi %mul3A_2, %sub3A_1666 : i32
        %mul3A_1668 = arith.constant 2 : i32
        %mul3A_1669 = arith.muli %mul3A_1668, %sub3A_1666 : i32
        %add3A_1670 = arith.constant 0 : i32
        %add3A_1671 = arith.addi %mul3A_1669, %add3A_1670 : i32
        %rem3A_1672 = arith.constant 16 : i32
        %rem3A_1673 = arith.remsi %add3A_1671, %rem3A_1672 : i32
        %dma_wait3A_1674 = arith.constant 0 : i32
        %dma_wait3A_1675 = arith.constant 0 : i32
        %dma_wait3A_1676 = arith.constant 0 : i32
        %dma_wait3A_1677 = tpu.memref_slice %arg8[%dma_wait3A_1674, %dma_wait3A_1675, %dma_wait3A_1676] : memref<2x77x512xf32, #tpu.memory_space<vmem>> -> memref<1x77x256xf32, #tpu.memory_space<vmem>>
        %dma_wait3A_1678 = tpu.memref_squeeze %dma_wait3A_1677 : memref<1x77x256xf32, #tpu.memory_space<vmem>> -> memref<77x256xf32, #tpu.memory_space<vmem>>
        %dma_wait3A_1679 = arith.constant 0 : i32
        %dma_wait3A_1680 = arith.constant 0 : i32
        %dma_wait3A_1681 = tpu.memref_slice %arg7[%add3A_1667, %dma_wait3A_1679, %dma_wait3A_1680] : memref<4096x77x512xf32, #tpu.memory_space<hbm>> -> memref<1x77x256xf32, #tpu.memory_space<hbm>>
        %dma_wait3A_1682 = tpu.memref_squeeze %dma_wait3A_1681 : memref<1x77x256xf32, #tpu.memory_space<hbm>> -> memref<77x256xf32, #tpu.memory_space<hbm>>
        %dma_wait3A_1683 = tpu.memref_slice %arg11[%rem3A_1673] : memref<16x!tpu.dma_semaphore, #tpu.memory_space<semaphore_mem>> -> memref<1x!tpu.dma_semaphore, #tpu.memory_space<semaphore_mem>>
        %dma_wait3A_1684 = tpu.memref_squeeze %dma_wait3A_1683 : memref<1x!tpu.dma_semaphore, #tpu.memory_space<semaphore_mem>> -> memref<!tpu.dma_semaphore, #tpu.memory_space<semaphore_mem>>
        %dma_wait3A_1685 = arith.constant 0 : i32
        %dma_wait3A_1686 = arith.constant 0 : i32
        %dma_wait3A_1687 = tpu.memref_slice %arg7[%add3A_1667, %dma_wait3A_1685, %dma_wait3A_1686] : memref<4096x77x512xf32, #tpu.memory_space<hbm>> -> memref<1x77x256xf32, #tpu.memory_space<hbm>>
        %dma_wait3A_1688 = tpu.memref_squeeze %dma_wait3A_1687 : memref<1x77x256xf32, #tpu.memory_space<hbm>> -> memref<77x256xf32, #tpu.memory_space<hbm>>
        %dma_wait3A_1689 = arith.constant 0 : i32
        %dma_wait3A_1690 = arith.constant 0 : i32
        %dma_wait3A_1691 = tpu.memref_slice %arg8[%dma_wait3A_1674, %dma_wait3A_1689, %dma_wait3A_1690] : memref<2x77x512xf32, #tpu.memory_space<vmem>> -> memref<1x77x256xf32, #tpu.memory_space<vmem>>
        %dma_wait3A_1692 = tpu.memref_squeeze %dma_wait3A_1691 : memref<1x77x256xf32, #tpu.memory_space<vmem>> -> memref<77x256xf32, #tpu.memory_space<vmem>>
        tpu.wait_dma2 semaphore(%dma_wait3A_1684 : memref<!tpu.dma_semaphore, #tpu.memory_space<semaphore_mem>>) src(%dma_wait3A_1692 : memref<77x256xf32, #tpu.memory_space<vmem>>) dst(%dma_wait3A_1688 : memref<77x256xf32, #tpu.memory_space<hbm>>)
        %sub3A_1693 = arith.constant 8 : i32
        %sub3A_1694 = arith.subi %add3A_1225, %sub3A_1693 : i32
        %add3A_1695 = arith.addi %mul3A_2, %sub3A_1694 : i32
        %mul3A_1696 = arith.constant 2 : i32
        %mul3A_1697 = arith.muli %mul3A_1696, %sub3A_1694 : i32
        %add3A_1698 = arith.constant 1 : i32
        %add3A_1699 = arith.addi %mul3A_1697, %add3A_1698 : i32
        %rem3A_1700 = arith.constant 16 : i32
        %rem3A_1701 = arith.remsi %add3A_1699, %rem3A_1700 : i32
        %dma_wait3A_1702 = arith.constant 0 : i32
        %dma_wait3A_1703 = arith.constant 0 : i32
        %dma_wait3A_1704 = arith.constant 256 : i32
        %dma_wait3A_1705 = tpu.memref_slice %arg8[%dma_wait3A_1702, %dma_wait3A_1703, %dma_wait3A_1704] : memref<2x77x512xf32, #tpu.memory_space<vmem>> -> memref<1x77x256xf32, #tpu.memory_space<vmem>>
        %dma_wait3A_1706 = tpu.memref_squeeze %dma_wait3A_1705 : memref<1x77x256xf32, #tpu.memory_space<vmem>> -> memref<77x256xf32, #tpu.memory_space<vmem>>
        %dma_wait3A_1707 = arith.constant 0 : i32
        %dma_wait3A_1708 = arith.constant 256 : i32
        %dma_wait3A_1709 = tpu.memref_slice %arg7[%add3A_1695, %dma_wait3A_1707, %dma_wait3A_1708] : memref<4096x77x512xf32, #tpu.memory_space<hbm>> -> memref<1x77x256xf32, #tpu.memory_space<hbm>>
        %dma_wait3A_1710 = tpu.memref_squeeze %dma_wait3A_1709 : memref<1x77x256xf32, #tpu.memory_space<hbm>> -> memref<77x256xf32, #tpu.memory_space<hbm>>
        %dma_wait3A_1711 = tpu.memref_slice %arg11[%rem3A_1701] : memref<16x!tpu.dma_semaphore, #tpu.memory_space<semaphore_mem>> -> memref<1x!tpu.dma_semaphore, #tpu.memory_space<semaphore_mem>>
        %dma_wait3A_1712 = tpu.memref_squeeze %dma_wait3A_1711 : memref<1x!tpu.dma_semaphore, #tpu.memory_space<semaphore_mem>> -> memref<!tpu.dma_semaphore, #tpu.memory_space<semaphore_mem>>
        %dma_wait3A_1713 = arith.constant 0 : i32
        %dma_wait3A_1714 = arith.constant 256 : i32
        %dma_wait3A_1715 = tpu.memref_slice %arg7[%add3A_1695, %dma_wait3A_1713, %dma_wait3A_1714] : memref<4096x77x512xf32, #tpu.memory_space<hbm>> -> memref<1x77x256xf32, #tpu.memory_space<hbm>>
        %dma_wait3A_1716 = tpu.memref_squeeze %dma_wait3A_1715 : memref<1x77x256xf32, #tpu.memory_space<hbm>> -> memref<77x256xf32, #tpu.memory_space<hbm>>
        %dma_wait3A_1717 = arith.constant 0 : i32
        %dma_wait3A_1718 = arith.constant 256 : i32
        %dma_wait3A_1719 = tpu.memref_slice %arg8[%dma_wait3A_1702, %dma_wait3A_1717, %dma_wait3A_1718] : memref<2x77x512xf32, #tpu.memory_space<vmem>> -> memref<1x77x256xf32, #tpu.memory_space<vmem>>
        %dma_wait3A_1720 = tpu.memref_squeeze %dma_wait3A_1719 : memref<1x77x256xf32, #tpu.memory_space<vmem>> -> memref<77x256xf32, #tpu.memory_space<vmem>>
        tpu.wait_dma2 semaphore(%dma_wait3A_1712 : memref<!tpu.dma_semaphore, #tpu.memory_space<semaphore_mem>>) src(%dma_wait3A_1720 : memref<77x256xf32, #tpu.memory_space<vmem>>) dst(%dma_wait3A_1716 : memref<77x256xf32, #tpu.memory_space<hbm>>)
      } else {
      }
      %iota3A_1231 = tpu.iota {dimensions = array<i32: 0>} : vector<16xi32>
      %eq3A_1232 = arith.constant 10 : i32
      %eq3A_1233 = vector.broadcast %eq3A_1232 : i32 to vector<16xi32>
      %eq3A_1234 = arith.cmpi eq, %iota3A_1231, %eq3A_1233 : vector<16xi32>
      %jit3A_1235 = arith.constant -1 : i32
      %broadcast_in_dim3A_1236 = vector.broadcast %jit3A_1235 : i32 to vector<16xi32>
      %select_n3A_1237 = arith.select %eq3A_1234, %get3A_485, %broadcast_in_dim3A_1236 : vector<16xi1>, vector<16xi32>
      %reduce_max3A_1238 = arith.constant true
      %reduce_max3A_1239 = vector.broadcast %reduce_max3A_1238 : i1 to vector<16xi1>
      %reduce_max3A_1240 = arith.constant -2147483648 : i32
      %reduce_max3A_1241 = vector.broadcast %reduce_max3A_1240 : i32 to vector<16xi32>
      %reduce_max3A_1242 = arith.xori %select_n3A_1237, %reduce_max3A_1241 : vector<16xi32>
      %reduce_max3A_1243 = tpu.scan <max>, %reduce_max3A_1242 masked %reduce_max3A_1239 : vector<16xi32>, vector<16xi1> -> vector<16xi32>
      %reduce_max3A_1244 = arith.xori %reduce_max3A_1243, %reduce_max3A_1241 : vector<16xi32>
      %reduce_max3A_1245 = vector.extract %reduce_max3A_1244[15] : i32 from vector<16xi32>
      %add3A_1246 = arith.addi %mul3A_2, %add3A_1225 : i32
      %mul3A_1247 = arith.constant 2 : i32
      %mul3A_1248 = arith.muli %mul3A_1247, %add3A_1225 : i32
      %add3A_1249 = arith.constant 0 : i32
      %add3A_1250 = arith.addi %mul3A_1248, %add3A_1249 : i32
      %rem3A_1251 = arith.constant 16 : i32
      %rem3A_1252 = arith.remsi %add3A_1250, %rem3A_1251 : i32
      %dma_start3A_1253 = arith.constant 0 : i32
      %dma_start3A_1254 = arith.constant 0 : i32
      %dma_start3A_1255 = tpu.memref_slice %arg8[%reduce_max3A_1245, %dma_start3A_1253, %dma_start3A_1254] : memref<2x77x512xf32, #tpu.memory_space<vmem>> -> memref<1x77x256xf32, #tpu.memory_space<vmem>>
      %dma_start3A_1256 = tpu.memref_squeeze %dma_start3A_1255 : memref<1x77x256xf32, #tpu.memory_space<vmem>> -> memref<77x256xf32, #tpu.memory_space<vmem>>
      %dma_start3A_1257 = arith.constant 0 : i32
      %dma_start3A_1258 = arith.constant 0 : i32
      %dma_start3A_1259 = tpu.memref_slice %arg7[%add3A_1246, %dma_start3A_1257, %dma_start3A_1258] : memref<4096x77x512xf32, #tpu.memory_space<hbm>> -> memref<1x77x256xf32, #tpu.memory_space<hbm>>
      %dma_start3A_1260 = tpu.memref_squeeze %dma_start3A_1259 : memref<1x77x256xf32, #tpu.memory_space<hbm>> -> memref<77x256xf32, #tpu.memory_space<hbm>>
      %dma_start3A_1261 = tpu.memref_slice %arg11[%rem3A_1252] : memref<16x!tpu.dma_semaphore, #tpu.memory_space<semaphore_mem>> -> memref<1x!tpu.dma_semaphore, #tpu.memory_space<semaphore_mem>>
      %dma_start3A_1262 = tpu.memref_squeeze %dma_start3A_1261 : memref<1x!tpu.dma_semaphore, #tpu.memory_space<semaphore_mem>> -> memref<!tpu.dma_semaphore, #tpu.memory_space<semaphore_mem>>
      %dma_start3A_1263 = arith.constant 0 : i32
      %dma_start3A_1264 = arith.constant 0 : i32
      %dma_start3A_1265 = tpu.memref_slice %arg7[%add3A_1246, %dma_start3A_1263, %dma_start3A_1264] : memref<4096x77x512xf32, #tpu.memory_space<hbm>> -> memref<1x77x256xf32, #tpu.memory_space<hbm>>
      %dma_start3A_1266 = tpu.memref_squeeze %dma_start3A_1265 : memref<1x77x256xf32, #tpu.memory_space<hbm>> -> memref<77x256xf32, #tpu.memory_space<hbm>>
      %dma_start3A_1267 = arith.constant 0 : i32
      %dma_start3A_1268 = arith.constant 0 : i32
      %dma_start3A_1269 = tpu.memref_slice %arg8[%reduce_max3A_1245, %dma_start3A_1267, %dma_start3A_1268] : memref<2x77x512xf32, #tpu.memory_space<vmem>> -> memref<1x77x256xf32, #tpu.memory_space<vmem>>
      %dma_start3A_1270 = tpu.memref_squeeze %dma_start3A_1269 : memref<1x77x256xf32, #tpu.memory_space<vmem>> -> memref<77x256xf32, #tpu.memory_space<vmem>>
      tpu.enqueue_dma source(%dma_start3A_1270 : memref<77x256xf32, #tpu.memory_space<vmem>>) target(%dma_start3A_1266 : memref<77x256xf32, #tpu.memory_space<hbm>>) target_semaphore(%dma_start3A_1262 : memref<!tpu.dma_semaphore, #tpu.memory_space<semaphore_mem>>)
      %add3A_1271 = arith.addi %mul3A_2, %add3A_1225 : i32
      %mul3A_1272 = arith.constant 2 : i32
      %mul3A_1273 = arith.muli %mul3A_1272, %add3A_1225 : i32
      %add3A_1274 = arith.constant 1 : i32
      %add3A_1275 = arith.addi %mul3A_1273, %add3A_1274 : i32
      %rem3A_1276 = arith.constant 16 : i32
      %rem3A_1277 = arith.remsi %add3A_1275, %rem3A_1276 : i32
      %dma_start3A_1278 = arith.constant 0 : i32
      %dma_start3A_1279 = arith.constant 256 : i32
      %dma_start3A_1280 = tpu.memref_slice %arg8[%reduce_max3A_1245, %dma_start3A_1278, %dma_start3A_1279] : memref<2x77x512xf32, #tpu.memory_space<vmem>> -> memref<1x77x256xf32, #tpu.memory_space<vmem>>
      %dma_start3A_1281 = tpu.memref_squeeze %dma_start3A_1280 : memref<1x77x256xf32, #tpu.memory_space<vmem>> -> memref<77x256xf32, #tpu.memory_space<vmem>>
      %dma_start3A_1282 = arith.constant 0 : i32
      %dma_start3A_1283 = arith.constant 256 : i32
      %dma_start3A_1284 = tpu.memref_slice %arg7[%add3A_1271, %dma_start3A_1282, %dma_start3A_1283] : memref<4096x77x512xf32, #tpu.memory_space<hbm>> -> memref<1x77x256xf32, #tpu.memory_space<hbm>>
      %dma_start3A_1285 = tpu.memref_squeeze %dma_start3A_1284 : memref<1x77x256xf32, #tpu.memory_space<hbm>> -> memref<77x256xf32, #tpu.memory_space<hbm>>
      %dma_start3A_1286 = tpu.memref_slice %arg11[%rem3A_1277] : memref<16x!tpu.dma_semaphore, #tpu.memory_space<semaphore_mem>> -> memref<1x!tpu.dma_semaphore, #tpu.memory_space<semaphore_mem>>
      %dma_start3A_1287 = tpu.memref_squeeze %dma_start3A_1286 : memref<1x!tpu.dma_semaphore, #tpu.memory_space<semaphore_mem>> -> memref<!tpu.dma_semaphore, #tpu.memory_space<semaphore_mem>>
      %dma_start3A_1288 = arith.constant 0 : i32
      %dma_start3A_1289 = arith.constant 256 : i32
      %dma_start3A_1290 = tpu.memref_slice %arg7[%add3A_1271, %dma_start3A_1288, %dma_start3A_1289] : memref<4096x77x512xf32, #tpu.memory_space<hbm>> -> memref<1x77x256xf32, #tpu.memory_space<hbm>>
      %dma_start3A_1291 = tpu.memref_squeeze %dma_start3A_1290 : memref<1x77x256xf32, #tpu.memory_space<hbm>> -> memref<77x256xf32, #tpu.memory_space<hbm>>
      %dma_start3A_1292 = arith.constant 0 : i32
      %dma_start3A_1293 = arith.constant 256 : i32
      %dma_start3A_1294 = tpu.memref_slice %arg8[%reduce_max3A_1245, %dma_start3A_1292, %dma_start3A_1293] : memref<2x77x512xf32, #tpu.memory_space<vmem>> -> memref<1x77x256xf32, #tpu.memory_space<vmem>>
      %dma_start3A_1295 = tpu.memref_squeeze %dma_start3A_1294 : memref<1x77x256xf32, #tpu.memory_space<vmem>> -> memref<77x256xf32, #tpu.memory_space<vmem>>
      tpu.enqueue_dma source(%dma_start3A_1295 : memref<77x256xf32, #tpu.memory_space<vmem>>) target(%dma_start3A_1291 : memref<77x256xf32, #tpu.memory_space<hbm>>) target_semaphore(%dma_start3A_1287 : memref<!tpu.dma_semaphore, #tpu.memory_space<semaphore_mem>>)
      %mul3A_1296 = arith.constant 16 : i32
      %mul3A_1297 = arith.muli %scan3A_481, %mul3A_1296 : i32
      %add3A_1298 = arith.constant 11 : i32
      %add3A_1299 = arith.addi %mul3A_1297, %add3A_1298 : i32
      %ge3A_1300 = arith.constant 8 : i32
      %ge3A_1301 = arith.cmpi sge, %add3A_1299, %ge3A_1300 : i32
      %convert_element_type3A_1302 = arith.extui %ge3A_1301 : i1 to i32
      %cond3A_1303 = arith.constant 0 : i32
      %cond3A_1304 = arith.cmpi ne, %convert_element_type3A_1302, %cond3A_1303 : i32
      scf.if %cond3A_1304 {
        %sub3A = arith.constant 8 : i32
        %sub3A_1666 = arith.subi %add3A_1299, %sub3A : i32
        %add3A_1667 = arith.addi %mul3A_2, %sub3A_1666 : i32
        %mul3A_1668 = arith.constant 2 : i32
        %mul3A_1669 = arith.muli %mul3A_1668, %sub3A_1666 : i32
        %add3A_1670 = arith.constant 0 : i32
        %add3A_1671 = arith.addi %mul3A_1669, %add3A_1670 : i32
        %rem3A_1672 = arith.constant 16 : i32
        %rem3A_1673 = arith.remsi %add3A_1671, %rem3A_1672 : i32
        %dma_wait3A_1674 = arith.constant 0 : i32
        %dma_wait3A_1675 = arith.constant 0 : i32
        %dma_wait3A_1676 = arith.constant 0 : i32
        %dma_wait3A_1677 = tpu.memref_slice %arg8[%dma_wait3A_1674, %dma_wait3A_1675, %dma_wait3A_1676] : memref<2x77x512xf32, #tpu.memory_space<vmem>> -> memref<1x77x256xf32, #tpu.memory_space<vmem>>
        %dma_wait3A_1678 = tpu.memref_squeeze %dma_wait3A_1677 : memref<1x77x256xf32, #tpu.memory_space<vmem>> -> memref<77x256xf32, #tpu.memory_space<vmem>>
        %dma_wait3A_1679 = arith.constant 0 : i32
        %dma_wait3A_1680 = arith.constant 0 : i32
        %dma_wait3A_1681 = tpu.memref_slice %arg7[%add3A_1667, %dma_wait3A_1679, %dma_wait3A_1680] : memref<4096x77x512xf32, #tpu.memory_space<hbm>> -> memref<1x77x256xf32, #tpu.memory_space<hbm>>
        %dma_wait3A_1682 = tpu.memref_squeeze %dma_wait3A_1681 : memref<1x77x256xf32, #tpu.memory_space<hbm>> -> memref<77x256xf32, #tpu.memory_space<hbm>>
        %dma_wait3A_1683 = tpu.memref_slice %arg11[%rem3A_1673] : memref<16x!tpu.dma_semaphore, #tpu.memory_space<semaphore_mem>> -> memref<1x!tpu.dma_semaphore, #tpu.memory_space<semaphore_mem>>
        %dma_wait3A_1684 = tpu.memref_squeeze %dma_wait3A_1683 : memref<1x!tpu.dma_semaphore, #tpu.memory_space<semaphore_mem>> -> memref<!tpu.dma_semaphore, #tpu.memory_space<semaphore_mem>>
        %dma_wait3A_1685 = arith.constant 0 : i32
        %dma_wait3A_1686 = arith.constant 0 : i32
        %dma_wait3A_1687 = tpu.memref_slice %arg7[%add3A_1667, %dma_wait3A_1685, %dma_wait3A_1686] : memref<4096x77x512xf32, #tpu.memory_space<hbm>> -> memref<1x77x256xf32, #tpu.memory_space<hbm>>
        %dma_wait3A_1688 = tpu.memref_squeeze %dma_wait3A_1687 : memref<1x77x256xf32, #tpu.memory_space<hbm>> -> memref<77x256xf32, #tpu.memory_space<hbm>>
        %dma_wait3A_1689 = arith.constant 0 : i32
        %dma_wait3A_1690 = arith.constant 0 : i32
        %dma_wait3A_1691 = tpu.memref_slice %arg8[%dma_wait3A_1674, %dma_wait3A_1689, %dma_wait3A_1690] : memref<2x77x512xf32, #tpu.memory_space<vmem>> -> memref<1x77x256xf32, #tpu.memory_space<vmem>>
        %dma_wait3A_1692 = tpu.memref_squeeze %dma_wait3A_1691 : memref<1x77x256xf32, #tpu.memory_space<vmem>> -> memref<77x256xf32, #tpu.memory_space<vmem>>
        tpu.wait_dma2 semaphore(%dma_wait3A_1684 : memref<!tpu.dma_semaphore, #tpu.memory_space<semaphore_mem>>) src(%dma_wait3A_1692 : memref<77x256xf32, #tpu.memory_space<vmem>>) dst(%dma_wait3A_1688 : memref<77x256xf32, #tpu.memory_space<hbm>>)
        %sub3A_1693 = arith.constant 8 : i32
        %sub3A_1694 = arith.subi %add3A_1299, %sub3A_1693 : i32
        %add3A_1695 = arith.addi %mul3A_2, %sub3A_1694 : i32
        %mul3A_1696 = arith.constant 2 : i32
        %mul3A_1697 = arith.muli %mul3A_1696, %sub3A_1694 : i32
        %add3A_1698 = arith.constant 1 : i32
        %add3A_1699 = arith.addi %mul3A_1697, %add3A_1698 : i32
        %rem3A_1700 = arith.constant 16 : i32
        %rem3A_1701 = arith.remsi %add3A_1699, %rem3A_1700 : i32
        %dma_wait3A_1702 = arith.constant 0 : i32
        %dma_wait3A_1703 = arith.constant 0 : i32
        %dma_wait3A_1704 = arith.constant 256 : i32
        %dma_wait3A_1705 = tpu.memref_slice %arg8[%dma_wait3A_1702, %dma_wait3A_1703, %dma_wait3A_1704] : memref<2x77x512xf32, #tpu.memory_space<vmem>> -> memref<1x77x256xf32, #tpu.memory_space<vmem>>
        %dma_wait3A_1706 = tpu.memref_squeeze %dma_wait3A_1705 : memref<1x77x256xf32, #tpu.memory_space<vmem>> -> memref<77x256xf32, #tpu.memory_space<vmem>>
        %dma_wait3A_1707 = arith.constant 0 : i32
        %dma_wait3A_1708 = arith.constant 256 : i32
        %dma_wait3A_1709 = tpu.memref_slice %arg7[%add3A_1695, %dma_wait3A_1707, %dma_wait3A_1708] : memref<4096x77x512xf32, #tpu.memory_space<hbm>> -> memref<1x77x256xf32, #tpu.memory_space<hbm>>
        %dma_wait3A_1710 = tpu.memref_squeeze %dma_wait3A_1709 : memref<1x77x256xf32, #tpu.memory_space<hbm>> -> memref<77x256xf32, #tpu.memory_space<hbm>>
        %dma_wait3A_1711 = tpu.memref_slice %arg11[%rem3A_1701] : memref<16x!tpu.dma_semaphore, #tpu.memory_space<semaphore_mem>> -> memref<1x!tpu.dma_semaphore, #tpu.memory_space<semaphore_mem>>
        %dma_wait3A_1712 = tpu.memref_squeeze %dma_wait3A_1711 : memref<1x!tpu.dma_semaphore, #tpu.memory_space<semaphore_mem>> -> memref<!tpu.dma_semaphore, #tpu.memory_space<semaphore_mem>>
        %dma_wait3A_1713 = arith.constant 0 : i32
        %dma_wait3A_1714 = arith.constant 256 : i32
        %dma_wait3A_1715 = tpu.memref_slice %arg7[%add3A_1695, %dma_wait3A_1713, %dma_wait3A_1714] : memref<4096x77x512xf32, #tpu.memory_space<hbm>> -> memref<1x77x256xf32, #tpu.memory_space<hbm>>
        %dma_wait3A_1716 = tpu.memref_squeeze %dma_wait3A_1715 : memref<1x77x256xf32, #tpu.memory_space<hbm>> -> memref<77x256xf32, #tpu.memory_space<hbm>>
        %dma_wait3A_1717 = arith.constant 0 : i32
        %dma_wait3A_1718 = arith.constant 256 : i32
        %dma_wait3A_1719 = tpu.memref_slice %arg8[%dma_wait3A_1702, %dma_wait3A_1717, %dma_wait3A_1718] : memref<2x77x512xf32, #tpu.memory_space<vmem>> -> memref<1x77x256xf32, #tpu.memory_space<vmem>>
        %dma_wait3A_1720 = tpu.memref_squeeze %dma_wait3A_1719 : memref<1x77x256xf32, #tpu.memory_space<vmem>> -> memref<77x256xf32, #tpu.memory_space<vmem>>
        tpu.wait_dma2 semaphore(%dma_wait3A_1712 : memref<!tpu.dma_semaphore, #tpu.memory_space<semaphore_mem>>) src(%dma_wait3A_1720 : memref<77x256xf32, #tpu.memory_space<vmem>>) dst(%dma_wait3A_1716 : memref<77x256xf32, #tpu.memory_space<hbm>>)
      } else {
      }
      %iota3A_1305 = tpu.iota {dimensions = array<i32: 0>} : vector<16xi32>
      %eq3A_1306 = arith.constant 11 : i32
      %eq3A_1307 = vector.broadcast %eq3A_1306 : i32 to vector<16xi32>
      %eq3A_1308 = arith.cmpi eq, %iota3A_1305, %eq3A_1307 : vector<16xi32>
      %jit3A_1309 = arith.constant -1 : i32
      %broadcast_in_dim3A_1310 = vector.broadcast %jit3A_1309 : i32 to vector<16xi32>
      %select_n3A_1311 = arith.select %eq3A_1308, %get3A_485, %broadcast_in_dim3A_1310 : vector<16xi1>, vector<16xi32>
      %reduce_max3A_1312 = arith.constant true
      %reduce_max3A_1313 = vector.broadcast %reduce_max3A_1312 : i1 to vector<16xi1>
      %reduce_max3A_1314 = arith.constant -2147483648 : i32
      %reduce_max3A_1315 = vector.broadcast %reduce_max3A_1314 : i32 to vector<16xi32>
      %reduce_max3A_1316 = arith.xori %select_n3A_1311, %reduce_max3A_1315 : vector<16xi32>
      %reduce_max3A_1317 = tpu.scan <max>, %reduce_max3A_1316 masked %reduce_max3A_1313 : vector<16xi32>, vector<16xi1> -> vector<16xi32>
      %reduce_max3A_1318 = arith.xori %reduce_max3A_1317, %reduce_max3A_1315 : vector<16xi32>
      %reduce_max3A_1319 = vector.extract %reduce_max3A_1318[15] : i32 from vector<16xi32>
      %add3A_1320 = arith.addi %mul3A_2, %add3A_1299 : i32
      %mul3A_1321 = arith.constant 2 : i32
      %mul3A_1322 = arith.muli %mul3A_1321, %add3A_1299 : i32
      %add3A_1323 = arith.constant 0 : i32
      %add3A_1324 = arith.addi %mul3A_1322, %add3A_1323 : i32
      %rem3A_1325 = arith.constant 16 : i32
      %rem3A_1326 = arith.remsi %add3A_1324, %rem3A_1325 : i32
      %dma_start3A_1327 = arith.constant 0 : i32
      %dma_start3A_1328 = arith.constant 0 : i32
      %dma_start3A_1329 = tpu.memref_slice %arg8[%reduce_max3A_1319, %dma_start3A_1327, %dma_start3A_1328] : memref<2x77x512xf32, #tpu.memory_space<vmem>> -> memref<1x77x256xf32, #tpu.memory_space<vmem>>
      %dma_start3A_1330 = tpu.memref_squeeze %dma_start3A_1329 : memref<1x77x256xf32, #tpu.memory_space<vmem>> -> memref<77x256xf32, #tpu.memory_space<vmem>>
      %dma_start3A_1331 = arith.constant 0 : i32
      %dma_start3A_1332 = arith.constant 0 : i32
      %dma_start3A_1333 = tpu.memref_slice %arg7[%add3A_1320, %dma_start3A_1331, %dma_start3A_1332] : memref<4096x77x512xf32, #tpu.memory_space<hbm>> -> memref<1x77x256xf32, #tpu.memory_space<hbm>>
      %dma_start3A_1334 = tpu.memref_squeeze %dma_start3A_1333 : memref<1x77x256xf32, #tpu.memory_space<hbm>> -> memref<77x256xf32, #tpu.memory_space<hbm>>
      %dma_start3A_1335 = tpu.memref_slice %arg11[%rem3A_1326] : memref<16x!tpu.dma_semaphore, #tpu.memory_space<semaphore_mem>> -> memref<1x!tpu.dma_semaphore, #tpu.memory_space<semaphore_mem>>
      %dma_start3A_1336 = tpu.memref_squeeze %dma_start3A_1335 : memref<1x!tpu.dma_semaphore, #tpu.memory_space<semaphore_mem>> -> memref<!tpu.dma_semaphore, #tpu.memory_space<semaphore_mem>>
      %dma_start3A_1337 = arith.constant 0 : i32
      %dma_start3A_1338 = arith.constant 0 : i32
      %dma_start3A_1339 = tpu.memref_slice %arg7[%add3A_1320, %dma_start3A_1337, %dma_start3A_1338] : memref<4096x77x512xf32, #tpu.memory_space<hbm>> -> memref<1x77x256xf32, #tpu.memory_space<hbm>>
      %dma_start3A_1340 = tpu.memref_squeeze %dma_start3A_1339 : memref<1x77x256xf32, #tpu.memory_space<hbm>> -> memref<77x256xf32, #tpu.memory_space<hbm>>
      %dma_start3A_1341 = arith.constant 0 : i32
      %dma_start3A_1342 = arith.constant 0 : i32
      %dma_start3A_1343 = tpu.memref_slice %arg8[%reduce_max3A_1319, %dma_start3A_1341, %dma_start3A_1342] : memref<2x77x512xf32, #tpu.memory_space<vmem>> -> memref<1x77x256xf32, #tpu.memory_space<vmem>>
      %dma_start3A_1344 = tpu.memref_squeeze %dma_start3A_1343 : memref<1x77x256xf32, #tpu.memory_space<vmem>> -> memref<77x256xf32, #tpu.memory_space<vmem>>
      tpu.enqueue_dma source(%dma_start3A_1344 : memref<77x256xf32, #tpu.memory_space<vmem>>) target(%dma_start3A_1340 : memref<77x256xf32, #tpu.memory_space<hbm>>) target_semaphore(%dma_start3A_1336 : memref<!tpu.dma_semaphore, #tpu.memory_space<semaphore_mem>>)
      %add3A_1345 = arith.addi %mul3A_2, %add3A_1299 : i32
      %mul3A_1346 = arith.constant 2 : i32
      %mul3A_1347 = arith.muli %mul3A_1346, %add3A_1299 : i32
      %add3A_1348 = arith.constant 1 : i32
      %add3A_1349 = arith.addi %mul3A_1347, %add3A_1348 : i32
      %rem3A_1350 = arith.constant 16 : i32
      %rem3A_1351 = arith.remsi %add3A_1349, %rem3A_1350 : i32
      %dma_start3A_1352 = arith.constant 0 : i32
      %dma_start3A_1353 = arith.constant 256 : i32
      %dma_start3A_1354 = tpu.memref_slice %arg8[%reduce_max3A_1319, %dma_start3A_1352, %dma_start3A_1353] : memref<2x77x512xf32, #tpu.memory_space<vmem>> -> memref<1x77x256xf32, #tpu.memory_space<vmem>>
      %dma_start3A_1355 = tpu.memref_squeeze %dma_start3A_1354 : memref<1x77x256xf32, #tpu.memory_space<vmem>> -> memref<77x256xf32, #tpu.memory_space<vmem>>
      %dma_start3A_1356 = arith.constant 0 : i32
      %dma_start3A_1357 = arith.constant 256 : i32
      %dma_start3A_1358 = tpu.memref_slice %arg7[%add3A_1345, %dma_start3A_1356, %dma_start3A_1357] : memref<4096x77x512xf32, #tpu.memory_space<hbm>> -> memref<1x77x256xf32, #tpu.memory_space<hbm>>
      %dma_start3A_1359 = tpu.memref_squeeze %dma_start3A_1358 : memref<1x77x256xf32, #tpu.memory_space<hbm>> -> memref<77x256xf32, #tpu.memory_space<hbm>>
      %dma_start3A_1360 = tpu.memref_slice %arg11[%rem3A_1351] : memref<16x!tpu.dma_semaphore, #tpu.memory_space<semaphore_mem>> -> memref<1x!tpu.dma_semaphore, #tpu.memory_space<semaphore_mem>>
      %dma_start3A_1361 = tpu.memref_squeeze %dma_start3A_1360 : memref<1x!tpu.dma_semaphore, #tpu.memory_space<semaphore_mem>> -> memref<!tpu.dma_semaphore, #tpu.memory_space<semaphore_mem>>
      %dma_start3A_1362 = arith.constant 0 : i32
      %dma_start3A_1363 = arith.constant 256 : i32
      %dma_start3A_1364 = tpu.memref_slice %arg7[%add3A_1345, %dma_start3A_1362, %dma_start3A_1363] : memref<4096x77x512xf32, #tpu.memory_space<hbm>> -> memref<1x77x256xf32, #tpu.memory_space<hbm>>
      %dma_start3A_1365 = tpu.memref_squeeze %dma_start3A_1364 : memref<1x77x256xf32, #tpu.memory_space<hbm>> -> memref<77x256xf32, #tpu.memory_space<hbm>>
      %dma_start3A_1366 = arith.constant 0 : i32
      %dma_start3A_1367 = arith.constant 256 : i32
      %dma_start3A_1368 = tpu.memref_slice %arg8[%reduce_max3A_1319, %dma_start3A_1366, %dma_start3A_1367] : memref<2x77x512xf32, #tpu.memory_space<vmem>> -> memref<1x77x256xf32, #tpu.memory_space<vmem>>
      %dma_start3A_1369 = tpu.memref_squeeze %dma_start3A_1368 : memref<1x77x256xf32, #tpu.memory_space<vmem>> -> memref<77x256xf32, #tpu.memory_space<vmem>>
      tpu.enqueue_dma source(%dma_start3A_1369 : memref<77x256xf32, #tpu.memory_space<vmem>>) target(%dma_start3A_1365 : memref<77x256xf32, #tpu.memory_space<hbm>>) target_semaphore(%dma_start3A_1361 : memref<!tpu.dma_semaphore, #tpu.memory_space<semaphore_mem>>)
      %mul3A_1370 = arith.constant 16 : i32
      %mul3A_1371 = arith.muli %scan3A_481, %mul3A_1370 : i32
      %add3A_1372 = arith.constant 12 : i32
      %add3A_1373 = arith.addi %mul3A_1371, %add3A_1372 : i32
      %ge3A_1374 = arith.constant 8 : i32
      %ge3A_1375 = arith.cmpi sge, %add3A_1373, %ge3A_1374 : i32
      %convert_element_type3A_1376 = arith.extui %ge3A_1375 : i1 to i32
      %cond3A_1377 = arith.constant 0 : i32
      %cond3A_1378 = arith.cmpi ne, %convert_element_type3A_1376, %cond3A_1377 : i32
      scf.if %cond3A_1378 {
        %sub3A = arith.constant 8 : i32
        %sub3A_1666 = arith.subi %add3A_1373, %sub3A : i32
        %add3A_1667 = arith.addi %mul3A_2, %sub3A_1666 : i32
        %mul3A_1668 = arith.constant 2 : i32
        %mul3A_1669 = arith.muli %mul3A_1668, %sub3A_1666 : i32
        %add3A_1670 = arith.constant 0 : i32
        %add3A_1671 = arith.addi %mul3A_1669, %add3A_1670 : i32
        %rem3A_1672 = arith.constant 16 : i32
        %rem3A_1673 = arith.remsi %add3A_1671, %rem3A_1672 : i32
        %dma_wait3A_1674 = arith.constant 0 : i32
        %dma_wait3A_1675 = arith.constant 0 : i32
        %dma_wait3A_1676 = arith.constant 0 : i32
        %dma_wait3A_1677 = tpu.memref_slice %arg8[%dma_wait3A_1674, %dma_wait3A_1675, %dma_wait3A_1676] : memref<2x77x512xf32, #tpu.memory_space<vmem>> -> memref<1x77x256xf32, #tpu.memory_space<vmem>>
        %dma_wait3A_1678 = tpu.memref_squeeze %dma_wait3A_1677 : memref<1x77x256xf32, #tpu.memory_space<vmem>> -> memref<77x256xf32, #tpu.memory_space<vmem>>
        %dma_wait3A_1679 = arith.constant 0 : i32
        %dma_wait3A_1680 = arith.constant 0 : i32
        %dma_wait3A_1681 = tpu.memref_slice %arg7[%add3A_1667, %dma_wait3A_1679, %dma_wait3A_1680] : memref<4096x77x512xf32, #tpu.memory_space<hbm>> -> memref<1x77x256xf32, #tpu.memory_space<hbm>>
        %dma_wait3A_1682 = tpu.memref_squeeze %dma_wait3A_1681 : memref<1x77x256xf32, #tpu.memory_space<hbm>> -> memref<77x256xf32, #tpu.memory_space<hbm>>
        %dma_wait3A_1683 = tpu.memref_slice %arg11[%rem3A_1673] : memref<16x!tpu.dma_semaphore, #tpu.memory_space<semaphore_mem>> -> memref<1x!tpu.dma_semaphore, #tpu.memory_space<semaphore_mem>>
        %dma_wait3A_1684 = tpu.memref_squeeze %dma_wait3A_1683 : memref<1x!tpu.dma_semaphore, #tpu.memory_space<semaphore_mem>> -> memref<!tpu.dma_semaphore, #tpu.memory_space<semaphore_mem>>
        %dma_wait3A_1685 = arith.constant 0 : i32
        %dma_wait3A_1686 = arith.constant 0 : i32
        %dma_wait3A_1687 = tpu.memref_slice %arg7[%add3A_1667, %dma_wait3A_1685, %dma_wait3A_1686] : memref<4096x77x512xf32, #tpu.memory_space<hbm>> -> memref<1x77x256xf32, #tpu.memory_space<hbm>>
        %dma_wait3A_1688 = tpu.memref_squeeze %dma_wait3A_1687 : memref<1x77x256xf32, #tpu.memory_space<hbm>> -> memref<77x256xf32, #tpu.memory_space<hbm>>
        %dma_wait3A_1689 = arith.constant 0 : i32
        %dma_wait3A_1690 = arith.constant 0 : i32
        %dma_wait3A_1691 = tpu.memref_slice %arg8[%dma_wait3A_1674, %dma_wait3A_1689, %dma_wait3A_1690] : memref<2x77x512xf32, #tpu.memory_space<vmem>> -> memref<1x77x256xf32, #tpu.memory_space<vmem>>
        %dma_wait3A_1692 = tpu.memref_squeeze %dma_wait3A_1691 : memref<1x77x256xf32, #tpu.memory_space<vmem>> -> memref<77x256xf32, #tpu.memory_space<vmem>>
        tpu.wait_dma2 semaphore(%dma_wait3A_1684 : memref<!tpu.dma_semaphore, #tpu.memory_space<semaphore_mem>>) src(%dma_wait3A_1692 : memref<77x256xf32, #tpu.memory_space<vmem>>) dst(%dma_wait3A_1688 : memref<77x256xf32, #tpu.memory_space<hbm>>)
        %sub3A_1693 = arith.constant 8 : i32
        %sub3A_1694 = arith.subi %add3A_1373, %sub3A_1693 : i32
        %add3A_1695 = arith.addi %mul3A_2, %sub3A_1694 : i32
        %mul3A_1696 = arith.constant 2 : i32
        %mul3A_1697 = arith.muli %mul3A_1696, %sub3A_1694 : i32
        %add3A_1698 = arith.constant 1 : i32
        %add3A_1699 = arith.addi %mul3A_1697, %add3A_1698 : i32
        %rem3A_1700 = arith.constant 16 : i32
        %rem3A_1701 = arith.remsi %add3A_1699, %rem3A_1700 : i32
        %dma_wait3A_1702 = arith.constant 0 : i32
        %dma_wait3A_1703 = arith.constant 0 : i32
        %dma_wait3A_1704 = arith.constant 256 : i32
        %dma_wait3A_1705 = tpu.memref_slice %arg8[%dma_wait3A_1702, %dma_wait3A_1703, %dma_wait3A_1704] : memref<2x77x512xf32, #tpu.memory_space<vmem>> -> memref<1x77x256xf32, #tpu.memory_space<vmem>>
        %dma_wait3A_1706 = tpu.memref_squeeze %dma_wait3A_1705 : memref<1x77x256xf32, #tpu.memory_space<vmem>> -> memref<77x256xf32, #tpu.memory_space<vmem>>
        %dma_wait3A_1707 = arith.constant 0 : i32
        %dma_wait3A_1708 = arith.constant 256 : i32
        %dma_wait3A_1709 = tpu.memref_slice %arg7[%add3A_1695, %dma_wait3A_1707, %dma_wait3A_1708] : memref<4096x77x512xf32, #tpu.memory_space<hbm>> -> memref<1x77x256xf32, #tpu.memory_space<hbm>>
        %dma_wait3A_1710 = tpu.memref_squeeze %dma_wait3A_1709 : memref<1x77x256xf32, #tpu.memory_space<hbm>> -> memref<77x256xf32, #tpu.memory_space<hbm>>
        %dma_wait3A_1711 = tpu.memref_slice %arg11[%rem3A_1701] : memref<16x!tpu.dma_semaphore, #tpu.memory_space<semaphore_mem>> -> memref<1x!tpu.dma_semaphore, #tpu.memory_space<semaphore_mem>>
        %dma_wait3A_1712 = tpu.memref_squeeze %dma_wait3A_1711 : memref<1x!tpu.dma_semaphore, #tpu.memory_space<semaphore_mem>> -> memref<!tpu.dma_semaphore, #tpu.memory_space<semaphore_mem>>
        %dma_wait3A_1713 = arith.constant 0 : i32
        %dma_wait3A_1714 = arith.constant 256 : i32
        %dma_wait3A_1715 = tpu.memref_slice %arg7[%add3A_1695, %dma_wait3A_1713, %dma_wait3A_1714] : memref<4096x77x512xf32, #tpu.memory_space<hbm>> -> memref<1x77x256xf32, #tpu.memory_space<hbm>>
        %dma_wait3A_1716 = tpu.memref_squeeze %dma_wait3A_1715 : memref<1x77x256xf32, #tpu.memory_space<hbm>> -> memref<77x256xf32, #tpu.memory_space<hbm>>
        %dma_wait3A_1717 = arith.constant 0 : i32
        %dma_wait3A_1718 = arith.constant 256 : i32
        %dma_wait3A_1719 = tpu.memref_slice %arg8[%dma_wait3A_1702, %dma_wait3A_1717, %dma_wait3A_1718] : memref<2x77x512xf32, #tpu.memory_space<vmem>> -> memref<1x77x256xf32, #tpu.memory_space<vmem>>
        %dma_wait3A_1720 = tpu.memref_squeeze %dma_wait3A_1719 : memref<1x77x256xf32, #tpu.memory_space<vmem>> -> memref<77x256xf32, #tpu.memory_space<vmem>>
        tpu.wait_dma2 semaphore(%dma_wait3A_1712 : memref<!tpu.dma_semaphore, #tpu.memory_space<semaphore_mem>>) src(%dma_wait3A_1720 : memref<77x256xf32, #tpu.memory_space<vmem>>) dst(%dma_wait3A_1716 : memref<77x256xf32, #tpu.memory_space<hbm>>)
      } else {
      }
      %iota3A_1379 = tpu.iota {dimensions = array<i32: 0>} : vector<16xi32>
      %eq3A_1380 = arith.constant 12 : i32
      %eq3A_1381 = vector.broadcast %eq3A_1380 : i32 to vector<16xi32>
      %eq3A_1382 = arith.cmpi eq, %iota3A_1379, %eq3A_1381 : vector<16xi32>
      %jit3A_1383 = arith.constant -1 : i32
      %broadcast_in_dim3A_1384 = vector.broadcast %jit3A_1383 : i32 to vector<16xi32>
      %select_n3A_1385 = arith.select %eq3A_1382, %get3A_485, %broadcast_in_dim3A_1384 : vector<16xi1>, vector<16xi32>
      %reduce_max3A_1386 = arith.constant true
      %reduce_max3A_1387 = vector.broadcast %reduce_max3A_1386 : i1 to vector<16xi1>
      %reduce_max3A_1388 = arith.constant -2147483648 : i32
      %reduce_max3A_1389 = vector.broadcast %reduce_max3A_1388 : i32 to vector<16xi32>
      %reduce_max3A_1390 = arith.xori %select_n3A_1385, %reduce_max3A_1389 : vector<16xi32>
      %reduce_max3A_1391 = tpu.scan <max>, %reduce_max3A_1390 masked %reduce_max3A_1387 : vector<16xi32>, vector<16xi1> -> vector<16xi32>
      %reduce_max3A_1392 = arith.xori %reduce_max3A_1391, %reduce_max3A_1389 : vector<16xi32>
      %reduce_max3A_1393 = vector.extract %reduce_max3A_1392[15] : i32 from vector<16xi32>
      %add3A_1394 = arith.addi %mul3A_2, %add3A_1373 : i32
      %mul3A_1395 = arith.constant 2 : i32
      %mul3A_1396 = arith.muli %mul3A_1395, %add3A_1373 : i32
      %add3A_1397 = arith.constant 0 : i32
      %add3A_1398 = arith.addi %mul3A_1396, %add3A_1397 : i32
      %rem3A_1399 = arith.constant 16 : i32
      %rem3A_1400 = arith.remsi %add3A_1398, %rem3A_1399 : i32
      %dma_start3A_1401 = arith.constant 0 : i32
      %dma_start3A_1402 = arith.constant 0 : i32
      %dma_start3A_1403 = tpu.memref_slice %arg8[%reduce_max3A_1393, %dma_start3A_1401, %dma_start3A_1402] : memref<2x77x512xf32, #tpu.memory_space<vmem>> -> memref<1x77x256xf32, #tpu.memory_space<vmem>>
      %dma_start3A_1404 = tpu.memref_squeeze %dma_start3A_1403 : memref<1x77x256xf32, #tpu.memory_space<vmem>> -> memref<77x256xf32, #tpu.memory_space<vmem>>
      %dma_start3A_1405 = arith.constant 0 : i32
      %dma_start3A_1406 = arith.constant 0 : i32
      %dma_start3A_1407 = tpu.memref_slice %arg7[%add3A_1394, %dma_start3A_1405, %dma_start3A_1406] : memref<4096x77x512xf32, #tpu.memory_space<hbm>> -> memref<1x77x256xf32, #tpu.memory_space<hbm>>
      %dma_start3A_1408 = tpu.memref_squeeze %dma_start3A_1407 : memref<1x77x256xf32, #tpu.memory_space<hbm>> -> memref<77x256xf32, #tpu.memory_space<hbm>>
      %dma_start3A_1409 = tpu.memref_slice %arg11[%rem3A_1400] : memref<16x!tpu.dma_semaphore, #tpu.memory_space<semaphore_mem>> -> memref<1x!tpu.dma_semaphore, #tpu.memory_space<semaphore_mem>>
      %dma_start3A_1410 = tpu.memref_squeeze %dma_start3A_1409 : memref<1x!tpu.dma_semaphore, #tpu.memory_space<semaphore_mem>> -> memref<!tpu.dma_semaphore, #tpu.memory_space<semaphore_mem>>
      %dma_start3A_1411 = arith.constant 0 : i32
      %dma_start3A_1412 = arith.constant 0 : i32
      %dma_start3A_1413 = tpu.memref_slice %arg7[%add3A_1394, %dma_start3A_1411, %dma_start3A_1412] : memref<4096x77x512xf32, #tpu.memory_space<hbm>> -> memref<1x77x256xf32, #tpu.memory_space<hbm>>
      %dma_start3A_1414 = tpu.memref_squeeze %dma_start3A_1413 : memref<1x77x256xf32, #tpu.memory_space<hbm>> -> memref<77x256xf32, #tpu.memory_space<hbm>>
      %dma_start3A_1415 = arith.constant 0 : i32
      %dma_start3A_1416 = arith.constant 0 : i32
      %dma_start3A_1417 = tpu.memref_slice %arg8[%reduce_max3A_1393, %dma_start3A_1415, %dma_start3A_1416] : memref<2x77x512xf32, #tpu.memory_space<vmem>> -> memref<1x77x256xf32, #tpu.memory_space<vmem>>
      %dma_start3A_1418 = tpu.memref_squeeze %dma_start3A_1417 : memref<1x77x256xf32, #tpu.memory_space<vmem>> -> memref<77x256xf32, #tpu.memory_space<vmem>>
      tpu.enqueue_dma source(%dma_start3A_1418 : memref<77x256xf32, #tpu.memory_space<vmem>>) target(%dma_start3A_1414 : memref<77x256xf32, #tpu.memory_space<hbm>>) target_semaphore(%dma_start3A_1410 : memref<!tpu.dma_semaphore, #tpu.memory_space<semaphore_mem>>)
      %add3A_1419 = arith.addi %mul3A_2, %add3A_1373 : i32
      %mul3A_1420 = arith.constant 2 : i32
      %mul3A_1421 = arith.muli %mul3A_1420, %add3A_1373 : i32
      %add3A_1422 = arith.constant 1 : i32
      %add3A_1423 = arith.addi %mul3A_1421, %add3A_1422 : i32
      %rem3A_1424 = arith.constant 16 : i32
      %rem3A_1425 = arith.remsi %add3A_1423, %rem3A_1424 : i32
      %dma_start3A_1426 = arith.constant 0 : i32
      %dma_start3A_1427 = arith.constant 256 : i32
      %dma_start3A_1428 = tpu.memref_slice %arg8[%reduce_max3A_1393, %dma_start3A_1426, %dma_start3A_1427] : memref<2x77x512xf32, #tpu.memory_space<vmem>> -> memref<1x77x256xf32, #tpu.memory_space<vmem>>
      %dma_start3A_1429 = tpu.memref_squeeze %dma_start3A_1428 : memref<1x77x256xf32, #tpu.memory_space<vmem>> -> memref<77x256xf32, #tpu.memory_space<vmem>>
      %dma_start3A_1430 = arith.constant 0 : i32
      %dma_start3A_1431 = arith.constant 256 : i32
      %dma_start3A_1432 = tpu.memref_slice %arg7[%add3A_1419, %dma_start3A_1430, %dma_start3A_1431] : memref<4096x77x512xf32, #tpu.memory_space<hbm>> -> memref<1x77x256xf32, #tpu.memory_space<hbm>>
      %dma_start3A_1433 = tpu.memref_squeeze %dma_start3A_1432 : memref<1x77x256xf32, #tpu.memory_space<hbm>> -> memref<77x256xf32, #tpu.memory_space<hbm>>
      %dma_start3A_1434 = tpu.memref_slice %arg11[%rem3A_1425] : memref<16x!tpu.dma_semaphore, #tpu.memory_space<semaphore_mem>> -> memref<1x!tpu.dma_semaphore, #tpu.memory_space<semaphore_mem>>
      %dma_start3A_1435 = tpu.memref_squeeze %dma_start3A_1434 : memref<1x!tpu.dma_semaphore, #tpu.memory_space<semaphore_mem>> -> memref<!tpu.dma_semaphore, #tpu.memory_space<semaphore_mem>>
      %dma_start3A_1436 = arith.constant 0 : i32
      %dma_start3A_1437 = arith.constant 256 : i32
      %dma_start3A_1438 = tpu.memref_slice %arg7[%add3A_1419, %dma_start3A_1436, %dma_start3A_1437] : memref<4096x77x512xf32, #tpu.memory_space<hbm>> -> memref<1x77x256xf32, #tpu.memory_space<hbm>>
      %dma_start3A_1439 = tpu.memref_squeeze %dma_start3A_1438 : memref<1x77x256xf32, #tpu.memory_space<hbm>> -> memref<77x256xf32, #tpu.memory_space<hbm>>
      %dma_start3A_1440 = arith.constant 0 : i32
      %dma_start3A_1441 = arith.constant 256 : i32
      %dma_start3A_1442 = tpu.memref_slice %arg8[%reduce_max3A_1393, %dma_start3A_1440, %dma_start3A_1441] : memref<2x77x512xf32, #tpu.memory_space<vmem>> -> memref<1x77x256xf32, #tpu.memory_space<vmem>>
      %dma_start3A_1443 = tpu.memref_squeeze %dma_start3A_1442 : memref<1x77x256xf32, #tpu.memory_space<vmem>> -> memref<77x256xf32, #tpu.memory_space<vmem>>
      tpu.enqueue_dma source(%dma_start3A_1443 : memref<77x256xf32, #tpu.memory_space<vmem>>) target(%dma_start3A_1439 : memref<77x256xf32, #tpu.memory_space<hbm>>) target_semaphore(%dma_start3A_1435 : memref<!tpu.dma_semaphore, #tpu.memory_space<semaphore_mem>>)
      %mul3A_1444 = arith.constant 16 : i32
      %mul3A_1445 = arith.muli %scan3A_481, %mul3A_1444 : i32
      %add3A_1446 = arith.constant 13 : i32
      %add3A_1447 = arith.addi %mul3A_1445, %add3A_1446 : i32
      %ge3A_1448 = arith.constant 8 : i32
      %ge3A_1449 = arith.cmpi sge, %add3A_1447, %ge3A_1448 : i32
      %convert_element_type3A_1450 = arith.extui %ge3A_1449 : i1 to i32
      %cond3A_1451 = arith.constant 0 : i32
      %cond3A_1452 = arith.cmpi ne, %convert_element_type3A_1450, %cond3A_1451 : i32
      scf.if %cond3A_1452 {
        %sub3A = arith.constant 8 : i32
        %sub3A_1666 = arith.subi %add3A_1447, %sub3A : i32
        %add3A_1667 = arith.addi %mul3A_2, %sub3A_1666 : i32
        %mul3A_1668 = arith.constant 2 : i32
        %mul3A_1669 = arith.muli %mul3A_1668, %sub3A_1666 : i32
        %add3A_1670 = arith.constant 0 : i32
        %add3A_1671 = arith.addi %mul3A_1669, %add3A_1670 : i32
        %rem3A_1672 = arith.constant 16 : i32
        %rem3A_1673 = arith.remsi %add3A_1671, %rem3A_1672 : i32
        %dma_wait3A_1674 = arith.constant 0 : i32
        %dma_wait3A_1675 = arith.constant 0 : i32
        %dma_wait3A_1676 = arith.constant 0 : i32
        %dma_wait3A_1677 = tpu.memref_slice %arg8[%dma_wait3A_1674, %dma_wait3A_1675, %dma_wait3A_1676] : memref<2x77x512xf32, #tpu.memory_space<vmem>> -> memref<1x77x256xf32, #tpu.memory_space<vmem>>
        %dma_wait3A_1678 = tpu.memref_squeeze %dma_wait3A_1677 : memref<1x77x256xf32, #tpu.memory_space<vmem>> -> memref<77x256xf32, #tpu.memory_space<vmem>>
        %dma_wait3A_1679 = arith.constant 0 : i32
        %dma_wait3A_1680 = arith.constant 0 : i32
        %dma_wait3A_1681 = tpu.memref_slice %arg7[%add3A_1667, %dma_wait3A_1679, %dma_wait3A_1680] : memref<4096x77x512xf32, #tpu.memory_space<hbm>> -> memref<1x77x256xf32, #tpu.memory_space<hbm>>
        %dma_wait3A_1682 = tpu.memref_squeeze %dma_wait3A_1681 : memref<1x77x256xf32, #tpu.memory_space<hbm>> -> memref<77x256xf32, #tpu.memory_space<hbm>>
        %dma_wait3A_1683 = tpu.memref_slice %arg11[%rem3A_1673] : memref<16x!tpu.dma_semaphore, #tpu.memory_space<semaphore_mem>> -> memref<1x!tpu.dma_semaphore, #tpu.memory_space<semaphore_mem>>
        %dma_wait3A_1684 = tpu.memref_squeeze %dma_wait3A_1683 : memref<1x!tpu.dma_semaphore, #tpu.memory_space<semaphore_mem>> -> memref<!tpu.dma_semaphore, #tpu.memory_space<semaphore_mem>>
        %dma_wait3A_1685 = arith.constant 0 : i32
        %dma_wait3A_1686 = arith.constant 0 : i32
        %dma_wait3A_1687 = tpu.memref_slice %arg7[%add3A_1667, %dma_wait3A_1685, %dma_wait3A_1686] : memref<4096x77x512xf32, #tpu.memory_space<hbm>> -> memref<1x77x256xf32, #tpu.memory_space<hbm>>
        %dma_wait3A_1688 = tpu.memref_squeeze %dma_wait3A_1687 : memref<1x77x256xf32, #tpu.memory_space<hbm>> -> memref<77x256xf32, #tpu.memory_space<hbm>>
        %dma_wait3A_1689 = arith.constant 0 : i32
        %dma_wait3A_1690 = arith.constant 0 : i32
        %dma_wait3A_1691 = tpu.memref_slice %arg8[%dma_wait3A_1674, %dma_wait3A_1689, %dma_wait3A_1690] : memref<2x77x512xf32, #tpu.memory_space<vmem>> -> memref<1x77x256xf32, #tpu.memory_space<vmem>>
        %dma_wait3A_1692 = tpu.memref_squeeze %dma_wait3A_1691 : memref<1x77x256xf32, #tpu.memory_space<vmem>> -> memref<77x256xf32, #tpu.memory_space<vmem>>
        tpu.wait_dma2 semaphore(%dma_wait3A_1684 : memref<!tpu.dma_semaphore, #tpu.memory_space<semaphore_mem>>) src(%dma_wait3A_1692 : memref<77x256xf32, #tpu.memory_space<vmem>>) dst(%dma_wait3A_1688 : memref<77x256xf32, #tpu.memory_space<hbm>>)
        %sub3A_1693 = arith.constant 8 : i32
        %sub3A_1694 = arith.subi %add3A_1447, %sub3A_1693 : i32
        %add3A_1695 = arith.addi %mul3A_2, %sub3A_1694 : i32
        %mul3A_1696 = arith.constant 2 : i32
        %mul3A_1697 = arith.muli %mul3A_1696, %sub3A_1694 : i32
        %add3A_1698 = arith.constant 1 : i32
        %add3A_1699 = arith.addi %mul3A_1697, %add3A_1698 : i32
        %rem3A_1700 = arith.constant 16 : i32
        %rem3A_1701 = arith.remsi %add3A_1699, %rem3A_1700 : i32
        %dma_wait3A_1702 = arith.constant 0 : i32
        %dma_wait3A_1703 = arith.constant 0 : i32
        %dma_wait3A_1704 = arith.constant 256 : i32
        %dma_wait3A_1705 = tpu.memref_slice %arg8[%dma_wait3A_1702, %dma_wait3A_1703, %dma_wait3A_1704] : memref<2x77x512xf32, #tpu.memory_space<vmem>> -> memref<1x77x256xf32, #tpu.memory_space<vmem>>
        %dma_wait3A_1706 = tpu.memref_squeeze %dma_wait3A_1705 : memref<1x77x256xf32, #tpu.memory_space<vmem>> -> memref<77x256xf32, #tpu.memory_space<vmem>>
        %dma_wait3A_1707 = arith.constant 0 : i32
        %dma_wait3A_1708 = arith.constant 256 : i32
        %dma_wait3A_1709 = tpu.memref_slice %arg7[%add3A_1695, %dma_wait3A_1707, %dma_wait3A_1708] : memref<4096x77x512xf32, #tpu.memory_space<hbm>> -> memref<1x77x256xf32, #tpu.memory_space<hbm>>
        %dma_wait3A_1710 = tpu.memref_squeeze %dma_wait3A_1709 : memref<1x77x256xf32, #tpu.memory_space<hbm>> -> memref<77x256xf32, #tpu.memory_space<hbm>>
        %dma_wait3A_1711 = tpu.memref_slice %arg11[%rem3A_1701] : memref<16x!tpu.dma_semaphore, #tpu.memory_space<semaphore_mem>> -> memref<1x!tpu.dma_semaphore, #tpu.memory_space<semaphore_mem>>
        %dma_wait3A_1712 = tpu.memref_squeeze %dma_wait3A_1711 : memref<1x!tpu.dma_semaphore, #tpu.memory_space<semaphore_mem>> -> memref<!tpu.dma_semaphore, #tpu.memory_space<semaphore_mem>>
        %dma_wait3A_1713 = arith.constant 0 : i32
        %dma_wait3A_1714 = arith.constant 256 : i32
        %dma_wait3A_1715 = tpu.memref_slice %arg7[%add3A_1695, %dma_wait3A_1713, %dma_wait3A_1714] : memref<4096x77x512xf32, #tpu.memory_space<hbm>> -> memref<1x77x256xf32, #tpu.memory_space<hbm>>
        %dma_wait3A_1716 = tpu.memref_squeeze %dma_wait3A_1715 : memref<1x77x256xf32, #tpu.memory_space<hbm>> -> memref<77x256xf32, #tpu.memory_space<hbm>>
        %dma_wait3A_1717 = arith.constant 0 : i32
        %dma_wait3A_1718 = arith.constant 256 : i32
        %dma_wait3A_1719 = tpu.memref_slice %arg8[%dma_wait3A_1702, %dma_wait3A_1717, %dma_wait3A_1718] : memref<2x77x512xf32, #tpu.memory_space<vmem>> -> memref<1x77x256xf32, #tpu.memory_space<vmem>>
        %dma_wait3A_1720 = tpu.memref_squeeze %dma_wait3A_1719 : memref<1x77x256xf32, #tpu.memory_space<vmem>> -> memref<77x256xf32, #tpu.memory_space<vmem>>
        tpu.wait_dma2 semaphore(%dma_wait3A_1712 : memref<!tpu.dma_semaphore, #tpu.memory_space<semaphore_mem>>) src(%dma_wait3A_1720 : memref<77x256xf32, #tpu.memory_space<vmem>>) dst(%dma_wait3A_1716 : memref<77x256xf32, #tpu.memory_space<hbm>>)
      } else {
      }
      %iota3A_1453 = tpu.iota {dimensions = array<i32: 0>} : vector<16xi32>
      %eq3A_1454 = arith.constant 13 : i32
      %eq3A_1455 = vector.broadcast %eq3A_1454 : i32 to vector<16xi32>
      %eq3A_1456 = arith.cmpi eq, %iota3A_1453, %eq3A_1455 : vector<16xi32>
      %jit3A_1457 = arith.constant -1 : i32
      %broadcast_in_dim3A_1458 = vector.broadcast %jit3A_1457 : i32 to vector<16xi32>
      %select_n3A_1459 = arith.select %eq3A_1456, %get3A_485, %broadcast_in_dim3A_1458 : vector<16xi1>, vector<16xi32>
      %reduce_max3A_1460 = arith.constant true
      %reduce_max3A_1461 = vector.broadcast %reduce_max3A_1460 : i1 to vector<16xi1>
      %reduce_max3A_1462 = arith.constant -2147483648 : i32
      %reduce_max3A_1463 = vector.broadcast %reduce_max3A_1462 : i32 to vector<16xi32>
      %reduce_max3A_1464 = arith.xori %select_n3A_1459, %reduce_max3A_1463 : vector<16xi32>
      %reduce_max3A_1465 = tpu.scan <max>, %reduce_max3A_1464 masked %reduce_max3A_1461 : vector<16xi32>, vector<16xi1> -> vector<16xi32>
      %reduce_max3A_1466 = arith.xori %reduce_max3A_1465, %reduce_max3A_1463 : vector<16xi32>
      %reduce_max3A_1467 = vector.extract %reduce_max3A_1466[15] : i32 from vector<16xi32>
      %add3A_1468 = arith.addi %mul3A_2, %add3A_1447 : i32
      %mul3A_1469 = arith.constant 2 : i32
      %mul3A_1470 = arith.muli %mul3A_1469, %add3A_1447 : i32
      %add3A_1471 = arith.constant 0 : i32
      %add3A_1472 = arith.addi %mul3A_1470, %add3A_1471 : i32
      %rem3A_1473 = arith.constant 16 : i32
      %rem3A_1474 = arith.remsi %add3A_1472, %rem3A_1473 : i32
      %dma_start3A_1475 = arith.constant 0 : i32
      %dma_start3A_1476 = arith.constant 0 : i32
      %dma_start3A_1477 = tpu.memref_slice %arg8[%reduce_max3A_1467, %dma_start3A_1475, %dma_start3A_1476] : memref<2x77x512xf32, #tpu.memory_space<vmem>> -> memref<1x77x256xf32, #tpu.memory_space<vmem>>
      %dma_start3A_1478 = tpu.memref_squeeze %dma_start3A_1477 : memref<1x77x256xf32, #tpu.memory_space<vmem>> -> memref<77x256xf32, #tpu.memory_space<vmem>>
      %dma_start3A_1479 = arith.constant 0 : i32
      %dma_start3A_1480 = arith.constant 0 : i32
      %dma_start3A_1481 = tpu.memref_slice %arg7[%add3A_1468, %dma_start3A_1479, %dma_start3A_1480] : memref<4096x77x512xf32, #tpu.memory_space<hbm>> -> memref<1x77x256xf32, #tpu.memory_space<hbm>>
      %dma_start3A_1482 = tpu.memref_squeeze %dma_start3A_1481 : memref<1x77x256xf32, #tpu.memory_space<hbm>> -> memref<77x256xf32, #tpu.memory_space<hbm>>
      %dma_start3A_1483 = tpu.memref_slice %arg11[%rem3A_1474] : memref<16x!tpu.dma_semaphore, #tpu.memory_space<semaphore_mem>> -> memref<1x!tpu.dma_semaphore, #tpu.memory_space<semaphore_mem>>
      %dma_start3A_1484 = tpu.memref_squeeze %dma_start3A_1483 : memref<1x!tpu.dma_semaphore, #tpu.memory_space<semaphore_mem>> -> memref<!tpu.dma_semaphore, #tpu.memory_space<semaphore_mem>>
      %dma_start3A_1485 = arith.constant 0 : i32
      %dma_start3A_1486 = arith.constant 0 : i32
      %dma_start3A_1487 = tpu.memref_slice %arg7[%add3A_1468, %dma_start3A_1485, %dma_start3A_1486] : memref<4096x77x512xf32, #tpu.memory_space<hbm>> -> memref<1x77x256xf32, #tpu.memory_space<hbm>>
      %dma_start3A_1488 = tpu.memref_squeeze %dma_start3A_1487 : memref<1x77x256xf32, #tpu.memory_space<hbm>> -> memref<77x256xf32, #tpu.memory_space<hbm>>
      %dma_start3A_1489 = arith.constant 0 : i32
      %dma_start3A_1490 = arith.constant 0 : i32
      %dma_start3A_1491 = tpu.memref_slice %arg8[%reduce_max3A_1467, %dma_start3A_1489, %dma_start3A_1490] : memref<2x77x512xf32, #tpu.memory_space<vmem>> -> memref<1x77x256xf32, #tpu.memory_space<vmem>>
      %dma_start3A_1492 = tpu.memref_squeeze %dma_start3A_1491 : memref<1x77x256xf32, #tpu.memory_space<vmem>> -> memref<77x256xf32, #tpu.memory_space<vmem>>
      tpu.enqueue_dma source(%dma_start3A_1492 : memref<77x256xf32, #tpu.memory_space<vmem>>) target(%dma_start3A_1488 : memref<77x256xf32, #tpu.memory_space<hbm>>) target_semaphore(%dma_start3A_1484 : memref<!tpu.dma_semaphore, #tpu.memory_space<semaphore_mem>>)
      %add3A_1493 = arith.addi %mul3A_2, %add3A_1447 : i32
      %mul3A_1494 = arith.constant 2 : i32
      %mul3A_1495 = arith.muli %mul3A_1494, %add3A_1447 : i32
      %add3A_1496 = arith.constant 1 : i32
      %add3A_1497 = arith.addi %mul3A_1495, %add3A_1496 : i32
      %rem3A_1498 = arith.constant 16 : i32
      %rem3A_1499 = arith.remsi %add3A_1497, %rem3A_1498 : i32
      %dma_start3A_1500 = arith.constant 0 : i32
      %dma_start3A_1501 = arith.constant 256 : i32
      %dma_start3A_1502 = tpu.memref_slice %arg8[%reduce_max3A_1467, %dma_start3A_1500, %dma_start3A_1501] : memref<2x77x512xf32, #tpu.memory_space<vmem>> -> memref<1x77x256xf32, #tpu.memory_space<vmem>>
      %dma_start3A_1503 = tpu.memref_squeeze %dma_start3A_1502 : memref<1x77x256xf32, #tpu.memory_space<vmem>> -> memref<77x256xf32, #tpu.memory_space<vmem>>
      %dma_start3A_1504 = arith.constant 0 : i32
      %dma_start3A_1505 = arith.constant 256 : i32
      %dma_start3A_1506 = tpu.memref_slice %arg7[%add3A_1493, %dma_start3A_1504, %dma_start3A_1505] : memref<4096x77x512xf32, #tpu.memory_space<hbm>> -> memref<1x77x256xf32, #tpu.memory_space<hbm>>
      %dma_start3A_1507 = tpu.memref_squeeze %dma_start3A_1506 : memref<1x77x256xf32, #tpu.memory_space<hbm>> -> memref<77x256xf32, #tpu.memory_space<hbm>>
      %dma_start3A_1508 = tpu.memref_slice %arg11[%rem3A_1499] : memref<16x!tpu.dma_semaphore, #tpu.memory_space<semaphore_mem>> -> memref<1x!tpu.dma_semaphore, #tpu.memory_space<semaphore_mem>>
      %dma_start3A_1509 = tpu.memref_squeeze %dma_start3A_1508 : memref<1x!tpu.dma_semaphore, #tpu.memory_space<semaphore_mem>> -> memref<!tpu.dma_semaphore, #tpu.memory_space<semaphore_mem>>
      %dma_start3A_1510 = arith.constant 0 : i32
      %dma_start3A_1511 = arith.constant 256 : i32
      %dma_start3A_1512 = tpu.memref_slice %arg7[%add3A_1493, %dma_start3A_1510, %dma_start3A_1511] : memref<4096x77x512xf32, #tpu.memory_space<hbm>> -> memref<1x77x256xf32, #tpu.memory_space<hbm>>
      %dma_start3A_1513 = tpu.memref_squeeze %dma_start3A_1512 : memref<1x77x256xf32, #tpu.memory_space<hbm>> -> memref<77x256xf32, #tpu.memory_space<hbm>>
      %dma_start3A_1514 = arith.constant 0 : i32
      %dma_start3A_1515 = arith.constant 256 : i32
      %dma_start3A_1516 = tpu.memref_slice %arg8[%reduce_max3A_1467, %dma_start3A_1514, %dma_start3A_1515] : memref<2x77x512xf32, #tpu.memory_space<vmem>> -> memref<1x77x256xf32, #tpu.memory_space<vmem>>
      %dma_start3A_1517 = tpu.memref_squeeze %dma_start3A_1516 : memref<1x77x256xf32, #tpu.memory_space<vmem>> -> memref<77x256xf32, #tpu.memory_space<vmem>>
      tpu.enqueue_dma source(%dma_start3A_1517 : memref<77x256xf32, #tpu.memory_space<vmem>>) target(%dma_start3A_1513 : memref<77x256xf32, #tpu.memory_space<hbm>>) target_semaphore(%dma_start3A_1509 : memref<!tpu.dma_semaphore, #tpu.memory_space<semaphore_mem>>)
      %mul3A_1518 = arith.constant 16 : i32
      %mul3A_1519 = arith.muli %scan3A_481, %mul3A_1518 : i32
      %add3A_1520 = arith.constant 14 : i32
      %add3A_1521 = arith.addi %mul3A_1519, %add3A_1520 : i32
      %ge3A_1522 = arith.constant 8 : i32
      %ge3A_1523 = arith.cmpi sge, %add3A_1521, %ge3A_1522 : i32
      %convert_element_type3A_1524 = arith.extui %ge3A_1523 : i1 to i32
      %cond3A_1525 = arith.constant 0 : i32
      %cond3A_1526 = arith.cmpi ne, %convert_element_type3A_1524, %cond3A_1525 : i32
      scf.if %cond3A_1526 {
        %sub3A = arith.constant 8 : i32
        %sub3A_1666 = arith.subi %add3A_1521, %sub3A : i32
        %add3A_1667 = arith.addi %mul3A_2, %sub3A_1666 : i32
        %mul3A_1668 = arith.constant 2 : i32
        %mul3A_1669 = arith.muli %mul3A_1668, %sub3A_1666 : i32
        %add3A_1670 = arith.constant 0 : i32
        %add3A_1671 = arith.addi %mul3A_1669, %add3A_1670 : i32
        %rem3A_1672 = arith.constant 16 : i32
        %rem3A_1673 = arith.remsi %add3A_1671, %rem3A_1672 : i32
        %dma_wait3A_1674 = arith.constant 0 : i32
        %dma_wait3A_1675 = arith.constant 0 : i32
        %dma_wait3A_1676 = arith.constant 0 : i32
        %dma_wait3A_1677 = tpu.memref_slice %arg8[%dma_wait3A_1674, %dma_wait3A_1675, %dma_wait3A_1676] : memref<2x77x512xf32, #tpu.memory_space<vmem>> -> memref<1x77x256xf32, #tpu.memory_space<vmem>>
        %dma_wait3A_1678 = tpu.memref_squeeze %dma_wait3A_1677 : memref<1x77x256xf32, #tpu.memory_space<vmem>> -> memref<77x256xf32, #tpu.memory_space<vmem>>
        %dma_wait3A_1679 = arith.constant 0 : i32
        %dma_wait3A_1680 = arith.constant 0 : i32
        %dma_wait3A_1681 = tpu.memref_slice %arg7[%add3A_1667, %dma_wait3A_1679, %dma_wait3A_1680] : memref<4096x77x512xf32, #tpu.memory_space<hbm>> -> memref<1x77x256xf32, #tpu.memory_space<hbm>>
        %dma_wait3A_1682 = tpu.memref_squeeze %dma_wait3A_1681 : memref<1x77x256xf32, #tpu.memory_space<hbm>> -> memref<77x256xf32, #tpu.memory_space<hbm>>
        %dma_wait3A_1683 = tpu.memref_slice %arg11[%rem3A_1673] : memref<16x!tpu.dma_semaphore, #tpu.memory_space<semaphore_mem>> -> memref<1x!tpu.dma_semaphore, #tpu.memory_space<semaphore_mem>>
        %dma_wait3A_1684 = tpu.memref_squeeze %dma_wait3A_1683 : memref<1x!tpu.dma_semaphore, #tpu.memory_space<semaphore_mem>> -> memref<!tpu.dma_semaphore, #tpu.memory_space<semaphore_mem>>
        %dma_wait3A_1685 = arith.constant 0 : i32
        %dma_wait3A_1686 = arith.constant 0 : i32
        %dma_wait3A_1687 = tpu.memref_slice %arg7[%add3A_1667, %dma_wait3A_1685, %dma_wait3A_1686] : memref<4096x77x512xf32, #tpu.memory_space<hbm>> -> memref<1x77x256xf32, #tpu.memory_space<hbm>>
        %dma_wait3A_1688 = tpu.memref_squeeze %dma_wait3A_1687 : memref<1x77x256xf32, #tpu.memory_space<hbm>> -> memref<77x256xf32, #tpu.memory_space<hbm>>
        %dma_wait3A_1689 = arith.constant 0 : i32
        %dma_wait3A_1690 = arith.constant 0 : i32
        %dma_wait3A_1691 = tpu.memref_slice %arg8[%dma_wait3A_1674, %dma_wait3A_1689, %dma_wait3A_1690] : memref<2x77x512xf32, #tpu.memory_space<vmem>> -> memref<1x77x256xf32, #tpu.memory_space<vmem>>
        %dma_wait3A_1692 = tpu.memref_squeeze %dma_wait3A_1691 : memref<1x77x256xf32, #tpu.memory_space<vmem>> -> memref<77x256xf32, #tpu.memory_space<vmem>>
        tpu.wait_dma2 semaphore(%dma_wait3A_1684 : memref<!tpu.dma_semaphore, #tpu.memory_space<semaphore_mem>>) src(%dma_wait3A_1692 : memref<77x256xf32, #tpu.memory_space<vmem>>) dst(%dma_wait3A_1688 : memref<77x256xf32, #tpu.memory_space<hbm>>)
        %sub3A_1693 = arith.constant 8 : i32
        %sub3A_1694 = arith.subi %add3A_1521, %sub3A_1693 : i32
        %add3A_1695 = arith.addi %mul3A_2, %sub3A_1694 : i32
        %mul3A_1696 = arith.constant 2 : i32
        %mul3A_1697 = arith.muli %mul3A_1696, %sub3A_1694 : i32
        %add3A_1698 = arith.constant 1 : i32
        %add3A_1699 = arith.addi %mul3A_1697, %add3A_1698 : i32
        %rem3A_1700 = arith.constant 16 : i32
        %rem3A_1701 = arith.remsi %add3A_1699, %rem3A_1700 : i32
        %dma_wait3A_1702 = arith.constant 0 : i32
        %dma_wait3A_1703 = arith.constant 0 : i32
        %dma_wait3A_1704 = arith.constant 256 : i32
        %dma_wait3A_1705 = tpu.memref_slice %arg8[%dma_wait3A_1702, %dma_wait3A_1703, %dma_wait3A_1704] : memref<2x77x512xf32, #tpu.memory_space<vmem>> -> memref<1x77x256xf32, #tpu.memory_space<vmem>>
        %dma_wait3A_1706 = tpu.memref_squeeze %dma_wait3A_1705 : memref<1x77x256xf32, #tpu.memory_space<vmem>> -> memref<77x256xf32, #tpu.memory_space<vmem>>
        %dma_wait3A_1707 = arith.constant 0 : i32
        %dma_wait3A_1708 = arith.constant 256 : i32
        %dma_wait3A_1709 = tpu.memref_slice %arg7[%add3A_1695, %dma_wait3A_1707, %dma_wait3A_1708] : memref<4096x77x512xf32, #tpu.memory_space<hbm>> -> memref<1x77x256xf32, #tpu.memory_space<hbm>>
        %dma_wait3A_1710 = tpu.memref_squeeze %dma_wait3A_1709 : memref<1x77x256xf32, #tpu.memory_space<hbm>> -> memref<77x256xf32, #tpu.memory_space<hbm>>
        %dma_wait3A_1711 = tpu.memref_slice %arg11[%rem3A_1701] : memref<16x!tpu.dma_semaphore, #tpu.memory_space<semaphore_mem>> -> memref<1x!tpu.dma_semaphore, #tpu.memory_space<semaphore_mem>>
        %dma_wait3A_1712 = tpu.memref_squeeze %dma_wait3A_1711 : memref<1x!tpu.dma_semaphore, #tpu.memory_space<semaphore_mem>> -> memref<!tpu.dma_semaphore, #tpu.memory_space<semaphore_mem>>
        %dma_wait3A_1713 = arith.constant 0 : i32
        %dma_wait3A_1714 = arith.constant 256 : i32
        %dma_wait3A_1715 = tpu.memref_slice %arg7[%add3A_1695, %dma_wait3A_1713, %dma_wait3A_1714] : memref<4096x77x512xf32, #tpu.memory_space<hbm>> -> memref<1x77x256xf32, #tpu.memory_space<hbm>>
        %dma_wait3A_1716 = tpu.memref_squeeze %dma_wait3A_1715 : memref<1x77x256xf32, #tpu.memory_space<hbm>> -> memref<77x256xf32, #tpu.memory_space<hbm>>
        %dma_wait3A_1717 = arith.constant 0 : i32
        %dma_wait3A_1718 = arith.constant 256 : i32
        %dma_wait3A_1719 = tpu.memref_slice %arg8[%dma_wait3A_1702, %dma_wait3A_1717, %dma_wait3A_1718] : memref<2x77x512xf32, #tpu.memory_space<vmem>> -> memref<1x77x256xf32, #tpu.memory_space<vmem>>
        %dma_wait3A_1720 = tpu.memref_squeeze %dma_wait3A_1719 : memref<1x77x256xf32, #tpu.memory_space<vmem>> -> memref<77x256xf32, #tpu.memory_space<vmem>>
        tpu.wait_dma2 semaphore(%dma_wait3A_1712 : memref<!tpu.dma_semaphore, #tpu.memory_space<semaphore_mem>>) src(%dma_wait3A_1720 : memref<77x256xf32, #tpu.memory_space<vmem>>) dst(%dma_wait3A_1716 : memref<77x256xf32, #tpu.memory_space<hbm>>)
      } else {
      }
      %iota3A_1527 = tpu.iota {dimensions = array<i32: 0>} : vector<16xi32>
      %eq3A_1528 = arith.constant 14 : i32
      %eq3A_1529 = vector.broadcast %eq3A_1528 : i32 to vector<16xi32>
      %eq3A_1530 = arith.cmpi eq, %iota3A_1527, %eq3A_1529 : vector<16xi32>
      %jit3A_1531 = arith.constant -1 : i32
      %broadcast_in_dim3A_1532 = vector.broadcast %jit3A_1531 : i32 to vector<16xi32>
      %select_n3A_1533 = arith.select %eq3A_1530, %get3A_485, %broadcast_in_dim3A_1532 : vector<16xi1>, vector<16xi32>
      %reduce_max3A_1534 = arith.constant true
      %reduce_max3A_1535 = vector.broadcast %reduce_max3A_1534 : i1 to vector<16xi1>
      %reduce_max3A_1536 = arith.constant -2147483648 : i32
      %reduce_max3A_1537 = vector.broadcast %reduce_max3A_1536 : i32 to vector<16xi32>
      %reduce_max3A_1538 = arith.xori %select_n3A_1533, %reduce_max3A_1537 : vector<16xi32>
      %reduce_max3A_1539 = tpu.scan <max>, %reduce_max3A_1538 masked %reduce_max3A_1535 : vector<16xi32>, vector<16xi1> -> vector<16xi32>
      %reduce_max3A_1540 = arith.xori %reduce_max3A_1539, %reduce_max3A_1537 : vector<16xi32>
      %reduce_max3A_1541 = vector.extract %reduce_max3A_1540[15] : i32 from vector<16xi32>
      %add3A_1542 = arith.addi %mul3A_2, %add3A_1521 : i32
      %mul3A_1543 = arith.constant 2 : i32
      %mul3A_1544 = arith.muli %mul3A_1543, %add3A_1521 : i32
      %add3A_1545 = arith.constant 0 : i32
      %add3A_1546 = arith.addi %mul3A_1544, %add3A_1545 : i32
      %rem3A_1547 = arith.constant 16 : i32
      %rem3A_1548 = arith.remsi %add3A_1546, %rem3A_1547 : i32
      %dma_start3A_1549 = arith.constant 0 : i32
      %dma_start3A_1550 = arith.constant 0 : i32
      %dma_start3A_1551 = tpu.memref_slice %arg8[%reduce_max3A_1541, %dma_start3A_1549, %dma_start3A_1550] : memref<2x77x512xf32, #tpu.memory_space<vmem>> -> memref<1x77x256xf32, #tpu.memory_space<vmem>>
      %dma_start3A_1552 = tpu.memref_squeeze %dma_start3A_1551 : memref<1x77x256xf32, #tpu.memory_space<vmem>> -> memref<77x256xf32, #tpu.memory_space<vmem>>
      %dma_start3A_1553 = arith.constant 0 : i32
      %dma_start3A_1554 = arith.constant 0 : i32
      %dma_start3A_1555 = tpu.memref_slice %arg7[%add3A_1542, %dma_start3A_1553, %dma_start3A_1554] : memref<4096x77x512xf32, #tpu.memory_space<hbm>> -> memref<1x77x256xf32, #tpu.memory_space<hbm>>
      %dma_start3A_1556 = tpu.memref_squeeze %dma_start3A_1555 : memref<1x77x256xf32, #tpu.memory_space<hbm>> -> memref<77x256xf32, #tpu.memory_space<hbm>>
      %dma_start3A_1557 = tpu.memref_slice %arg11[%rem3A_1548] : memref<16x!tpu.dma_semaphore, #tpu.memory_space<semaphore_mem>> -> memref<1x!tpu.dma_semaphore, #tpu.memory_space<semaphore_mem>>
      %dma_start3A_1558 = tpu.memref_squeeze %dma_start3A_1557 : memref<1x!tpu.dma_semaphore, #tpu.memory_space<semaphore_mem>> -> memref<!tpu.dma_semaphore, #tpu.memory_space<semaphore_mem>>
      %dma_start3A_1559 = arith.constant 0 : i32
      %dma_start3A_1560 = arith.constant 0 : i32
      %dma_start3A_1561 = tpu.memref_slice %arg7[%add3A_1542, %dma_start3A_1559, %dma_start3A_1560] : memref<4096x77x512xf32, #tpu.memory_space<hbm>> -> memref<1x77x256xf32, #tpu.memory_space<hbm>>
      %dma_start3A_1562 = tpu.memref_squeeze %dma_start3A_1561 : memref<1x77x256xf32, #tpu.memory_space<hbm>> -> memref<77x256xf32, #tpu.memory_space<hbm>>
      %dma_start3A_1563 = arith.constant 0 : i32
      %dma_start3A_1564 = arith.constant 0 : i32
      %dma_start3A_1565 = tpu.memref_slice %arg8[%reduce_max3A_1541, %dma_start3A_1563, %dma_start3A_1564] : memref<2x77x512xf32, #tpu.memory_space<vmem>> -> memref<1x77x256xf32, #tpu.memory_space<vmem>>
      %dma_start3A_1566 = tpu.memref_squeeze %dma_start3A_1565 : memref<1x77x256xf32, #tpu.memory_space<vmem>> -> memref<77x256xf32, #tpu.memory_space<vmem>>
      tpu.enqueue_dma source(%dma_start3A_1566 : memref<77x256xf32, #tpu.memory_space<vmem>>) target(%dma_start3A_1562 : memref<77x256xf32, #tpu.memory_space<hbm>>) target_semaphore(%dma_start3A_1558 : memref<!tpu.dma_semaphore, #tpu.memory_space<semaphore_mem>>)
      %add3A_1567 = arith.addi %mul3A_2, %add3A_1521 : i32
      %mul3A_1568 = arith.constant 2 : i32
      %mul3A_1569 = arith.muli %mul3A_1568, %add3A_1521 : i32
      %add3A_1570 = arith.constant 1 : i32
      %add3A_1571 = arith.addi %mul3A_1569, %add3A_1570 : i32
      %rem3A_1572 = arith.constant 16 : i32
      %rem3A_1573 = arith.remsi %add3A_1571, %rem3A_1572 : i32
      %dma_start3A_1574 = arith.constant 0 : i32
      %dma_start3A_1575 = arith.constant 256 : i32
      %dma_start3A_1576 = tpu.memref_slice %arg8[%reduce_max3A_1541, %dma_start3A_1574, %dma_start3A_1575] : memref<2x77x512xf32, #tpu.memory_space<vmem>> -> memref<1x77x256xf32, #tpu.memory_space<vmem>>
      %dma_start3A_1577 = tpu.memref_squeeze %dma_start3A_1576 : memref<1x77x256xf32, #tpu.memory_space<vmem>> -> memref<77x256xf32, #tpu.memory_space<vmem>>
      %dma_start3A_1578 = arith.constant 0 : i32
      %dma_start3A_1579 = arith.constant 256 : i32
      %dma_start3A_1580 = tpu.memref_slice %arg7[%add3A_1567, %dma_start3A_1578, %dma_start3A_1579] : memref<4096x77x512xf32, #tpu.memory_space<hbm>> -> memref<1x77x256xf32, #tpu.memory_space<hbm>>
      %dma_start3A_1581 = tpu.memref_squeeze %dma_start3A_1580 : memref<1x77x256xf32, #tpu.memory_space<hbm>> -> memref<77x256xf32, #tpu.memory_space<hbm>>
      %dma_start3A_1582 = tpu.memref_slice %arg11[%rem3A_1573] : memref<16x!tpu.dma_semaphore, #tpu.memory_space<semaphore_mem>> -> memref<1x!tpu.dma_semaphore, #tpu.memory_space<semaphore_mem>>
      %dma_start3A_1583 = tpu.memref_squeeze %dma_start3A_1582 : memref<1x!tpu.dma_semaphore, #tpu.memory_space<semaphore_mem>> -> memref<!tpu.dma_semaphore, #tpu.memory_space<semaphore_mem>>
      %dma_start3A_1584 = arith.constant 0 : i32
      %dma_start3A_1585 = arith.constant 256 : i32
      %dma_start3A_1586 = tpu.memref_slice %arg7[%add3A_1567, %dma_start3A_1584, %dma_start3A_1585] : memref<4096x77x512xf32, #tpu.memory_space<hbm>> -> memref<1x77x256xf32, #tpu.memory_space<hbm>>
      %dma_start3A_1587 = tpu.memref_squeeze %dma_start3A_1586 : memref<1x77x256xf32, #tpu.memory_space<hbm>> -> memref<77x256xf32, #tpu.memory_space<hbm>>
      %dma_start3A_1588 = arith.constant 0 : i32
      %dma_start3A_1589 = arith.constant 256 : i32
      %dma_start3A_1590 = tpu.memref_slice %arg8[%reduce_max3A_1541, %dma_start3A_1588, %dma_start3A_1589] : memref<2x77x512xf32, #tpu.memory_space<vmem>> -> memref<1x77x256xf32, #tpu.memory_space<vmem>>
      %dma_start3A_1591 = tpu.memref_squeeze %dma_start3A_1590 : memref<1x77x256xf32, #tpu.memory_space<vmem>> -> memref<77x256xf32, #tpu.memory_space<vmem>>
      tpu.enqueue_dma source(%dma_start3A_1591 : memref<77x256xf32, #tpu.memory_space<vmem>>) target(%dma_start3A_1587 : memref<77x256xf32, #tpu.memory_space<hbm>>) target_semaphore(%dma_start3A_1583 : memref<!tpu.dma_semaphore, #tpu.memory_space<semaphore_mem>>)
      %mul3A_1592 = arith.constant 16 : i32
      %mul3A_1593 = arith.muli %scan3A_481, %mul3A_1592 : i32
      %add3A_1594 = arith.constant 15 : i32
      %add3A_1595 = arith.addi %mul3A_1593, %add3A_1594 : i32
      %ge3A_1596 = arith.constant 8 : i32
      %ge3A_1597 = arith.cmpi sge, %add3A_1595, %ge3A_1596 : i32
      %convert_element_type3A_1598 = arith.extui %ge3A_1597 : i1 to i32
      %cond3A_1599 = arith.constant 0 : i32
      %cond3A_1600 = arith.cmpi ne, %convert_element_type3A_1598, %cond3A_1599 : i32
      scf.if %cond3A_1600 {
        %sub3A = arith.constant 8 : i32
        %sub3A_1666 = arith.subi %add3A_1595, %sub3A : i32
        %add3A_1667 = arith.addi %mul3A_2, %sub3A_1666 : i32
        %mul3A_1668 = arith.constant 2 : i32
        %mul3A_1669 = arith.muli %mul3A_1668, %sub3A_1666 : i32
        %add3A_1670 = arith.constant 0 : i32
        %add3A_1671 = arith.addi %mul3A_1669, %add3A_1670 : i32
        %rem3A_1672 = arith.constant 16 : i32
        %rem3A_1673 = arith.remsi %add3A_1671, %rem3A_1672 : i32
        %dma_wait3A_1674 = arith.constant 0 : i32
        %dma_wait3A_1675 = arith.constant 0 : i32
        %dma_wait3A_1676 = arith.constant 0 : i32
        %dma_wait3A_1677 = tpu.memref_slice %arg8[%dma_wait3A_1674, %dma_wait3A_1675, %dma_wait3A_1676] : memref<2x77x512xf32, #tpu.memory_space<vmem>> -> memref<1x77x256xf32, #tpu.memory_space<vmem>>
        %dma_wait3A_1678 = tpu.memref_squeeze %dma_wait3A_1677 : memref<1x77x256xf32, #tpu.memory_space<vmem>> -> memref<77x256xf32, #tpu.memory_space<vmem>>
        %dma_wait3A_1679 = arith.constant 0 : i32
        %dma_wait3A_1680 = arith.constant 0 : i32
        %dma_wait3A_1681 = tpu.memref_slice %arg7[%add3A_1667, %dma_wait3A_1679, %dma_wait3A_1680] : memref<4096x77x512xf32, #tpu.memory_space<hbm>> -> memref<1x77x256xf32, #tpu.memory_space<hbm>>
        %dma_wait3A_1682 = tpu.memref_squeeze %dma_wait3A_1681 : memref<1x77x256xf32, #tpu.memory_space<hbm>> -> memref<77x256xf32, #tpu.memory_space<hbm>>
        %dma_wait3A_1683 = tpu.memref_slice %arg11[%rem3A_1673] : memref<16x!tpu.dma_semaphore, #tpu.memory_space<semaphore_mem>> -> memref<1x!tpu.dma_semaphore, #tpu.memory_space<semaphore_mem>>
        %dma_wait3A_1684 = tpu.memref_squeeze %dma_wait3A_1683 : memref<1x!tpu.dma_semaphore, #tpu.memory_space<semaphore_mem>> -> memref<!tpu.dma_semaphore, #tpu.memory_space<semaphore_mem>>
        %dma_wait3A_1685 = arith.constant 0 : i32
        %dma_wait3A_1686 = arith.constant 0 : i32
        %dma_wait3A_1687 = tpu.memref_slice %arg7[%add3A_1667, %dma_wait3A_1685, %dma_wait3A_1686] : memref<4096x77x512xf32, #tpu.memory_space<hbm>> -> memref<1x77x256xf32, #tpu.memory_space<hbm>>
        %dma_wait3A_1688 = tpu.memref_squeeze %dma_wait3A_1687 : memref<1x77x256xf32, #tpu.memory_space<hbm>> -> memref<77x256xf32, #tpu.memory_space<hbm>>
        %dma_wait3A_1689 = arith.constant 0 : i32
        %dma_wait3A_1690 = arith.constant 0 : i32
        %dma_wait3A_1691 = tpu.memref_slice %arg8[%dma_wait3A_1674, %dma_wait3A_1689, %dma_wait3A_1690] : memref<2x77x512xf32, #tpu.memory_space<vmem>> -> memref<1x77x256xf32, #tpu.memory_space<vmem>>
        %dma_wait3A_1692 = tpu.memref_squeeze %dma_wait3A_1691 : memref<1x77x256xf32, #tpu.memory_space<vmem>> -> memref<77x256xf32, #tpu.memory_space<vmem>>
        tpu.wait_dma2 semaphore(%dma_wait3A_1684 : memref<!tpu.dma_semaphore, #tpu.memory_space<semaphore_mem>>) src(%dma_wait3A_1692 : memref<77x256xf32, #tpu.memory_space<vmem>>) dst(%dma_wait3A_1688 : memref<77x256xf32, #tpu.memory_space<hbm>>)
        %sub3A_1693 = arith.constant 8 : i32
        %sub3A_1694 = arith.subi %add3A_1595, %sub3A_1693 : i32
        %add3A_1695 = arith.addi %mul3A_2, %sub3A_1694 : i32
        %mul3A_1696 = arith.constant 2 : i32
        %mul3A_1697 = arith.muli %mul3A_1696, %sub3A_1694 : i32
        %add3A_1698 = arith.constant 1 : i32
        %add3A_1699 = arith.addi %mul3A_1697, %add3A_1698 : i32
        %rem3A_1700 = arith.constant 16 : i32
        %rem3A_1701 = arith.remsi %add3A_1699, %rem3A_1700 : i32
        %dma_wait3A_1702 = arith.constant 0 : i32
        %dma_wait3A_1703 = arith.constant 0 : i32
        %dma_wait3A_1704 = arith.constant 256 : i32
        %dma_wait3A_1705 = tpu.memref_slice %arg8[%dma_wait3A_1702, %dma_wait3A_1703, %dma_wait3A_1704] : memref<2x77x512xf32, #tpu.memory_space<vmem>> -> memref<1x77x256xf32, #tpu.memory_space<vmem>>
        %dma_wait3A_1706 = tpu.memref_squeeze %dma_wait3A_1705 : memref<1x77x256xf32, #tpu.memory_space<vmem>> -> memref<77x256xf32, #tpu.memory_space<vmem>>
        %dma_wait3A_1707 = arith.constant 0 : i32
        %dma_wait3A_1708 = arith.constant 256 : i32
        %dma_wait3A_1709 = tpu.memref_slice %arg7[%add3A_1695, %dma_wait3A_1707, %dma_wait3A_1708] : memref<4096x77x512xf32, #tpu.memory_space<hbm>> -> memref<1x77x256xf32, #tpu.memory_space<hbm>>
        %dma_wait3A_1710 = tpu.memref_squeeze %dma_wait3A_1709 : memref<1x77x256xf32, #tpu.memory_space<hbm>> -> memref<77x256xf32, #tpu.memory_space<hbm>>
        %dma_wait3A_1711 = tpu.memref_slice %arg11[%rem3A_1701] : memref<16x!tpu.dma_semaphore, #tpu.memory_space<semaphore_mem>> -> memref<1x!tpu.dma_semaphore, #tpu.memory_space<semaphore_mem>>
        %dma_wait3A_1712 = tpu.memref_squeeze %dma_wait3A_1711 : memref<1x!tpu.dma_semaphore, #tpu.memory_space<semaphore_mem>> -> memref<!tpu.dma_semaphore, #tpu.memory_space<semaphore_mem>>
        %dma_wait3A_1713 = arith.constant 0 : i32
        %dma_wait3A_1714 = arith.constant 256 : i32
        %dma_wait3A_1715 = tpu.memref_slice %arg7[%add3A_1695, %dma_wait3A_1713, %dma_wait3A_1714] : memref<4096x77x512xf32, #tpu.memory_space<hbm>> -> memref<1x77x256xf32, #tpu.memory_space<hbm>>
        %dma_wait3A_1716 = tpu.memref_squeeze %dma_wait3A_1715 : memref<1x77x256xf32, #tpu.memory_space<hbm>> -> memref<77x256xf32, #tpu.memory_space<hbm>>
        %dma_wait3A_1717 = arith.constant 0 : i32
        %dma_wait3A_1718 = arith.constant 256 : i32
        %dma_wait3A_1719 = tpu.memref_slice %arg8[%dma_wait3A_1702, %dma_wait3A_1717, %dma_wait3A_1718] : memref<2x77x512xf32, #tpu.memory_space<vmem>> -> memref<1x77x256xf32, #tpu.memory_space<vmem>>
        %dma_wait3A_1720 = tpu.memref_squeeze %dma_wait3A_1719 : memref<1x77x256xf32, #tpu.memory_space<vmem>> -> memref<77x256xf32, #tpu.memory_space<vmem>>
        tpu.wait_dma2 semaphore(%dma_wait3A_1712 : memref<!tpu.dma_semaphore, #tpu.memory_space<semaphore_mem>>) src(%dma_wait3A_1720 : memref<77x256xf32, #tpu.memory_space<vmem>>) dst(%dma_wait3A_1716 : memref<77x256xf32, #tpu.memory_space<hbm>>)
      } else {
      }
      %iota3A_1601 = tpu.iota {dimensions = array<i32: 0>} : vector<16xi32>
      %eq3A_1602 = arith.constant 15 : i32
      %eq3A_1603 = vector.broadcast %eq3A_1602 : i32 to vector<16xi32>
      %eq3A_1604 = arith.cmpi eq, %iota3A_1601, %eq3A_1603 : vector<16xi32>
      %jit3A_1605 = arith.constant -1 : i32
      %broadcast_in_dim3A_1606 = vector.broadcast %jit3A_1605 : i32 to vector<16xi32>
      %select_n3A_1607 = arith.select %eq3A_1604, %get3A_485, %broadcast_in_dim3A_1606 : vector<16xi1>, vector<16xi32>
      %reduce_max3A_1608 = arith.constant true
      %reduce_max3A_1609 = vector.broadcast %reduce_max3A_1608 : i1 to vector<16xi1>
      %reduce_max3A_1610 = arith.constant -2147483648 : i32
      %reduce_max3A_1611 = vector.broadcast %reduce_max3A_1610 : i32 to vector<16xi32>
      %reduce_max3A_1612 = arith.xori %select_n3A_1607, %reduce_max3A_1611 : vector<16xi32>
      %reduce_max3A_1613 = tpu.scan <max>, %reduce_max3A_1612 masked %reduce_max3A_1609 : vector<16xi32>, vector<16xi1> -> vector<16xi32>
      %reduce_max3A_1614 = arith.xori %reduce_max3A_1613, %reduce_max3A_1611 : vector<16xi32>
      %reduce_max3A_1615 = vector.extract %reduce_max3A_1614[15] : i32 from vector<16xi32>
      %add3A_1616 = arith.addi %mul3A_2, %add3A_1595 : i32
      %mul3A_1617 = arith.constant 2 : i32
      %mul3A_1618 = arith.muli %mul3A_1617, %add3A_1595 : i32
      %add3A_1619 = arith.constant 0 : i32
      %add3A_1620 = arith.addi %mul3A_1618, %add3A_1619 : i32
      %rem3A_1621 = arith.constant 16 : i32
      %rem3A_1622 = arith.remsi %add3A_1620, %rem3A_1621 : i32
      %dma_start3A_1623 = arith.constant 0 : i32
      %dma_start3A_1624 = arith.constant 0 : i32
      %dma_start3A_1625 = tpu.memref_slice %arg8[%reduce_max3A_1615, %dma_start3A_1623, %dma_start3A_1624] : memref<2x77x512xf32, #tpu.memory_space<vmem>> -> memref<1x77x256xf32, #tpu.memory_space<vmem>>
      %dma_start3A_1626 = tpu.memref_squeeze %dma_start3A_1625 : memref<1x77x256xf32, #tpu.memory_space<vmem>> -> memref<77x256xf32, #tpu.memory_space<vmem>>
      %dma_start3A_1627 = arith.constant 0 : i32
      %dma_start3A_1628 = arith.constant 0 : i32
      %dma_start3A_1629 = tpu.memref_slice %arg7[%add3A_1616, %dma_start3A_1627, %dma_start3A_1628] : memref<4096x77x512xf32, #tpu.memory_space<hbm>> -> memref<1x77x256xf32, #tpu.memory_space<hbm>>
      %dma_start3A_1630 = tpu.memref_squeeze %dma_start3A_1629 : memref<1x77x256xf32, #tpu.memory_space<hbm>> -> memref<77x256xf32, #tpu.memory_space<hbm>>
      %dma_start3A_1631 = tpu.memref_slice %arg11[%rem3A_1622] : memref<16x!tpu.dma_semaphore, #tpu.memory_space<semaphore_mem>> -> memref<1x!tpu.dma_semaphore, #tpu.memory_space<semaphore_mem>>
      %dma_start3A_1632 = tpu.memref_squeeze %dma_start3A_1631 : memref<1x!tpu.dma_semaphore, #tpu.memory_space<semaphore_mem>> -> memref<!tpu.dma_semaphore, #tpu.memory_space<semaphore_mem>>
      %dma_start3A_1633 = arith.constant 0 : i32
      %dma_start3A_1634 = arith.constant 0 : i32
      %dma_start3A_1635 = tpu.memref_slice %arg7[%add3A_1616, %dma_start3A_1633, %dma_start3A_1634] : memref<4096x77x512xf32, #tpu.memory_space<hbm>> -> memref<1x77x256xf32, #tpu.memory_space<hbm>>
      %dma_start3A_1636 = tpu.memref_squeeze %dma_start3A_1635 : memref<1x77x256xf32, #tpu.memory_space<hbm>> -> memref<77x256xf32, #tpu.memory_space<hbm>>
      %dma_start3A_1637 = arith.constant 0 : i32
      %dma_start3A_1638 = arith.constant 0 : i32
      %dma_start3A_1639 = tpu.memref_slice %arg8[%reduce_max3A_1615, %dma_start3A_1637, %dma_start3A_1638] : memref<2x77x512xf32, #tpu.memory_space<vmem>> -> memref<1x77x256xf32, #tpu.memory_space<vmem>>
      %dma_start3A_1640 = tpu.memref_squeeze %dma_start3A_1639 : memref<1x77x256xf32, #tpu.memory_space<vmem>> -> memref<77x256xf32, #tpu.memory_space<vmem>>
      tpu.enqueue_dma source(%dma_start3A_1640 : memref<77x256xf32, #tpu.memory_space<vmem>>) target(%dma_start3A_1636 : memref<77x256xf32, #tpu.memory_space<hbm>>) target_semaphore(%dma_start3A_1632 : memref<!tpu.dma_semaphore, #tpu.memory_space<semaphore_mem>>)
      %add3A_1641 = arith.addi %mul3A_2, %add3A_1595 : i32
      %mul3A_1642 = arith.constant 2 : i32
      %mul3A_1643 = arith.muli %mul3A_1642, %add3A_1595 : i32
      %add3A_1644 = arith.constant 1 : i32
      %add3A_1645 = arith.addi %mul3A_1643, %add3A_1644 : i32
      %rem3A_1646 = arith.constant 16 : i32
      %rem3A_1647 = arith.remsi %add3A_1645, %rem3A_1646 : i32
      %dma_start3A_1648 = arith.constant 0 : i32
      %dma_start3A_1649 = arith.constant 256 : i32
      %dma_start3A_1650 = tpu.memref_slice %arg8[%reduce_max3A_1615, %dma_start3A_1648, %dma_start3A_1649] : memref<2x77x512xf32, #tpu.memory_space<vmem>> -> memref<1x77x256xf32, #tpu.memory_space<vmem>>
      %dma_start3A_1651 = tpu.memref_squeeze %dma_start3A_1650 : memref<1x77x256xf32, #tpu.memory_space<vmem>> -> memref<77x256xf32, #tpu.memory_space<vmem>>
      %dma_start3A_1652 = arith.constant 0 : i32
      %dma_start3A_1653 = arith.constant 256 : i32
      %dma_start3A_1654 = tpu.memref_slice %arg7[%add3A_1641, %dma_start3A_1652, %dma_start3A_1653] : memref<4096x77x512xf32, #tpu.memory_space<hbm>> -> memref<1x77x256xf32, #tpu.memory_space<hbm>>
      %dma_start3A_1655 = tpu.memref_squeeze %dma_start3A_1654 : memref<1x77x256xf32, #tpu.memory_space<hbm>> -> memref<77x256xf32, #tpu.memory_space<hbm>>
      %dma_start3A_1656 = tpu.memref_slice %arg11[%rem3A_1647] : memref<16x!tpu.dma_semaphore, #tpu.memory_space<semaphore_mem>> -> memref<1x!tpu.dma_semaphore, #tpu.memory_space<semaphore_mem>>
      %dma_start3A_1657 = tpu.memref_squeeze %dma_start3A_1656 : memref<1x!tpu.dma_semaphore, #tpu.memory_space<semaphore_mem>> -> memref<!tpu.dma_semaphore, #tpu.memory_space<semaphore_mem>>
      %dma_start3A_1658 = arith.constant 0 : i32
      %dma_start3A_1659 = arith.constant 256 : i32
      %dma_start3A_1660 = tpu.memref_slice %arg7[%add3A_1641, %dma_start3A_1658, %dma_start3A_1659] : memref<4096x77x512xf32, #tpu.memory_space<hbm>> -> memref<1x77x256xf32, #tpu.memory_space<hbm>>
      %dma_start3A_1661 = tpu.memref_squeeze %dma_start3A_1660 : memref<1x77x256xf32, #tpu.memory_space<hbm>> -> memref<77x256xf32, #tpu.memory_space<hbm>>
      %dma_start3A_1662 = arith.constant 0 : i32
      %dma_start3A_1663 = arith.constant 256 : i32
      %dma_start3A_1664 = tpu.memref_slice %arg8[%reduce_max3A_1615, %dma_start3A_1662, %dma_start3A_1663] : memref<2x77x512xf32, #tpu.memory_space<vmem>> -> memref<1x77x256xf32, #tpu.memory_space<vmem>>
      %dma_start3A_1665 = tpu.memref_squeeze %dma_start3A_1664 : memref<1x77x256xf32, #tpu.memory_space<vmem>> -> memref<77x256xf32, #tpu.memory_space<vmem>>
      tpu.enqueue_dma source(%dma_start3A_1665 : memref<77x256xf32, #tpu.memory_space<vmem>>) target(%dma_start3A_1661 : memref<77x256xf32, #tpu.memory_space<hbm>>) target_semaphore(%dma_start3A_1657 : memref<!tpu.dma_semaphore, #tpu.memory_space<semaphore_mem>>)
    }
    %scan3A_98 = arith.constant 8 : i32
    %add3A_99 = arith.constant 120 : i32
    %add3A_100 = arith.addi %mul3A_2, %add3A_99 : i32
    %rem3A = arith.constant 240 : i32
    %rem3A_101 = arith.constant 16 : i32
    %rem3A_102 = arith.remsi %rem3A, %rem3A_101 : i32
    %dma_wait3A = arith.constant 0 : i32
    %dma_wait3A_103 = arith.constant 0 : i32
    %dma_wait3A_104 = arith.constant 0 : i32
    %dma_wait3A_105 = tpu.memref_slice %arg8[%dma_wait3A, %dma_wait3A_103, %dma_wait3A_104] : memref<2x77x512xf32, #tpu.memory_space<vmem>> -> memref<1x77x256xf32, #tpu.memory_space<vmem>>
    %dma_wait3A_106 = tpu.memref_squeeze %dma_wait3A_105 : memref<1x77x256xf32, #tpu.memory_space<vmem>> -> memref<77x256xf32, #tpu.memory_space<vmem>>
    %dma_wait3A_107 = arith.constant 0 : i32
    %dma_wait3A_108 = arith.constant 0 : i32
    %dma_wait3A_109 = tpu.memref_slice %arg7[%add3A_100, %dma_wait3A_107, %dma_wait3A_108] : memref<4096x77x512xf32, #tpu.memory_space<hbm>> -> memref<1x77x256xf32, #tpu.memory_space<hbm>>
    %dma_wait3A_110 = tpu.memref_squeeze %dma_wait3A_109 : memref<1x77x256xf32, #tpu.memory_space<hbm>> -> memref<77x256xf32, #tpu.memory_space<hbm>>
    %dma_wait3A_111 = tpu.memref_slice %arg11[%rem3A_102] : memref<16x!tpu.dma_semaphore, #tpu.memory_space<semaphore_mem>> -> memref<1x!tpu.dma_semaphore, #tpu.memory_space<semaphore_mem>>
    %dma_wait3A_112 = tpu.memref_squeeze %dma_wait3A_111 : memref<1x!tpu.dma_semaphore, #tpu.memory_space<semaphore_mem>> -> memref<!tpu.dma_semaphore, #tpu.memory_space<semaphore_mem>>
    %dma_wait3A_113 = arith.constant 0 : i32
    %dma_wait3A_114 = arith.constant 0 : i32
    %dma_wait3A_115 = tpu.memref_slice %arg7[%add3A_100, %dma_wait3A_113, %dma_wait3A_114] : memref<4096x77x512xf32, #tpu.memory_space<hbm>> -> memref<1x77x256xf32, #tpu.memory_space<hbm>>
    %dma_wait3A_116 = tpu.memref_squeeze %dma_wait3A_115 : memref<1x77x256xf32, #tpu.memory_space<hbm>> -> memref<77x256xf32, #tpu.memory_space<hbm>>
    %dma_wait3A_117 = arith.constant 0 : i32
    %dma_wait3A_118 = arith.constant 0 : i32
    %dma_wait3A_119 = tpu.memref_slice %arg8[%dma_wait3A, %dma_wait3A_117, %dma_wait3A_118] : memref<2x77x512xf32, #tpu.memory_space<vmem>> -> memref<1x77x256xf32, #tpu.memory_space<vmem>>
    %dma_wait3A_120 = tpu.memref_squeeze %dma_wait3A_119 : memref<1x77x256xf32, #tpu.memory_space<vmem>> -> memref<77x256xf32, #tpu.memory_space<vmem>>
    tpu.wait_dma2 semaphore(%dma_wait3A_112 : memref<!tpu.dma_semaphore, #tpu.memory_space<semaphore_mem>>) src(%dma_wait3A_120 : memref<77x256xf32, #tpu.memory_space<vmem>>) dst(%dma_wait3A_116 : memref<77x256xf32, #tpu.memory_space<hbm>>)
    %add3A_121 = arith.constant 120 : i32
    %add3A_122 = arith.addi %mul3A_2, %add3A_121 : i32
    %rem3A_123 = arith.constant 241 : i32
    %rem3A_124 = arith.constant 16 : i32
    %rem3A_125 = arith.remsi %rem3A_123, %rem3A_124 : i32
    %dma_wait3A_126 = arith.constant 0 : i32
    %dma_wait3A_127 = arith.constant 0 : i32
    %dma_wait3A_128 = arith.constant 256 : i32
    %dma_wait3A_129 = tpu.memref_slice %arg8[%dma_wait3A_126, %dma_wait3A_127, %dma_wait3A_128] : memref<2x77x512xf32, #tpu.memory_space<vmem>> -> memref<1x77x256xf32, #tpu.memory_space<vmem>>
    %dma_wait3A_130 = tpu.memref_squeeze %dma_wait3A_129 : memref<1x77x256xf32, #tpu.memory_space<vmem>> -> memref<77x256xf32, #tpu.memory_space<vmem>>
    %dma_wait3A_131 = arith.constant 0 : i32
    %dma_wait3A_132 = arith.constant 256 : i32
    %dma_wait3A_133 = tpu.memref_slice %arg7[%add3A_122, %dma_wait3A_131, %dma_wait3A_132] : memref<4096x77x512xf32, #tpu.memory_space<hbm>> -> memref<1x77x256xf32, #tpu.memory_space<hbm>>
    %dma_wait3A_134 = tpu.memref_squeeze %dma_wait3A_133 : memref<1x77x256xf32, #tpu.memory_space<hbm>> -> memref<77x256xf32, #tpu.memory_space<hbm>>
    %dma_wait3A_135 = tpu.memref_slice %arg11[%rem3A_125] : memref<16x!tpu.dma_semaphore, #tpu.memory_space<semaphore_mem>> -> memref<1x!tpu.dma_semaphore, #tpu.memory_space<semaphore_mem>>
    %dma_wait3A_136 = tpu.memref_squeeze %dma_wait3A_135 : memref<1x!tpu.dma_semaphore, #tpu.memory_space<semaphore_mem>> -> memref<!tpu.dma_semaphore, #tpu.memory_space<semaphore_mem>>
    %dma_wait3A_137 = arith.constant 0 : i32
    %dma_wait3A_138 = arith.constant 256 : i32
    %dma_wait3A_139 = tpu.memref_slice %arg7[%add3A_122, %dma_wait3A_137, %dma_wait3A_138] : memref<4096x77x512xf32, #tpu.memory_space<hbm>> -> memref<1x77x256xf32, #tpu.memory_space<hbm>>
    %dma_wait3A_140 = tpu.memref_squeeze %dma_wait3A_139 : memref<1x77x256xf32, #tpu.memory_space<hbm>> -> memref<77x256xf32, #tpu.memory_space<hbm>>
    %dma_wait3A_141 = arith.constant 0 : i32
    %dma_wait3A_142 = arith.constant 256 : i32
    %dma_wait3A_143 = tpu.memref_slice %arg8[%dma_wait3A_126, %dma_wait3A_141, %dma_wait3A_142] : memref<2x77x512xf32, #tpu.memory_space<vmem>> -> memref<1x77x256xf32, #tpu.memory_space<vmem>>
    %dma_wait3A_144 = tpu.memref_squeeze %dma_wait3A_143 : memref<1x77x256xf32, #tpu.memory_space<vmem>> -> memref<77x256xf32, #tpu.memory_space<vmem>>
    tpu.wait_dma2 semaphore(%dma_wait3A_136 : memref<!tpu.dma_semaphore, #tpu.memory_space<semaphore_mem>>) src(%dma_wait3A_144 : memref<77x256xf32, #tpu.memory_space<vmem>>) dst(%dma_wait3A_140 : memref<77x256xf32, #tpu.memory_space<hbm>>)
    %add3A_145 = arith.constant 121 : i32
    %add3A_146 = arith.addi %mul3A_2, %add3A_145 : i32
    %rem3A_147 = arith.constant 242 : i32
    %rem3A_148 = arith.constant 16 : i32
    %rem3A_149 = arith.remsi %rem3A_147, %rem3A_148 : i32
    %dma_wait3A_150 = arith.constant 0 : i32
    %dma_wait3A_151 = arith.constant 0 : i32
    %dma_wait3A_152 = arith.constant 0 : i32
    %dma_wait3A_153 = tpu.memref_slice %arg8[%dma_wait3A_150, %dma_wait3A_151, %dma_wait3A_152] : memref<2x77x512xf32, #tpu.memory_space<vmem>> -> memref<1x77x256xf32, #tpu.memory_space<vmem>>
    %dma_wait3A_154 = tpu.memref_squeeze %dma_wait3A_153 : memref<1x77x256xf32, #tpu.memory_space<vmem>> -> memref<77x256xf32, #tpu.memory_space<vmem>>
    %dma_wait3A_155 = arith.constant 0 : i32
    %dma_wait3A_156 = arith.constant 0 : i32
    %dma_wait3A_157 = tpu.memref_slice %arg7[%add3A_146, %dma_wait3A_155, %dma_wait3A_156] : memref<4096x77x512xf32, #tpu.memory_space<hbm>> -> memref<1x77x256xf32, #tpu.memory_space<hbm>>
    %dma_wait3A_158 = tpu.memref_squeeze %dma_wait3A_157 : memref<1x77x256xf32, #tpu.memory_space<hbm>> -> memref<77x256xf32, #tpu.memory_space<hbm>>
    %dma_wait3A_159 = tpu.memref_slice %arg11[%rem3A_149] : memref<16x!tpu.dma_semaphore, #tpu.memory_space<semaphore_mem>> -> memref<1x!tpu.dma_semaphore, #tpu.memory_space<semaphore_mem>>
    %dma_wait3A_160 = tpu.memref_squeeze %dma_wait3A_159 : memref<1x!tpu.dma_semaphore, #tpu.memory_space<semaphore_mem>> -> memref<!tpu.dma_semaphore, #tpu.memory_space<semaphore_mem>>
    %dma_wait3A_161 = arith.constant 0 : i32
    %dma_wait3A_162 = arith.constant 0 : i32
    %dma_wait3A_163 = tpu.memref_slice %arg7[%add3A_146, %dma_wait3A_161, %dma_wait3A_162] : memref<4096x77x512xf32, #tpu.memory_space<hbm>> -> memref<1x77x256xf32, #tpu.memory_space<hbm>>
    %dma_wait3A_164 = tpu.memref_squeeze %dma_wait3A_163 : memref<1x77x256xf32, #tpu.memory_space<hbm>> -> memref<77x256xf32, #tpu.memory_space<hbm>>
    %dma_wait3A_165 = arith.constant 0 : i32
    %dma_wait3A_166 = arith.constant 0 : i32
    %dma_wait3A_167 = tpu.memref_slice %arg8[%dma_wait3A_150, %dma_wait3A_165, %dma_wait3A_166] : memref<2x77x512xf32, #tpu.memory_space<vmem>> -> memref<1x77x256xf32, #tpu.memory_space<vmem>>
    %dma_wait3A_168 = tpu.memref_squeeze %dma_wait3A_167 : memref<1x77x256xf32, #tpu.memory_space<vmem>> -> memref<77x256xf32, #tpu.memory_space<vmem>>
    tpu.wait_dma2 semaphore(%dma_wait3A_160 : memref<!tpu.dma_semaphore, #tpu.memory_space<semaphore_mem>>) src(%dma_wait3A_168 : memref<77x256xf32, #tpu.memory_space<vmem>>) dst(%dma_wait3A_164 : memref<77x256xf32, #tpu.memory_space<hbm>>)
    %add3A_169 = arith.constant 121 : i32
    %add3A_170 = arith.addi %mul3A_2, %add3A_169 : i32
    %rem3A_171 = arith.constant 243 : i32
    %rem3A_172 = arith.constant 16 : i32
    %rem3A_173 = arith.remsi %rem3A_171, %rem3A_172 : i32
    %dma_wait3A_174 = arith.constant 0 : i32
    %dma_wait3A_175 = arith.constant 0 : i32
    %dma_wait3A_176 = arith.constant 256 : i32
    %dma_wait3A_177 = tpu.memref_slice %arg8[%dma_wait3A_174, %dma_wait3A_175, %dma_wait3A_176] : memref<2x77x512xf32, #tpu.memory_space<vmem>> -> memref<1x77x256xf32, #tpu.memory_space<vmem>>
    %dma_wait3A_178 = tpu.memref_squeeze %dma_wait3A_177 : memref<1x77x256xf32, #tpu.memory_space<vmem>> -> memref<77x256xf32, #tpu.memory_space<vmem>>
    %dma_wait3A_179 = arith.constant 0 : i32
    %dma_wait3A_180 = arith.constant 256 : i32
    %dma_wait3A_181 = tpu.memref_slice %arg7[%add3A_170, %dma_wait3A_179, %dma_wait3A_180] : memref<4096x77x512xf32, #tpu.memory_space<hbm>> -> memref<1x77x256xf32, #tpu.memory_space<hbm>>
    %dma_wait3A_182 = tpu.memref_squeeze %dma_wait3A_181 : memref<1x77x256xf32, #tpu.memory_space<hbm>> -> memref<77x256xf32, #tpu.memory_space<hbm>>
    %dma_wait3A_183 = tpu.memref_slice %arg11[%rem3A_173] : memref<16x!tpu.dma_semaphore, #tpu.memory_space<semaphore_mem>> -> memref<1x!tpu.dma_semaphore, #tpu.memory_space<semaphore_mem>>
    %dma_wait3A_184 = tpu.memref_squeeze %dma_wait3A_183 : memref<1x!tpu.dma_semaphore, #tpu.memory_space<semaphore_mem>> -> memref<!tpu.dma_semaphore, #tpu.memory_space<semaphore_mem>>
    %dma_wait3A_185 = arith.constant 0 : i32
    %dma_wait3A_186 = arith.constant 256 : i32
    %dma_wait3A_187 = tpu.memref_slice %arg7[%add3A_170, %dma_wait3A_185, %dma_wait3A_186] : memref<4096x77x512xf32, #tpu.memory_space<hbm>> -> memref<1x77x256xf32, #tpu.memory_space<hbm>>
    %dma_wait3A_188 = tpu.memref_squeeze %dma_wait3A_187 : memref<1x77x256xf32, #tpu.memory_space<hbm>> -> memref<77x256xf32, #tpu.memory_space<hbm>>
    %dma_wait3A_189 = arith.constant 0 : i32
    %dma_wait3A_190 = arith.constant 256 : i32
    %dma_wait3A_191 = tpu.memref_slice %arg8[%dma_wait3A_174, %dma_wait3A_189, %dma_wait3A_190] : memref<2x77x512xf32, #tpu.memory_space<vmem>> -> memref<1x77x256xf32, #tpu.memory_space<vmem>>
    %dma_wait3A_192 = tpu.memref_squeeze %dma_wait3A_191 : memref<1x77x256xf32, #tpu.memory_space<vmem>> -> memref<77x256xf32, #tpu.memory_space<vmem>>
    tpu.wait_dma2 semaphore(%dma_wait3A_184 : memref<!tpu.dma_semaphore, #tpu.memory_space<semaphore_mem>>) src(%dma_wait3A_192 : memref<77x256xf32, #tpu.memory_space<vmem>>) dst(%dma_wait3A_188 : memref<77x256xf32, #tpu.memory_space<hbm>>)
    %add3A_193 = arith.constant 122 : i32
    %add3A_194 = arith.addi %mul3A_2, %add3A_193 : i32
    %rem3A_195 = arith.constant 244 : i32
    %rem3A_196 = arith.constant 16 : i32
    %rem3A_197 = arith.remsi %rem3A_195, %rem3A_196 : i32
    %dma_wait3A_198 = arith.constant 0 : i32
    %dma_wait3A_199 = arith.constant 0 : i32
    %dma_wait3A_200 = arith.constant 0 : i32
    %dma_wait3A_201 = tpu.memref_slice %arg8[%dma_wait3A_198, %dma_wait3A_199, %dma_wait3A_200] : memref<2x77x512xf32, #tpu.memory_space<vmem>> -> memref<1x77x256xf32, #tpu.memory_space<vmem>>
    %dma_wait3A_202 = tpu.memref_squeeze %dma_wait3A_201 : memref<1x77x256xf32, #tpu.memory_space<vmem>> -> memref<77x256xf32, #tpu.memory_space<vmem>>
    %dma_wait3A_203 = arith.constant 0 : i32
    %dma_wait3A_204 = arith.constant 0 : i32
    %dma_wait3A_205 = tpu.memref_slice %arg7[%add3A_194, %dma_wait3A_203, %dma_wait3A_204] : memref<4096x77x512xf32, #tpu.memory_space<hbm>> -> memref<1x77x256xf32, #tpu.memory_space<hbm>>
    %dma_wait3A_206 = tpu.memref_squeeze %dma_wait3A_205 : memref<1x77x256xf32, #tpu.memory_space<hbm>> -> memref<77x256xf32, #tpu.memory_space<hbm>>
    %dma_wait3A_207 = tpu.memref_slice %arg11[%rem3A_197] : memref<16x!tpu.dma_semaphore, #tpu.memory_space<semaphore_mem>> -> memref<1x!tpu.dma_semaphore, #tpu.memory_space<semaphore_mem>>
    %dma_wait3A_208 = tpu.memref_squeeze %dma_wait3A_207 : memref<1x!tpu.dma_semaphore, #tpu.memory_space<semaphore_mem>> -> memref<!tpu.dma_semaphore, #tpu.memory_space<semaphore_mem>>
    %dma_wait3A_209 = arith.constant 0 : i32
    %dma_wait3A_210 = arith.constant 0 : i32
    %dma_wait3A_211 = tpu.memref_slice %arg7[%add3A_194, %dma_wait3A_209, %dma_wait3A_210] : memref<4096x77x512xf32, #tpu.memory_space<hbm>> -> memref<1x77x256xf32, #tpu.memory_space<hbm>>
    %dma_wait3A_212 = tpu.memref_squeeze %dma_wait3A_211 : memref<1x77x256xf32, #tpu.memory_space<hbm>> -> memref<77x256xf32, #tpu.memory_space<hbm>>
    %dma_wait3A_213 = arith.constant 0 : i32
    %dma_wait3A_214 = arith.constant 0 : i32
    %dma_wait3A_215 = tpu.memref_slice %arg8[%dma_wait3A_198, %dma_wait3A_213, %dma_wait3A_214] : memref<2x77x512xf32, #tpu.memory_space<vmem>> -> memref<1x77x256xf32, #tpu.memory_space<vmem>>
    %dma_wait3A_216 = tpu.memref_squeeze %dma_wait3A_215 : memref<1x77x256xf32, #tpu.memory_space<vmem>> -> memref<77x256xf32, #tpu.memory_space<vmem>>
    tpu.wait_dma2 semaphore(%dma_wait3A_208 : memref<!tpu.dma_semaphore, #tpu.memory_space<semaphore_mem>>) src(%dma_wait3A_216 : memref<77x256xf32, #tpu.memory_space<vmem>>) dst(%dma_wait3A_212 : memref<77x256xf32, #tpu.memory_space<hbm>>)
    %add3A_217 = arith.constant 122 : i32
    %add3A_218 = arith.addi %mul3A_2, %add3A_217 : i32
    %rem3A_219 = arith.constant 245 : i32
    %rem3A_220 = arith.constant 16 : i32
    %rem3A_221 = arith.remsi %rem3A_219, %rem3A_220 : i32
    %dma_wait3A_222 = arith.constant 0 : i32
    %dma_wait3A_223 = arith.constant 0 : i32
    %dma_wait3A_224 = arith.constant 256 : i32
    %dma_wait3A_225 = tpu.memref_slice %arg8[%dma_wait3A_222, %dma_wait3A_223, %dma_wait3A_224] : memref<2x77x512xf32, #tpu.memory_space<vmem>> -> memref<1x77x256xf32, #tpu.memory_space<vmem>>
    %dma_wait3A_226 = tpu.memref_squeeze %dma_wait3A_225 : memref<1x77x256xf32, #tpu.memory_space<vmem>> -> memref<77x256xf32, #tpu.memory_space<vmem>>
    %dma_wait3A_227 = arith.constant 0 : i32
    %dma_wait3A_228 = arith.constant 256 : i32
    %dma_wait3A_229 = tpu.memref_slice %arg7[%add3A_218, %dma_wait3A_227, %dma_wait3A_228] : memref<4096x77x512xf32, #tpu.memory_space<hbm>> -> memref<1x77x256xf32, #tpu.memory_space<hbm>>
    %dma_wait3A_230 = tpu.memref_squeeze %dma_wait3A_229 : memref<1x77x256xf32, #tpu.memory_space<hbm>> -> memref<77x256xf32, #tpu.memory_space<hbm>>
    %dma_wait3A_231 = tpu.memref_slice %arg11[%rem3A_221] : memref<16x!tpu.dma_semaphore, #tpu.memory_space<semaphore_mem>> -> memref<1x!tpu.dma_semaphore, #tpu.memory_space<semaphore_mem>>
    %dma_wait3A_232 = tpu.memref_squeeze %dma_wait3A_231 : memref<1x!tpu.dma_semaphore, #tpu.memory_space<semaphore_mem>> -> memref<!tpu.dma_semaphore, #tpu.memory_space<semaphore_mem>>
    %dma_wait3A_233 = arith.constant 0 : i32
    %dma_wait3A_234 = arith.constant 256 : i32
    %dma_wait3A_235 = tpu.memref_slice %arg7[%add3A_218, %dma_wait3A_233, %dma_wait3A_234] : memref<4096x77x512xf32, #tpu.memory_space<hbm>> -> memref<1x77x256xf32, #tpu.memory_space<hbm>>
    %dma_wait3A_236 = tpu.memref_squeeze %dma_wait3A_235 : memref<1x77x256xf32, #tpu.memory_space<hbm>> -> memref<77x256xf32, #tpu.memory_space<hbm>>
    %dma_wait3A_237 = arith.constant 0 : i32
    %dma_wait3A_238 = arith.constant 256 : i32
    %dma_wait3A_239 = tpu.memref_slice %arg8[%dma_wait3A_222, %dma_wait3A_237, %dma_wait3A_238] : memref<2x77x512xf32, #tpu.memory_space<vmem>> -> memref<1x77x256xf32, #tpu.memory_space<vmem>>
    %dma_wait3A_240 = tpu.memref_squeeze %dma_wait3A_239 : memref<1x77x256xf32, #tpu.memory_space<vmem>> -> memref<77x256xf32, #tpu.memory_space<vmem>>
    tpu.wait_dma2 semaphore(%dma_wait3A_232 : memref<!tpu.dma_semaphore, #tpu.memory_space<semaphore_mem>>) src(%dma_wait3A_240 : memref<77x256xf32, #tpu.memory_space<vmem>>) dst(%dma_wait3A_236 : memref<77x256xf32, #tpu.memory_space<hbm>>)
    %add3A_241 = arith.constant 123 : i32
    %add3A_242 = arith.addi %mul3A_2, %add3A_241 : i32
    %rem3A_243 = arith.constant 246 : i32
    %rem3A_244 = arith.constant 16 : i32
    %rem3A_245 = arith.remsi %rem3A_243, %rem3A_244 : i32
    %dma_wait3A_246 = arith.constant 0 : i32
    %dma_wait3A_247 = arith.constant 0 : i32
    %dma_wait3A_248 = arith.constant 0 : i32
    %dma_wait3A_249 = tpu.memref_slice %arg8[%dma_wait3A_246, %dma_wait3A_247, %dma_wait3A_248] : memref<2x77x512xf32, #tpu.memory_space<vmem>> -> memref<1x77x256xf32, #tpu.memory_space<vmem>>
    %dma_wait3A_250 = tpu.memref_squeeze %dma_wait3A_249 : memref<1x77x256xf32, #tpu.memory_space<vmem>> -> memref<77x256xf32, #tpu.memory_space<vmem>>
    %dma_wait3A_251 = arith.constant 0 : i32
    %dma_wait3A_252 = arith.constant 0 : i32
    %dma_wait3A_253 = tpu.memref_slice %arg7[%add3A_242, %dma_wait3A_251, %dma_wait3A_252] : memref<4096x77x512xf32, #tpu.memory_space<hbm>> -> memref<1x77x256xf32, #tpu.memory_space<hbm>>
    %dma_wait3A_254 = tpu.memref_squeeze %dma_wait3A_253 : memref<1x77x256xf32, #tpu.memory_space<hbm>> -> memref<77x256xf32, #tpu.memory_space<hbm>>
    %dma_wait3A_255 = tpu.memref_slice %arg11[%rem3A_245] : memref<16x!tpu.dma_semaphore, #tpu.memory_space<semaphore_mem>> -> memref<1x!tpu.dma_semaphore, #tpu.memory_space<semaphore_mem>>
    %dma_wait3A_256 = tpu.memref_squeeze %dma_wait3A_255 : memref<1x!tpu.dma_semaphore, #tpu.memory_space<semaphore_mem>> -> memref<!tpu.dma_semaphore, #tpu.memory_space<semaphore_mem>>
    %dma_wait3A_257 = arith.constant 0 : i32
    %dma_wait3A_258 = arith.constant 0 : i32
    %dma_wait3A_259 = tpu.memref_slice %arg7[%add3A_242, %dma_wait3A_257, %dma_wait3A_258] : memref<4096x77x512xf32, #tpu.memory_space<hbm>> -> memref<1x77x256xf32, #tpu.memory_space<hbm>>
    %dma_wait3A_260 = tpu.memref_squeeze %dma_wait3A_259 : memref<1x77x256xf32, #tpu.memory_space<hbm>> -> memref<77x256xf32, #tpu.memory_space<hbm>>
    %dma_wait3A_261 = arith.constant 0 : i32
    %dma_wait3A_262 = arith.constant 0 : i32
    %dma_wait3A_263 = tpu.memref_slice %arg8[%dma_wait3A_246, %dma_wait3A_261, %dma_wait3A_262] : memref<2x77x512xf32, #tpu.memory_space<vmem>> -> memref<1x77x256xf32, #tpu.memory_space<vmem>>
    %dma_wait3A_264 = tpu.memref_squeeze %dma_wait3A_263 : memref<1x77x256xf32, #tpu.memory_space<vmem>> -> memref<77x256xf32, #tpu.memory_space<vmem>>
    tpu.wait_dma2 semaphore(%dma_wait3A_256 : memref<!tpu.dma_semaphore, #tpu.memory_space<semaphore_mem>>) src(%dma_wait3A_264 : memref<77x256xf32, #tpu.memory_space<vmem>>) dst(%dma_wait3A_260 : memref<77x256xf32, #tpu.memory_space<hbm>>)
    %add3A_265 = arith.constant 123 : i32
    %add3A_266 = arith.addi %mul3A_2, %add3A_265 : i32
    %rem3A_267 = arith.constant 247 : i32
    %rem3A_268 = arith.constant 16 : i32
    %rem3A_269 = arith.remsi %rem3A_267, %rem3A_268 : i32
    %dma_wait3A_270 = arith.constant 0 : i32
    %dma_wait3A_271 = arith.constant 0 : i32
    %dma_wait3A_272 = arith.constant 256 : i32
    %dma_wait3A_273 = tpu.memref_slice %arg8[%dma_wait3A_270, %dma_wait3A_271, %dma_wait3A_272] : memref<2x77x512xf32, #tpu.memory_space<vmem>> -> memref<1x77x256xf32, #tpu.memory_space<vmem>>
    %dma_wait3A_274 = tpu.memref_squeeze %dma_wait3A_273 : memref<1x77x256xf32, #tpu.memory_space<vmem>> -> memref<77x256xf32, #tpu.memory_space<vmem>>
    %dma_wait3A_275 = arith.constant 0 : i32
    %dma_wait3A_276 = arith.constant 256 : i32
    %dma_wait3A_277 = tpu.memref_slice %arg7[%add3A_266, %dma_wait3A_275, %dma_wait3A_276] : memref<4096x77x512xf32, #tpu.memory_space<hbm>> -> memref<1x77x256xf32, #tpu.memory_space<hbm>>
    %dma_wait3A_278 = tpu.memref_squeeze %dma_wait3A_277 : memref<1x77x256xf32, #tpu.memory_space<hbm>> -> memref<77x256xf32, #tpu.memory_space<hbm>>
    %dma_wait3A_279 = tpu.memref_slice %arg11[%rem3A_269] : memref<16x!tpu.dma_semaphore, #tpu.memory_space<semaphore_mem>> -> memref<1x!tpu.dma_semaphore, #tpu.memory_space<semaphore_mem>>
    %dma_wait3A_280 = tpu.memref_squeeze %dma_wait3A_279 : memref<1x!tpu.dma_semaphore, #tpu.memory_space<semaphore_mem>> -> memref<!tpu.dma_semaphore, #tpu.memory_space<semaphore_mem>>
    %dma_wait3A_281 = arith.constant 0 : i32
    %dma_wait3A_282 = arith.constant 256 : i32
    %dma_wait3A_283 = tpu.memref_slice %arg7[%add3A_266, %dma_wait3A_281, %dma_wait3A_282] : memref<4096x77x512xf32, #tpu.memory_space<hbm>> -> memref<1x77x256xf32, #tpu.memory_space<hbm>>
    %dma_wait3A_284 = tpu.memref_squeeze %dma_wait3A_283 : memref<1x77x256xf32, #tpu.memory_space<hbm>> -> memref<77x256xf32, #tpu.memory_space<hbm>>
    %dma_wait3A_285 = arith.constant 0 : i32
    %dma_wait3A_286 = arith.constant 256 : i32
    %dma_wait3A_287 = tpu.memref_slice %arg8[%dma_wait3A_270, %dma_wait3A_285, %dma_wait3A_286] : memref<2x77x512xf32, #tpu.memory_space<vmem>> -> memref<1x77x256xf32, #tpu.memory_space<vmem>>
    %dma_wait3A_288 = tpu.memref_squeeze %dma_wait3A_287 : memref<1x77x256xf32, #tpu.memory_space<vmem>> -> memref<77x256xf32, #tpu.memory_space<vmem>>
    tpu.wait_dma2 semaphore(%dma_wait3A_280 : memref<!tpu.dma_semaphore, #tpu.memory_space<semaphore_mem>>) src(%dma_wait3A_288 : memref<77x256xf32, #tpu.memory_space<vmem>>) dst(%dma_wait3A_284 : memref<77x256xf32, #tpu.memory_space<hbm>>)
    %add3A_289 = arith.constant 124 : i32
    %add3A_290 = arith.addi %mul3A_2, %add3A_289 : i32
    %rem3A_291 = arith.constant 248 : i32
    %rem3A_292 = arith.constant 16 : i32
    %rem3A_293 = arith.remsi %rem3A_291, %rem3A_292 : i32
    %dma_wait3A_294 = arith.constant 0 : i32
    %dma_wait3A_295 = arith.constant 0 : i32
    %dma_wait3A_296 = arith.constant 0 : i32
    %dma_wait3A_297 = tpu.memref_slice %arg8[%dma_wait3A_294, %dma_wait3A_295, %dma_wait3A_296] : memref<2x77x512xf32, #tpu.memory_space<vmem>> -> memref<1x77x256xf32, #tpu.memory_space<vmem>>
    %dma_wait3A_298 = tpu.memref_squeeze %dma_wait3A_297 : memref<1x77x256xf32, #tpu.memory_space<vmem>> -> memref<77x256xf32, #tpu.memory_space<vmem>>
    %dma_wait3A_299 = arith.constant 0 : i32
    %dma_wait3A_300 = arith.constant 0 : i32
    %dma_wait3A_301 = tpu.memref_slice %arg7[%add3A_290, %dma_wait3A_299, %dma_wait3A_300] : memref<4096x77x512xf32, #tpu.memory_space<hbm>> -> memref<1x77x256xf32, #tpu.memory_space<hbm>>
    %dma_wait3A_302 = tpu.memref_squeeze %dma_wait3A_301 : memref<1x77x256xf32, #tpu.memory_space<hbm>> -> memref<77x256xf32, #tpu.memory_space<hbm>>
    %dma_wait3A_303 = tpu.memref_slice %arg11[%rem3A_293] : memref<16x!tpu.dma_semaphore, #tpu.memory_space<semaphore_mem>> -> memref<1x!tpu.dma_semaphore, #tpu.memory_space<semaphore_mem>>
    %dma_wait3A_304 = tpu.memref_squeeze %dma_wait3A_303 : memref<1x!tpu.dma_semaphore, #tpu.memory_space<semaphore_mem>> -> memref<!tpu.dma_semaphore, #tpu.memory_space<semaphore_mem>>
    %dma_wait3A_305 = arith.constant 0 : i32
    %dma_wait3A_306 = arith.constant 0 : i32
    %dma_wait3A_307 = tpu.memref_slice %arg7[%add3A_290, %dma_wait3A_305, %dma_wait3A_306] : memref<4096x77x512xf32, #tpu.memory_space<hbm>> -> memref<1x77x256xf32, #tpu.memory_space<hbm>>
    %dma_wait3A_308 = tpu.memref_squeeze %dma_wait3A_307 : memref<1x77x256xf32, #tpu.memory_space<hbm>> -> memref<77x256xf32, #tpu.memory_space<hbm>>
    %dma_wait3A_309 = arith.constant 0 : i32
    %dma_wait3A_310 = arith.constant 0 : i32
    %dma_wait3A_311 = tpu.memref_slice %arg8[%dma_wait3A_294, %dma_wait3A_309, %dma_wait3A_310] : memref<2x77x512xf32, #tpu.memory_space<vmem>> -> memref<1x77x256xf32, #tpu.memory_space<vmem>>
    %dma_wait3A_312 = tpu.memref_squeeze %dma_wait3A_311 : memref<1x77x256xf32, #tpu.memory_space<vmem>> -> memref<77x256xf32, #tpu.memory_space<vmem>>
    tpu.wait_dma2 semaphore(%dma_wait3A_304 : memref<!tpu.dma_semaphore, #tpu.memory_space<semaphore_mem>>) src(%dma_wait3A_312 : memref<77x256xf32, #tpu.memory_space<vmem>>) dst(%dma_wait3A_308 : memref<77x256xf32, #tpu.memory_space<hbm>>)
    %add3A_313 = arith.constant 124 : i32
    %add3A_314 = arith.addi %mul3A_2, %add3A_313 : i32
    %rem3A_315 = arith.constant 249 : i32
    %rem3A_316 = arith.constant 16 : i32
    %rem3A_317 = arith.remsi %rem3A_315, %rem3A_316 : i32
    %dma_wait3A_318 = arith.constant 0 : i32
    %dma_wait3A_319 = arith.constant 0 : i32
    %dma_wait3A_320 = arith.constant 256 : i32
    %dma_wait3A_321 = tpu.memref_slice %arg8[%dma_wait3A_318, %dma_wait3A_319, %dma_wait3A_320] : memref<2x77x512xf32, #tpu.memory_space<vmem>> -> memref<1x77x256xf32, #tpu.memory_space<vmem>>
    %dma_wait3A_322 = tpu.memref_squeeze %dma_wait3A_321 : memref<1x77x256xf32, #tpu.memory_space<vmem>> -> memref<77x256xf32, #tpu.memory_space<vmem>>
    %dma_wait3A_323 = arith.constant 0 : i32
    %dma_wait3A_324 = arith.constant 256 : i32
    %dma_wait3A_325 = tpu.memref_slice %arg7[%add3A_314, %dma_wait3A_323, %dma_wait3A_324] : memref<4096x77x512xf32, #tpu.memory_space<hbm>> -> memref<1x77x256xf32, #tpu.memory_space<hbm>>
    %dma_wait3A_326 = tpu.memref_squeeze %dma_wait3A_325 : memref<1x77x256xf32, #tpu.memory_space<hbm>> -> memref<77x256xf32, #tpu.memory_space<hbm>>
    %dma_wait3A_327 = tpu.memref_slice %arg11[%rem3A_317] : memref<16x!tpu.dma_semaphore, #tpu.memory_space<semaphore_mem>> -> memref<1x!tpu.dma_semaphore, #tpu.memory_space<semaphore_mem>>
    %dma_wait3A_328 = tpu.memref_squeeze %dma_wait3A_327 : memref<1x!tpu.dma_semaphore, #tpu.memory_space<semaphore_mem>> -> memref<!tpu.dma_semaphore, #tpu.memory_space<semaphore_mem>>
    %dma_wait3A_329 = arith.constant 0 : i32
    %dma_wait3A_330 = arith.constant 256 : i32
    %dma_wait3A_331 = tpu.memref_slice %arg7[%add3A_314, %dma_wait3A_329, %dma_wait3A_330] : memref<4096x77x512xf32, #tpu.memory_space<hbm>> -> memref<1x77x256xf32, #tpu.memory_space<hbm>>
    %dma_wait3A_332 = tpu.memref_squeeze %dma_wait3A_331 : memref<1x77x256xf32, #tpu.memory_space<hbm>> -> memref<77x256xf32, #tpu.memory_space<hbm>>
    %dma_wait3A_333 = arith.constant 0 : i32
    %dma_wait3A_334 = arith.constant 256 : i32
    %dma_wait3A_335 = tpu.memref_slice %arg8[%dma_wait3A_318, %dma_wait3A_333, %dma_wait3A_334] : memref<2x77x512xf32, #tpu.memory_space<vmem>> -> memref<1x77x256xf32, #tpu.memory_space<vmem>>
    %dma_wait3A_336 = tpu.memref_squeeze %dma_wait3A_335 : memref<1x77x256xf32, #tpu.memory_space<vmem>> -> memref<77x256xf32, #tpu.memory_space<vmem>>
    tpu.wait_dma2 semaphore(%dma_wait3A_328 : memref<!tpu.dma_semaphore, #tpu.memory_space<semaphore_mem>>) src(%dma_wait3A_336 : memref<77x256xf32, #tpu.memory_space<vmem>>) dst(%dma_wait3A_332 : memref<77x256xf32, #tpu.memory_space<hbm>>)
    %add3A_337 = arith.constant 125 : i32
    %add3A_338 = arith.addi %mul3A_2, %add3A_337 : i32
    %rem3A_339 = arith.constant 250 : i32
    %rem3A_340 = arith.constant 16 : i32
    %rem3A_341 = arith.remsi %rem3A_339, %rem3A_340 : i32
    %dma_wait3A_342 = arith.constant 0 : i32
    %dma_wait3A_343 = arith.constant 0 : i32
    %dma_wait3A_344 = arith.constant 0 : i32
    %dma_wait3A_345 = tpu.memref_slice %arg8[%dma_wait3A_342, %dma_wait3A_343, %dma_wait3A_344] : memref<2x77x512xf32, #tpu.memory_space<vmem>> -> memref<1x77x256xf32, #tpu.memory_space<vmem>>
    %dma_wait3A_346 = tpu.memref_squeeze %dma_wait3A_345 : memref<1x77x256xf32, #tpu.memory_space<vmem>> -> memref<77x256xf32, #tpu.memory_space<vmem>>
    %dma_wait3A_347 = arith.constant 0 : i32
    %dma_wait3A_348 = arith.constant 0 : i32
    %dma_wait3A_349 = tpu.memref_slice %arg7[%add3A_338, %dma_wait3A_347, %dma_wait3A_348] : memref<4096x77x512xf32, #tpu.memory_space<hbm>> -> memref<1x77x256xf32, #tpu.memory_space<hbm>>
    %dma_wait3A_350 = tpu.memref_squeeze %dma_wait3A_349 : memref<1x77x256xf32, #tpu.memory_space<hbm>> -> memref<77x256xf32, #tpu.memory_space<hbm>>
    %dma_wait3A_351 = tpu.memref_slice %arg11[%rem3A_341] : memref<16x!tpu.dma_semaphore, #tpu.memory_space<semaphore_mem>> -> memref<1x!tpu.dma_semaphore, #tpu.memory_space<semaphore_mem>>
    %dma_wait3A_352 = tpu.memref_squeeze %dma_wait3A_351 : memref<1x!tpu.dma_semaphore, #tpu.memory_space<semaphore_mem>> -> memref<!tpu.dma_semaphore, #tpu.memory_space<semaphore_mem>>
    %dma_wait3A_353 = arith.constant 0 : i32
    %dma_wait3A_354 = arith.constant 0 : i32
    %dma_wait3A_355 = tpu.memref_slice %arg7[%add3A_338, %dma_wait3A_353, %dma_wait3A_354] : memref<4096x77x512xf32, #tpu.memory_space<hbm>> -> memref<1x77x256xf32, #tpu.memory_space<hbm>>
    %dma_wait3A_356 = tpu.memref_squeeze %dma_wait3A_355 : memref<1x77x256xf32, #tpu.memory_space<hbm>> -> memref<77x256xf32, #tpu.memory_space<hbm>>
    %dma_wait3A_357 = arith.constant 0 : i32
    %dma_wait3A_358 = arith.constant 0 : i32
    %dma_wait3A_359 = tpu.memref_slice %arg8[%dma_wait3A_342, %dma_wait3A_357, %dma_wait3A_358] : memref<2x77x512xf32, #tpu.memory_space<vmem>> -> memref<1x77x256xf32, #tpu.memory_space<vmem>>
    %dma_wait3A_360 = tpu.memref_squeeze %dma_wait3A_359 : memref<1x77x256xf32, #tpu.memory_space<vmem>> -> memref<77x256xf32, #tpu.memory_space<vmem>>
    tpu.wait_dma2 semaphore(%dma_wait3A_352 : memref<!tpu.dma_semaphore, #tpu.memory_space<semaphore_mem>>) src(%dma_wait3A_360 : memref<77x256xf32, #tpu.memory_space<vmem>>) dst(%dma_wait3A_356 : memref<77x256xf32, #tpu.memory_space<hbm>>)
    %add3A_361 = arith.constant 125 : i32
    %add3A_362 = arith.addi %mul3A_2, %add3A_361 : i32
    %rem3A_363 = arith.constant 251 : i32
    %rem3A_364 = arith.constant 16 : i32
    %rem3A_365 = arith.remsi %rem3A_363, %rem3A_364 : i32
    %dma_wait3A_366 = arith.constant 0 : i32
    %dma_wait3A_367 = arith.constant 0 : i32
    %dma_wait3A_368 = arith.constant 256 : i32
    %dma_wait3A_369 = tpu.memref_slice %arg8[%dma_wait3A_366, %dma_wait3A_367, %dma_wait3A_368] : memref<2x77x512xf32, #tpu.memory_space<vmem>> -> memref<1x77x256xf32, #tpu.memory_space<vmem>>
    %dma_wait3A_370 = tpu.memref_squeeze %dma_wait3A_369 : memref<1x77x256xf32, #tpu.memory_space<vmem>> -> memref<77x256xf32, #tpu.memory_space<vmem>>
    %dma_wait3A_371 = arith.constant 0 : i32
    %dma_wait3A_372 = arith.constant 256 : i32
    %dma_wait3A_373 = tpu.memref_slice %arg7[%add3A_362, %dma_wait3A_371, %dma_wait3A_372] : memref<4096x77x512xf32, #tpu.memory_space<hbm>> -> memref<1x77x256xf32, #tpu.memory_space<hbm>>
    %dma_wait3A_374 = tpu.memref_squeeze %dma_wait3A_373 : memref<1x77x256xf32, #tpu.memory_space<hbm>> -> memref<77x256xf32, #tpu.memory_space<hbm>>
    %dma_wait3A_375 = tpu.memref_slice %arg11[%rem3A_365] : memref<16x!tpu.dma_semaphore, #tpu.memory_space<semaphore_mem>> -> memref<1x!tpu.dma_semaphore, #tpu.memory_space<semaphore_mem>>
    %dma_wait3A_376 = tpu.memref_squeeze %dma_wait3A_375 : memref<1x!tpu.dma_semaphore, #tpu.memory_space<semaphore_mem>> -> memref<!tpu.dma_semaphore, #tpu.memory_space<semaphore_mem>>
    %dma_wait3A_377 = arith.constant 0 : i32
    %dma_wait3A_378 = arith.constant 256 : i32
    %dma_wait3A_379 = tpu.memref_slice %arg7[%add3A_362, %dma_wait3A_377, %dma_wait3A_378] : memref<4096x77x512xf32, #tpu.memory_space<hbm>> -> memref<1x77x256xf32, #tpu.memory_space<hbm>>
    %dma_wait3A_380 = tpu.memref_squeeze %dma_wait3A_379 : memref<1x77x256xf32, #tpu.memory_space<hbm>> -> memref<77x256xf32, #tpu.memory_space<hbm>>
    %dma_wait3A_381 = arith.constant 0 : i32
    %dma_wait3A_382 = arith.constant 256 : i32
    %dma_wait3A_383 = tpu.memref_slice %arg8[%dma_wait3A_366, %dma_wait3A_381, %dma_wait3A_382] : memref<2x77x512xf32, #tpu.memory_space<vmem>> -> memref<1x77x256xf32, #tpu.memory_space<vmem>>
    %dma_wait3A_384 = tpu.memref_squeeze %dma_wait3A_383 : memref<1x77x256xf32, #tpu.memory_space<vmem>> -> memref<77x256xf32, #tpu.memory_space<vmem>>
    tpu.wait_dma2 semaphore(%dma_wait3A_376 : memref<!tpu.dma_semaphore, #tpu.memory_space<semaphore_mem>>) src(%dma_wait3A_384 : memref<77x256xf32, #tpu.memory_space<vmem>>) dst(%dma_wait3A_380 : memref<77x256xf32, #tpu.memory_space<hbm>>)
    %add3A_385 = arith.constant 126 : i32
    %add3A_386 = arith.addi %mul3A_2, %add3A_385 : i32
    %rem3A_387 = arith.constant 252 : i32
    %rem3A_388 = arith.constant 16 : i32
    %rem3A_389 = arith.remsi %rem3A_387, %rem3A_388 : i32
    %dma_wait3A_390 = arith.constant 0 : i32
    %dma_wait3A_391 = arith.constant 0 : i32
    %dma_wait3A_392 = arith.constant 0 : i32
    %dma_wait3A_393 = tpu.memref_slice %arg8[%dma_wait3A_390, %dma_wait3A_391, %dma_wait3A_392] : memref<2x77x512xf32, #tpu.memory_space<vmem>> -> memref<1x77x256xf32, #tpu.memory_space<vmem>>
    %dma_wait3A_394 = tpu.memref_squeeze %dma_wait3A_393 : memref<1x77x256xf32, #tpu.memory_space<vmem>> -> memref<77x256xf32, #tpu.memory_space<vmem>>
    %dma_wait3A_395 = arith.constant 0 : i32
    %dma_wait3A_396 = arith.constant 0 : i32
    %dma_wait3A_397 = tpu.memref_slice %arg7[%add3A_386, %dma_wait3A_395, %dma_wait3A_396] : memref<4096x77x512xf32, #tpu.memory_space<hbm>> -> memref<1x77x256xf32, #tpu.memory_space<hbm>>
    %dma_wait3A_398 = tpu.memref_squeeze %dma_wait3A_397 : memref<1x77x256xf32, #tpu.memory_space<hbm>> -> memref<77x256xf32, #tpu.memory_space<hbm>>
    %dma_wait3A_399 = tpu.memref_slice %arg11[%rem3A_389] : memref<16x!tpu.dma_semaphore, #tpu.memory_space<semaphore_mem>> -> memref<1x!tpu.dma_semaphore, #tpu.memory_space<semaphore_mem>>
    %dma_wait3A_400 = tpu.memref_squeeze %dma_wait3A_399 : memref<1x!tpu.dma_semaphore, #tpu.memory_space<semaphore_mem>> -> memref<!tpu.dma_semaphore, #tpu.memory_space<semaphore_mem>>
    %dma_wait3A_401 = arith.constant 0 : i32
    %dma_wait3A_402 = arith.constant 0 : i32
    %dma_wait3A_403 = tpu.memref_slice %arg7[%add3A_386, %dma_wait3A_401, %dma_wait3A_402] : memref<4096x77x512xf32, #tpu.memory_space<hbm>> -> memref<1x77x256xf32, #tpu.memory_space<hbm>>
    %dma_wait3A_404 = tpu.memref_squeeze %dma_wait3A_403 : memref<1x77x256xf32, #tpu.memory_space<hbm>> -> memref<77x256xf32, #tpu.memory_space<hbm>>
    %dma_wait3A_405 = arith.constant 0 : i32
    %dma_wait3A_406 = arith.constant 0 : i32
    %dma_wait3A_407 = tpu.memref_slice %arg8[%dma_wait3A_390, %dma_wait3A_405, %dma_wait3A_406] : memref<2x77x512xf32, #tpu.memory_space<vmem>> -> memref<1x77x256xf32, #tpu.memory_space<vmem>>
    %dma_wait3A_408 = tpu.memref_squeeze %dma_wait3A_407 : memref<1x77x256xf32, #tpu.memory_space<vmem>> -> memref<77x256xf32, #tpu.memory_space<vmem>>
    tpu.wait_dma2 semaphore(%dma_wait3A_400 : memref<!tpu.dma_semaphore, #tpu.memory_space<semaphore_mem>>) src(%dma_wait3A_408 : memref<77x256xf32, #tpu.memory_space<vmem>>) dst(%dma_wait3A_404 : memref<77x256xf32, #tpu.memory_space<hbm>>)
    %add3A_409 = arith.constant 126 : i32
    %add3A_410 = arith.addi %mul3A_2, %add3A_409 : i32
    %rem3A_411 = arith.constant 253 : i32
    %rem3A_412 = arith.constant 16 : i32
    %rem3A_413 = arith.remsi %rem3A_411, %rem3A_412 : i32
    %dma_wait3A_414 = arith.constant 0 : i32
    %dma_wait3A_415 = arith.constant 0 : i32
    %dma_wait3A_416 = arith.constant 256 : i32
    %dma_wait3A_417 = tpu.memref_slice %arg8[%dma_wait3A_414, %dma_wait3A_415, %dma_wait3A_416] : memref<2x77x512xf32, #tpu.memory_space<vmem>> -> memref<1x77x256xf32, #tpu.memory_space<vmem>>
    %dma_wait3A_418 = tpu.memref_squeeze %dma_wait3A_417 : memref<1x77x256xf32, #tpu.memory_space<vmem>> -> memref<77x256xf32, #tpu.memory_space<vmem>>
    %dma_wait3A_419 = arith.constant 0 : i32
    %dma_wait3A_420 = arith.constant 256 : i32
    %dma_wait3A_421 = tpu.memref_slice %arg7[%add3A_410, %dma_wait3A_419, %dma_wait3A_420] : memref<4096x77x512xf32, #tpu.memory_space<hbm>> -> memref<1x77x256xf32, #tpu.memory_space<hbm>>
    %dma_wait3A_422 = tpu.memref_squeeze %dma_wait3A_421 : memref<1x77x256xf32, #tpu.memory_space<hbm>> -> memref<77x256xf32, #tpu.memory_space<hbm>>
    %dma_wait3A_423 = tpu.memref_slice %arg11[%rem3A_413] : memref<16x!tpu.dma_semaphore, #tpu.memory_space<semaphore_mem>> -> memref<1x!tpu.dma_semaphore, #tpu.memory_space<semaphore_mem>>
    %dma_wait3A_424 = tpu.memref_squeeze %dma_wait3A_423 : memref<1x!tpu.dma_semaphore, #tpu.memory_space<semaphore_mem>> -> memref<!tpu.dma_semaphore, #tpu.memory_space<semaphore_mem>>
    %dma_wait3A_425 = arith.constant 0 : i32
    %dma_wait3A_426 = arith.constant 256 : i32
    %dma_wait3A_427 = tpu.memref_slice %arg7[%add3A_410, %dma_wait3A_425, %dma_wait3A_426] : memref<4096x77x512xf32, #tpu.memory_space<hbm>> -> memref<1x77x256xf32, #tpu.memory_space<hbm>>
    %dma_wait3A_428 = tpu.memref_squeeze %dma_wait3A_427 : memref<1x77x256xf32, #tpu.memory_space<hbm>> -> memref<77x256xf32, #tpu.memory_space<hbm>>
    %dma_wait3A_429 = arith.constant 0 : i32
    %dma_wait3A_430 = arith.constant 256 : i32
    %dma_wait3A_431 = tpu.memref_slice %arg8[%dma_wait3A_414, %dma_wait3A_429, %dma_wait3A_430] : memref<2x77x512xf32, #tpu.memory_space<vmem>> -> memref<1x77x256xf32, #tpu.memory_space<vmem>>
    %dma_wait3A_432 = tpu.memref_squeeze %dma_wait3A_431 : memref<1x77x256xf32, #tpu.memory_space<vmem>> -> memref<77x256xf32, #tpu.memory_space<vmem>>
    tpu.wait_dma2 semaphore(%dma_wait3A_424 : memref<!tpu.dma_semaphore, #tpu.memory_space<semaphore_mem>>) src(%dma_wait3A_432 : memref<77x256xf32, #tpu.memory_space<vmem>>) dst(%dma_wait3A_428 : memref<77x256xf32, #tpu.memory_space<hbm>>)
    %add3A_433 = arith.constant 127 : i32
    %add3A_434 = arith.addi %mul3A_2, %add3A_433 : i32
    %rem3A_435 = arith.constant 254 : i32
    %rem3A_436 = arith.constant 16 : i32
    %rem3A_437 = arith.remsi %rem3A_435, %rem3A_436 : i32
    %dma_wait3A_438 = arith.constant 0 : i32
    %dma_wait3A_439 = arith.constant 0 : i32
    %dma_wait3A_440 = arith.constant 0 : i32
    %dma_wait3A_441 = tpu.memref_slice %arg8[%dma_wait3A_438, %dma_wait3A_439, %dma_wait3A_440] : memref<2x77x512xf32, #tpu.memory_space<vmem>> -> memref<1x77x256xf32, #tpu.memory_space<vmem>>
    %dma_wait3A_442 = tpu.memref_squeeze %dma_wait3A_441 : memref<1x77x256xf32, #tpu.memory_space<vmem>> -> memref<77x256xf32, #tpu.memory_space<vmem>>
    %dma_wait3A_443 = arith.constant 0 : i32
    %dma_wait3A_444 = arith.constant 0 : i32
    %dma_wait3A_445 = tpu.memref_slice %arg7[%add3A_434, %dma_wait3A_443, %dma_wait3A_444] : memref<4096x77x512xf32, #tpu.memory_space<hbm>> -> memref<1x77x256xf32, #tpu.memory_space<hbm>>
    %dma_wait3A_446 = tpu.memref_squeeze %dma_wait3A_445 : memref<1x77x256xf32, #tpu.memory_space<hbm>> -> memref<77x256xf32, #tpu.memory_space<hbm>>
    %dma_wait3A_447 = tpu.memref_slice %arg11[%rem3A_437] : memref<16x!tpu.dma_semaphore, #tpu.memory_space<semaphore_mem>> -> memref<1x!tpu.dma_semaphore, #tpu.memory_space<semaphore_mem>>
    %dma_wait3A_448 = tpu.memref_squeeze %dma_wait3A_447 : memref<1x!tpu.dma_semaphore, #tpu.memory_space<semaphore_mem>> -> memref<!tpu.dma_semaphore, #tpu.memory_space<semaphore_mem>>
    %dma_wait3A_449 = arith.constant 0 : i32
    %dma_wait3A_450 = arith.constant 0 : i32
    %dma_wait3A_451 = tpu.memref_slice %arg7[%add3A_434, %dma_wait3A_449, %dma_wait3A_450] : memref<4096x77x512xf32, #tpu.memory_space<hbm>> -> memref<1x77x256xf32, #tpu.memory_space<hbm>>
    %dma_wait3A_452 = tpu.memref_squeeze %dma_wait3A_451 : memref<1x77x256xf32, #tpu.memory_space<hbm>> -> memref<77x256xf32, #tpu.memory_space<hbm>>
    %dma_wait3A_453 = arith.constant 0 : i32
    %dma_wait3A_454 = arith.constant 0 : i32
    %dma_wait3A_455 = tpu.memref_slice %arg8[%dma_wait3A_438, %dma_wait3A_453, %dma_wait3A_454] : memref<2x77x512xf32, #tpu.memory_space<vmem>> -> memref<1x77x256xf32, #tpu.memory_space<vmem>>
    %dma_wait3A_456 = tpu.memref_squeeze %dma_wait3A_455 : memref<1x77x256xf32, #tpu.memory_space<vmem>> -> memref<77x256xf32, #tpu.memory_space<vmem>>
    tpu.wait_dma2 semaphore(%dma_wait3A_448 : memref<!tpu.dma_semaphore, #tpu.memory_space<semaphore_mem>>) src(%dma_wait3A_456 : memref<77x256xf32, #tpu.memory_space<vmem>>) dst(%dma_wait3A_452 : memref<77x256xf32, #tpu.memory_space<hbm>>)
    %add3A_457 = arith.constant 127 : i32
    %add3A_458 = arith.addi %mul3A_2, %add3A_457 : i32
    %rem3A_459 = arith.constant 255 : i32
    %rem3A_460 = arith.constant 16 : i32
    %rem3A_461 = arith.remsi %rem3A_459, %rem3A_460 : i32
    %dma_wait3A_462 = arith.constant 0 : i32
    %dma_wait3A_463 = arith.constant 0 : i32
    %dma_wait3A_464 = arith.constant 256 : i32
    %dma_wait3A_465 = tpu.memref_slice %arg8[%dma_wait3A_462, %dma_wait3A_463, %dma_wait3A_464] : memref<2x77x512xf32, #tpu.memory_space<vmem>> -> memref<1x77x256xf32, #tpu.memory_space<vmem>>
    %dma_wait3A_466 = tpu.memref_squeeze %dma_wait3A_465 : memref<1x77x256xf32, #tpu.memory_space<vmem>> -> memref<77x256xf32, #tpu.memory_space<vmem>>
    %dma_wait3A_467 = arith.constant 0 : i32
    %dma_wait3A_468 = arith.constant 256 : i32
    %dma_wait3A_469 = tpu.memref_slice %arg7[%add3A_458, %dma_wait3A_467, %dma_wait3A_468] : memref<4096x77x512xf32, #tpu.memory_space<hbm>> -> memref<1x77x256xf32, #tpu.memory_space<hbm>>
    %dma_wait3A_470 = tpu.memref_squeeze %dma_wait3A_469 : memref<1x77x256xf32, #tpu.memory_space<hbm>> -> memref<77x256xf32, #tpu.memory_space<hbm>>
    %dma_wait3A_471 = tpu.memref_slice %arg11[%rem3A_461] : memref<16x!tpu.dma_semaphore, #tpu.memory_space<semaphore_mem>> -> memref<1x!tpu.dma_semaphore, #tpu.memory_space<semaphore_mem>>
    %dma_wait3A_472 = tpu.memref_squeeze %dma_wait3A_471 : memref<1x!tpu.dma_semaphore, #tpu.memory_space<semaphore_mem>> -> memref<!tpu.dma_semaphore, #tpu.memory_space<semaphore_mem>>
    %dma_wait3A_473 = arith.constant 0 : i32
    %dma_wait3A_474 = arith.constant 256 : i32
    %dma_wait3A_475 = tpu.memref_slice %arg7[%add3A_458, %dma_wait3A_473, %dma_wait3A_474] : memref<4096x77x512xf32, #tpu.memory_space<hbm>> -> memref<1x77x256xf32, #tpu.memory_space<hbm>>
    %dma_wait3A_476 = tpu.memref_squeeze %dma_wait3A_475 : memref<1x77x256xf32, #tpu.memory_space<hbm>> -> memref<77x256xf32, #tpu.memory_space<hbm>>
    %dma_wait3A_477 = arith.constant 0 : i32
    %dma_wait3A_478 = arith.constant 256 : i32
    %dma_wait3A_479 = tpu.memref_slice %arg8[%dma_wait3A_462, %dma_wait3A_477, %dma_wait3A_478] : memref<2x77x512xf32, #tpu.memory_space<vmem>> -> memref<1x77x256xf32, #tpu.memory_space<vmem>>
    %dma_wait3A_480 = tpu.memref_squeeze %dma_wait3A_479 : memref<1x77x256xf32, #tpu.memory_space<vmem>> -> memref<77x256xf32, #tpu.memory_space<vmem>>
    tpu.wait_dma2 semaphore(%dma_wait3A_472 : memref<!tpu.dma_semaphore, #tpu.memory_space<semaphore_mem>>) src(%dma_wait3A_480 : memref<77x256xf32, #tpu.memory_space<vmem>>) dst(%dma_wait3A_476 : memref<77x256xf32, #tpu.memory_space<hbm>>)
    return
  }
}

</mosaic_0001>

<sc_bundles>
// kernel: kernel.3.cloned.1.call-start
scs
__scs_entry_jumppad:
0x0: {  	(pc) =	sbr.rel $0x88, $3  }
0x1: {  	(tag) =	ssettag $0x0;
	lr =	simm.s32 $0x1  }
0x2: {  	[smem:$0x3F9C] =	sst lr;
	_ =	strace $0xD0000000  }
0x3: {  	_ = 	snop  }
0x4: {  	_ = 	snop  }
0x5: {  	_ = 	snop  }
0x6: {  	_ = 	snop  }
0x7: {  	_ = 	snop  }
__scs_overlays_trampoline_lowered:
0x8: {  	[smem:$0x3FAB] =	sst s0  }
0x9: {  	[smem:$0x3FAC] =	sst s1  }
0xa: {  	[smem:$0x3FAD] =	sst s2  }
0xb: {  	[smem:$0x3FAE] =	sst s3  }
0xc: {  	[smem:$0x3FAF] =	sst s4  }
0xd: {  	[smem:$0x3FB0] =	sst s5  }
0xe: {  	[smem:$0x3FB1] =	sst s6  }
0xf: {  	[smem:$0x3FB2] =	sst s7  }
0x10: {  	[smem:$0x3FB3] =	sst s8  }
0x11: {  	[smem:$0x3FB4] =	sst s9;
	s0 =	simm.s32 @!p0 $0x0  }
0x12: {  	s1 =	sld [smem:$0x3F9A];
	s0 =	simm.s32 @p0 $0x1  }
0x13: {  	[smem:$0x3FB5] =	sst s0;
	s0 =	simm.s32 @!p1 $0x0  }
0x14: {  	s2 =	sld [smem:$0x3F99];
	s0 =	simm.s32 @p1 $0x1  }
0x15: {  	[smem:$0x3FB6] =	sst s0;
	s0 =	simm.s32 @!p2 $0x0  }
0x16: {  	s3 =	sld [smem:$0x3FDB];
	s0 =	simm.s32 @p2 $0x1  }
0x17: {  	s4 =	simm.s32 $0x1BF5;
	[smem:$0x3FB8] =	sst s0  }
0x18: {  	s0 =	sld [smem:$0x3F9B];
	_ =	swait.ge [sflag:s4], $0x0  }
0x19: {  	s7 =	sld [smem:$0x3F9C]  }
0x1a: {  	s8 =	sadd.s32 $0xFFFFE003, lr  }
0x1b: {  	s9 =	sadd.s32 $0xFFFFFEF7, lr;
	s5 =	simm.s32 $0xFFFFFFFF;
	p2 =	slt.u32 s8, $0xFFFFF086  }
0x1c: {  	p1 =	slt.u32 s9, $0xF7A;
	s5 =	simm.s32 @!p2 $0x0  }
0x1d: {  	s5 =	simm.s32 @p1 $0x1;
	p0 =	seq.s32 s7, s2  }
0x1e: {  	s7 =	smul.u32 @!p0 $0xF7A, s2;
	p2 =	seq.s32 @!p0 s5, $0x0  }
0x1f: {  	s9 =	smul.u32 $0xF7A, s1;
	s8 =	simm.s32 @!p0 $0x1BF5;
	p2 =	por !p2, p0  }
0x20: {  	[sflag:s8] =	ssyncset.s32 @!p0 $0xFFFFF086;
	s6 =	sadd.s32 @!p0 s3, s7;
	s7 =	simm.s32 @!p0 $0x108  }
0x21: {  	s3 =	sadd.s32 s3, s9;
	s6 =	sadd.s32 @!p0 $0x88, s6;
	s7 =	simm.s32 @p2 $0x1082  }
0x22: {  	[simem:s7], [sflag:s8] =	dma.local @!p0 [hbm:s6], $0xF7A  }
0x23: {  	s9 =	sor.u32 $0xD0000000, s2;
	s6 =	simm.s32 $0x108;
	_ =	swait.ge @!p0 [sflag:s8], $0x0  }
0x24: {  	s3 =	sadd.s32 $0x88, s3;
	s6 =	simm.s32 @!p1 $0x1082;
	[sflag:s4] =	ssyncset.s32 $0xFFFFF086  }
0x25: {  	[simem:s6], [sflag:s4] =	dma.local [hbm:s3], $0xF7A  }
0x26: {  	[smem:$0x3F9C] =	sst s1;
	(tag) =	ssettag s2;
	_ =	strace s9  }
0x27: {  	s1 =	sld [smem:$0x3FAC]  }
0x28: {  	s2 =	sld [smem:$0x3FAD]  }
0x29: {  	s4 =	sld [smem:$0x3FAF]  }
0x2a: {  	p0 =	seq.s32 s5, $0x0;
	s5 =	sld [smem:$0x3FB0]  }
0x2b: {  	s6 =	sld [smem:$0x3FB1]  }
0x2c: {  	s7 =	sld [smem:$0x3FB2]  }
0x2d: {  	s3 =	simm.s32 $0x108;
	s8 =	sld [smem:$0x3FB3]  }
0x2e: {  	s3 =	simm.s32 @!p0 $0x1082;
	s9 =	sld [smem:$0x3FB4]  }
0x2f: {  	lr =	sadd.s32 s0, s3;
	s0 =	sld [smem:$0x3FAB]  }
0x30: {  	s3 =	sld [smem:$0x3FAE]  }
0x31: {  	[smem:$0x3FB7] =	sst s10  }
0x32: {  	s10 =	sld [smem:$0x3FB5];
	_ =	sdelay $0x3  }
0x33: {  	p0 =	seq.s32 s10, $0x1;
	s10 =	sld [smem:$0x3FB7];
	_ =	sdelay $0x3  }
0x34: {  	[smem:$0x3FB7] =	sst s10  }
0x35: {  	s10 =	sld [smem:$0x3FB6];
	_ =	sdelay $0x3  }
0x36: {  	p1 =	seq.s32 s10, $0x1;
	s10 =	sld [smem:$0x3FB7];
	_ =	sdelay $0x3  }
0x37: {  	[smem:$0x3FB7] =	sst s10  }
0x38: {  	s10 =	sld [smem:$0x3FB8]  }
0x39: {  	_ = 	snop;
	(pc) =	sbr.ind lr, $3  }
0x3a: {  	_ = 	snop  }
0x3b: {  	_ = 	snop  }
0x3c: {  	p2 =	seq.s32 s10, $0x1;
	s10 =	sld [smem:$0x3FB7]  }
0x3d: {  	_ =	shalt  }
0x3e: {  	_ =	shalt  }
0x3f: {  	_ =	shalt  }
0x40: {  	_ =	shalt  }
0x41: {  	_ =	shalt  }
0x42: {  	_ =	shalt  }
0x43: {  	_ =	shalt  }
0x44: {  	_ =	shalt  }
0x45: {  	_ =	shalt  }
0x46: {  	_ =	shalt  }
0x47: {  	_ =	shalt  }
0x48: {  	_ =	shalt  }
0x49: {  	_ =	shalt  }
0x4a: {  	_ =	shalt  }
0x4b: {  	_ =	shalt  }
0x4c: {  	_ =	shalt  }
0x4d: {  	_ =	shalt  }
0x4e: {  	_ =	shalt  }
0x4f: {  	_ =	shalt  }
0x50: {  	_ =	shalt  }
0x51: {  	_ =	shalt  }
0x52: {  	_ =	shalt  }
0x53: {  	_ =	shalt  }
0x54: {  	_ =	shalt  }
0x55: {  	_ =	shalt  }
0x56: {  	_ =	shalt  }
0x57: {  	_ =	shalt  }
0x58: {  	_ =	shalt  }
0x59: {  	_ =	shalt  }
0x5a: {  	_ =	shalt  }
0x5b: {  	_ =	shalt  }
0x5c: {  	_ =	shalt  }
0x5d: {  	_ =	shalt  }
0x5e: {  	_ =	shalt  }
0x5f: {  	_ =	shalt  }
0x60: {  	_ =	shalt  }
0x61: {  	_ =	shalt  }
0x62: {  	_ =	shalt  }
0x63: {  	_ =	shalt  }
0x64: {  	_ =	shalt  }
0x65: {  	_ =	shalt  }
0x66: {  	_ =	shalt  }
0x67: {  	_ =	shalt  }
0x68: {  	_ =	shalt  }
0x69: {  	_ =	shalt  }
0x6a: {  	_ =	shalt  }
0x6b: {  	_ =	shalt  }
0x6c: {  	_ =	shalt  }
0x6d: {  	_ =	shalt  }
0x6e: {  	_ =	shalt  }
0x6f: {  	_ =	shalt  }
0x70: {  	_ =	shalt  }
0x71: {  	_ =	shalt  }
0x72: {  	_ =	shalt  }
0x73: {  	_ =	shalt  }
0x74: {  	_ =	shalt  }
0x75: {  	_ =	shalt  }
0x76: {  	_ =	shalt  }
0x77: {  	_ =	shalt  }
0x78: {  	_ =	shalt  }
0x79: {  	_ =	shalt  }
0x7a: {  	_ =	shalt  }
0x7b: {  	_ =	shalt  }
0x7c: {  	_ =	shalt  }
0x7d: {  	_ =	shalt  }
0x7e: {  	_ =	shalt  }
0x7f: {  	_ =	shalt  }
0x80: {  	_ =	shalt  }
0x81: {  	_ =	shalt  }
0x82: {  	_ =	shalt  }
0x83: {  	_ =	shalt  }
0x84: {  	_ =	shalt  }
0x85: {  	_ =	shalt  }
0x86: {  	_ =	shalt  }
0x87: {  	_ =	shalt  }
.Lfunc_end0:
.L_simem_size_0:
called_computation_lowered:
.L_overlay_start_0:
0x88: {  	s2 =	sld [smem:$0x3FD9]  }
0x89: {  	s3 =	sld [smem:$0x3FFE];
	_ =	sdelay $0x1  }
0x8a: {  	s1 =	srdreg.scid  }
0x8b: {  	s0 =	sand.u32 $0x1, s1  }
0x8c: {  	s17 =	sshll.u32 s0, $0xA;
	s2 =	sadd.s32 s3, s2  }
0x8d: {  	s2 =	sadd.s32 s2, s17  }
0x8e: {  	[smem:$0x3FC3] =	sst s2  }
0x8f: {  	_ = 	snop  }
0x90: {  	s2 =	sld [smem:$0x3FC9]  }
0x91: {  	s18 =	sld [smem:$0x3FC8]  }
0x92: {  	s4 =	sld [smem:$0x3FD0];
	(tm) =	ssettm $0x1  }
0x93: {  	s5 =	sld [smem:$0x3FFB];
	_ =	sdelay $0x3  }
0x94: {  	_ =	strace s5  }
0x95: {  	s5 =	sld [smem:$0x3FFC];
	_ =	sdelay $0x3  }
0x96: {  	_ =	strace s5  }
0x97: {  	s5 =	sld [smem:$0x3FFD];
	_ =	sdelay $0x3  }
0x98: {  	_ =	strace s5  }
0x99: {  	_ =	strace $0x8FFFFFFF  }
0x9a: {  	s19 =	sld [smem:$0x3FDB];
	_ =	sdelay $0x1  }
0x9b: {  	s6 =	simm.s32 $_scs_section_size  }
0x9c: {  	s7 =	simm.s32 $_size__tile_overlayer_lowered;
	s8 =	simm.s32 $_tile_overlayer_lowered  }
0x9d: {  	s22 =	simm.s32 $0x1BFF;
	s21 =	sshll.u32 s8, $0x1;
	s5 =	sadd.s32 s6, s19  }
0x9e: {  	s9 =	simm.s32 $0x0;
	s20 =	sshll.u32 s7, $0x1;
	s7 =	sadd.s32 s21, s5  }
0x9f: {  	[timem:s9], [sflag:s22] =	dma.local [hbm:s7], s20  }
0xa0: {  	_ =	swait.ge [sflag:s22], s20  }
0xa1: {  	s6 =	ssub.s32 $0x0, s20;
	[sflag:s22] =	ssyncset.done $0x0  }
0xa2: {  	[sflag:s22] =	ssyncadd.s32 s6;
	_ =	sdelay $0x1  }
0xa3: {  	s23 =	simm.s32 $0x1B8B  }
0xa4: {  	_ =	swait.ge [sflag:s23], $0x1  }
0xa5: {  	[sflag:s23] =	ssyncset.done $0x0  }
0xa6: {  	s25 =	simm.s32 $0x1B8E;
	s24 =	sld [smem:$0x3FFE];
	[sflag:s23] =	ssyncadd.s32 $0xFFFFFFFF  }
0xa7: {  	s26 =	simm.s32 $execute0_lowered;
	[smem:$0x3FD2] =	sst s25  }
0xa8: {  	s7 =	sshll.u32 s26, $0x1;
	_ =	strace $0x80000046;
	[dreg:$0x1] =	wrdreg $0xFFFFFFFF  }
0xa9: {  	s28 =	simm.s32 $_size_execute0_lowered;
	s5 =	sadd.s32 s5, s7;
	[dreg:$0x0] =	wrdreg $0x0  }
0xaa: {  	s7 =	sshll.u32 s28, $0x1;
	[dreg:$0x2] =	wrdreg s5  }
0xab: {  	[dreg:$0x3] =	wrdreg s7  }
0xac: {  	[dreg:$0x4] =	wrdreg $0xC0  }
0xad: {  	_ =	task [dreg:s9], $0x5FFFF  }
0xae: {  	[dreg:$0x1] =	wrdreg $0xFFFFFFFF  }
0xaf: {  	[dreg:$0x0] =	wrdreg $0x60  }
0xb0: {  	[dreg:$0x2] =	wrdreg s2  }
0xb1: {  	[dreg:$0x3] =	wrdreg s18  }
0xb2: {  	[dreg:$0x4] =	wrdreg s4  }
0xb3: {  	[dreg:$0x5] =	wrdreg s24  }
0xb4: {  	[dreg:$0x6] =	wrdreg $0x9  }
0xb5: {  	_ =	task.clear_ibuf [dreg:s9], $0x7FFFF;
	_ =	strace $0x90000046  }
0xb6: {  	s29 =	simm.s32 $0x9;
	_ =	strace $0x80000048  }
0xb7: {  	_ =	swait.ge [sflag:s29], $0x1  }
0xb8: {  	[sflag:s29] =	ssyncadd.s32 $0xFFFFFFFF  }
0xb9: {  	_ =	strace $0x90000048  }
0xba: {  	_ =	sfence  }
0xbb: {  	s30 =	sld [smem:$0x0];
	_ =	sdelay $0x2  }
0xbc: {  	s31 =	sshll.u32 s1, $0xD;
	s1 =	sshrl.u32 s1, $0x2  }
0xbd: {  	s3 =	sand.u32 $0x4000, s31;
	s1 =	sadd.s32 s1, s30  }
0xbe: {  	s0 =	sor.u32 s3, s0;
	s1 =	sshll.u32 s1, $0x11  }
0xbf: {  	s0 =	sor.u32 s1, s0  }
0xc0: {  	s0 =	sadd.s32 $0x8F2B, s0  }
0xc1: {  	[sflag:s0] =	ssyncadd.remote.s32 $0x1  }
0xc2: {  	_ =	sfence.sel $0xFFFF  }
0xc3: {  	[dreg:$0x0] =	wrdreg $0xFFFFFFFF;
	(pc) =	sbr.abs _section_cstart, $3  }
0xc4: {  	[dreg:$0x1] =	wrdreg $0xFFFFFFFF  }
0xc5: {  	_ =	task.clear_ibuf [dreg:s9], $0x2FFFF;
	_ =	strace $0x9FFFFFFF  }
0xc6: {  	(tm) =	ssettm $0x7FFFFFFF  }
0xc7: {  	_ =	shalt  }
tec
execute0_lowered:
.L_overlay_start_1:
0x0: {  	(tag) =	ssettag $0x1  }
0x1: {  	s0 =	rddreg [dreg:$0x0]  }
0x2: {  	s12 =	rddreg [dreg:$0x1]  }
0x3: {  	s13 =	rddreg [dreg:$0x3];
	s5 =	simm.s32 $0x0;
	s4 =	stileid.u32  }
0x4: {  	s1 =	srdreg.scid;
	s29 =	simm.s32 $0x1;
	s30 =	simm.s32 $0x2  }
0x5: {  	s31 =	simm.s32 $0x3;
	[smem:$0x7FF] =	sst s5;
	s2 =	smul.u32 $0x140000, s4  }
0x6: {  	s1 =	sand.u32 $0x1, s1;
	s4 =	sshll.u32 s4, $0x8;
	s7 =	sadd.s32 $0x200, s13  }
0x7: {  	s16 =	sadd.s32 $0x40, s12;
	_ =	strace $0x80000047;
	[dreg:$0x6] =	wrdreg s7  }
0x8: {  	s8 =	sadd.s32 $0x10, s12;
	s17 =	sadd.s32 $0x80, s12;
	[dreg:$0x9] =	wrdreg s16  }
0x9: {  	s9 =	sadd.s32 $0x20, s12;
	s18 =	sadd.s32 $0xC0, s12;
	[dreg:$0xa] =	wrdreg s17  }
0xa: {  	s10 =	sadd.s32 $0x30, s12;
	s19 =	sadd.s32 $0x20, s13;
	[dreg:$0xb] =	wrdreg s18  }
0xb: {  	s20 =	sadd.s32 $0x40, s13;
	s21 =	sadd.s32 $0x60, s13;
	[dreg:$0xc] =	wrdreg s19  }
0xc: {  	s12 =	simm.s32 $0xC;
	s3 =	ssub.s32 $0x2, s1;
	[dreg:$0xd] =	wrdreg s20  }
0xd: {  	s6 =	sshll.u32 s1, $0x7;
	s14 =	smul.u32 $0xA0000, s1;
	[dreg:$0xe] =	wrdreg s21  }
0xe: {  	s19 =	simm.s32 $0x11;
	s22 =	sadd.s32 $0x40, s8;
	s23 =	sadd.s32 $0x80, s8  }
0xf: {  	s24 =	sadd.s32 $0xC0, s8;
	s25 =	sadd.s32 $0x40, s9;
	s26 =	sadd.s32 $0x80, s9  }
0x10: {  	s28 =	sadd.s32 $0xC0, s9;
	s20 =	simm.s32 $0x6;
	[dreg:$0xf] =	wrdreg s22  }
0x11: {  	s21 =	simm.s32 $0x7;
	s7 =	simm.s32 $0xB;
	[dreg:$0x10] =	wrdreg s23  }
0x12: {  	s16 =	simm.s32 $0xD;
	s17 =	simm.s32 $0xE;
	[dreg:$0x11] =	wrdreg s24  }
0x13: {  	s18 =	simm.s32 $0xF;
	s1 =	simm.s32 $0x10;
	[dreg:$0x12] =	wrdreg s25  }
0x14: {  	s11 =	sshrl.u32 s3, $0x1;
	s4 =	sor.u32 s6, s4;
	[dreg:$0x13] =	wrdreg s26  }
0x15: {  	vm0 =	vmmov $0x1;
	s2 =	sadd.s32 s2, s13;
	[dreg:$0x14] =	wrdreg s28;
	s6 =	simm.s32 $0xA  }
0x16: {  	vm1 =	vcmask $0x308;
	vm2 =	vcmask $0x70C;
	vm3 =	vcmask $0xB10;
	s3 =	ssub.s32 s3, s11;
	s4 =	sshrl.u32 s4, $0x3;
	s11 =	sadd.s32 $0x10, s13  }
0x17: {  	vm4 =	vcmask $0xF14;
	vm5 =	vcmask $0x1318;
	vm6 =	vcmask $0x171C;
	s13 =	simm.s32 $0x0;
	s0 =	sadd.s32 s0, s4;
	s15 =	smax.u32 s3, $0x1  }
0x18: {  	vm7 =	vcmask $0x1B20;
	vm8 =	vcmask $0x1F24;
	vm9 =	vcmask $0x2328;
	s3 =	simm.s32 $0x5;
	[dreg:$0x7] =	wrdreg s0;
	s0 =	sadd.s32 s14, s2  }
0x19: {  	vm10 =	vcmask $0x272C;
	vm11 =	vcmask $0x2B30;
	vm12 =	vcmask $0x2F34;
	s4 =	simm.s32 $0x8;
	[dreg:$0x8] =	wrdreg s15;
	s0 =	sadd.s32 $0x400, s0  }
0x1a: {  	vm13 =	vcmask $0x3338;
	vm14 =	vcmask $0x373C;
	vm15 =	vmmov $0x7fff;
	s2 =	simm.s32 $0x9;
	[dreg:$0x5] =	wrdreg s0;
	s0 =	simm.s32 $0x4  }
.LBB2_1:
0x1b: {  	s14 =	rddreg [dreg:$0x2]  }
0x1c: {  	[tilespmem:s5], [sflag:$0x11] =	stream.linear.gather [hbm4b:s14+s5], $0xA000, $0x38;
	[tilespmem:$0x14100] =	vst v63  }
0x1d: {  	_ =	swait.ge [sflag:s19], $0xA000  }
0x1e: {  	[sflag:s19] =	ssyncset.done $0x0  }
0x1f: {  	s15 =	simm.s32 $0xA000;
	[sflag:s19] =	ssyncadd.s32 $0xFFFF6000  }
0x20: {  	[tilespmem:s15], [sflag:$0x11] =	stream.linear.gather [hbm4b:s14+s5], $0xA000, $0x38;
	[tilespmem:$0x14100] =	vst v63  }
0x21: {  	_ =	swait.ge [sflag:s19], $0xA000  }
0x22: {  	[sflag:s19] =	ssyncset.done $0x0  }
0x23: {  	s23 =	simm.s32 $0x14080;
	s22 =	rddreg [dreg:$0x6];
	[sflag:s19] =	ssyncadd.s32 $0xFFFF6000  }
0x24: {  	[tilespmem:s23], [sflag:$0x11] =	stream.linear.gather [hbm4b:s22+s5], $0x80, $0x38;
	[tilespmem:$0x14100] =	vst v63  }
0x25: {  	_ =	swait.ge [sflag:s19], $0x80  }
0x26: {  	[sflag:s19] =	ssyncset.done $0x0  }
0x27: {  	s14 =	simm.s32 $0x14000;
	s24 =	rddreg [dreg:$0x7];
	[sflag:s19] =	ssyncadd.s32 $0xFFFFFF80  }
0x28: {  	[tilespmem:s14], [sflag:$0x11] =	stream.linear.gather [hbm4b:s24+s5], $0x80, $0x38;
	[tilespmem:$0x14100] =	vst v63  }
0x29: {  	_ =	swait.ge [sflag:s19], $0x80  }
0x2a: {  	[sflag:s19] =	ssyncset.done $0x0  }
0x2b: {  	[sflag:s19] =	ssyncadd.s32 $0xFFFFFF80  }
0x2c: {  	v0 =	vld [tilespmem:$0x14080];
	_ =	sdelay $0x4  }
0x2d: {  	v1 =	vnsel vm0, $0xFFFFFFFF, v0  }
0x2e: {  	v1 =	vxor.u32 $0x80000000, v1  }
0x2f: {  	(xrf0) =	vmax.scan.msk.u32 $0xffff, v1;
	_ =	sdelay $0x5  }
0x30: {  	v1, _, _ =	vpop (xrf0)  }
0x31: {  	(v2sf) =	vpush v1, $0xF;
	_ =	sdelay $0xe  }
0x32: {  	s25 =	spop (v2sf)  }
0x33: {  	s22 =	sshll.u32 s25, $0x9;
	s15 =	sshll.u32 s25, $0x7  }
0x34: {  	s22 =	sand.u32 $0xFFFFF000, s22;
	s15 =	sand.u32 $0x380, s15  }
0x35: {  	s23 =	rddreg [dreg:$0x1];
	s15 =	sor.u32 s15, s22  }
0x36: {  	[tilespmem:s15], [sflag:$0x11] =	stream.linear.gather [hbm4b:s23+s5], $0x80, $0x38;
	[tilespmem:$0x14100] =	vst v63  }
0x37: {  	s24 =	rddreg [dreg:$0x9];
	s22 =	sor.u32 $0x400, s15  }
0x38: {  	[tilespmem:s22], [sflag:$0x11] =	stream.linear.gather [hbm4b:s24+s5], $0x80, $0x38;
	[tilespmem:$0x14100] =	vst v63  }
0x39: {  	s25 =	rddreg [dreg:$0xa];
	s26 =	sor.u32 $0x800, s15  }
0x3a: {  	[tilespmem:s26], [sflag:$0x11] =	stream.linear.gather [hbm4b:s25+s5], $0x80, $0x38;
	[tilespmem:$0x14100] =	vst v63  }
0x3b: {  	s28 =	sor.u32 $0xC00, s15;
	s26 =	rddreg [dreg:$0xb]  }
0x3c: {  	[tilespmem:s28], [sflag:$0x11] =	stream.linear.gather [hbm4b:s26+s5], $0x80, $0x38;
	[tilespmem:$0x14100] =	vst v63  }
0x3d: {  	_ =	swait.ge [sflag:s19], $0x200  }
0x3e: {  	[sflag:s19] =	ssyncset.done $0x0  }
0x3f: {  	s28 =	sadd.s32 $0xA000, s15;
	[sflag:s19] =	ssyncadd.s32 $0xFFFFFE00  }
0x40: {  	[tilespmem:s28], [sflag:$0x11] =	stream.linear.gather [hbm4b:s23+s5], $0x80, $0x38;
	[tilespmem:$0x14100] =	vst v63  }
0x41: {  	s23 =	sadd.s32 $0xA400, s15  }
0x42: {  	[tilespmem:s23], [sflag:$0x11] =	stream.linear.gather [hbm4b:s24+s5], $0x80, $0x38;
	[tilespmem:$0x14100] =	vst v63  }
0x43: {  	s28 =	sadd.s32 $0xA800, s15  }
0x44: {  	[tilespmem:s28], [sflag:$0x11] =	stream.linear.gather [hbm4b:s25+s5], $0x80, $0x38;
	[tilespmem:$0x14100] =	vst v63  }
0x45: {  	s15 =	sadd.s32 $0xAC00, s15  }
0x46: {  	v61 =	vsel vm1, $0xFFFFFFFF, v0;
	[tilespmem:s15], [sflag:$0x11] =	stream.linear.gather [hbm4b:s26+s5], $0x80, $0x38;
	[tilespmem:$0x14100] =	vst v63  }
0x47: {  	v1 =	vxor.u32 $0x80000000, v61;
	_ =	swait.ge [sflag:s19], $0x200  }
0x48: {  	(xrf0) =	vmax.scan.msk.u32 $0xffff, v1;
	_ =	sdelay $0x5  }
0x49: {  	v1, _, _ =	vpop (xrf0)  }
0x4a: {  	(v2sf) =	vpush v1, $0xF;
	_ =	sdelay $0xe  }
0x4b: {  	s23 =	spop (v2sf)  }
0x4c: {  	s24 =	sshll.u32 s23, $0x9;
	s15 =	sshll.u32 s23, $0x7  }
0x4d: {  	[sflag:s19] =	ssyncset.done $0x0;
	s22 =	sand.u32 $0xFFFFF000, s24;
	s15 =	sand.u32 $0x380, s15  }
0x4e: {  	[sflag:s19] =	ssyncadd.s32 $0xFFFFFE00;
	s15 =	sor.u32 s15, s22  }
0x4f: {  	[tilespmem:s15], [sflag:$0x11] =	stream.linear.gather [hbm4b:s8+s5], $0x80, $0x38;
	[tilespmem:$0x14100] =	vst v63  }
0x50: {  	s23 =	rddreg [dreg:$0xf];
	s22 =	sor.u32 $0x400, s15  }
0x51: {  	[tilespmem:s22], [sflag:$0x11] =	stream.linear.gather [hbm4b:s23+s5], $0x80, $0x38;
	[tilespmem:$0x14100] =	vst v63  }
0x52: {  	s24 =	rddreg [dreg:$0x10];
	s25 =	sor.u32 $0x800, s15  }
0x53: {  	[tilespmem:s25], [sflag:$0x11] =	stream.linear.gather [hbm4b:s24+s5], $0x80, $0x38;
	[tilespmem:$0x14100] =	vst v63  }
0x54: {  	s26 =	sor.u32 $0xC00, s15;
	s25 =	rddreg [dreg:$0x11]  }
0x55: {  	[tilespmem:s26], [sflag:$0x11] =	stream.linear.gather [hbm4b:s25+s5], $0x80, $0x38;
	[tilespmem:$0x14100] =	vst v63  }
0x56: {  	_ =	swait.ge [sflag:s19], $0x200  }
0x57: {  	[sflag:s19] =	ssyncset.done $0x0  }
0x58: {  	s28 =	sadd.s32 $0xA000, s15;
	[sflag:s19] =	ssyncadd.s32 $0xFFFFFE00  }
0x59: {  	[tilespmem:s28], [sflag:$0x11] =	stream.linear.gather [hbm4b:s8+s5], $0x80, $0x38;
	[tilespmem:$0x14100] =	vst v63  }
0x5a: {  	s26 =	sadd.s32 $0xA400, s15  }
0x5b: {  	[tilespmem:s26], [sflag:$0x11] =	stream.linear.gather [hbm4b:s23+s5], $0x80, $0x38;
	[tilespmem:$0x14100] =	vst v63  }
0x5c: {  	s28 =	sadd.s32 $0xA800, s15  }
0x5d: {  	[tilespmem:s28], [sflag:$0x11] =	stream.linear.gather [hbm4b:s24+s5], $0x80, $0x38;
	[tilespmem:$0x14100] =	vst v63  }
0x5e: {  	s15 =	sadd.s32 $0xAC00, s15  }
0x5f: {  	v62 =	vsel vm2, $0xFFFFFFFF, v0;
	[tilespmem:s15], [sflag:$0x11] =	stream.linear.gather [hbm4b:s25+s5], $0x80, $0x38;
	[tilespmem:$0x14100] =	vst v63  }
0x60: {  	v1 =	vxor.u32 $0x80000000, v62;
	_ =	swait.ge [sflag:s19], $0x200  }
0x61: {  	(xrf0) =	vmax.scan.msk.u32 $0xffff, v1;
	_ =	sdelay $0x5  }
0x62: {  	v1, _, _ =	vpop (xrf0)  }
0x63: {  	(v2sf) =	vpush v1, $0xF;
	_ =	sdelay $0xe  }
0x64: {  	s23 =	spop (v2sf)  }
0x65: {  	s24 =	sshll.u32 s23, $0x9;
	s15 =	sshll.u32 s23, $0x7  }
0x66: {  	[sflag:s19] =	ssyncset.done $0x0;
	s22 =	sand.u32 $0xFFFFF000, s24;
	s15 =	sand.u32 $0x380, s15  }
0x67: {  	[sflag:s19] =	ssyncadd.s32 $0xFFFFFE00;
	s15 =	sor.u32 s15, s22  }
0x68: {  	[tilespmem:s15], [sflag:$0x11] =	stream.linear.gather [hbm4b:s9+s5], $0x80, $0x38;
	[tilespmem:$0x14100] =	vst v63  }
0x69: {  	s23 =	rddreg [dreg:$0x12];
	s22 =	sor.u32 $0x400, s15  }
0x6a: {  	[tilespmem:s22], [sflag:$0x11] =	stream.linear.gather [hbm4b:s23+s5], $0x80, $0x38;
	[tilespmem:$0x14100] =	vst v63  }
0x6b: {  	s24 =	rddreg [dreg:$0x13];
	s25 =	sor.u32 $0x800, s15  }
0x6c: {  	[tilespmem:s25], [sflag:$0x11] =	stream.linear.gather [hbm4b:s24+s5], $0x80, $0x38;
	[tilespmem:$0x14100] =	vst v63  }
0x6d: {  	s26 =	sor.u32 $0xC00, s15;
	s25 =	rddreg [dreg:$0x14]  }
0x6e: {  	[tilespmem:s26], [sflag:$0x11] =	stream.linear.gather [hbm4b:s25+s5], $0x80, $0x38;
	[tilespmem:$0x14100] =	vst v63  }
0x6f: {  	_ =	swait.ge [sflag:s19], $0x200  }
0x70: {  	[sflag:s19] =	ssyncset.done $0x0  }
0x71: {  	s28 =	sadd.s32 $0xA000, s15;
	[sflag:s19] =	ssyncadd.s32 $0xFFFFFE00  }
0x72: {  	[tilespmem:s28], [sflag:$0x11] =	stream.linear.gather [hbm4b:s9+s5], $0x80, $0x38;
	[tilespmem:$0x14100] =	vst v63  }
0x73: {  	s26 =	sadd.s32 $0xA400, s15  }
0x74: {  	[tilespmem:s26], [sflag:$0x11] =	stream.linear.gather [hbm4b:s23+s5], $0x80, $0x38;
	[tilespmem:$0x14100] =	vst v63  }
0x75: {  	s28 =	sadd.s32 $0xA800, s15  }
0x76: {  	[tilespmem:s28], [sflag:$0x11] =	stream.linear.gather [hbm4b:s24+s5], $0x80, $0x38;
	[tilespmem:$0x14100] =	vst v63  }
0x77: {  	s15 =	sadd.s32 $0xAC00, s15  }
0x78: {  	v63 =	vsel vm3, $0xFFFFFFFF, v0;
	[tilespmem:s15], [sflag:$0x11] =	stream.linear.gather [hbm4b:s25+s5], $0x80, $0x38;
	[tilespmem:$0x14100] =	vst v63  }
0x79: {  	v1 =	vxor.u32 $0x80000000, v63;
	_ =	swait.ge [sflag:s19], $0x200  }
0x7a: {  	(xrf0) =	vmax.scan.msk.u32 $0xffff, v1;
	_ =	sdelay $0x5  }
0x7b: {  	v1, _, _ =	vpop (xrf0)  }
0x7c: {  	(v2sf) =	vpush v1, $0xF;
	_ =	sdelay $0xe  }
0x7d: {  	s22 =	spop (v2sf)  }
0x7e: {  	s23 =	sshll.u32 s22, $0x9;
	s15 =	sshll.u32 s22, $0x7  }
0x7f: {  	[sflag:s19] =	ssyncset.done $0x0;
	s22 =	sand.u32 $0xFFFFF000, s23;
	s15 =	sand.u32 $0x380, s15  }
0x80: {  	[sflag:s19] =	ssyncadd.s32 $0xFFFFFE00;
	s15 =	sor.u32 s15, s22  }
0x81: {  	[tilespmem:s15], [sflag:$0x11] =	stream.linear.gather [hbm4b:s10+s5], $0x80, $0x38;
	[tilespmem:$0x14100] =	vst v63  }
0x82: {  	s22 =	sadd.s32 $0x40, s10;
	s24 =	sor.u32 $0x400, s15  }
0x83: {  	[tilespmem:s24], [sflag:$0x11] =	stream.linear.gather [hbm4b:s22+s5], $0x80, $0x38;
	[tilespmem:$0x14100] =	vst v63  }
0x84: {  	s23 =	sadd.s32 $0x80, s10;
	s25 =	sor.u32 $0x800, s15  }
0x85: {  	[tilespmem:s25], [sflag:$0x11] =	stream.linear.gather [hbm4b:s23+s5], $0x80, $0x38;
	[tilespmem:$0x14100] =	vst v63  }
0x86: {  	s26 =	sor.u32 $0xC00, s15;
	s24 =	sadd.s32 $0xC0, s10  }
0x87: {  	[tilespmem:s26], [sflag:$0x11] =	stream.linear.gather [hbm4b:s24+s5], $0x80, $0x38;
	[tilespmem:$0x14100] =	vst v63  }
0x88: {  	_ =	swait.ge [sflag:s19], $0x200  }
0x89: {  	[sflag:s19] =	ssyncset.done $0x0  }
0x8a: {  	s28 =	sadd.s32 $0xA000, s15;
	[sflag:s19] =	ssyncadd.s32 $0xFFFFFE00  }
0x8b: {  	[tilespmem:s28], [sflag:$0x11] =	stream.linear.gather [hbm4b:s10+s5], $0x80, $0x38;
	[tilespmem:$0x14100] =	vst v63  }
0x8c: {  	s26 =	sadd.s32 $0xA400, s15  }
0x8d: {  	[tilespmem:s26], [sflag:$0x11] =	stream.linear.gather [hbm4b:s22+s5], $0x80, $0x38;
	[tilespmem:$0x14100] =	vst v63  }
0x8e: {  	s28 =	sadd.s32 $0xA800, s15  }
0x8f: {  	[tilespmem:s28], [sflag:$0x11] =	stream.linear.gather [hbm4b:s23+s5], $0x80, $0x38;
	[tilespmem:$0x14100] =	vst v63  }
0x90: {  	s15 =	sadd.s32 $0xAC00, s15  }
0x91: {  	v0 =	vsel vm4, $0xFFFFFFFF, v0;
	[tilespmem:s15], [sflag:$0x11] =	stream.linear.gather [hbm4b:s24+s5], $0x80, $0x38;
	[tilespmem:$0x14100] =	vst v63  }
0x92: {  	v0 =	vxor.u32 $0x80000000, v0;
	_ =	swait.ge [sflag:s19], $0x200  }
0x93: {  	(xrf0) =	vmax.scan.msk.u32 $0xffff, v0;
	_ =	sdelay $0x5  }
0x94: {  	v0, _, _ =	vpop (xrf0)  }
0x95: {  	(v2sf) =	vpush v0, $0xF;
	_ =	sdelay $0xe  }
0x96: {  	s23 =	spop (v2sf)  }
0x97: {  	[sflag:s19] =	ssyncset.done $0x0;
	s24 =	sshll.u32 s23, $0x9;
	s15 =	sshll.u32 s23, $0x7  }
0x98: {  	[sflag:s19] =	ssyncadd.s32 $0xFFFFFE00;
	s22 =	sand.u32 $0xFFFFF000, s24;
	s15 =	sand.u32 $0x380, s15  }
0x99: {  	s25 =	rddreg [dreg:$0x3];
	s15 =	sor.u32 s15, s22  }
0x9a: {  	[tilespmem:s15], [sflag:$0x11] =	stream.linear.gather [hbm4b:s25+s5], $0x80, $0x38;
	[tilespmem:$0x14100] =	vst v63  }
0x9b: {  	s28 =	rddreg [dreg:$0xc];
	s26 =	sor.u32 $0x400, s15  }
0x9c: {  	[tilespmem:s26], [sflag:$0x11] =	stream.linear.gather [hbm4b:s28+s5], $0x80, $0x38;
	[tilespmem:$0x14100] =	vst v63  }
0x9d: {  	s24 =	rddreg [dreg:$0xd];
	s23 =	sor.u32 $0x800, s15  }
0x9e: {  	[tilespmem:s23], [sflag:$0x11] =	stream.linear.gather [hbm4b:s24+s5], $0x80, $0x38;
	[tilespmem:$0x14100] =	vst v63  }
0x9f: {  	s25 =	sor.u32 $0xC00, s15;
	s26 =	rddreg [dreg:$0xe]  }
0xa0: {  	[tilespmem:s25], [sflag:$0x11] =	stream.linear.gather [hbm4b:s26+s5], $0x80, $0x38;
	[tilespmem:$0x14100] =	vst v63  }
0xa1: {  	_ =	swait.ge [sflag:s19], $0x200  }
0xa2: {  	[sflag:s19] =	ssyncset.done $0x0  }
0xa3: {  	s28 =	sadd.s32 $0xA000, s15;
	[sflag:s19] =	ssyncadd.s32 $0xFFFFFE00  }
0xa4: {  	[tilespmem:s28], [sflag:$0x11] =	stream.linear.gather [hbm4b:s11+s5], $0x80, $0x38;
	[tilespmem:$0x14100] =	vst v63  }
0xa5: {  	s23 =	sadd.s32 $0x20, s11;
	s24 =	sadd.s32 $0xA400, s15  }
0xa6: {  	[tilespmem:s24], [sflag:$0x11] =	stream.linear.gather [hbm4b:s23+s5], $0x80, $0x38;
	[tilespmem:$0x14100] =	vst v63  }
0xa7: {  	s25 =	sadd.s32 $0x40, s11;
	s26 =	sadd.s32 $0xA800, s15  }
0xa8: {  	[tilespmem:s26], [sflag:$0x11] =	stream.linear.gather [hbm4b:s25+s5], $0x80, $0x38;
	[tilespmem:$0x14100] =	vst v63  }
0xa9: {  	s15 =	sadd.s32 $0xAC00, s15;
	s28 =	sadd.s32 $0x60, s11  }
0xaa: {  	[tilespmem:s15], [sflag:$0x11] =	stream.linear.gather [hbm4b:s28+s5], $0x80, $0x38;
	[tilespmem:$0x14100] =	vst v63  }
0xab: {  	_ =	swait.ge [sflag:s19], $0x200  }
0xac: {  	[sflag:s19] =	ssyncset.done $0x0  }
0xad: {  	s22 =	simm.s32 $0x0;
	s15 =	simm.s32 $0xFFFFFFF2;
	[sflag:s19] =	ssyncadd.s32 $0xFFFFFE00  }
.LBB2_2:
0xae: {  	v0 =	vld [tilespmem:s14+$0x0]  }
0xaf: {  	p0 =	seq.s32 s22, $0x0  }
0xb0: {  	s23 =	simm.s32 @!p0 $0x1  }
0xb1: {  	_ =	swait.ge @!p0 [sflag:s23], $0x5000  }
0xb2: {  	[sflag:s23] =	ssyncset.done @!p0 $0x0  }
0xb3: {  	[sflag:s23] =	ssyncadd.s32 @!p0 $0xFFFFB000;
	s23 =	simm.s32 @!p0 $0x2;
	v1 =	vnsel vm0, $0xFFFFFFFF, v0  }
0xb4: {  	_ =	swait.ge @!p0 [sflag:s23], $0x5000;
	v1 =	vxor.u32 $0x80000000, v1  }
0xb5: {  	(xrf0) =	vmax.scan.msk.u32 $0xffff, v1;
	_ =	sdelay $0x5  }
0xb6: {  	v1, _, _ =	vpop (xrf0)  }
0xb7: {  	(v2sf) =	vpush v1, $0xF;
	_ =	sdelay $0xe  }
0xb8: {  	s24 =	spop (v2sf)  }
0xb9: {  	s24 =	smul.u32 $0x28000, s24  }
0xba: {  	s25 =	rddreg [dreg:$0x5];
	[sflag:s23] =	ssyncset.done @!p0 $0x0  }
0xbb: {  	[sflag:s23] =	ssyncadd.s32 @!p0 $0xFFFFB000;
	s23 =	sadd.s32 s22, s25;
	s24 =	sshra.s32 s24, $0x2  }
0xbc: {  	[hbm4b:s23+s5] =	stream.linear.scatter [tilespmem:s24], [sflag:$0x1], $0x800, $0x38;
	[tilespmem:$0x14100] =	vst v63  }
0xbd: {  	s26 =	sadd.s32 $0x200, s23;
	s28 =	sor.u32 $0x1000, s24  }
0xbe: {  	[hbm4b:s26+s5] =	stream.linear.scatter [tilespmem:s28], [sflag:$0x1], $0x800, $0x38;
	[tilespmem:$0x14100] =	vst v63  }
0xbf: {  	s26 =	sadd.s32 $0x2000, s24;
	s28 =	sadd.s32 $0x400, s23  }
0xc0: {  	[hbm4b:s28+s5] =	stream.linear.scatter [tilespmem:s26], [sflag:$0x1], $0x800, $0x38;
	[tilespmem:$0x14100] =	vst v63  }
0xc1: {  	s26 =	sadd.s32 $0x3000, s24;
	s28 =	sadd.s32 $0x600, s23  }
0xc2: {  	[hbm4b:s28+s5] =	stream.linear.scatter [tilespmem:s26], [sflag:$0x1], $0x800, $0x38;
	[tilespmem:$0x14100] =	vst v63  }
0xc3: {  	s26 =	sadd.s32 $0x4000, s24;
	s28 =	sadd.s32 $0x800, s23  }
0xc4: {  	[hbm4b:s28+s5] =	stream.linear.scatter [tilespmem:s26], [sflag:$0x1], $0x800, $0x38;
	[tilespmem:$0x14100] =	vst v63  }
0xc5: {  	s26 =	sadd.s32 $0x5000, s24;
	s28 =	sadd.s32 $0xA00, s23  }
0xc6: {  	[hbm4b:s28+s5] =	stream.linear.scatter [tilespmem:s26], [sflag:$0x1], $0x800, $0x38;
	[tilespmem:$0x14100] =	vst v63  }
0xc7: {  	s26 =	sadd.s32 $0x6000, s24;
	s28 =	sadd.s32 $0xC00, s23  }
0xc8: {  	[hbm4b:s28+s5] =	stream.linear.scatter [tilespmem:s26], [sflag:$0x1], $0x800, $0x38;
	[tilespmem:$0x14100] =	vst v63  }
0xc9: {  	s26 =	sadd.s32 $0x7000, s24;
	s28 =	sadd.s32 $0xE00, s23  }
0xca: {  	[hbm4b:s28+s5] =	stream.linear.scatter [tilespmem:s26], [sflag:$0x1], $0x800, $0x38;
	[tilespmem:$0x14100] =	vst v63  }
0xcb: {  	s26 =	sadd.s32 $0x8000, s24;
	s28 =	sadd.s32 $0x1000, s23  }
0xcc: {  	[hbm4b:s28+s5] =	stream.linear.scatter [tilespmem:s26], [sflag:$0x1], $0x800, $0x38;
	[tilespmem:$0x14100] =	vst v63  }
0xcd: {  	s26 =	sadd.s32 $0x9000, s24;
	s28 =	sadd.s32 $0x1200, s23  }
0xce: {  	[hbm4b:s28+s5] =	stream.linear.scatter [tilespmem:s26], [sflag:$0x1], $0x800, $0x38;
	[tilespmem:$0x14100] =	vst v63  }
0xcf: {  	s26 =	sadd.s32 $0x100, s23;
	s28 =	sor.u32 $0x800, s24  }
0xd0: {  	[hbm4b:s26+s5] =	stream.linear.scatter [tilespmem:s28], [sflag:$0x2], $0x800, $0x38;
	[tilespmem:$0x14100] =	vst v63  }
0xd1: {  	s26 =	sor.u32 $0x1800, s24;
	s28 =	sadd.s32 $0x300, s23  }
0xd2: {  	[hbm4b:s28+s5] =	stream.linear.scatter [tilespmem:s26], [sflag:$0x2], $0x800, $0x38;
	[tilespmem:$0x14100] =	vst v63  }
0xd3: {  	s26 =	sadd.s32 $0x2800, s24;
	s28 =	sadd.s32 $0x500, s23  }
0xd4: {  	[hbm4b:s28+s5] =	stream.linear.scatter [tilespmem:s26], [sflag:$0x2], $0x800, $0x38;
	[tilespmem:$0x14100] =	vst v63  }
0xd5: {  	s26 =	sadd.s32 $0x3800, s24;
	s28 =	sadd.s32 $0x700, s23  }
0xd6: {  	[hbm4b:s28+s5] =	stream.linear.scatter [tilespmem:s26], [sflag:$0x2], $0x800, $0x38;
	[tilespmem:$0x14100] =	vst v63  }
0xd7: {  	s26 =	sadd.s32 $0x4800, s24;
	s28 =	sadd.s32 $0x900, s23  }
0xd8: {  	[hbm4b:s28+s5] =	stream.linear.scatter [tilespmem:s26], [sflag:$0x2], $0x800, $0x38;
	[tilespmem:$0x14100] =	vst v63  }
0xd9: {  	s26 =	sadd.s32 $0x5800, s24;
	s28 =	sadd.s32 $0xB00, s23  }
0xda: {  	[hbm4b:s28+s5] =	stream.linear.scatter [tilespmem:s26], [sflag:$0x2], $0x800, $0x38;
	[tilespmem:$0x14100] =	vst v63  }
0xdb: {  	s26 =	sadd.s32 $0x6800, s24;
	s28 =	sadd.s32 $0xD00, s23  }
0xdc: {  	[hbm4b:s28+s5] =	stream.linear.scatter [tilespmem:s26], [sflag:$0x2], $0x800, $0x38;
	[tilespmem:$0x14100] =	vst v63  }
0xdd: {  	s26 =	sadd.s32 $0x7800, s24;
	s28 =	sadd.s32 $0xF00, s23  }
0xde: {  	[hbm4b:s28+s5] =	stream.linear.scatter [tilespmem:s26], [sflag:$0x2], $0x800, $0x38;
	[tilespmem:$0x14100] =	vst v63  }
0xdf: {  	s26 =	sadd.s32 $0x8800, s24;
	s28 =	sadd.s32 $0x1100, s23  }
0xe0: {  	[hbm4b:s28+s5] =	stream.linear.scatter [tilespmem:s26], [sflag:$0x2], $0x800, $0x38;
	[tilespmem:$0x14100] =	vst v63  }
0xe1: {  	s24 =	sadd.s32 $0x9800, s24;
	s28 =	sadd.s32 $0x1300, s23  }
0xe2: {  	[hbm4b:s28+s5] =	stream.linear.scatter [tilespmem:s24], [sflag:$0x2], $0x800, $0x38;
	[tilespmem:$0x14100] =	vst v63  }
0xe3: {  	s24 =	sshra.s32 @!p0 s15, $0x1F  }
0xe4: {  	s24 =	sshrl.u32 @!p0 s24, $0x1C  }
0xe5: {  	s25 =	sadd.s32 @!p0 $0x1, s15;
	s24 =	sadd.s32 @!p0 s24, s15  }
0xe6: {  	s26 =	sshra.s32 @!p0 s25, $0x1F;
	s24 =	sand.u32 @!p0 $0xFFFFFFF0, s24  }
0xe7: {  	s26 =	sshrl.u32 @!p0 s26, $0x1C;
	s24 =	ssub.s32 @!p0 s15, s24  }
0xe8: {  	s26 =	sadd.s32 @!p0 s26, s25;
	s24 =	sadd.s32 @!p0 $0x1, s24  }
0xe9: {  	s26 =	sand.u32 @!p0 $0xFFFFFFF0, s26;
	_ =	swait.ge @!p0 [sflag:s24], $0x5000  }
0xea: {  	s25 =	ssub.s32 @!p0 s25, s26;
	[sflag:s24] =	ssyncset.done @!p0 $0x0  }
0xeb: {  	v50 =	vsel vm1, $0xFFFFFFFF, v0;
	[sflag:s24] =	ssyncadd.s32 @!p0 $0xFFFFB000;
	s24 =	sadd.s32 @!p0 $0x1, s25  }
0xec: {  	v1 =	vxor.u32 $0x80000000, v50;
	_ =	swait.ge @!p0 [sflag:s24], $0x5000  }
0xed: {  	(xrf0) =	vmax.scan.msk.u32 $0xffff, v1;
	_ =	sdelay $0x5  }
0xee: {  	v1, _, _ =	vpop (xrf0)  }
0xef: {  	(v2sf) =	vpush v1, $0xF;
	_ =	sdelay $0xe  }
0xf0: {  	s26 =	spop (v2sf)  }
0xf1: {  	s25 =	smul.u32 $0x28000, s26  }
0xf2: {  	[sflag:s24] =	ssyncset.done @!p0 $0x0  }
0xf3: {  	s28 =	sadd.s32 $0x1400, s23;
	[sflag:s24] =	ssyncadd.s32 @!p0 $0xFFFFB000;
	s25 =	sshra.s32 s25, $0x2  }
0xf4: {  	[hbm4b:s28+s5] =	stream.linear.scatter [tilespmem:s25], [sflag:$0x3], $0x800, $0x38;
	[tilespmem:$0x14100] =	vst v63  }
0xf5: {  	s26 =	sor.u32 $0x1000, s25;
	s28 =	sadd.s32 $0x1600, s23  }
0xf6: {  	[hbm4b:s28+s5] =	stream.linear.scatter [tilespmem:s26], [sflag:$0x3], $0x800, $0x38;
	[tilespmem:$0x14100] =	vst v63  }
0xf7: {  	s26 =	sadd.s32 $0x2000, s25;
	s28 =	sadd.s32 $0x1800, s23  }
0xf8: {  	[hbm4b:s28+s5] =	stream.linear.scatter [tilespmem:s26], [sflag:$0x3], $0x800, $0x38;
	[tilespmem:$0x14100] =	vst v63  }
0xf9: {  	s26 =	sadd.s32 $0x3000, s25;
	s28 =	sadd.s32 $0x1A00, s23  }
0xfa: {  	[hbm4b:s28+s5] =	stream.linear.scatter [tilespmem:s26], [sflag:$0x3], $0x800, $0x38;
	[tilespmem:$0x14100] =	vst v63  }
0xfb: {  	s26 =	sadd.s32 $0x4000, s25;
	s28 =	sadd.s32 $0x1C00, s23  }
0xfc: {  	[hbm4b:s28+s5] =	stream.linear.scatter [tilespmem:s26], [sflag:$0x3], $0x800, $0x38;
	[tilespmem:$0x14100] =	vst v63  }
0xfd: {  	s26 =	sadd.s32 $0x5000, s25;
	s28 =	sadd.s32 $0x1E00, s23  }
0xfe: {  	[hbm4b:s28+s5] =	stream.linear.scatter [tilespmem:s26], [sflag:$0x3], $0x800, $0x38;
	[tilespmem:$0x14100] =	vst v63  }
0xff: {  	s26 =	sadd.s32 $0x6000, s25;
	s28 =	sadd.s32 $0x2000, s23  }
0x100: {  	[hbm4b:s28+s5] =	stream.linear.scatter [tilespmem:s26], [sflag:$0x3], $0x800, $0x38;
	[tilespmem:$0x14100] =	vst v63  }
0x101: {  	s26 =	sadd.s32 $0x7000, s25;
	s28 =	sadd.s32 $0x2200, s23  }
0x102: {  	[hbm4b:s28+s5] =	stream.linear.scatter [tilespmem:s26], [sflag:$0x3], $0x800, $0x38;
	[tilespmem:$0x14100] =	vst v63  }
0x103: {  	s26 =	sadd.s32 $0x8000, s25;
	s28 =	sadd.s32 $0x2400, s23  }
0x104: {  	[hbm4b:s28+s5] =	stream.linear.scatter [tilespmem:s26], [sflag:$0x3], $0x800, $0x38;
	[tilespmem:$0x14100] =	vst v63  }
0x105: {  	s26 =	sadd.s32 $0x9000, s25;
	s28 =	sadd.s32 $0x2600, s23  }
0x106: {  	[hbm4b:s28+s5] =	stream.linear.scatter [tilespmem:s26], [sflag:$0x3], $0x800, $0x38;
	[tilespmem:$0x14100] =	vst v63  }
0x107: {  	s26 =	sadd.s32 $0x1500, s23;
	s28 =	sor.u32 $0x800, s25  }
0x108: {  	[hbm4b:s26+s5] =	stream.linear.scatter [tilespmem:s28], [sflag:$0x4], $0x800, $0x38;
	[tilespmem:$0x14100] =	vst v63  }
0x109: {  	s26 =	sor.u32 $0x1800, s25;
	s28 =	sadd.s32 $0x1700, s23  }
0x10a: {  	[hbm4b:s28+s5] =	stream.linear.scatter [tilespmem:s26], [sflag:$0x4], $0x800, $0x38;
	[tilespmem:$0x14100] =	vst v63  }
0x10b: {  	s26 =	sadd.s32 $0x2800, s25;
	s28 =	sadd.s32 $0x1900, s23  }
0x10c: {  	[hbm4b:s28+s5] =	stream.linear.scatter [tilespmem:s26], [sflag:$0x4], $0x800, $0x38;
	[tilespmem:$0x14100] =	vst v63  }
0x10d: {  	s26 =	sadd.s32 $0x3800, s25;
	s28 =	sadd.s32 $0x1B00, s23  }
0x10e: {  	[hbm4b:s28+s5] =	stream.linear.scatter [tilespmem:s26], [sflag:$0x4], $0x800, $0x38;
	[tilespmem:$0x14100] =	vst v63  }
0x10f: {  	s26 =	sadd.s32 $0x4800, s25;
	s28 =	sadd.s32 $0x1D00, s23  }
0x110: {  	[hbm4b:s28+s5] =	stream.linear.scatter [tilespmem:s26], [sflag:$0x4], $0x800, $0x38;
	[tilespmem:$0x14100] =	vst v63  }
0x111: {  	s26 =	sadd.s32 $0x5800, s25;
	s28 =	sadd.s32 $0x1F00, s23  }
0x112: {  	[hbm4b:s28+s5] =	stream.linear.scatter [tilespmem:s26], [sflag:$0x4], $0x800, $0x38;
	[tilespmem:$0x14100] =	vst v63  }
0x113: {  	s26 =	sadd.s32 $0x6800, s25;
	s28 =	sadd.s32 $0x2100, s23  }
0x114: {  	[hbm4b:s28+s5] =	stream.linear.scatter [tilespmem:s26], [sflag:$0x4], $0x800, $0x38;
	[tilespmem:$0x14100] =	vst v63  }
0x115: {  	s26 =	sadd.s32 $0x7800, s25;
	s28 =	sadd.s32 $0x2300, s23  }
0x116: {  	[hbm4b:s28+s5] =	stream.linear.scatter [tilespmem:s26], [sflag:$0x4], $0x800, $0x38;
	[tilespmem:$0x14100] =	vst v63  }
0x117: {  	s24 =	sadd.s32 @!p0 $0x2, s15;
	s26 =	sadd.s32 $0x8800, s25;
	s28 =	sadd.s32 $0x2500, s23  }
0x118: {  	[hbm4b:s28+s5] =	stream.linear.scatter [tilespmem:s26], [sflag:$0x4], $0x800, $0x38;
	[tilespmem:$0x14100] =	vst v63  }
0x119: {  	s26 =	sadd.s32 $0x9800, s25;
	s25 =	sshra.s32 @!p0 s24, $0x1F  }
0x11a: {  	s28 =	sadd.s32 $0x2700, s23;
	s25 =	sshrl.u32 @!p0 s25, $0x1C  }
0x11b: {  	[hbm4b:s28+s5] =	stream.linear.scatter [tilespmem:s26], [sflag:$0x4], $0x800, $0x38;
	[tilespmem:$0x14100] =	vst v63  }
0x11c: {  	s25 =	sadd.s32 @!p0 s25, s24;
	s26 =	sadd.s32 @!p0 $0x3, s15  }
0x11d: {  	s25 =	sand.u32 @!p0 $0xFFFFFFF0, s25;
	s28 =	sshra.s32 @!p0 s26, $0x1F  }
0x11e: {  	s24 =	ssub.s32 @!p0 s24, s25;
	s25 =	sshrl.u32 @!p0 s28, $0x1C  }
0x11f: {  	s24 =	sadd.s32 @!p0 $0x1, s24;
	s25 =	sadd.s32 @!p0 s25, s26  }
0x120: {  	_ =	swait.ge @!p0 [sflag:s24], $0x5000;
	s25 =	sand.u32 @!p0 $0xFFFFFFF0, s25  }
0x121: {  	[sflag:s24] =	ssyncset.done @!p0 $0x0;
	s25 =	ssub.s32 @!p0 s26, s25  }
0x122: {  	v51 =	vsel vm2, $0xFFFFFFFF, v0;
	[sflag:s24] =	ssyncadd.s32 @!p0 $0xFFFFB000;
	s24 =	sadd.s32 @!p0 $0x1, s25  }
0x123: {  	v1 =	vxor.u32 $0x80000000, v51;
	_ =	swait.ge @!p0 [sflag:s24], $0x5000  }
0x124: {  	(xrf0) =	vmax.scan.msk.u32 $0xffff, v1;
	_ =	sdelay $0x5  }
0x125: {  	v1, _, _ =	vpop (xrf0)  }
0x126: {  	(v2sf) =	vpush v1, $0xF;
	_ =	sdelay $0xe  }
0x127: {  	s26 =	spop (v2sf)  }
0x128: {  	s25 =	smul.u32 $0x28000, s26  }
0x129: {  	[sflag:s24] =	ssyncset.done @!p0 $0x0  }
0x12a: {  	s28 =	sadd.s32 $0x2800, s23;
	[sflag:s24] =	ssyncadd.s32 @!p0 $0xFFFFB000;
	s25 =	sshra.s32 s25, $0x2  }
0x12b: {  	[hbm4b:s28+s5] =	stream.linear.scatter [tilespmem:s25], [sflag:$0x5], $0x800, $0x38;
	[tilespmem:$0x14100] =	vst v63  }
0x12c: {  	s26 =	sor.u32 $0x1000, s25;
	s28 =	sadd.s32 $0x2A00, s23  }
0x12d: {  	[hbm4b:s28+s5] =	stream.linear.scatter [tilespmem:s26], [sflag:$0x5], $0x800, $0x38;
	[tilespmem:$0x14100] =	vst v63  }
0x12e: {  	s26 =	sadd.s32 $0x2000, s25;
	s28 =	sadd.s32 $0x2C00, s23  }
0x12f: {  	[hbm4b:s28+s5] =	stream.linear.scatter [tilespmem:s26], [sflag:$0x5], $0x800, $0x38;
	[tilespmem:$0x14100] =	vst v63  }
0x130: {  	s26 =	sadd.s32 $0x3000, s25;
	s28 =	sadd.s32 $0x2E00, s23  }
0x131: {  	[hbm4b:s28+s5] =	stream.linear.scatter [tilespmem:s26], [sflag:$0x5], $0x800, $0x38;
	[tilespmem:$0x14100] =	vst v63  }
0x132: {  	s26 =	sadd.s32 $0x4000, s25;
	s28 =	sadd.s32 $0x3000, s23  }
0x133: {  	[hbm4b:s28+s5] =	stream.linear.scatter [tilespmem:s26], [sflag:$0x5], $0x800, $0x38;
	[tilespmem:$0x14100] =	vst v63  }
0x134: {  	s26 =	sadd.s32 $0x5000, s25;
	s28 =	sadd.s32 $0x3200, s23  }
0x135: {  	[hbm4b:s28+s5] =	stream.linear.scatter [tilespmem:s26], [sflag:$0x5], $0x800, $0x38;
	[tilespmem:$0x14100] =	vst v63  }
0x136: {  	s26 =	sadd.s32 $0x6000, s25;
	s28 =	sadd.s32 $0x3400, s23  }
0x137: {  	[hbm4b:s28+s5] =	stream.linear.scatter [tilespmem:s26], [sflag:$0x5], $0x800, $0x38;
	[tilespmem:$0x14100] =	vst v63  }
0x138: {  	s26 =	sadd.s32 $0x7000, s25;
	s28 =	sadd.s32 $0x3600, s23  }
0x139: {  	[hbm4b:s28+s5] =	stream.linear.scatter [tilespmem:s26], [sflag:$0x5], $0x800, $0x38;
	[tilespmem:$0x14100] =	vst v63  }
0x13a: {  	s26 =	sadd.s32 $0x8000, s25;
	s28 =	sadd.s32 $0x3800, s23  }
0x13b: {  	[hbm4b:s28+s5] =	stream.linear.scatter [tilespmem:s26], [sflag:$0x5], $0x800, $0x38;
	[tilespmem:$0x14100] =	vst v63  }
0x13c: {  	s26 =	sadd.s32 $0x9000, s25;
	s28 =	sadd.s32 $0x3A00, s23  }
0x13d: {  	[hbm4b:s28+s5] =	stream.linear.scatter [tilespmem:s26], [sflag:$0x5], $0x800, $0x38;
	[tilespmem:$0x14100] =	vst v63  }
0x13e: {  	s26 =	sadd.s32 $0x2900, s23;
	s28 =	sor.u32 $0x800, s25  }
0x13f: {  	[hbm4b:s26+s5] =	stream.linear.scatter [tilespmem:s28], [sflag:$0x6], $0x800, $0x38;
	[tilespmem:$0x14100] =	vst v63  }
0x140: {  	s26 =	sor.u32 $0x1800, s25;
	s28 =	sadd.s32 $0x2B00, s23  }
0x141: {  	[hbm4b:s28+s5] =	stream.linear.scatter [tilespmem:s26], [sflag:$0x6], $0x800, $0x38;
	[tilespmem:$0x14100] =	vst v63  }
0x142: {  	s26 =	sadd.s32 $0x2800, s25;
	s28 =	sadd.s32 $0x2D00, s23  }
0x143: {  	[hbm4b:s28+s5] =	stream.linear.scatter [tilespmem:s26], [sflag:$0x6], $0x800, $0x38;
	[tilespmem:$0x14100] =	vst v63  }
0x144: {  	s26 =	sadd.s32 $0x3800, s25;
	s28 =	sadd.s32 $0x2F00, s23  }
0x145: {  	[hbm4b:s28+s5] =	stream.linear.scatter [tilespmem:s26], [sflag:$0x6], $0x800, $0x38;
	[tilespmem:$0x14100] =	vst v63  }
0x146: {  	s26 =	sadd.s32 $0x4800, s25;
	s28 =	sadd.s32 $0x3100, s23  }
0x147: {  	[hbm4b:s28+s5] =	stream.linear.scatter [tilespmem:s26], [sflag:$0x6], $0x800, $0x38;
	[tilespmem:$0x14100] =	vst v63  }
0x148: {  	s26 =	sadd.s32 $0x5800, s25;
	s28 =	sadd.s32 $0x3300, s23  }
0x149: {  	[hbm4b:s28+s5] =	stream.linear.scatter [tilespmem:s26], [sflag:$0x6], $0x800, $0x38;
	[tilespmem:$0x14100] =	vst v63  }
0x14a: {  	s26 =	sadd.s32 $0x6800, s25;
	s28 =	sadd.s32 $0x3500, s23  }
0x14b: {  	[hbm4b:s28+s5] =	stream.linear.scatter [tilespmem:s26], [sflag:$0x6], $0x800, $0x38;
	[tilespmem:$0x14100] =	vst v63  }
0x14c: {  	s26 =	sadd.s32 $0x7800, s25;
	s28 =	sadd.s32 $0x3700, s23  }
0x14d: {  	[hbm4b:s28+s5] =	stream.linear.scatter [tilespmem:s26], [sflag:$0x6], $0x800, $0x38;
	[tilespmem:$0x14100] =	vst v63  }
0x14e: {  	s24 =	sadd.s32 @!p0 $0x4, s15;
	s26 =	sadd.s32 $0x8800, s25;
	s28 =	sadd.s32 $0x3900, s23  }
0x14f: {  	[hbm4b:s28+s5] =	stream.linear.scatter [tilespmem:s26], [sflag:$0x6], $0x800, $0x38;
	[tilespmem:$0x14100] =	vst v63  }
0x150: {  	s26 =	sadd.s32 $0x9800, s25;
	s25 =	sshra.s32 @!p0 s24, $0x1F  }
0x151: {  	s28 =	sadd.s32 $0x3B00, s23;
	s25 =	sshrl.u32 @!p0 s25, $0x1C  }
0x152: {  	[hbm4b:s28+s5] =	stream.linear.scatter [tilespmem:s26], [sflag:$0x6], $0x800, $0x38;
	[tilespmem:$0x14100] =	vst v63  }
0x153: {  	s25 =	sadd.s32 @!p0 s25, s24;
	s26 =	sadd.s32 @!p0 $0x5, s15  }
0x154: {  	s25 =	sand.u32 @!p0 $0xFFFFFFF0, s25;
	s28 =	sshra.s32 @!p0 s26, $0x1F  }
0x155: {  	s24 =	ssub.s32 @!p0 s24, s25;
	s25 =	sshrl.u32 @!p0 s28, $0x1C  }
0x156: {  	s24 =	sadd.s32 @!p0 $0x1, s24;
	s25 =	sadd.s32 @!p0 s25, s26  }
0x157: {  	_ =	swait.ge @!p0 [sflag:s24], $0x5000;
	s25 =	sand.u32 @!p0 $0xFFFFFFF0, s25  }
0x158: {  	[sflag:s24] =	ssyncset.done @!p0 $0x0;
	s25 =	ssub.s32 @!p0 s26, s25  }
0x159: {  	v52 =	vsel vm3, $0xFFFFFFFF, v0;
	[sflag:s24] =	ssyncadd.s32 @!p0 $0xFFFFB000;
	s24 =	sadd.s32 @!p0 $0x1, s25  }
0x15a: {  	v1 =	vxor.u32 $0x80000000, v52;
	_ =	swait.ge @!p0 [sflag:s24], $0x5000  }
0x15b: {  	(xrf0) =	vmax.scan.msk.u32 $0xffff, v1;
	_ =	sdelay $0x5  }
0x15c: {  	v1, _, _ =	vpop (xrf0)  }
0x15d: {  	(v2sf) =	vpush v1, $0xF;
	_ =	sdelay $0xe  }
0x15e: {  	s26 =	spop (v2sf)  }
0x15f: {  	s25 =	smul.u32 $0x28000, s26  }
0x160: {  	[sflag:s24] =	ssyncset.done @!p0 $0x0  }
0x161: {  	s28 =	sadd.s32 $0x3C00, s23;
	[sflag:s24] =	ssyncadd.s32 @!p0 $0xFFFFB000;
	s25 =	sshra.s32 s25, $0x2  }
0x162: {  	[hbm4b:s28+s5] =	stream.linear.scatter [tilespmem:s25], [sflag:$0x7], $0x800, $0x38;
	[tilespmem:$0x14100] =	vst v63  }
0x163: {  	s26 =	sor.u32 $0x1000, s25;
	s28 =	sadd.s32 $0x3E00, s23  }
0x164: {  	[hbm4b:s28+s5] =	stream.linear.scatter [tilespmem:s26], [sflag:$0x7], $0x800, $0x38;
	[tilespmem:$0x14100] =	vst v63  }
0x165: {  	s26 =	sadd.s32 $0x2000, s25;
	s28 =	sadd.s32 $0x4000, s23  }
0x166: {  	[hbm4b:s28+s5] =	stream.linear.scatter [tilespmem:s26], [sflag:$0x7], $0x800, $0x38;
	[tilespmem:$0x14100] =	vst v63  }
0x167: {  	s26 =	sadd.s32 $0x3000, s25;
	s28 =	sadd.s32 $0x4200, s23  }
0x168: {  	[hbm4b:s28+s5] =	stream.linear.scatter [tilespmem:s26], [sflag:$0x7], $0x800, $0x38;
	[tilespmem:$0x14100] =	vst v63  }
0x169: {  	s26 =	sadd.s32 $0x4000, s25;
	s28 =	sadd.s32 $0x4400, s23  }
0x16a: {  	[hbm4b:s28+s5] =	stream.linear.scatter [tilespmem:s26], [sflag:$0x7], $0x800, $0x38;
	[tilespmem:$0x14100] =	vst v63  }
0x16b: {  	s26 =	sadd.s32 $0x5000, s25;
	s28 =	sadd.s32 $0x4600, s23  }
0x16c: {  	[hbm4b:s28+s5] =	stream.linear.scatter [tilespmem:s26], [sflag:$0x7], $0x800, $0x38;
	[tilespmem:$0x14100] =	vst v63  }
0x16d: {  	s26 =	sadd.s32 $0x6000, s25;
	s28 =	sadd.s32 $0x4800, s23  }
0x16e: {  	[hbm4b:s28+s5] =	stream.linear.scatter [tilespmem:s26], [sflag:$0x7], $0x800, $0x38;
	[tilespmem:$0x14100] =	vst v63  }
0x16f: {  	s26 =	sadd.s32 $0x7000, s25;
	s28 =	sadd.s32 $0x4A00, s23  }
0x170: {  	[hbm4b:s28+s5] =	stream.linear.scatter [tilespmem:s26], [sflag:$0x7], $0x800, $0x38;
	[tilespmem:$0x14100] =	vst v63  }
0x171: {  	s26 =	sadd.s32 $0x8000, s25;
	s28 =	sadd.s32 $0x4C00, s23  }
0x172: {  	[hbm4b:s28+s5] =	stream.linear.scatter [tilespmem:s26], [sflag:$0x7], $0x800, $0x38;
	[tilespmem:$0x14100] =	vst v63  }
0x173: {  	s26 =	sadd.s32 $0x9000, s25;
	s28 =	sadd.s32 $0x4E00, s23  }
0x174: {  	[hbm4b:s28+s5] =	stream.linear.scatter [tilespmem:s26], [sflag:$0x7], $0x800, $0x38;
	[tilespmem:$0x14100] =	vst v63  }
0x175: {  	s26 =	sadd.s32 $0x3D00, s23;
	s28 =	sor.u32 $0x800, s25  }
0x176: {  	[hbm4b:s26+s5] =	stream.linear.scatter [tilespmem:s28], [sflag:$0x8], $0x800, $0x38;
	[tilespmem:$0x14100] =	vst v63  }
0x177: {  	s26 =	sor.u32 $0x1800, s25;
	s28 =	sadd.s32 $0x3F00, s23  }
0x178: {  	[hbm4b:s28+s5] =	stream.linear.scatter [tilespmem:s26], [sflag:$0x8], $0x800, $0x38;
	[tilespmem:$0x14100] =	vst v63  }
0x179: {  	s26 =	sadd.s32 $0x2800, s25;
	s28 =	sadd.s32 $0x4100, s23  }
0x17a: {  	[hbm4b:s28+s5] =	stream.linear.scatter [tilespmem:s26], [sflag:$0x8], $0x800, $0x38;
	[tilespmem:$0x14100] =	vst v63  }
0x17b: {  	s26 =	sadd.s32 $0x3800, s25;
	s28 =	sadd.s32 $0x4300, s23  }
0x17c: {  	[hbm4b:s28+s5] =	stream.linear.scatter [tilespmem:s26], [sflag:$0x8], $0x800, $0x38;
	[tilespmem:$0x14100] =	vst v63  }
0x17d: {  	s26 =	sadd.s32 $0x4800, s25;
	s28 =	sadd.s32 $0x4500, s23  }
0x17e: {  	[hbm4b:s28+s5] =	stream.linear.scatter [tilespmem:s26], [sflag:$0x8], $0x800, $0x38;
	[tilespmem:$0x14100] =	vst v63  }
0x17f: {  	s26 =	sadd.s32 $0x5800, s25;
	s28 =	sadd.s32 $0x4700, s23  }
0x180: {  	[hbm4b:s28+s5] =	stream.linear.scatter [tilespmem:s26], [sflag:$0x8], $0x800, $0x38;
	[tilespmem:$0x14100] =	vst v63  }
0x181: {  	s26 =	sadd.s32 $0x6800, s25;
	s28 =	sadd.s32 $0x4900, s23  }
0x182: {  	[hbm4b:s28+s5] =	stream.linear.scatter [tilespmem:s26], [sflag:$0x8], $0x800, $0x38;
	[tilespmem:$0x14100] =	vst v63  }
0x183: {  	s26 =	sadd.s32 $0x7800, s25;
	s28 =	sadd.s32 $0x4B00, s23  }
0x184: {  	[hbm4b:s28+s5] =	stream.linear.scatter [tilespmem:s26], [sflag:$0x8], $0x800, $0x38;
	[tilespmem:$0x14100] =	vst v63  }
0x185: {  	s24 =	sadd.s32 @!p0 $0x6, s15;
	s26 =	sadd.s32 $0x8800, s25;
	s28 =	sadd.s32 $0x4D00, s23  }
0x186: {  	[hbm4b:s28+s5] =	stream.linear.scatter [tilespmem:s26], [sflag:$0x8], $0x800, $0x38;
	[tilespmem:$0x14100] =	vst v63  }
0x187: {  	s26 =	sadd.s32 $0x9800, s25;
	s25 =	sshra.s32 @!p0 s24, $0x1F  }
0x188: {  	s28 =	sadd.s32 $0x4F00, s23;
	s25 =	sshrl.u32 @!p0 s25, $0x1C  }
0x189: {  	[hbm4b:s28+s5] =	stream.linear.scatter [tilespmem:s26], [sflag:$0x8], $0x800, $0x38;
	[tilespmem:$0x14100] =	vst v63  }
0x18a: {  	s25 =	sadd.s32 @!p0 s25, s24;
	s26 =	sadd.s32 @!p0 $0x7, s15  }
0x18b: {  	s25 =	sand.u32 @!p0 $0xFFFFFFF0, s25;
	s28 =	sshra.s32 @!p0 s26, $0x1F  }
0x18c: {  	s24 =	ssub.s32 @!p0 s24, s25;
	s25 =	sshrl.u32 @!p0 s28, $0x1C  }
0x18d: {  	s24 =	sadd.s32 @!p0 $0x1, s24;
	s25 =	sadd.s32 @!p0 s25, s26  }
0x18e: {  	_ =	swait.ge @!p0 [sflag:s24], $0x5000;
	s25 =	sand.u32 @!p0 $0xFFFFFFF0, s25  }
0x18f: {  	[sflag:s24] =	ssyncset.done @!p0 $0x0;
	s25 =	ssub.s32 @!p0 s26, s25  }
0x190: {  	v53 =	vsel vm4, $0xFFFFFFFF, v0;
	[sflag:s24] =	ssyncadd.s32 @!p0 $0xFFFFB000;
	s24 =	sadd.s32 @!p0 $0x1, s25  }
0x191: {  	v1 =	vxor.u32 $0x80000000, v53;
	_ =	swait.ge @!p0 [sflag:s24], $0x5000  }
0x192: {  	(xrf0) =	vmax.scan.msk.u32 $0xffff, v1;
	_ =	sdelay $0x5  }
0x193: {  	v1, _, _ =	vpop (xrf0)  }
0x194: {  	(v2sf) =	vpush v1, $0xF;
	_ =	sdelay $0xe  }
0x195: {  	s26 =	spop (v2sf)  }
0x196: {  	s25 =	smul.u32 $0x28000, s26  }
0x197: {  	[sflag:s24] =	ssyncset.done @!p0 $0x0  }
0x198: {  	s28 =	sadd.s32 $0x5000, s23;
	[sflag:s24] =	ssyncadd.s32 @!p0 $0xFFFFB000;
	s25 =	sshra.s32 s25, $0x2  }
0x199: {  	[hbm4b:s28+s5] =	stream.linear.scatter [tilespmem:s25], [sflag:$0x9], $0x800, $0x38;
	[tilespmem:$0x14100] =	vst v63  }
0x19a: {  	s26 =	sor.u32 $0x1000, s25;
	s28 =	sadd.s32 $0x5200, s23  }
0x19b: {  	[hbm4b:s28+s5] =	stream.linear.scatter [tilespmem:s26], [sflag:$0x9], $0x800, $0x38;
	[tilespmem:$0x14100] =	vst v63  }
0x19c: {  	s26 =	sadd.s32 $0x2000, s25;
	s28 =	sadd.s32 $0x5400, s23  }
0x19d: {  	[hbm4b:s28+s5] =	stream.linear.scatter [tilespmem:s26], [sflag:$0x9], $0x800, $0x38;
	[tilespmem:$0x14100] =	vst v63  }
0x19e: {  	s26 =	sadd.s32 $0x3000, s25;
	s28 =	sadd.s32 $0x5600, s23  }
0x19f: {  	[hbm4b:s28+s5] =	stream.linear.scatter [tilespmem:s26], [sflag:$0x9], $0x800, $0x38;
	[tilespmem:$0x14100] =	vst v63  }
0x1a0: {  	s26 =	sadd.s32 $0x4000, s25;
	s28 =	sadd.s32 $0x5800, s23  }
0x1a1: {  	[hbm4b:s28+s5] =	stream.linear.scatter [tilespmem:s26], [sflag:$0x9], $0x800, $0x38;
	[tilespmem:$0x14100] =	vst v63  }
0x1a2: {  	s26 =	sadd.s32 $0x5000, s25;
	s28 =	sadd.s32 $0x5A00, s23  }
0x1a3: {  	[hbm4b:s28+s5] =	stream.linear.scatter [tilespmem:s26], [sflag:$0x9], $0x800, $0x38;
	[tilespmem:$0x14100] =	vst v63  }
0x1a4: {  	s26 =	sadd.s32 $0x6000, s25;
	s28 =	sadd.s32 $0x5C00, s23  }
0x1a5: {  	[hbm4b:s28+s5] =	stream.linear.scatter [tilespmem:s26], [sflag:$0x9], $0x800, $0x38;
	[tilespmem:$0x14100] =	vst v63  }
0x1a6: {  	s26 =	sadd.s32 $0x7000, s25;
	s28 =	sadd.s32 $0x5E00, s23  }
0x1a7: {  	[hbm4b:s28+s5] =	stream.linear.scatter [tilespmem:s26], [sflag:$0x9], $0x800, $0x38;
	[tilespmem:$0x14100] =	vst v63  }
0x1a8: {  	s26 =	sadd.s32 $0x8000, s25;
	s28 =	sadd.s32 $0x6000, s23  }
0x1a9: {  	[hbm4b:s28+s5] =	stream.linear.scatter [tilespmem:s26], [sflag:$0x9], $0x800, $0x38;
	[tilespmem:$0x14100] =	vst v63  }
0x1aa: {  	s26 =	sadd.s32 $0x9000, s25;
	s28 =	sadd.s32 $0x6200, s23  }
0x1ab: {  	[hbm4b:s28+s5] =	stream.linear.scatter [tilespmem:s26], [sflag:$0x9], $0x800, $0x38;
	[tilespmem:$0x14100] =	vst v63  }
0x1ac: {  	s26 =	sadd.s32 $0x5100, s23;
	s28 =	sor.u32 $0x800, s25  }
0x1ad: {  	[hbm4b:s26+s5] =	stream.linear.scatter [tilespmem:s28], [sflag:$0xA], $0x800, $0x38;
	[tilespmem:$0x14100] =	vst v63  }
0x1ae: {  	s26 =	sor.u32 $0x1800, s25;
	s28 =	sadd.s32 $0x5300, s23  }
0x1af: {  	[hbm4b:s28+s5] =	stream.linear.scatter [tilespmem:s26], [sflag:$0xA], $0x800, $0x38;
	[tilespmem:$0x14100] =	vst v63  }
0x1b0: {  	s26 =	sadd.s32 $0x2800, s25;
	s28 =	sadd.s32 $0x5500, s23  }
0x1b1: {  	[hbm4b:s28+s5] =	stream.linear.scatter [tilespmem:s26], [sflag:$0xA], $0x800, $0x38;
	[tilespmem:$0x14100] =	vst v63  }
0x1b2: {  	s26 =	sadd.s32 $0x3800, s25;
	s28 =	sadd.s32 $0x5700, s23  }
0x1b3: {  	[hbm4b:s28+s5] =	stream.linear.scatter [tilespmem:s26], [sflag:$0xA], $0x800, $0x38;
	[tilespmem:$0x14100] =	vst v63  }
0x1b4: {  	s26 =	sadd.s32 $0x4800, s25;
	s28 =	sadd.s32 $0x5900, s23  }
0x1b5: {  	[hbm4b:s28+s5] =	stream.linear.scatter [tilespmem:s26], [sflag:$0xA], $0x800, $0x38;
	[tilespmem:$0x14100] =	vst v63  }
0x1b6: {  	s26 =	sadd.s32 $0x5800, s25;
	s28 =	sadd.s32 $0x5B00, s23  }
0x1b7: {  	[hbm4b:s28+s5] =	stream.linear.scatter [tilespmem:s26], [sflag:$0xA], $0x800, $0x38;
	[tilespmem:$0x14100] =	vst v63  }
0x1b8: {  	s26 =	sadd.s32 $0x6800, s25;
	s28 =	sadd.s32 $0x5D00, s23  }
0x1b9: {  	[hbm4b:s28+s5] =	stream.linear.scatter [tilespmem:s26], [sflag:$0xA], $0x800, $0x38;
	[tilespmem:$0x14100] =	vst v63  }
0x1ba: {  	s26 =	sadd.s32 $0x7800, s25;
	s28 =	sadd.s32 $0x5F00, s23  }
0x1bb: {  	[hbm4b:s28+s5] =	stream.linear.scatter [tilespmem:s26], [sflag:$0xA], $0x800, $0x38;
	[tilespmem:$0x14100] =	vst v63  }
0x1bc: {  	s24 =	sadd.s32 @!p0 $0x8, s15;
	s26 =	sadd.s32 $0x8800, s25;
	s28 =	sadd.s32 $0x6100, s23  }
0x1bd: {  	[hbm4b:s28+s5] =	stream.linear.scatter [tilespmem:s26], [sflag:$0xA], $0x800, $0x38;
	[tilespmem:$0x14100] =	vst v63  }
0x1be: {  	s26 =	sadd.s32 $0x9800, s25;
	s25 =	sshra.s32 @!p0 s24, $0x1F  }
0x1bf: {  	s28 =	sadd.s32 $0x6300, s23;
	s25 =	sshrl.u32 @!p0 s25, $0x1C  }
0x1c0: {  	[hbm4b:s28+s5] =	stream.linear.scatter [tilespmem:s26], [sflag:$0xA], $0x800, $0x38;
	[tilespmem:$0x14100] =	vst v63  }
0x1c1: {  	s25 =	sadd.s32 @!p0 s25, s24;
	s26 =	sadd.s32 @!p0 $0x9, s15  }
0x1c2: {  	s25 =	sand.u32 @!p0 $0xFFFFFFF0, s25;
	s28 =	sshra.s32 @!p0 s26, $0x1F  }
0x1c3: {  	s24 =	ssub.s32 @!p0 s24, s25;
	s25 =	sshrl.u32 @!p0 s28, $0x1C  }
0x1c4: {  	s24 =	sadd.s32 @!p0 $0x1, s24;
	s25 =	sadd.s32 @!p0 s25, s26  }
0x1c5: {  	_ =	swait.ge @!p0 [sflag:s24], $0x5000;
	s25 =	sand.u32 @!p0 $0xFFFFFFF0, s25  }
0x1c6: {  	[sflag:s24] =	ssyncset.done @!p0 $0x0;
	s25 =	ssub.s32 @!p0 s26, s25  }
0x1c7: {  	v54 =	vsel vm5, $0xFFFFFFFF, v0;
	[sflag:s24] =	ssyncadd.s32 @!p0 $0xFFFFB000;
	s24 =	sadd.s32 @!p0 $0x1, s25  }
0x1c8: {  	v1 =	vxor.u32 $0x80000000, v54;
	_ =	swait.ge @!p0 [sflag:s24], $0x5000  }
0x1c9: {  	(xrf0) =	vmax.scan.msk.u32 $0xffff, v1;
	_ =	sdelay $0x5  }
0x1ca: {  	v1, _, _ =	vpop (xrf0)  }
0x1cb: {  	(v2sf) =	vpush v1, $0xF;
	_ =	sdelay $0xe  }
0x1cc: {  	s26 =	spop (v2sf)  }
0x1cd: {  	s25 =	smul.u32 $0x28000, s26  }
0x1ce: {  	[sflag:s24] =	ssyncset.done @!p0 $0x0  }
0x1cf: {  	s28 =	sadd.s32 $0x6400, s23;
	[sflag:s24] =	ssyncadd.s32 @!p0 $0xFFFFB000;
	s25 =	sshra.s32 s25, $0x2  }
0x1d0: {  	[hbm4b:s28+s5] =	stream.linear.scatter [tilespmem:s25], [sflag:$0xB], $0x800, $0x38;
	[tilespmem:$0x14100] =	vst v63  }
0x1d1: {  	s26 =	sor.u32 $0x1000, s25;
	s28 =	sadd.s32 $0x6600, s23  }
0x1d2: {  	[hbm4b:s28+s5] =	stream.linear.scatter [tilespmem:s26], [sflag:$0xB], $0x800, $0x38;
	[tilespmem:$0x14100] =	vst v63  }
0x1d3: {  	s26 =	sadd.s32 $0x2000, s25;
	s28 =	sadd.s32 $0x6800, s23  }
0x1d4: {  	[hbm4b:s28+s5] =	stream.linear.scatter [tilespmem:s26], [sflag:$0xB], $0x800, $0x38;
	[tilespmem:$0x14100] =	vst v63  }
0x1d5: {  	s26 =	sadd.s32 $0x3000, s25;
	s28 =	sadd.s32 $0x6A00, s23  }
0x1d6: {  	[hbm4b:s28+s5] =	stream.linear.scatter [tilespmem:s26], [sflag:$0xB], $0x800, $0x38;
	[tilespmem:$0x14100] =	vst v63  }
0x1d7: {  	s26 =	sadd.s32 $0x4000, s25;
	s28 =	sadd.s32 $0x6C00, s23  }
0x1d8: {  	[hbm4b:s28+s5] =	stream.linear.scatter [tilespmem:s26], [sflag:$0xB], $0x800, $0x38;
	[tilespmem:$0x14100] =	vst v63  }
0x1d9: {  	s26 =	sadd.s32 $0x5000, s25;
	s28 =	sadd.s32 $0x6E00, s23  }
0x1da: {  	[hbm4b:s28+s5] =	stream.linear.scatter [tilespmem:s26], [sflag:$0xB], $0x800, $0x38;
	[tilespmem:$0x14100] =	vst v63  }
0x1db: {  	s26 =	sadd.s32 $0x6000, s25;
	s28 =	sadd.s32 $0x7000, s23  }
0x1dc: {  	[hbm4b:s28+s5] =	stream.linear.scatter [tilespmem:s26], [sflag:$0xB], $0x800, $0x38;
	[tilespmem:$0x14100] =	vst v63  }
0x1dd: {  	s26 =	sadd.s32 $0x7000, s25;
	s28 =	sadd.s32 $0x7200, s23  }
0x1de: {  	[hbm4b:s28+s5] =	stream.linear.scatter [tilespmem:s26], [sflag:$0xB], $0x800, $0x38;
	[tilespmem:$0x14100] =	vst v63  }
0x1df: {  	s26 =	sadd.s32 $0x8000, s25;
	s28 =	sadd.s32 $0x7400, s23  }
0x1e0: {  	[hbm4b:s28+s5] =	stream.linear.scatter [tilespmem:s26], [sflag:$0xB], $0x800, $0x38;
	[tilespmem:$0x14100] =	vst v63  }
0x1e1: {  	s26 =	sadd.s32 $0x9000, s25;
	s28 =	sadd.s32 $0x7600, s23  }
0x1e2: {  	[hbm4b:s28+s5] =	stream.linear.scatter [tilespmem:s26], [sflag:$0xB], $0x800, $0x38;
	[tilespmem:$0x14100] =	vst v63  }
0x1e3: {  	s26 =	sadd.s32 $0x6500, s23;
	s28 =	sor.u32 $0x800, s25  }
0x1e4: {  	[hbm4b:s26+s5] =	stream.linear.scatter [tilespmem:s28], [sflag:$0xC], $0x800, $0x38;
	[tilespmem:$0x14100] =	vst v63  }
0x1e5: {  	s26 =	sor.u32 $0x1800, s25;
	s28 =	sadd.s32 $0x6700, s23  }
0x1e6: {  	[hbm4b:s28+s5] =	stream.linear.scatter [tilespmem:s26], [sflag:$0xC], $0x800, $0x38;
	[tilespmem:$0x14100] =	vst v63  }
0x1e7: {  	s26 =	sadd.s32 $0x2800, s25;
	s28 =	sadd.s32 $0x6900, s23  }
0x1e8: {  	[hbm4b:s28+s5] =	stream.linear.scatter [tilespmem:s26], [sflag:$0xC], $0x800, $0x38;
	[tilespmem:$0x14100] =	vst v63  }
0x1e9: {  	s26 =	sadd.s32 $0x3800, s25;
	s28 =	sadd.s32 $0x6B00, s23  }
0x1ea: {  	[hbm4b:s28+s5] =	stream.linear.scatter [tilespmem:s26], [sflag:$0xC], $0x800, $0x38;
	[tilespmem:$0x14100] =	vst v63  }
0x1eb: {  	s26 =	sadd.s32 $0x4800, s25;
	s28 =	sadd.s32 $0x6D00, s23  }
0x1ec: {  	[hbm4b:s28+s5] =	stream.linear.scatter [tilespmem:s26], [sflag:$0xC], $0x800, $0x38;
	[tilespmem:$0x14100] =	vst v63  }
0x1ed: {  	s26 =	sadd.s32 $0x5800, s25;
	s28 =	sadd.s32 $0x6F00, s23  }
0x1ee: {  	[hbm4b:s28+s5] =	stream.linear.scatter [tilespmem:s26], [sflag:$0xC], $0x800, $0x38;
	[tilespmem:$0x14100] =	vst v63  }
0x1ef: {  	s26 =	sadd.s32 $0x6800, s25;
	s28 =	sadd.s32 $0x7100, s23  }
0x1f0: {  	[hbm4b:s28+s5] =	stream.linear.scatter [tilespmem:s26], [sflag:$0xC], $0x800, $0x38;
	[tilespmem:$0x14100] =	vst v63  }
0x1f1: {  	s26 =	sadd.s32 $0x7800, s25;
	s28 =	sadd.s32 $0x7300, s23  }
0x1f2: {  	[hbm4b:s28+s5] =	stream.linear.scatter [tilespmem:s26], [sflag:$0xC], $0x800, $0x38;
	[tilespmem:$0x14100] =	vst v63  }
0x1f3: {  	s24 =	sadd.s32 @!p0 $0xA, s15;
	s26 =	sadd.s32 $0x8800, s25;
	s28 =	sadd.s32 $0x7500, s23  }
0x1f4: {  	[hbm4b:s28+s5] =	stream.linear.scatter [tilespmem:s26], [sflag:$0xC], $0x800, $0x38;
	[tilespmem:$0x14100] =	vst v63  }
0x1f5: {  	s26 =	sadd.s32 $0x9800, s25;
	s25 =	sshra.s32 @!p0 s24, $0x1F  }
0x1f6: {  	s28 =	sadd.s32 $0x7700, s23;
	s25 =	sshrl.u32 @!p0 s25, $0x1C  }
0x1f7: {  	[hbm4b:s28+s5] =	stream.linear.scatter [tilespmem:s26], [sflag:$0xC], $0x800, $0x38;
	[tilespmem:$0x14100] =	vst v63  }
0x1f8: {  	s25 =	sadd.s32 @!p0 s25, s24;
	s26 =	sadd.s32 @!p0 $0xB, s15  }
0x1f9: {  	s25 =	sand.u32 @!p0 $0xFFFFFFF0, s25;
	s28 =	sshra.s32 @!p0 s26, $0x1F  }
0x1fa: {  	s24 =	ssub.s32 @!p0 s24, s25;
	s25 =	sshrl.u32 @!p0 s28, $0x1C  }
0x1fb: {  	s24 =	sadd.s32 @!p0 $0x1, s24;
	s25 =	sadd.s32 @!p0 s25, s26  }
0x1fc: {  	_ =	swait.ge @!p0 [sflag:s24], $0x5000;
	s25 =	sand.u32 @!p0 $0xFFFFFFF0, s25  }
0x1fd: {  	[sflag:s24] =	ssyncset.done @!p0 $0x0;
	s25 =	ssub.s32 @!p0 s26, s25  }
0x1fe: {  	v55 =	vsel vm6, $0xFFFFFFFF, v0;
	[sflag:s24] =	ssyncadd.s32 @!p0 $0xFFFFB000;
	s24 =	sadd.s32 @!p0 $0x1, s25  }
0x1ff: {  	v1 =	vxor.u32 $0x80000000, v55;
	_ =	swait.ge @!p0 [sflag:s24], $0x5000  }
0x200: {  	(xrf0) =	vmax.scan.msk.u32 $0xffff, v1;
	_ =	sdelay $0x5  }
0x201: {  	v1, _, _ =	vpop (xrf0)  }
0x202: {  	(v2sf) =	vpush v1, $0xF;
	_ =	sdelay $0xe  }
0x203: {  	s26 =	spop (v2sf)  }
0x204: {  	s25 =	smul.u32 $0x28000, s26  }
0x205: {  	[sflag:s24] =	ssyncset.done @!p0 $0x0  }
0x206: {  	s28 =	sadd.s32 $0x7800, s23;
	[sflag:s24] =	ssyncadd.s32 @!p0 $0xFFFFB000;
	s25 =	sshra.s32 s25, $0x2  }
0x207: {  	[hbm4b:s28+s5] =	stream.linear.scatter [tilespmem:s25], [sflag:$0xD], $0x800, $0x38;
	[tilespmem:$0x14100] =	vst v63  }
0x208: {  	s26 =	sor.u32 $0x1000, s25;
	s28 =	sadd.s32 $0x7A00, s23  }
0x209: {  	[hbm4b:s28+s5] =	stream.linear.scatter [tilespmem:s26], [sflag:$0xD], $0x800, $0x38;
	[tilespmem:$0x14100] =	vst v63  }
0x20a: {  	s26 =	sadd.s32 $0x2000, s25;
	s28 =	sadd.s32 $0x7C00, s23  }
0x20b: {  	[hbm4b:s28+s5] =	stream.linear.scatter [tilespmem:s26], [sflag:$0xD], $0x800, $0x38;
	[tilespmem:$0x14100] =	vst v63  }
0x20c: {  	s26 =	sadd.s32 $0x3000, s25;
	s28 =	sadd.s32 $0x7E00, s23  }
0x20d: {  	[hbm4b:s28+s5] =	stream.linear.scatter [tilespmem:s26], [sflag:$0xD], $0x800, $0x38;
	[tilespmem:$0x14100] =	vst v63  }
0x20e: {  	s26 =	sadd.s32 $0x4000, s25;
	s28 =	sadd.s32 $0x8000, s23  }
0x20f: {  	[hbm4b:s28+s5] =	stream.linear.scatter [tilespmem:s26], [sflag:$0xD], $0x800, $0x38;
	[tilespmem:$0x14100] =	vst v63  }
0x210: {  	s26 =	sadd.s32 $0x5000, s25;
	s28 =	sadd.s32 $0x8200, s23  }
0x211: {  	[hbm4b:s28+s5] =	stream.linear.scatter [tilespmem:s26], [sflag:$0xD], $0x800, $0x38;
	[tilespmem:$0x14100] =	vst v63  }
0x212: {  	s26 =	sadd.s32 $0x6000, s25;
	s28 =	sadd.s32 $0x8400, s23  }
0x213: {  	[hbm4b:s28+s5] =	stream.linear.scatter [tilespmem:s26], [sflag:$0xD], $0x800, $0x38;
	[tilespmem:$0x14100] =	vst v63  }
0x214: {  	s26 =	sadd.s32 $0x7000, s25;
	s28 =	sadd.s32 $0x8600, s23  }
0x215: {  	[hbm4b:s28+s5] =	stream.linear.scatter [tilespmem:s26], [sflag:$0xD], $0x800, $0x38;
	[tilespmem:$0x14100] =	vst v63  }
0x216: {  	s26 =	sadd.s32 $0x8000, s25;
	s28 =	sadd.s32 $0x8800, s23  }
0x217: {  	[hbm4b:s28+s5] =	stream.linear.scatter [tilespmem:s26], [sflag:$0xD], $0x800, $0x38;
	[tilespmem:$0x14100] =	vst v63  }
0x218: {  	s26 =	sadd.s32 $0x9000, s25;
	s28 =	sadd.s32 $0x8A00, s23  }
0x219: {  	[hbm4b:s28+s5] =	stream.linear.scatter [tilespmem:s26], [sflag:$0xD], $0x800, $0x38;
	[tilespmem:$0x14100] =	vst v63  }
0x21a: {  	s26 =	sadd.s32 $0x7900, s23;
	s28 =	sor.u32 $0x800, s25  }
0x21b: {  	[hbm4b:s26+s5] =	stream.linear.scatter [tilespmem:s28], [sflag:$0xE], $0x800, $0x38;
	[tilespmem:$0x14100] =	vst v63  }
0x21c: {  	s26 =	sor.u32 $0x1800, s25;
	s28 =	sadd.s32 $0x7B00, s23  }
0x21d: {  	[hbm4b:s28+s5] =	stream.linear.scatter [tilespmem:s26], [sflag:$0xE], $0x800, $0x38;
	[tilespmem:$0x14100] =	vst v63  }
0x21e: {  	s26 =	sadd.s32 $0x2800, s25;
	s28 =	sadd.s32 $0x7D00, s23  }
0x21f: {  	[hbm4b:s28+s5] =	stream.linear.scatter [tilespmem:s26], [sflag:$0xE], $0x800, $0x38;
	[tilespmem:$0x14100] =	vst v63  }
0x220: {  	s26 =	sadd.s32 $0x3800, s25;
	s28 =	sadd.s32 $0x7F00, s23  }
0x221: {  	[hbm4b:s28+s5] =	stream.linear.scatter [tilespmem:s26], [sflag:$0xE], $0x800, $0x38;
	[tilespmem:$0x14100] =	vst v63  }
0x222: {  	s26 =	sadd.s32 $0x4800, s25;
	s28 =	sadd.s32 $0x8100, s23  }
0x223: {  	[hbm4b:s28+s5] =	stream.linear.scatter [tilespmem:s26], [sflag:$0xE], $0x800, $0x38;
	[tilespmem:$0x14100] =	vst v63  }
0x224: {  	s26 =	sadd.s32 $0x5800, s25;
	s28 =	sadd.s32 $0x8300, s23  }
0x225: {  	[hbm4b:s28+s5] =	stream.linear.scatter [tilespmem:s26], [sflag:$0xE], $0x800, $0x38;
	[tilespmem:$0x14100] =	vst v63  }
0x226: {  	s26 =	sadd.s32 $0x6800, s25;
	s28 =	sadd.s32 $0x8500, s23  }
0x227: {  	[hbm4b:s28+s5] =	stream.linear.scatter [tilespmem:s26], [sflag:$0xE], $0x800, $0x38;
	[tilespmem:$0x14100] =	vst v63  }
0x228: {  	s26 =	sadd.s32 $0x7800, s25;
	s28 =	sadd.s32 $0x8700, s23  }
0x229: {  	[hbm4b:s28+s5] =	stream.linear.scatter [tilespmem:s26], [sflag:$0xE], $0x800, $0x38;
	[tilespmem:$0x14100] =	vst v63  }
0x22a: {  	s24 =	sadd.s32 @!p0 $0xC, s15;
	s26 =	sadd.s32 $0x8800, s25;
	s28 =	sadd.s32 $0x8900, s23  }
0x22b: {  	[hbm4b:s28+s5] =	stream.linear.scatter [tilespmem:s26], [sflag:$0xE], $0x800, $0x38;
	[tilespmem:$0x14100] =	vst v63  }
0x22c: {  	s26 =	sadd.s32 $0x9800, s25;
	s25 =	sshra.s32 @!p0 s24, $0x1F  }
0x22d: {  	s28 =	sadd.s32 $0x8B00, s23;
	s25 =	sshrl.u32 @!p0 s25, $0x1C  }
0x22e: {  	[hbm4b:s28+s5] =	stream.linear.scatter [tilespmem:s26], [sflag:$0xE], $0x800, $0x38;
	[tilespmem:$0x14100] =	vst v63  }
0x22f: {  	s25 =	sadd.s32 @!p0 s25, s24;
	s26 =	sadd.s32 @!p0 $0xD, s15  }
0x230: {  	s25 =	sand.u32 @!p0 $0xFFFFFFF0, s25;
	s28 =	sshra.s32 @!p0 s26, $0x1F  }
0x231: {  	s24 =	ssub.s32 @!p0 s24, s25;
	s25 =	sshrl.u32 @!p0 s28, $0x1C  }
0x232: {  	s24 =	sadd.s32 @!p0 $0x1, s24;
	s25 =	sadd.s32 @!p0 s25, s26  }
0x233: {  	_ =	swait.ge @!p0 [sflag:s24], $0x5000;
	s25 =	sand.u32 @!p0 $0xFFFFFFF0, s25  }
0x234: {  	[sflag:s24] =	ssyncset.done @!p0 $0x0;
	s25 =	ssub.s32 @!p0 s26, s25  }
0x235: {  	v56 =	vsel vm7, $0xFFFFFFFF, v0;
	[sflag:s24] =	ssyncadd.s32 @!p0 $0xFFFFB000;
	s24 =	sadd.s32 @!p0 $0x1, s25  }
0x236: {  	v1 =	vxor.u32 $0x80000000, v56;
	_ =	swait.ge @!p0 [sflag:s24], $0x5000  }
0x237: {  	(xrf0) =	vmax.scan.msk.u32 $0xffff, v1;
	_ =	sdelay $0x5  }
0x238: {  	v1, _, _ =	vpop (xrf0)  }
0x239: {  	(v2sf) =	vpush v1, $0xF;
	_ =	sdelay $0xe  }
0x23a: {  	s26 =	spop (v2sf)  }
0x23b: {  	s25 =	smul.u32 $0x28000, s26  }
0x23c: {  	[sflag:s24] =	ssyncset.done @!p0 $0x0  }
0x23d: {  	s28 =	sadd.s32 $0x8C00, s23;
	[sflag:s24] =	ssyncadd.s32 @!p0 $0xFFFFB000;
	s25 =	sshra.s32 s25, $0x2  }
0x23e: {  	[hbm4b:s28+s5] =	stream.linear.scatter [tilespmem:s25], [sflag:$0xF], $0x800, $0x38;
	[tilespmem:$0x14100] =	vst v63  }
0x23f: {  	s26 =	sor.u32 $0x1000, s25;
	s28 =	sadd.s32 $0x8E00, s23  }
0x240: {  	[hbm4b:s28+s5] =	stream.linear.scatter [tilespmem:s26], [sflag:$0xF], $0x800, $0x38;
	[tilespmem:$0x14100] =	vst v63  }
0x241: {  	s26 =	sadd.s32 $0x2000, s25;
	s28 =	sadd.s32 $0x9000, s23  }
0x242: {  	[hbm4b:s28+s5] =	stream.linear.scatter [tilespmem:s26], [sflag:$0xF], $0x800, $0x38;
	[tilespmem:$0x14100] =	vst v63  }
0x243: {  	s26 =	sadd.s32 $0x3000, s25;
	s28 =	sadd.s32 $0x9200, s23  }
0x244: {  	[hbm4b:s28+s5] =	stream.linear.scatter [tilespmem:s26], [sflag:$0xF], $0x800, $0x38;
	[tilespmem:$0x14100] =	vst v63  }
0x245: {  	s26 =	sadd.s32 $0x4000, s25;
	s28 =	sadd.s32 $0x9400, s23  }
0x246: {  	[hbm4b:s28+s5] =	stream.linear.scatter [tilespmem:s26], [sflag:$0xF], $0x800, $0x38;
	[tilespmem:$0x14100] =	vst v63  }
0x247: {  	s26 =	sadd.s32 $0x5000, s25;
	s28 =	sadd.s32 $0x9600, s23  }
0x248: {  	[hbm4b:s28+s5] =	stream.linear.scatter [tilespmem:s26], [sflag:$0xF], $0x800, $0x38;
	[tilespmem:$0x14100] =	vst v63  }
0x249: {  	s26 =	sadd.s32 $0x6000, s25;
	s28 =	sadd.s32 $0x9800, s23  }
0x24a: {  	[hbm4b:s28+s5] =	stream.linear.scatter [tilespmem:s26], [sflag:$0xF], $0x800, $0x38;
	[tilespmem:$0x14100] =	vst v63  }
0x24b: {  	s26 =	sadd.s32 $0x7000, s25;
	s28 =	sadd.s32 $0x9A00, s23  }
0x24c: {  	[hbm4b:s28+s5] =	stream.linear.scatter [tilespmem:s26], [sflag:$0xF], $0x800, $0x38;
	[tilespmem:$0x14100] =	vst v63  }
0x24d: {  	s26 =	sadd.s32 $0x8000, s25;
	s28 =	sadd.s32 $0x9C00, s23  }
0x24e: {  	[hbm4b:s28+s5] =	stream.linear.scatter [tilespmem:s26], [sflag:$0xF], $0x800, $0x38;
	[tilespmem:$0x14100] =	vst v63  }
0x24f: {  	s26 =	sadd.s32 $0x9000, s25;
	s28 =	sadd.s32 $0x9E00, s23  }
0x250: {  	[hbm4b:s28+s5] =	stream.linear.scatter [tilespmem:s26], [sflag:$0xF], $0x800, $0x38;
	[tilespmem:$0x14100] =	vst v63  }
0x251: {  	s26 =	sadd.s32 $0x8D00, s23;
	s28 =	sor.u32 $0x800, s25  }
0x252: {  	[hbm4b:s26+s5] =	stream.linear.scatter [tilespmem:s28], [sflag:$0x10], $0x800, $0x38;
	[tilespmem:$0x14100] =	vst v63  }
0x253: {  	s26 =	sor.u32 $0x1800, s25;
	s28 =	sadd.s32 $0x8F00, s23  }
0x254: {  	[hbm4b:s28+s5] =	stream.linear.scatter [tilespmem:s26], [sflag:$0x10], $0x800, $0x38;
	[tilespmem:$0x14100] =	vst v63  }
0x255: {  	s26 =	sadd.s32 $0x2800, s25;
	s28 =	sadd.s32 $0x9100, s23  }
0x256: {  	[hbm4b:s28+s5] =	stream.linear.scatter [tilespmem:s26], [sflag:$0x10], $0x800, $0x38;
	[tilespmem:$0x14100] =	vst v63  }
0x257: {  	s26 =	sadd.s32 $0x3800, s25;
	s28 =	sadd.s32 $0x9300, s23  }
0x258: {  	[hbm4b:s28+s5] =	stream.linear.scatter [tilespmem:s26], [sflag:$0x10], $0x800, $0x38;
	[tilespmem:$0x14100] =	vst v63  }
0x259: {  	s26 =	sadd.s32 $0x4800, s25;
	s28 =	sadd.s32 $0x9500, s23  }
0x25a: {  	[hbm4b:s28+s5] =	stream.linear.scatter [tilespmem:s26], [sflag:$0x10], $0x800, $0x38;
	[tilespmem:$0x14100] =	vst v63  }
0x25b: {  	s26 =	sadd.s32 $0x5800, s25;
	s28 =	sadd.s32 $0x9700, s23  }
0x25c: {  	[hbm4b:s28+s5] =	stream.linear.scatter [tilespmem:s26], [sflag:$0x10], $0x800, $0x38;
	[tilespmem:$0x14100] =	vst v63  }
0x25d: {  	s26 =	sadd.s32 $0x6800, s25;
	s28 =	sadd.s32 $0x9900, s23  }
0x25e: {  	[hbm4b:s28+s5] =	stream.linear.scatter [tilespmem:s26], [sflag:$0x10], $0x800, $0x38;
	[tilespmem:$0x14100] =	vst v63  }
0x25f: {  	s26 =	sadd.s32 $0x7800, s25;
	s28 =	sadd.s32 $0x9B00, s23  }
0x260: {  	[hbm4b:s28+s5] =	stream.linear.scatter [tilespmem:s26], [sflag:$0x10], $0x800, $0x38;
	[tilespmem:$0x14100] =	vst v63  }
0x261: {  	s26 =	sadd.s32 $0x8800, s25;
	s28 =	sadd.s32 $0x9D00, s23  }
0x262: {  	[hbm4b:s28+s5] =	stream.linear.scatter [tilespmem:s26], [sflag:$0x10], $0x800, $0x38;
	[tilespmem:$0x14100] =	vst v63  }
0x263: {  	s26 =	sadd.s32 $0x9800, s25;
	s28 =	sadd.s32 $0x9F00, s23  }
0x264: {  	[hbm4b:s28+s5] =	stream.linear.scatter [tilespmem:s26], [sflag:$0x10], $0x800, $0x38;
	[tilespmem:$0x14100] =	vst v63  }
0x265: {  	_ =	swait.ge [sflag:s29], $0x5000  }
0x266: {  	[sflag:s29] =	ssyncset.done $0x0  }
0x267: {  	v57 =	vsel vm8, $0xFFFFFFFF, v0;
	[sflag:s29] =	ssyncadd.s32 $0xFFFFB000  }
0x268: {  	v1 =	vxor.u32 $0x80000000, v57;
	_ =	swait.ge [sflag:s30], $0x5000  }
0x269: {  	(xrf0) =	vmax.scan.msk.u32 $0xffff, v1;
	_ =	sdelay $0x5  }
0x26a: {  	v1, _, _ =	vpop (xrf0)  }
0x26b: {  	(v2sf) =	vpush v1, $0xF;
	_ =	sdelay $0xe  }
0x26c: {  	s26 =	spop (v2sf)  }
0x26d: {  	s24 =	smul.u32 $0x28000, s26  }
0x26e: {  	[sflag:s30] =	ssyncset.done $0x0  }
0x26f: {  	s28 =	sadd.s32 $0xA000, s23;
	[sflag:s30] =	ssyncadd.s32 $0xFFFFB000;
	s24 =	sshra.s32 s24, $0x2  }
0x270: {  	[hbm4b:s28+s5] =	stream.linear.scatter [tilespmem:s24], [sflag:$0x1], $0x800, $0x38;
	[tilespmem:$0x14100] =	vst v63  }
0x271: {  	s26 =	sor.u32 $0x1000, s24;
	s28 =	sadd.s32 $0xA200, s23  }
0x272: {  	[hbm4b:s28+s5] =	stream.linear.scatter [tilespmem:s26], [sflag:$0x1], $0x800, $0x38;
	[tilespmem:$0x14100] =	vst v63  }
0x273: {  	s26 =	sadd.s32 $0x2000, s24;
	s28 =	sadd.s32 $0xA400, s23  }
0x274: {  	[hbm4b:s28+s5] =	stream.linear.scatter [tilespmem:s26], [sflag:$0x1], $0x800, $0x38;
	[tilespmem:$0x14100] =	vst v63  }
0x275: {  	s26 =	sadd.s32 $0x3000, s24;
	s28 =	sadd.s32 $0xA600, s23  }
0x276: {  	[hbm4b:s28+s5] =	stream.linear.scatter [tilespmem:s26], [sflag:$0x1], $0x800, $0x38;
	[tilespmem:$0x14100] =	vst v63  }
0x277: {  	s26 =	sadd.s32 $0x4000, s24;
	s28 =	sadd.s32 $0xA800, s23  }
0x278: {  	[hbm4b:s28+s5] =	stream.linear.scatter [tilespmem:s26], [sflag:$0x1], $0x800, $0x38;
	[tilespmem:$0x14100] =	vst v63  }
0x279: {  	s26 =	sadd.s32 $0x5000, s24;
	s28 =	sadd.s32 $0xAA00, s23  }
0x27a: {  	[hbm4b:s28+s5] =	stream.linear.scatter [tilespmem:s26], [sflag:$0x1], $0x800, $0x38;
	[tilespmem:$0x14100] =	vst v63  }
0x27b: {  	s26 =	sadd.s32 $0x6000, s24;
	s28 =	sadd.s32 $0xAC00, s23  }
0x27c: {  	[hbm4b:s28+s5] =	stream.linear.scatter [tilespmem:s26], [sflag:$0x1], $0x800, $0x38;
	[tilespmem:$0x14100] =	vst v63  }
0x27d: {  	s26 =	sadd.s32 $0x7000, s24;
	s28 =	sadd.s32 $0xAE00, s23  }
0x27e: {  	[hbm4b:s28+s5] =	stream.linear.scatter [tilespmem:s26], [sflag:$0x1], $0x800, $0x38;
	[tilespmem:$0x14100] =	vst v63  }
0x27f: {  	s26 =	sadd.s32 $0x8000, s24;
	s28 =	sadd.s32 $0xB000, s23  }
0x280: {  	[hbm4b:s28+s5] =	stream.linear.scatter [tilespmem:s26], [sflag:$0x1], $0x800, $0x38;
	[tilespmem:$0x14100] =	vst v63  }
0x281: {  	s26 =	sadd.s32 $0x9000, s24;
	s28 =	sadd.s32 $0xB200, s23  }
0x282: {  	[hbm4b:s28+s5] =	stream.linear.scatter [tilespmem:s26], [sflag:$0x1], $0x800, $0x38;
	[tilespmem:$0x14100] =	vst v63  }
0x283: {  	s26 =	sadd.s32 $0xA100, s23;
	s28 =	sor.u32 $0x800, s24  }
0x284: {  	[hbm4b:s26+s5] =	stream.linear.scatter [tilespmem:s28], [sflag:$0x2], $0x800, $0x38;
	[tilespmem:$0x14100] =	vst v63  }
0x285: {  	s26 =	sor.u32 $0x1800, s24;
	s28 =	sadd.s32 $0xA300, s23  }
0x286: {  	[hbm4b:s28+s5] =	stream.linear.scatter [tilespmem:s26], [sflag:$0x2], $0x800, $0x38;
	[tilespmem:$0x14100] =	vst v63  }
0x287: {  	s26 =	sadd.s32 $0x2800, s24;
	s28 =	sadd.s32 $0xA500, s23  }
0x288: {  	[hbm4b:s28+s5] =	stream.linear.scatter [tilespmem:s26], [sflag:$0x2], $0x800, $0x38;
	[tilespmem:$0x14100] =	vst v63  }
0x289: {  	s26 =	sadd.s32 $0x3800, s24;
	s28 =	sadd.s32 $0xA700, s23  }
0x28a: {  	[hbm4b:s28+s5] =	stream.linear.scatter [tilespmem:s26], [sflag:$0x2], $0x800, $0x38;
	[tilespmem:$0x14100] =	vst v63  }
0x28b: {  	s26 =	sadd.s32 $0x4800, s24;
	s28 =	sadd.s32 $0xA900, s23  }
0x28c: {  	[hbm4b:s28+s5] =	stream.linear.scatter [tilespmem:s26], [sflag:$0x2], $0x800, $0x38;
	[tilespmem:$0x14100] =	vst v63  }
0x28d: {  	s26 =	sadd.s32 $0x5800, s24;
	s28 =	sadd.s32 $0xAB00, s23  }
0x28e: {  	[hbm4b:s28+s5] =	stream.linear.scatter [tilespmem:s26], [sflag:$0x2], $0x800, $0x38;
	[tilespmem:$0x14100] =	vst v63  }
0x28f: {  	s26 =	sadd.s32 $0x6800, s24;
	s28 =	sadd.s32 $0xAD00, s23  }
0x290: {  	[hbm4b:s28+s5] =	stream.linear.scatter [tilespmem:s26], [sflag:$0x2], $0x800, $0x38;
	[tilespmem:$0x14100] =	vst v63  }
0x291: {  	s26 =	sadd.s32 $0x7800, s24;
	s28 =	sadd.s32 $0xAF00, s23  }
0x292: {  	[hbm4b:s28+s5] =	stream.linear.scatter [tilespmem:s26], [sflag:$0x2], $0x800, $0x38;
	[tilespmem:$0x14100] =	vst v63  }
0x293: {  	s26 =	sadd.s32 $0x8800, s24;
	s28 =	sadd.s32 $0xB100, s23  }
0x294: {  	[hbm4b:s28+s5] =	stream.linear.scatter [tilespmem:s26], [sflag:$0x2], $0x800, $0x38;
	[tilespmem:$0x14100] =	vst v63  }
0x295: {  	s24 =	sadd.s32 $0x9800, s24;
	s28 =	sadd.s32 $0xB300, s23  }
0x296: {  	[hbm4b:s28+s5] =	stream.linear.scatter [tilespmem:s24], [sflag:$0x2], $0x800, $0x38;
	[tilespmem:$0x14100] =	vst v63  }
0x297: {  	_ =	swait.ge [sflag:s31], $0x5000  }
0x298: {  	[sflag:s31] =	ssyncset.done $0x0  }
0x299: {  	v58 =	vsel vm9, $0xFFFFFFFF, v0;
	[sflag:s31] =	ssyncadd.s32 $0xFFFFB000  }
0x29a: {  	v1 =	vxor.u32 $0x80000000, v58;
	_ =	swait.ge [sflag:s0], $0x5000  }
0x29b: {  	(xrf0) =	vmax.scan.msk.u32 $0xffff, v1;
	_ =	sdelay $0x5  }
0x29c: {  	v1, _, _ =	vpop (xrf0)  }
0x29d: {  	(v2sf) =	vpush v1, $0xF;
	_ =	sdelay $0xe  }
0x29e: {  	s26 =	spop (v2sf)  }
0x29f: {  	s24 =	smul.u32 $0x28000, s26  }
0x2a0: {  	[sflag:s0] =	ssyncset.done $0x0  }
0x2a1: {  	s28 =	sadd.s32 $0xB400, s23;
	[sflag:s0] =	ssyncadd.s32 $0xFFFFB000;
	s24 =	sshra.s32 s24, $0x2  }
0x2a2: {  	[hbm4b:s28+s5] =	stream.linear.scatter [tilespmem:s24], [sflag:$0x3], $0x800, $0x38;
	[tilespmem:$0x14100] =	vst v63  }
0x2a3: {  	s26 =	sor.u32 $0x1000, s24;
	s28 =	sadd.s32 $0xB600, s23  }
0x2a4: {  	[hbm4b:s28+s5] =	stream.linear.scatter [tilespmem:s26], [sflag:$0x3], $0x800, $0x38;
	[tilespmem:$0x14100] =	vst v63  }
0x2a5: {  	s26 =	sadd.s32 $0x2000, s24;
	s28 =	sadd.s32 $0xB800, s23  }
0x2a6: {  	[hbm4b:s28+s5] =	stream.linear.scatter [tilespmem:s26], [sflag:$0x3], $0x800, $0x38;
	[tilespmem:$0x14100] =	vst v63  }
0x2a7: {  	s26 =	sadd.s32 $0x3000, s24;
	s28 =	sadd.s32 $0xBA00, s23  }
0x2a8: {  	[hbm4b:s28+s5] =	stream.linear.scatter [tilespmem:s26], [sflag:$0x3], $0x800, $0x38;
	[tilespmem:$0x14100] =	vst v63  }
0x2a9: {  	s26 =	sadd.s32 $0x4000, s24;
	s28 =	sadd.s32 $0xBC00, s23  }
0x2aa: {  	[hbm4b:s28+s5] =	stream.linear.scatter [tilespmem:s26], [sflag:$0x3], $0x800, $0x38;
	[tilespmem:$0x14100] =	vst v63  }
0x2ab: {  	s26 =	sadd.s32 $0x5000, s24;
	s28 =	sadd.s32 $0xBE00, s23  }
0x2ac: {  	[hbm4b:s28+s5] =	stream.linear.scatter [tilespmem:s26], [sflag:$0x3], $0x800, $0x38;
	[tilespmem:$0x14100] =	vst v63  }
0x2ad: {  	s26 =	sadd.s32 $0x6000, s24;
	s28 =	sadd.s32 $0xC000, s23  }
0x2ae: {  	[hbm4b:s28+s5] =	stream.linear.scatter [tilespmem:s26], [sflag:$0x3], $0x800, $0x38;
	[tilespmem:$0x14100] =	vst v63  }
0x2af: {  	s26 =	sadd.s32 $0x7000, s24;
	s28 =	sadd.s32 $0xC200, s23  }
0x2b0: {  	[hbm4b:s28+s5] =	stream.linear.scatter [tilespmem:s26], [sflag:$0x3], $0x800, $0x38;
	[tilespmem:$0x14100] =	vst v63  }
0x2b1: {  	s26 =	sadd.s32 $0x8000, s24;
	s28 =	sadd.s32 $0xC400, s23  }
0x2b2: {  	[hbm4b:s28+s5] =	stream.linear.scatter [tilespmem:s26], [sflag:$0x3], $0x800, $0x38;
	[tilespmem:$0x14100] =	vst v63  }
0x2b3: {  	s26 =	sadd.s32 $0x9000, s24;
	s28 =	sadd.s32 $0xC600, s23  }
0x2b4: {  	[hbm4b:s28+s5] =	stream.linear.scatter [tilespmem:s26], [sflag:$0x3], $0x800, $0x38;
	[tilespmem:$0x14100] =	vst v63  }
0x2b5: {  	s26 =	sadd.s32 $0xB500, s23;
	s28 =	sor.u32 $0x800, s24  }
0x2b6: {  	[hbm4b:s26+s5] =	stream.linear.scatter [tilespmem:s28], [sflag:$0x4], $0x800, $0x38;
	[tilespmem:$0x14100] =	vst v63  }
0x2b7: {  	s26 =	sor.u32 $0x1800, s24;
	s28 =	sadd.s32 $0xB700, s23  }
0x2b8: {  	[hbm4b:s28+s5] =	stream.linear.scatter [tilespmem:s26], [sflag:$0x4], $0x800, $0x38;
	[tilespmem:$0x14100] =	vst v63  }
0x2b9: {  	s26 =	sadd.s32 $0x2800, s24;
	s28 =	sadd.s32 $0xB900, s23  }
0x2ba: {  	[hbm4b:s28+s5] =	stream.linear.scatter [tilespmem:s26], [sflag:$0x4], $0x800, $0x38;
	[tilespmem:$0x14100] =	vst v63  }
0x2bb: {  	s26 =	sadd.s32 $0x3800, s24;
	s28 =	sadd.s32 $0xBB00, s23  }
0x2bc: {  	[hbm4b:s28+s5] =	stream.linear.scatter [tilespmem:s26], [sflag:$0x4], $0x800, $0x38;
	[tilespmem:$0x14100] =	vst v63  }
0x2bd: {  	s26 =	sadd.s32 $0x4800, s24;
	s28 =	sadd.s32 $0xBD00, s23  }
0x2be: {  	[hbm4b:s28+s5] =	stream.linear.scatter [tilespmem:s26], [sflag:$0x4], $0x800, $0x38;
	[tilespmem:$0x14100] =	vst v63  }
0x2bf: {  	s26 =	sadd.s32 $0x5800, s24;
	s28 =	sadd.s32 $0xBF00, s23  }
0x2c0: {  	[hbm4b:s28+s5] =	stream.linear.scatter [tilespmem:s26], [sflag:$0x4], $0x800, $0x38;
	[tilespmem:$0x14100] =	vst v63  }
0x2c1: {  	s26 =	sadd.s32 $0x6800, s24;
	s28 =	sadd.s32 $0xC100, s23  }
0x2c2: {  	[hbm4b:s28+s5] =	stream.linear.scatter [tilespmem:s26], [sflag:$0x4], $0x800, $0x38;
	[tilespmem:$0x14100] =	vst v63  }
0x2c3: {  	s26 =	sadd.s32 $0x7800, s24;
	s28 =	sadd.s32 $0xC300, s23  }
0x2c4: {  	[hbm4b:s28+s5] =	stream.linear.scatter [tilespmem:s26], [sflag:$0x4], $0x800, $0x38;
	[tilespmem:$0x14100] =	vst v63  }
0x2c5: {  	s26 =	sadd.s32 $0x8800, s24;
	s28 =	sadd.s32 $0xC500, s23  }
0x2c6: {  	[hbm4b:s28+s5] =	stream.linear.scatter [tilespmem:s26], [sflag:$0x4], $0x800, $0x38;
	[tilespmem:$0x14100] =	vst v63  }
0x2c7: {  	s24 =	sadd.s32 $0x9800, s24;
	s28 =	sadd.s32 $0xC700, s23  }
0x2c8: {  	[hbm4b:s28+s5] =	stream.linear.scatter [tilespmem:s24], [sflag:$0x4], $0x800, $0x38;
	[tilespmem:$0x14100] =	vst v63  }
0x2c9: {  	_ =	swait.ge [sflag:s3], $0x5000  }
0x2ca: {  	[sflag:s3] =	ssyncset.done $0x0  }
0x2cb: {  	v59 =	vsel vm10, $0xFFFFFFFF, v0;
	[sflag:s3] =	ssyncadd.s32 $0xFFFFB000  }
0x2cc: {  	v1 =	vxor.u32 $0x80000000, v59;
	_ =	swait.ge [sflag:s20], $0x5000  }
0x2cd: {  	(xrf0) =	vmax.scan.msk.u32 $0xffff, v1;
	_ =	sdelay $0x5  }
0x2ce: {  	v1, _, _ =	vpop (xrf0)  }
0x2cf: {  	(v2sf) =	vpush v1, $0xF;
	_ =	sdelay $0xe  }
0x2d0: {  	s26 =	spop (v2sf)  }
0x2d1: {  	s24 =	smul.u32 $0x28000, s26  }
0x2d2: {  	[sflag:s20] =	ssyncset.done $0x0  }
0x2d3: {  	s28 =	sadd.s32 $0xC800, s23;
	[sflag:s20] =	ssyncadd.s32 $0xFFFFB000;
	s24 =	sshra.s32 s24, $0x2  }
0x2d4: {  	[hbm4b:s28+s5] =	stream.linear.scatter [tilespmem:s24], [sflag:$0x5], $0x800, $0x38;
	[tilespmem:$0x14100] =	vst v63  }
0x2d5: {  	s26 =	sor.u32 $0x1000, s24;
	s28 =	sadd.s32 $0xCA00, s23  }
0x2d6: {  	[hbm4b:s28+s5] =	stream.linear.scatter [tilespmem:s26], [sflag:$0x5], $0x800, $0x38;
	[tilespmem:$0x14100] =	vst v63  }
0x2d7: {  	s26 =	sadd.s32 $0x2000, s24;
	s28 =	sadd.s32 $0xCC00, s23  }
0x2d8: {  	[hbm4b:s28+s5] =	stream.linear.scatter [tilespmem:s26], [sflag:$0x5], $0x800, $0x38;
	[tilespmem:$0x14100] =	vst v63  }
0x2d9: {  	s26 =	sadd.s32 $0x3000, s24;
	s28 =	sadd.s32 $0xCE00, s23  }
0x2da: {  	[hbm4b:s28+s5] =	stream.linear.scatter [tilespmem:s26], [sflag:$0x5], $0x800, $0x38;
	[tilespmem:$0x14100] =	vst v63  }
0x2db: {  	s26 =	sadd.s32 $0x4000, s24;
	s28 =	sadd.s32 $0xD000, s23  }
0x2dc: {  	[hbm4b:s28+s5] =	stream.linear.scatter [tilespmem:s26], [sflag:$0x5], $0x800, $0x38;
	[tilespmem:$0x14100] =	vst v63  }
0x2dd: {  	s26 =	sadd.s32 $0x5000, s24;
	s28 =	sadd.s32 $0xD200, s23  }
0x2de: {  	[hbm4b:s28+s5] =	stream.linear.scatter [tilespmem:s26], [sflag:$0x5], $0x800, $0x38;
	[tilespmem:$0x14100] =	vst v63  }
0x2df: {  	s26 =	sadd.s32 $0x6000, s24;
	s28 =	sadd.s32 $0xD400, s23  }
0x2e0: {  	[hbm4b:s28+s5] =	stream.linear.scatter [tilespmem:s26], [sflag:$0x5], $0x800, $0x38;
	[tilespmem:$0x14100] =	vst v63  }
0x2e1: {  	s26 =	sadd.s32 $0x7000, s24;
	s28 =	sadd.s32 $0xD600, s23  }
0x2e2: {  	[hbm4b:s28+s5] =	stream.linear.scatter [tilespmem:s26], [sflag:$0x5], $0x800, $0x38;
	[tilespmem:$0x14100] =	vst v63  }
0x2e3: {  	s26 =	sadd.s32 $0x8000, s24;
	s28 =	sadd.s32 $0xD800, s23  }
0x2e4: {  	[hbm4b:s28+s5] =	stream.linear.scatter [tilespmem:s26], [sflag:$0x5], $0x800, $0x38;
	[tilespmem:$0x14100] =	vst v63  }
0x2e5: {  	s26 =	sadd.s32 $0x9000, s24;
	s28 =	sadd.s32 $0xDA00, s23  }
0x2e6: {  	[hbm4b:s28+s5] =	stream.linear.scatter [tilespmem:s26], [sflag:$0x5], $0x800, $0x38;
	[tilespmem:$0x14100] =	vst v63  }
0x2e7: {  	s26 =	sadd.s32 $0xC900, s23;
	s28 =	sor.u32 $0x800, s24  }
0x2e8: {  	[hbm4b:s26+s5] =	stream.linear.scatter [tilespmem:s28], [sflag:$0x6], $0x800, $0x38;
	[tilespmem:$0x14100] =	vst v63  }
0x2e9: {  	s26 =	sor.u32 $0x1800, s24;
	s28 =	sadd.s32 $0xCB00, s23  }
0x2ea: {  	[hbm4b:s28+s5] =	stream.linear.scatter [tilespmem:s26], [sflag:$0x6], $0x800, $0x38;
	[tilespmem:$0x14100] =	vst v63  }
0x2eb: {  	s26 =	sadd.s32 $0x2800, s24;
	s28 =	sadd.s32 $0xCD00, s23  }
0x2ec: {  	[hbm4b:s28+s5] =	stream.linear.scatter [tilespmem:s26], [sflag:$0x6], $0x800, $0x38;
	[tilespmem:$0x14100] =	vst v63  }
0x2ed: {  	s26 =	sadd.s32 $0x3800, s24;
	s28 =	sadd.s32 $0xCF00, s23  }
0x2ee: {  	[hbm4b:s28+s5] =	stream.linear.scatter [tilespmem:s26], [sflag:$0x6], $0x800, $0x38;
	[tilespmem:$0x14100] =	vst v63  }
0x2ef: {  	s26 =	sadd.s32 $0x4800, s24;
	s28 =	sadd.s32 $0xD100, s23  }
0x2f0: {  	[hbm4b:s28+s5] =	stream.linear.scatter [tilespmem:s26], [sflag:$0x6], $0x800, $0x38;
	[tilespmem:$0x14100] =	vst v63  }
0x2f1: {  	s26 =	sadd.s32 $0x5800, s24;
	s28 =	sadd.s32 $0xD300, s23  }
0x2f2: {  	[hbm4b:s28+s5] =	stream.linear.scatter [tilespmem:s26], [sflag:$0x6], $0x800, $0x38;
	[tilespmem:$0x14100] =	vst v63  }
0x2f3: {  	s26 =	sadd.s32 $0x6800, s24;
	s28 =	sadd.s32 $0xD500, s23  }
0x2f4: {  	[hbm4b:s28+s5] =	stream.linear.scatter [tilespmem:s26], [sflag:$0x6], $0x800, $0x38;
	[tilespmem:$0x14100] =	vst v63  }
0x2f5: {  	s26 =	sadd.s32 $0x7800, s24;
	s28 =	sadd.s32 $0xD700, s23  }
0x2f6: {  	[hbm4b:s28+s5] =	stream.linear.scatter [tilespmem:s26], [sflag:$0x6], $0x800, $0x38;
	[tilespmem:$0x14100] =	vst v63  }
0x2f7: {  	s26 =	sadd.s32 $0x8800, s24;
	s28 =	sadd.s32 $0xD900, s23  }
0x2f8: {  	[hbm4b:s28+s5] =	stream.linear.scatter [tilespmem:s26], [sflag:$0x6], $0x800, $0x38;
	[tilespmem:$0x14100] =	vst v63  }
0x2f9: {  	s24 =	sadd.s32 $0x9800, s24;
	s28 =	sadd.s32 $0xDB00, s23  }
0x2fa: {  	[hbm4b:s28+s5] =	stream.linear.scatter [tilespmem:s24], [sflag:$0x6], $0x800, $0x38;
	[tilespmem:$0x14100] =	vst v63  }
0x2fb: {  	_ =	swait.ge [sflag:s21], $0x5000  }
0x2fc: {  	[sflag:s21] =	ssyncset.done $0x0  }
0x2fd: {  	v60 =	vsel vm11, $0xFFFFFFFF, v0;
	[sflag:s21] =	ssyncadd.s32 $0xFFFFB000  }
0x2fe: {  	v1 =	vxor.u32 $0x80000000, v60;
	_ =	swait.ge [sflag:s4], $0x5000  }
0x2ff: {  	(xrf0) =	vmax.scan.msk.u32 $0xffff, v1;
	_ =	sdelay $0x5  }
0x300: {  	v1, _, _ =	vpop (xrf0)  }
0x301: {  	(v2sf) =	vpush v1, $0xF;
	_ =	sdelay $0xe  }
0x302: {  	s26 =	spop (v2sf)  }
0x303: {  	s24 =	smul.u32 $0x28000, s26  }
0x304: {  	[sflag:s4] =	ssyncset.done $0x0  }
0x305: {  	s28 =	sadd.s32 $0xDC00, s23;
	[sflag:s4] =	ssyncadd.s32 $0xFFFFB000;
	s24 =	sshra.s32 s24, $0x2  }
0x306: {  	[hbm4b:s28+s5] =	stream.linear.scatter [tilespmem:s24], [sflag:$0x7], $0x800, $0x38;
	[tilespmem:$0x14100] =	vst v63  }
0x307: {  	s26 =	sor.u32 $0x1000, s24;
	s28 =	sadd.s32 $0xDE00, s23  }
0x308: {  	[hbm4b:s28+s5] =	stream.linear.scatter [tilespmem:s26], [sflag:$0x7], $0x800, $0x38;
	[tilespmem:$0x14100] =	vst v63  }
0x309: {  	s26 =	sadd.s32 $0x2000, s24;
	s28 =	sadd.s32 $0xE000, s23  }
0x30a: {  	[hbm4b:s28+s5] =	stream.linear.scatter [tilespmem:s26], [sflag:$0x7], $0x800, $0x38;
	[tilespmem:$0x14100] =	vst v63  }
0x30b: {  	s26 =	sadd.s32 $0x3000, s24;
	s28 =	sadd.s32 $0xE200, s23  }
0x30c: {  	[hbm4b:s28+s5] =	stream.linear.scatter [tilespmem:s26], [sflag:$0x7], $0x800, $0x38;
	[tilespmem:$0x14100] =	vst v63  }
0x30d: {  	s26 =	sadd.s32 $0x4000, s24;
	s28 =	sadd.s32 $0xE400, s23  }
0x30e: {  	[hbm4b:s28+s5] =	stream.linear.scatter [tilespmem:s26], [sflag:$0x7], $0x800, $0x38;
	[tilespmem:$0x14100] =	vst v63  }
0x30f: {  	s26 =	sadd.s32 $0x5000, s24;
	s28 =	sadd.s32 $0xE600, s23  }
0x310: {  	[hbm4b:s28+s5] =	stream.linear.scatter [tilespmem:s26], [sflag:$0x7], $0x800, $0x38;
	[tilespmem:$0x14100] =	vst v63  }
0x311: {  	s26 =	sadd.s32 $0x6000, s24;
	s28 =	sadd.s32 $0xE800, s23  }
0x312: {  	[hbm4b:s28+s5] =	stream.linear.scatter [tilespmem:s26], [sflag:$0x7], $0x800, $0x38;
	[tilespmem:$0x14100] =	vst v63  }
0x313: {  	s26 =	sadd.s32 $0x7000, s24;
	s28 =	sadd.s32 $0xEA00, s23  }
0x314: {  	[hbm4b:s28+s5] =	stream.linear.scatter [tilespmem:s26], [sflag:$0x7], $0x800, $0x38;
	[tilespmem:$0x14100] =	vst v63  }
0x315: {  	s26 =	sadd.s32 $0x8000, s24;
	s28 =	sadd.s32 $0xEC00, s23  }
0x316: {  	[hbm4b:s28+s5] =	stream.linear.scatter [tilespmem:s26], [sflag:$0x7], $0x800, $0x38;
	[tilespmem:$0x14100] =	vst v63  }
0x317: {  	s26 =	sadd.s32 $0x9000, s24;
	s28 =	sadd.s32 $0xEE00, s23  }
0x318: {  	[hbm4b:s28+s5] =	stream.linear.scatter [tilespmem:s26], [sflag:$0x7], $0x800, $0x38;
	[tilespmem:$0x14100] =	vst v63  }
0x319: {  	s26 =	sadd.s32 $0xDD00, s23;
	s28 =	sor.u32 $0x800, s24  }
0x31a: {  	[hbm4b:s26+s5] =	stream.linear.scatter [tilespmem:s28], [sflag:$0x8], $0x800, $0x38;
	[tilespmem:$0x14100] =	vst v63  }
0x31b: {  	s26 =	sor.u32 $0x1800, s24;
	s28 =	sadd.s32 $0xDF00, s23  }
0x31c: {  	[hbm4b:s28+s5] =	stream.linear.scatter [tilespmem:s26], [sflag:$0x8], $0x800, $0x38;
	[tilespmem:$0x14100] =	vst v63  }
0x31d: {  	s26 =	sadd.s32 $0x2800, s24;
	s28 =	sadd.s32 $0xE100, s23  }
0x31e: {  	[hbm4b:s28+s5] =	stream.linear.scatter [tilespmem:s26], [sflag:$0x8], $0x800, $0x38;
	[tilespmem:$0x14100] =	vst v63  }
0x31f: {  	s26 =	sadd.s32 $0x3800, s24;
	s28 =	sadd.s32 $0xE300, s23  }
0x320: {  	[hbm4b:s28+s5] =	stream.linear.scatter [tilespmem:s26], [sflag:$0x8], $0x800, $0x38;
	[tilespmem:$0x14100] =	vst v63  }
0x321: {  	s26 =	sadd.s32 $0x4800, s24;
	s28 =	sadd.s32 $0xE500, s23  }
0x322: {  	[hbm4b:s28+s5] =	stream.linear.scatter [tilespmem:s26], [sflag:$0x8], $0x800, $0x38;
	[tilespmem:$0x14100] =	vst v63  }
0x323: {  	s26 =	sadd.s32 $0x5800, s24;
	s28 =	sadd.s32 $0xE700, s23  }
0x324: {  	[hbm4b:s28+s5] =	stream.linear.scatter [tilespmem:s26], [sflag:$0x8], $0x800, $0x38;
	[tilespmem:$0x14100] =	vst v63  }
0x325: {  	s26 =	sadd.s32 $0x6800, s24;
	s28 =	sadd.s32 $0xE900, s23  }
0x326: {  	[hbm4b:s28+s5] =	stream.linear.scatter [tilespmem:s26], [sflag:$0x8], $0x800, $0x38;
	[tilespmem:$0x14100] =	vst v63  }
0x327: {  	s26 =	sadd.s32 $0x7800, s24;
	s28 =	sadd.s32 $0xEB00, s23  }
0x328: {  	[hbm4b:s28+s5] =	stream.linear.scatter [tilespmem:s26], [sflag:$0x8], $0x800, $0x38;
	[tilespmem:$0x14100] =	vst v63  }
0x329: {  	s26 =	sadd.s32 $0x8800, s24;
	s28 =	sadd.s32 $0xED00, s23  }
0x32a: {  	[hbm4b:s28+s5] =	stream.linear.scatter [tilespmem:s26], [sflag:$0x8], $0x800, $0x38;
	[tilespmem:$0x14100] =	vst v63  }
0x32b: {  	s24 =	sadd.s32 $0x9800, s24;
	s28 =	sadd.s32 $0xEF00, s23  }
0x32c: {  	[hbm4b:s28+s5] =	stream.linear.scatter [tilespmem:s24], [sflag:$0x8], $0x800, $0x38;
	[tilespmem:$0x14100] =	vst v63  }
0x32d: {  	_ =	swait.ge [sflag:s2], $0x5000  }
0x32e: {  	[sflag:s2] =	ssyncset.done $0x0  }
0x32f: {  	v61 =	vsel vm12, $0xFFFFFFFF, v0;
	[sflag:s2] =	ssyncadd.s32 $0xFFFFB000  }
0x330: {  	v1 =	vxor.u32 $0x80000000, v61;
	_ =	swait.ge [sflag:s6], $0x5000  }
0x331: {  	(xrf0) =	vmax.scan.msk.u32 $0xffff, v1;
	_ =	sdelay $0x5  }
0x332: {  	v1, _, _ =	vpop (xrf0)  }
0x333: {  	(v2sf) =	vpush v1, $0xF;
	_ =	sdelay $0xe  }
0x334: {  	s26 =	spop (v2sf)  }
0x335: {  	s24 =	smul.u32 $0x28000, s26  }
0x336: {  	[sflag:s6] =	ssyncset.done $0x0  }
0x337: {  	s25 =	sadd.s32 $0xF000, s23;
	[sflag:s6] =	ssyncadd.s32 $0xFFFFB000;
	s24 =	sshra.s32 s24, $0x2  }
0x338: {  	[hbm4b:s25+s5] =	stream.linear.scatter [tilespmem:s24], [sflag:$0x9], $0x800, $0x38;
	[tilespmem:$0x14100] =	vst v63  }
0x339: {  	s28 =	sadd.s32 $0xF200, s23;
	s26 =	sor.u32 $0x1000, s24  }
0x33a: {  	[hbm4b:s28+s5] =	stream.linear.scatter [tilespmem:s26], [sflag:$0x9], $0x800, $0x38;
	[tilespmem:$0x14100] =	vst v63  }
0x33b: {  	s26 =	sadd.s32 $0x2000, s24;
	s28 =	sadd.s32 $0xF400, s23  }
0x33c: {  	[hbm4b:s28+s5] =	stream.linear.scatter [tilespmem:s26], [sflag:$0x9], $0x800, $0x38;
	[tilespmem:$0x14100] =	vst v63  }
0x33d: {  	s26 =	sadd.s32 $0x3000, s24;
	s28 =	sadd.s32 $0xF600, s23  }
0x33e: {  	[hbm4b:s28+s5] =	stream.linear.scatter [tilespmem:s26], [sflag:$0x9], $0x800, $0x38;
	[tilespmem:$0x14100] =	vst v63  }
0x33f: {  	s26 =	sadd.s32 $0x4000, s24;
	s28 =	sadd.s32 $0xF800, s23  }
0x340: {  	[hbm4b:s28+s5] =	stream.linear.scatter [tilespmem:s26], [sflag:$0x9], $0x800, $0x38;
	[tilespmem:$0x14100] =	vst v63  }
0x341: {  	s26 =	sadd.s32 $0x5000, s24;
	s28 =	sadd.s32 $0xFA00, s23  }
0x342: {  	[hbm4b:s28+s5] =	stream.linear.scatter [tilespmem:s26], [sflag:$0x9], $0x800, $0x38;
	[tilespmem:$0x14100] =	vst v63  }
0x343: {  	s26 =	sadd.s32 $0x6000, s24;
	s28 =	sadd.s32 $0xFC00, s23  }
0x344: {  	[hbm4b:s28+s5] =	stream.linear.scatter [tilespmem:s26], [sflag:$0x9], $0x800, $0x38;
	[tilespmem:$0x14100] =	vst v63  }
0x345: {  	s26 =	sadd.s32 $0x7000, s24;
	s28 =	sadd.s32 $0xFE00, s23  }
0x346: {  	[hbm4b:s28+s5] =	stream.linear.scatter [tilespmem:s26], [sflag:$0x9], $0x800, $0x38;
	[tilespmem:$0x14100] =	vst v63  }
0x347: {  	s26 =	sadd.s32 $0x8000, s24;
	s28 =	sadd.s32 $0x1000, s25  }
0x348: {  	[hbm4b:s28+s5] =	stream.linear.scatter [tilespmem:s26], [sflag:$0x9], $0x800, $0x38;
	[tilespmem:$0x14100] =	vst v63  }
0x349: {  	s25 =	sadd.s32 $0x1200, s25;
	s28 =	sadd.s32 $0x9000, s24  }
0x34a: {  	[hbm4b:s25+s5] =	stream.linear.scatter [tilespmem:s28], [sflag:$0x9], $0x800, $0x38;
	[tilespmem:$0x14100] =	vst v63  }
0x34b: {  	s25 =	sadd.s32 $0xF100, s23;
	s28 =	sor.u32 $0x800, s24  }
0x34c: {  	[hbm4b:s25+s5] =	stream.linear.scatter [tilespmem:s28], [sflag:$0xA], $0x800, $0x38;
	[tilespmem:$0x14100] =	vst v63  }
0x34d: {  	s26 =	sor.u32 $0x1800, s24;
	s28 =	sadd.s32 $0xF300, s23  }
0x34e: {  	[hbm4b:s28+s5] =	stream.linear.scatter [tilespmem:s26], [sflag:$0xA], $0x800, $0x38;
	[tilespmem:$0x14100] =	vst v63  }
0x34f: {  	s26 =	sadd.s32 $0x2800, s24;
	s28 =	sadd.s32 $0xF500, s23  }
0x350: {  	[hbm4b:s28+s5] =	stream.linear.scatter [tilespmem:s26], [sflag:$0xA], $0x800, $0x38;
	[tilespmem:$0x14100] =	vst v63  }
0x351: {  	s26 =	sadd.s32 $0x3800, s24;
	s28 =	sadd.s32 $0xF700, s23  }
0x352: {  	[hbm4b:s28+s5] =	stream.linear.scatter [tilespmem:s26], [sflag:$0xA], $0x800, $0x38;
	[tilespmem:$0x14100] =	vst v63  }
0x353: {  	s26 =	sadd.s32 $0x4800, s24;
	s28 =	sadd.s32 $0xF900, s23  }
0x354: {  	[hbm4b:s28+s5] =	stream.linear.scatter [tilespmem:s26], [sflag:$0xA], $0x800, $0x38;
	[tilespmem:$0x14100] =	vst v63  }
0x355: {  	s26 =	sadd.s32 $0x5800, s24;
	s28 =	sadd.s32 $0xFB00, s23  }
0x356: {  	[hbm4b:s28+s5] =	stream.linear.scatter [tilespmem:s26], [sflag:$0xA], $0x800, $0x38;
	[tilespmem:$0x14100] =	vst v63  }
0x357: {  	s26 =	sadd.s32 $0x6800, s24;
	s28 =	sadd.s32 $0xFD00, s23  }
0x358: {  	[hbm4b:s28+s5] =	stream.linear.scatter [tilespmem:s26], [sflag:$0xA], $0x800, $0x38;
	[tilespmem:$0x14100] =	vst v63  }
0x359: {  	s26 =	sadd.s32 $0x7800, s24;
	s28 =	sadd.s32 $0xFF00, s23  }
0x35a: {  	[hbm4b:s28+s5] =	stream.linear.scatter [tilespmem:s26], [sflag:$0xA], $0x800, $0x38;
	[tilespmem:$0x14100] =	vst v63  }
0x35b: {  	s26 =	sadd.s32 $0x8800, s24;
	s28 =	sadd.s32 $0x1000, s25  }
0x35c: {  	[hbm4b:s28+s5] =	stream.linear.scatter [tilespmem:s26], [sflag:$0xA], $0x800, $0x38;
	[tilespmem:$0x14100] =	vst v63  }
0x35d: {  	s24 =	sadd.s32 $0x9800, s24;
	s25 =	sadd.s32 $0x1200, s25  }
0x35e: {  	[hbm4b:s25+s5] =	stream.linear.scatter [tilespmem:s24], [sflag:$0xA], $0x800, $0x38;
	[tilespmem:$0x14100] =	vst v63  }
0x35f: {  	_ =	swait.ge [sflag:s7], $0x5000  }
0x360: {  	[sflag:s7] =	ssyncset.done $0x0  }
0x361: {  	v62 =	vsel vm13, $0xFFFFFFFF, v0;
	[sflag:s7] =	ssyncadd.s32 $0xFFFFB000  }
0x362: {  	v1 =	vxor.u32 $0x80000000, v62;
	_ =	swait.ge [sflag:s12], $0x5000  }
0x363: {  	(xrf0) =	vmax.scan.msk.u32 $0xffff, v1;
	_ =	sdelay $0x5  }
0x364: {  	v1, _, _ =	vpop (xrf0)  }
0x365: {  	(v2sf) =	vpush v1, $0xF;
	_ =	sdelay $0xe  }
0x366: {  	s26 =	spop (v2sf)  }
0x367: {  	s24 =	smul.u32 $0x28000, s26  }
0x368: {  	[sflag:s12] =	ssyncset.done $0x0  }
0x369: {  	s25 =	sadd.s32 $0x10400, s23;
	[sflag:s12] =	ssyncadd.s32 $0xFFFFB000;
	s24 =	sshra.s32 s24, $0x2  }
0x36a: {  	[hbm4b:s25+s5] =	stream.linear.scatter [tilespmem:s24], [sflag:$0xB], $0x800, $0x38;
	[tilespmem:$0x14100] =	vst v63  }
0x36b: {  	s28 =	sadd.s32 $0x200, s25;
	s26 =	sor.u32 $0x1000, s24  }
0x36c: {  	[hbm4b:s28+s5] =	stream.linear.scatter [tilespmem:s26], [sflag:$0xB], $0x800, $0x38;
	[tilespmem:$0x14100] =	vst v63  }
0x36d: {  	s26 =	sadd.s32 $0x2000, s24;
	s28 =	sadd.s32 $0x400, s25  }
0x36e: {  	[hbm4b:s28+s5] =	stream.linear.scatter [tilespmem:s26], [sflag:$0xB], $0x800, $0x38;
	[tilespmem:$0x14100] =	vst v63  }
0x36f: {  	s26 =	sadd.s32 $0x3000, s24;
	s28 =	sadd.s32 $0x600, s25  }
0x370: {  	[hbm4b:s28+s5] =	stream.linear.scatter [tilespmem:s26], [sflag:$0xB], $0x800, $0x38;
	[tilespmem:$0x14100] =	vst v63  }
0x371: {  	s26 =	sadd.s32 $0x4000, s24;
	s28 =	sadd.s32 $0x800, s25  }
0x372: {  	[hbm4b:s28+s5] =	stream.linear.scatter [tilespmem:s26], [sflag:$0xB], $0x800, $0x38;
	[tilespmem:$0x14100] =	vst v63  }
0x373: {  	s26 =	sadd.s32 $0x5000, s24;
	s28 =	sadd.s32 $0xA00, s25  }
0x374: {  	[hbm4b:s28+s5] =	stream.linear.scatter [tilespmem:s26], [sflag:$0xB], $0x800, $0x38;
	[tilespmem:$0x14100] =	vst v63  }
0x375: {  	s26 =	sadd.s32 $0x6000, s24;
	s28 =	sadd.s32 $0xC00, s25  }
0x376: {  	[hbm4b:s28+s5] =	stream.linear.scatter [tilespmem:s26], [sflag:$0xB], $0x800, $0x38;
	[tilespmem:$0x14100] =	vst v63  }
0x377: {  	s26 =	sadd.s32 $0x7000, s24;
	s28 =	sadd.s32 $0xE00, s25  }
0x378: {  	[hbm4b:s28+s5] =	stream.linear.scatter [tilespmem:s26], [sflag:$0xB], $0x800, $0x38;
	[tilespmem:$0x14100] =	vst v63  }
0x379: {  	s26 =	sadd.s32 $0x8000, s24;
	s28 =	sadd.s32 $0x1000, s25  }
0x37a: {  	[hbm4b:s28+s5] =	stream.linear.scatter [tilespmem:s26], [sflag:$0xB], $0x800, $0x38;
	[tilespmem:$0x14100] =	vst v63  }
0x37b: {  	s25 =	sadd.s32 $0x1200, s25;
	s28 =	sadd.s32 $0x9000, s24  }
0x37c: {  	[hbm4b:s25+s5] =	stream.linear.scatter [tilespmem:s28], [sflag:$0xB], $0x800, $0x38;
	[tilespmem:$0x14100] =	vst v63  }
0x37d: {  	s25 =	sadd.s32 $0x10500, s23;
	s28 =	sor.u32 $0x800, s24  }
0x37e: {  	[hbm4b:s25+s5] =	stream.linear.scatter [tilespmem:s28], [sflag:$0xC], $0x800, $0x38;
	[tilespmem:$0x14100] =	vst v63  }
0x37f: {  	s26 =	sor.u32 $0x1800, s24;
	s28 =	sadd.s32 $0x200, s25  }
0x380: {  	[hbm4b:s28+s5] =	stream.linear.scatter [tilespmem:s26], [sflag:$0xC], $0x800, $0x38;
	[tilespmem:$0x14100] =	vst v63  }
0x381: {  	s26 =	sadd.s32 $0x2800, s24;
	s28 =	sadd.s32 $0x400, s25  }
0x382: {  	[hbm4b:s28+s5] =	stream.linear.scatter [tilespmem:s26], [sflag:$0xC], $0x800, $0x38;
	[tilespmem:$0x14100] =	vst v63  }
0x383: {  	s26 =	sadd.s32 $0x3800, s24;
	s28 =	sadd.s32 $0x600, s25  }
0x384: {  	[hbm4b:s28+s5] =	stream.linear.scatter [tilespmem:s26], [sflag:$0xC], $0x800, $0x38;
	[tilespmem:$0x14100] =	vst v63  }
0x385: {  	s26 =	sadd.s32 $0x4800, s24;
	s28 =	sadd.s32 $0x800, s25  }
0x386: {  	[hbm4b:s28+s5] =	stream.linear.scatter [tilespmem:s26], [sflag:$0xC], $0x800, $0x38;
	[tilespmem:$0x14100] =	vst v63  }
0x387: {  	s26 =	sadd.s32 $0x5800, s24;
	s28 =	sadd.s32 $0xA00, s25  }
0x388: {  	[hbm4b:s28+s5] =	stream.linear.scatter [tilespmem:s26], [sflag:$0xC], $0x800, $0x38;
	[tilespmem:$0x14100] =	vst v63  }
0x389: {  	s26 =	sadd.s32 $0x6800, s24;
	s28 =	sadd.s32 $0xC00, s25  }
0x38a: {  	[hbm4b:s28+s5] =	stream.linear.scatter [tilespmem:s26], [sflag:$0xC], $0x800, $0x38;
	[tilespmem:$0x14100] =	vst v63  }
0x38b: {  	s26 =	sadd.s32 $0x7800, s24;
	s28 =	sadd.s32 $0xE00, s25  }
0x38c: {  	[hbm4b:s28+s5] =	stream.linear.scatter [tilespmem:s26], [sflag:$0xC], $0x800, $0x38;
	[tilespmem:$0x14100] =	vst v63  }
0x38d: {  	s26 =	sadd.s32 $0x8800, s24;
	s28 =	sadd.s32 $0x1000, s25  }
0x38e: {  	[hbm4b:s28+s5] =	stream.linear.scatter [tilespmem:s26], [sflag:$0xC], $0x800, $0x38;
	[tilespmem:$0x14100] =	vst v63  }
0x38f: {  	s24 =	sadd.s32 $0x9800, s24;
	s25 =	sadd.s32 $0x1200, s25  }
0x390: {  	[hbm4b:s25+s5] =	stream.linear.scatter [tilespmem:s24], [sflag:$0xC], $0x800, $0x38;
	[tilespmem:$0x14100] =	vst v63  }
0x391: {  	_ =	swait.ge [sflag:s16], $0x5000  }
0x392: {  	[sflag:s16] =	ssyncset.done $0x0  }
0x393: {  	v63 =	vsel vm14, $0xFFFFFFFF, v0;
	[sflag:s16] =	ssyncadd.s32 $0xFFFFB000  }
0x394: {  	v1 =	vxor.u32 $0x80000000, v63;
	_ =	swait.ge [sflag:s17], $0x5000  }
0x395: {  	(xrf0) =	vmax.scan.msk.u32 $0xffff, v1;
	_ =	sdelay $0x5  }
0x396: {  	v1, _, _ =	vpop (xrf0)  }
0x397: {  	(v2sf) =	vpush v1, $0xF;
	_ =	sdelay $0xe  }
0x398: {  	s26 =	spop (v2sf)  }
0x399: {  	s24 =	smul.u32 $0x28000, s26  }
0x39a: {  	[sflag:s17] =	ssyncset.done $0x0  }
0x39b: {  	s25 =	sadd.s32 $0x11800, s23;
	[sflag:s17] =	ssyncadd.s32 $0xFFFFB000;
	s24 =	sshra.s32 s24, $0x2  }
0x39c: {  	[hbm4b:s25+s5] =	stream.linear.scatter [tilespmem:s24], [sflag:$0xD], $0x800, $0x38;
	[tilespmem:$0x14100] =	vst v63  }
0x39d: {  	s28 =	sadd.s32 $0x200, s25;
	s26 =	sor.u32 $0x1000, s24  }
0x39e: {  	[hbm4b:s28+s5] =	stream.linear.scatter [tilespmem:s26], [sflag:$0xD], $0x800, $0x38;
	[tilespmem:$0x14100] =	vst v63  }
0x39f: {  	s26 =	sadd.s32 $0x2000, s24;
	s28 =	sadd.s32 $0x400, s25  }
0x3a0: {  	[hbm4b:s28+s5] =	stream.linear.scatter [tilespmem:s26], [sflag:$0xD], $0x800, $0x38;
	[tilespmem:$0x14100] =	vst v63  }
0x3a1: {  	s26 =	sadd.s32 $0x3000, s24;
	s28 =	sadd.s32 $0x600, s25  }
0x3a2: {  	[hbm4b:s28+s5] =	stream.linear.scatter [tilespmem:s26], [sflag:$0xD], $0x800, $0x38;
	[tilespmem:$0x14100] =	vst v63  }
0x3a3: {  	s26 =	sadd.s32 $0x4000, s24;
	s28 =	sadd.s32 $0x800, s25  }
0x3a4: {  	[hbm4b:s28+s5] =	stream.linear.scatter [tilespmem:s26], [sflag:$0xD], $0x800, $0x38;
	[tilespmem:$0x14100] =	vst v63  }
0x3a5: {  	s26 =	sadd.s32 $0x5000, s24;
	s28 =	sadd.s32 $0xA00, s25  }
0x3a6: {  	[hbm4b:s28+s5] =	stream.linear.scatter [tilespmem:s26], [sflag:$0xD], $0x800, $0x38;
	[tilespmem:$0x14100] =	vst v63  }
0x3a7: {  	s26 =	sadd.s32 $0x6000, s24;
	s28 =	sadd.s32 $0xC00, s25  }
0x3a8: {  	[hbm4b:s28+s5] =	stream.linear.scatter [tilespmem:s26], [sflag:$0xD], $0x800, $0x38;
	[tilespmem:$0x14100] =	vst v63  }
0x3a9: {  	s26 =	sadd.s32 $0x7000, s24;
	s28 =	sadd.s32 $0xE00, s25  }
0x3aa: {  	[hbm4b:s28+s5] =	stream.linear.scatter [tilespmem:s26], [sflag:$0xD], $0x800, $0x38;
	[tilespmem:$0x14100] =	vst v63  }
0x3ab: {  	s26 =	sadd.s32 $0x8000, s24;
	s28 =	sadd.s32 $0x1000, s25  }
0x3ac: {  	[hbm4b:s28+s5] =	stream.linear.scatter [tilespmem:s26], [sflag:$0xD], $0x800, $0x38;
	[tilespmem:$0x14100] =	vst v63  }
0x3ad: {  	s25 =	sadd.s32 $0x1200, s25;
	s28 =	sadd.s32 $0x9000, s24  }
0x3ae: {  	[hbm4b:s25+s5] =	stream.linear.scatter [tilespmem:s28], [sflag:$0xD], $0x800, $0x38;
	[tilespmem:$0x14100] =	vst v63  }
0x3af: {  	s25 =	sadd.s32 $0x11900, s23;
	s28 =	sor.u32 $0x800, s24  }
0x3b0: {  	[hbm4b:s25+s5] =	stream.linear.scatter [tilespmem:s28], [sflag:$0xE], $0x800, $0x38;
	[tilespmem:$0x14100] =	vst v63  }
0x3b1: {  	s26 =	sor.u32 $0x1800, s24;
	s28 =	sadd.s32 $0x200, s25  }
0x3b2: {  	[hbm4b:s28+s5] =	stream.linear.scatter [tilespmem:s26], [sflag:$0xE], $0x800, $0x38;
	[tilespmem:$0x14100] =	vst v63  }
0x3b3: {  	s26 =	sadd.s32 $0x2800, s24;
	s28 =	sadd.s32 $0x400, s25  }
0x3b4: {  	[hbm4b:s28+s5] =	stream.linear.scatter [tilespmem:s26], [sflag:$0xE], $0x800, $0x38;
	[tilespmem:$0x14100] =	vst v63  }
0x3b5: {  	s26 =	sadd.s32 $0x3800, s24;
	s28 =	sadd.s32 $0x600, s25  }
0x3b6: {  	[hbm4b:s28+s5] =	stream.linear.scatter [tilespmem:s26], [sflag:$0xE], $0x800, $0x38;
	[tilespmem:$0x14100] =	vst v63  }
0x3b7: {  	s26 =	sadd.s32 $0x4800, s24;
	s28 =	sadd.s32 $0x800, s25  }
0x3b8: {  	[hbm4b:s28+s5] =	stream.linear.scatter [tilespmem:s26], [sflag:$0xE], $0x800, $0x38;
	[tilespmem:$0x14100] =	vst v63  }
0x3b9: {  	s26 =	sadd.s32 $0x5800, s24;
	s28 =	sadd.s32 $0xA00, s25  }
0x3ba: {  	[hbm4b:s28+s5] =	stream.linear.scatter [tilespmem:s26], [sflag:$0xE], $0x800, $0x38;
	[tilespmem:$0x14100] =	vst v63  }
0x3bb: {  	s26 =	sadd.s32 $0x6800, s24;
	s28 =	sadd.s32 $0xC00, s25  }
0x3bc: {  	[hbm4b:s28+s5] =	stream.linear.scatter [tilespmem:s26], [sflag:$0xE], $0x800, $0x38;
	[tilespmem:$0x14100] =	vst v63  }
0x3bd: {  	s26 =	sadd.s32 $0x7800, s24;
	s28 =	sadd.s32 $0xE00, s25  }
0x3be: {  	[hbm4b:s28+s5] =	stream.linear.scatter [tilespmem:s26], [sflag:$0xE], $0x800, $0x38;
	[tilespmem:$0x14100] =	vst v63  }
0x3bf: {  	s26 =	sadd.s32 $0x8800, s24;
	s28 =	sadd.s32 $0x1000, s25  }
0x3c0: {  	[hbm4b:s28+s5] =	stream.linear.scatter [tilespmem:s26], [sflag:$0xE], $0x800, $0x38;
	[tilespmem:$0x14100] =	vst v63  }
0x3c1: {  	s24 =	sadd.s32 $0x9800, s24;
	s25 =	sadd.s32 $0x1200, s25  }
0x3c2: {  	[hbm4b:s25+s5] =	stream.linear.scatter [tilespmem:s24], [sflag:$0xE], $0x800, $0x38;
	[tilespmem:$0x14100] =	vst v63  }
0x3c3: {  	_ =	swait.ge [sflag:s18], $0x5000  }
0x3c4: {  	[sflag:s18] =	ssyncset.done $0x0  }
0x3c5: {  	v0 =	vsel vm15, $0xFFFFFFFF, v0;
	[sflag:s18] =	ssyncadd.s32 $0xFFFFB000  }
0x3c6: {  	v0 =	vxor.u32 $0x80000000, v0;
	_ =	swait.ge [sflag:s1], $0x5000  }
0x3c7: {  	(xrf0) =	vmax.scan.msk.u32 $0xffff, v0;
	_ =	sdelay $0x5  }
0x3c8: {  	v0, _, _ =	vpop (xrf0)  }
0x3c9: {  	(v2sf) =	vpush v0, $0xF;
	_ =	sdelay $0xe  }
0x3ca: {  	s26 =	spop (v2sf)  }
0x3cb: {  	s24 =	smul.u32 $0x28000, s26  }
0x3cc: {  	[sflag:s1] =	ssyncset.done $0x0  }
0x3cd: {  	s25 =	sadd.s32 $0x12C00, s23;
	[sflag:s1] =	ssyncadd.s32 $0xFFFFB000;
	s24 =	sshra.s32 s24, $0x2  }
0x3ce: {  	[hbm4b:s25+s5] =	stream.linear.scatter [tilespmem:s24], [sflag:$0xF], $0x800, $0x38;
	[tilespmem:$0x14100] =	vst v63  }
0x3cf: {  	s28 =	sadd.s32 $0x200, s25;
	s26 =	sor.u32 $0x1000, s24  }
0x3d0: {  	[hbm4b:s28+s5] =	stream.linear.scatter [tilespmem:s26], [sflag:$0xF], $0x800, $0x38;
	[tilespmem:$0x14100] =	vst v63  }
0x3d1: {  	s26 =	sadd.s32 $0x2000, s24;
	s28 =	sadd.s32 $0x400, s25  }
0x3d2: {  	[hbm4b:s28+s5] =	stream.linear.scatter [tilespmem:s26], [sflag:$0xF], $0x800, $0x38;
	[tilespmem:$0x14100] =	vst v63  }
0x3d3: {  	s26 =	sadd.s32 $0x3000, s24;
	s28 =	sadd.s32 $0x600, s25  }
0x3d4: {  	[hbm4b:s28+s5] =	stream.linear.scatter [tilespmem:s26], [sflag:$0xF], $0x800, $0x38;
	[tilespmem:$0x14100] =	vst v63  }
0x3d5: {  	s26 =	sadd.s32 $0x4000, s24;
	s28 =	sadd.s32 $0x800, s25  }
0x3d6: {  	[hbm4b:s28+s5] =	stream.linear.scatter [tilespmem:s26], [sflag:$0xF], $0x800, $0x38;
	[tilespmem:$0x14100] =	vst v63  }
0x3d7: {  	s26 =	sadd.s32 $0x5000, s24;
	s28 =	sadd.s32 $0xA00, s25  }
0x3d8: {  	[hbm4b:s28+s5] =	stream.linear.scatter [tilespmem:s26], [sflag:$0xF], $0x800, $0x38;
	[tilespmem:$0x14100] =	vst v63  }
0x3d9: {  	s26 =	sadd.s32 $0x6000, s24;
	s28 =	sadd.s32 $0xC00, s25  }
0x3da: {  	[hbm4b:s28+s5] =	stream.linear.scatter [tilespmem:s26], [sflag:$0xF], $0x800, $0x38;
	[tilespmem:$0x14100] =	vst v63  }
0x3db: {  	s26 =	sadd.s32 $0x7000, s24;
	s28 =	sadd.s32 $0xE00, s25  }
0x3dc: {  	[hbm4b:s28+s5] =	stream.linear.scatter [tilespmem:s26], [sflag:$0xF], $0x800, $0x38;
	[tilespmem:$0x14100] =	vst v63  }
0x3dd: {  	s26 =	sadd.s32 $0x8000, s24;
	s28 =	sadd.s32 $0x1000, s25  }
0x3de: {  	[hbm4b:s28+s5] =	stream.linear.scatter [tilespmem:s26], [sflag:$0xF], $0x800, $0x38;
	[tilespmem:$0x14100] =	vst v63  }
0x3df: {  	s25 =	sadd.s32 $0x1200, s25;
	s28 =	sadd.s32 $0x9000, s24  }
0x3e0: {  	[hbm4b:s25+s5] =	stream.linear.scatter [tilespmem:s28], [sflag:$0xF], $0x800, $0x38;
	[tilespmem:$0x14100] =	vst v63  }
0x3e1: {  	s23 =	sadd.s32 $0x12D00, s23;
	s28 =	sor.u32 $0x800, s24  }
0x3e2: {  	[hbm4b:s23+s5] =	stream.linear.scatter [tilespmem:s28], [sflag:$0x10], $0x800, $0x38;
	[tilespmem:$0x14100] =	vst v63  }
0x3e3: {  	s26 =	sor.u32 $0x1800, s24;
	s28 =	sadd.s32 $0x200, s23  }
0x3e4: {  	[hbm4b:s28+s5] =	stream.linear.scatter [tilespmem:s26], [sflag:$0x10], $0x800, $0x38;
	[tilespmem:$0x14100] =	vst v63  }
0x3e5: {  	s26 =	sadd.s32 $0x2800, s24;
	s28 =	sadd.s32 $0x400, s23  }
0x3e6: {  	[hbm4b:s28+s5] =	stream.linear.scatter [tilespmem:s26], [sflag:$0x10], $0x800, $0x38;
	[tilespmem:$0x14100] =	vst v63  }
0x3e7: {  	s26 =	sadd.s32 $0x3800, s24;
	s28 =	sadd.s32 $0x600, s23  }
0x3e8: {  	[hbm4b:s28+s5] =	stream.linear.scatter [tilespmem:s26], [sflag:$0x10], $0x800, $0x38;
	[tilespmem:$0x14100] =	vst v63  }
0x3e9: {  	s26 =	sadd.s32 $0x4800, s24;
	s28 =	sadd.s32 $0x800, s23  }
0x3ea: {  	[hbm4b:s28+s5] =	stream.linear.scatter [tilespmem:s26], [sflag:$0x10], $0x800, $0x38;
	[tilespmem:$0x14100] =	vst v63  }
0x3eb: {  	s26 =	sadd.s32 $0x5800, s24;
	s28 =	sadd.s32 $0xA00, s23  }
0x3ec: {  	[hbm4b:s28+s5] =	stream.linear.scatter [tilespmem:s26], [sflag:$0x10], $0x800, $0x38;
	[tilespmem:$0x14100] =	vst v63  }
0x3ed: {  	s22 =	sadd.s32 $0x14000, s22;
	s26 =	sadd.s32 $0x6800, s24;
	s28 =	sadd.s32 $0xC00, s23  }
0x3ee: {  	[hbm4b:s28+s5] =	stream.linear.scatter [tilespmem:s26], [sflag:$0x10], $0x800, $0x38;
	[tilespmem:$0x14100] =	vst v63  }
0x3ef: {  	p0 =	sne.s32 s22, $0xA0000;
	s26 =	sadd.s32 $0x7800, s24;
	s28 =	sadd.s32 $0xE00, s23  }
0x3f0: {  	[hbm4b:s28+s5] =	stream.linear.scatter [tilespmem:s26], [sflag:$0x10], $0x800, $0x38;
	[tilespmem:$0x14100] =	vst v63  }
.Ltmp0:
0x3f1: {  	_ = 	snop;
	(pc) =	sbr.rel @p0 .LBB2_2-.Ltmp0, $4  }
0x3f2: {  	s14 =	sadd.s32 $0x10, s14;
	s26 =	sadd.s32 $0x8800, s24;
	s28 =	sadd.s32 $0x1000, s23  }
0x3f3: {  	[hbm4b:s28+s5] =	stream.linear.scatter [tilespmem:s26], [sflag:$0x10], $0x800, $0x38;
	[tilespmem:$0x14100] =	vst v63  }
0x3f4: {  	s15 =	sadd.s32 $0x20, s15;
	s24 =	sadd.s32 $0x9800, s24;
	s23 =	sadd.s32 $0x1200, s23  }
0x3f5: {  	[hbm4b:s23+s5] =	stream.linear.scatter [tilespmem:s24], [sflag:$0x10], $0x800, $0x38;
	[tilespmem:$0x14100] =	vst v63  }
0x3f6: {  	_ =	swait.ge [sflag:s29], $0x5000  }
0x3f7: {  	[sflag:s29] =	ssyncset.done $0x0  }
0x3f8: {  	[sflag:s29] =	ssyncadd.s32 $0xFFFFB000  }
0x3f9: {  	_ =	swait.ge [sflag:s30], $0x5000  }
0x3fa: {  	[sflag:s30] =	ssyncset.done $0x0  }
0x3fb: {  	[sflag:s30] =	ssyncadd.s32 $0xFFFFB000  }
0x3fc: {  	_ =	swait.ge [sflag:s31], $0x5000  }
0x3fd: {  	[sflag:s31] =	ssyncset.done $0x0  }
0x3fe: {  	[sflag:s31] =	ssyncadd.s32 $0xFFFFB000  }
0x3ff: {  	_ =	swait.ge [sflag:s0], $0x5000  }
0x400: {  	[sflag:s0] =	ssyncset.done $0x0  }
0x401: {  	[sflag:s0] =	ssyncadd.s32 $0xFFFFB000  }
0x402: {  	_ =	swait.ge [sflag:s3], $0x5000  }
0x403: {  	[sflag:s3] =	ssyncset.done $0x0  }
0x404: {  	[sflag:s3] =	ssyncadd.s32 $0xFFFFB000  }
0x405: {  	_ =	swait.ge [sflag:s20], $0x5000  }
0x406: {  	[sflag:s20] =	ssyncset.done $0x0  }
0x407: {  	[sflag:s20] =	ssyncadd.s32 $0xFFFFB000  }
0x408: {  	_ =	swait.ge [sflag:s21], $0x5000  }
0x409: {  	[sflag:s21] =	ssyncset.done $0x0  }
0x40a: {  	[sflag:s21] =	ssyncadd.s32 $0xFFFFB000  }
0x40b: {  	_ =	swait.ge [sflag:s4], $0x5000  }
0x40c: {  	[sflag:s4] =	ssyncset.done $0x0  }
0x40d: {  	[sflag:s4] =	ssyncadd.s32 $0xFFFFB000  }
0x40e: {  	_ =	swait.ge [sflag:s2], $0x5000  }
0x40f: {  	[sflag:s2] =	ssyncset.done $0x0  }
0x410: {  	[sflag:s2] =	ssyncadd.s32 $0xFFFFB000  }
0x411: {  	_ =	swait.ge [sflag:s6], $0x5000  }
0x412: {  	[sflag:s6] =	ssyncset.done $0x0  }
0x413: {  	[sflag:s6] =	ssyncadd.s32 $0xFFFFB000  }
0x414: {  	_ =	swait.ge [sflag:s7], $0x5000  }
0x415: {  	[sflag:s7] =	ssyncset.done $0x0  }
0x416: {  	[sflag:s7] =	ssyncadd.s32 $0xFFFFB000  }
0x417: {  	_ =	swait.ge [sflag:s12], $0x5000  }
0x418: {  	[sflag:s12] =	ssyncset.done $0x0  }
0x419: {  	[sflag:s12] =	ssyncadd.s32 $0xFFFFB000  }
0x41a: {  	_ =	swait.ge [sflag:s16], $0x5000  }
0x41b: {  	[sflag:s16] =	ssyncset.done $0x0  }
0x41c: {  	[sflag:s16] =	ssyncadd.s32 $0xFFFFB000  }
0x41d: {  	_ =	swait.ge [sflag:s17], $0x5000  }
0x41e: {  	[sflag:s17] =	ssyncset.done $0x0  }
0x41f: {  	[sflag:s17] =	ssyncadd.s32 $0xFFFFB000  }
0x420: {  	_ =	swait.ge [sflag:s18], $0x5000  }
0x421: {  	[sflag:s18] =	ssyncset.done $0x0  }
0x422: {  	[sflag:s18] =	ssyncadd.s32 $0xFFFFB000  }
0x423: {  	_ =	swait.ge [sflag:s1], $0x5000  }
0x424: {  	s13 =	sadd.s32 $0x1, s13;
	s14 =	rddreg [dreg:$0x8]  }
0x425: {  	p0 =	sne.s32 s13, s14  }
.Ltmp1:
0x426: {  	_ = 	snop;
	(pc) =	sbr.rel @p0 .LBB2_1-.Ltmp1, $3  }
0x427: {  	_ =	sdelay $0x1  }
0x428: {  	[sflag:s1] =	ssyncset.done $0x0  }
0x429: {  	[sflag:s1] =	ssyncadd.s32 $0xFFFFB000  }
0x42a: {  	_ =	sfence.sel $0x180000  }
0x42b: {  	[bflag:$0x0] =	sbarrier.arrive $0xFFFF  }
0x42c: {  	_ =	strace $0x90000047  }
0x42d: {  	s0 =	stileid.u32;
	[bflag:$0x2] =	sbarrier.arrive $0xFFFF  }
0x42e: {  	p0 =	sne.s32 s0, $0x0;
	s0 =	rddreg [dreg:$0x4]  }
0x42f: {  	s0 =	sadd.s32 @!p0 $0x100000, s0  }
0x430: {  	[sflag:s0] =	ssyncadd.tile.s32 @!p0 $0x1;
	_ =	shalt  }
.Lfunc_end2:
_tile_overlayer_lowered:
.L_overlay_start_2:
0x431: {  	(tag) =	ssettag $0x2  }
0x432: {  	s0 =	rddreg [dreg:$0x0];
	s2 =	stileid.u32  }
0x433: {  	s1 =	rddreg [dreg:$0x1];
	p0 =	sne.s32 s2, $0x0  }
0x434: {  	s3 =	rddreg [dreg:$0x2];
	[bflag:$0x3] =	sbarrier.arrive $0xFFFF;
	s2 =	simm.s32 @!p0 $0x1C11  }
0x435: {  	[timem:s3], [sflag:s2] =	dma.local @!p0 [hbm:s0], s1  }
0x436: {  	s0 =	simm.s32 @!p0 $0x11  }
0x437: {  	_ =	swait.ge @!p0 [sflag:s0], s1  }
0x438: {  	s1 =	ssub.s32 @!p0 $0x0, s1;
	[sflag:s0] =	ssyncset.done @!p0 $0x0  }
0x439: {  	[sflag:s0] =	ssyncadd.s32 @!p0 s1  }
0x43a: {  	[bflag:$0x3] =	sbarrier.arrive $0xFFFF  }
0x43b: {  	_ =	shalt  }

</sc_bundles>
